<compile_context>
chip_gen: v7x
topology: tpu7x:2x2x1
jax: 0.10.2.dev20260603
libtpu: 0.0.44.dev20260713+nightly
codegen_flags: <defaults>
</compile_context>

<pallas_src>
import dataclasses
import functools

import jax
import jax.numpy as jnp
from jax import lax
from jax.experimental import pallas as pl
from jax.experimental.pallas import tpu as pltpu
from jax.experimental.pallas import tpu_sc as plsc

N = 10000
E = 320000
D = 128
R = 50
RP = 64
NC = 2
NS = 16
NW = NC * NS
EW = E // NW
K = 80
NCH = EW // K
ES = E // NS
NCHE = ES // K
DH = D // NC
RH = RP // NC
SROWS = 624
ZR = 208
REM = N - NS * SROWS

_mesh = plsc.VectorSubcoreMesh(core_axis_name="c", subcore_axis_name="s")

_cp = pltpu.CompilerParams()
for _f, _v in (("needs_layout_passes", False), ("use_tc_tiling_on_sc", False)):
    if _f in pltpu.CompilerParams.__dataclass_fields__:
        _cp = dataclasses.replace(_cp, **{_f: _v})


def _worker_id():
    return lax.axis_index("c") * NS + lax.axis_index("s")


@functools.partial(
    pl.kernel,
    out_type=jax.ShapeDtypeStruct((NC, N, DH), jnp.float32),
    mesh=_mesh,
    scratch_types=[
        pltpu.VMEM((NCHE, K), jnp.int32),
        pltpu.VMEM((NCHE, K), jnp.int32),
        pltpu.VMEM((4, K), jnp.int32),
        pltpu.VMEM((4, K, DH), jnp.float32),
        pltpu.VMEM((ZR, DH), jnp.float32),
        pltpu.VMEM_SHARED((N, DH), jnp.float32),
        pltpu.SemaphoreType.DMA,
        pltpu.SemaphoreType.DMA,
        pltpu.SemaphoreType.DMA,
        pltpu.SemaphoreType.DMA,
        pltpu.SemaphoreType.DMA,
        pltpu.SemaphoreType.DMA,
        pltpu.SemaphoreType.DMA,
        pltpu.SemaphoreType.DMA,
    ],
    compiler_params=_cp,
)
def _encode(src_hbm, dst_hbm, emb2_hbm, aggp_hbm,
            src_v, dst_v, gidx_v, rows_v, za_v, agg_sh,
            sg0, sg1, sg2, sg3, ss0, ss1, ss2, ss3):
    c = lax.axis_index("c")
    s = lax.axis_index("s")
    zf = jnp.zeros((16,), jnp.float32)
    sg = (sg0, sg1, sg2, sg3)
    ss = (ss0, ss1, ss2, ss3)

    @pl.loop(0, ZR)
    def _(i):
        for j in range(DH // 16):
            za_v[i, pl.ds(j * 16, 16)] = zf

    @pl.loop(0, SROWS // ZR)
    def _(j):
        row0 = s * SROWS + j * ZR
        pltpu.sync_copy(za_v, agg_sh.at[pl.ds(row0, ZR)])

    @pl.when(s == NS - 1)
    def _():
        pltpu.sync_copy(za_v.at[pl.ds(0, REM)], agg_sh.at[pl.ds(NS * SROWS, REM)])

    pltpu.sync_copy(src_hbm.at[s], src_v)
    pltpu.sync_copy(dst_hbm.at[s], dst_v)

    plsc.subcore_barrier()

    def start_gather(j, p):
        for g in range(K // 16):
            s16 = src_v[j, pl.ds(g * 16, 16)]
            gidx_v[p, pl.ds(g * 16, 16)] = s16 * 2 + c
        pltpu.async_copy(emb2_hbm.at[gidx_v.at[p]], rows_v.at[p], sg[p])

    def wait_gather(j, p):
        pltpu.make_async_copy(emb2_hbm.at[gidx_v.at[p]], rows_v.at[p],
                              sg[p]).wait()

    def start_scatter(j, p):
        pltpu.async_copy(rows_v.at[p], agg_sh.at[dst_v.at[j]], ss[p], add=True)

    def wait_scatter(j, p):
        pltpu.make_async_copy(rows_v.at[p], agg_sh.at[dst_v.at[j]],
                              ss[p]).wait()

    start_gather(0, 0)
    start_gather(1, 1)

    @pl.loop(0, NCHE - 2, step=4)
    def _(i):
        for p in range(4):
            j = i + p
            wait_gather(j, p)
            start_scatter(j, p)
            q = (p + 2) % 4

            @pl.when(j >= 2)
            def _():
                wait_scatter(j - 2, q)

            start_gather(j + 2, q)

    for j, p in ((NCHE - 2, (NCHE - 2) % 4), (NCHE - 1, (NCHE - 1) % 4)):
        wait_gather(j, p)
        start_scatter(j, p)
    for j in range(NCHE - 4, NCHE):
        wait_scatter(j, j % 4)

    plsc.subcore_barrier()

    @pl.loop(0, SROWS // ZR)
    def _(j):
        row0 = s * SROWS + j * ZR
        pltpu.sync_copy(agg_sh.at[pl.ds(row0, ZR)], aggp_hbm.at[c, pl.ds(row0, ZR)])

    @pl.when(s == NS - 1)
    def _():
        pltpu.sync_copy(agg_sh.at[pl.ds(NS * SROWS, REM)],
                        aggp_hbm.at[c, pl.ds(NS * SROWS, REM)])


@functools.partial(
    pl.kernel,
    out_type=jax.ShapeDtypeStruct((NC, N, RH), jnp.float32),
    mesh=_mesh,
    scratch_types=[
        pltpu.VMEM((NCHE, K), jnp.int32),
        pltpu.VMEM((NCHE, K), jnp.int32),
        pltpu.VMEM((K, RH), jnp.float32),
        pltpu.VMEM((ZR, RH), jnp.float32),
        pltpu.VMEM_SHARED((N, RH), jnp.float32),
    ],
    compiler_params=_cp,
)
def _counts(dst_hbm, et_hbm, cntp_hbm, dst_v, et_v, oh_v, zc_v, cnt_sh):
    c = lax.axis_index("c")
    s = lax.axis_index("s")
    zf = jnp.zeros((16,), jnp.float32)
    ones = jnp.ones((16,), jnp.float32)
    iota = lax.iota(jnp.int32, 16)
    rlo = c * RH

    @pl.loop(0, ZR)
    def _(i):
        for j in range(RH // 16):
            zc_v[i, pl.ds(j * 16, 16)] = zf

    @pl.loop(0, K)
    def _(i):
        for j in range(RH // 16):
            oh_v[i, pl.ds(j * 16, 16)] = zf

    @pl.loop(0, SROWS // ZR)
    def _(j):
        row0 = s * SROWS + j * ZR
        pltpu.sync_copy(zc_v, cnt_sh.at[pl.ds(row0, ZR)])

    @pl.when(s == NS - 1)
    def _():
        pltpu.sync_copy(zc_v.at[pl.ds(0, REM)], cnt_sh.at[pl.ds(NS * SROWS, REM)])

    pltpu.sync_copy(dst_hbm.at[s], dst_v)
    pltpu.sync_copy(et_hbm.at[s], et_v)

    plsc.subcore_barrier()

    @pl.loop(0, NCHE)
    def _(i):
        for g in range(K // 16):
            row16 = g * 16 + iota
            et16 = et_v[i, pl.ds(g * 16, 16)]
            etl16 = et16 - rlo
            m16 = (et16 >= rlo) & (etl16 < RH)
            plsc.store_scatter(oh_v, [row16, etl16], ones, mask=m16)
        pltpu.sync_copy(oh_v, cnt_sh.at[dst_v.at[i]], add=True)
        for g in range(K // 16):
            row16 = g * 16 + iota
            et16 = et_v[i, pl.ds(g * 16, 16)]
            etl16 = et16 - rlo
            m16 = (et16 >= rlo) & (etl16 < RH)
            plsc.store_scatter(oh_v, [row16, etl16], zf, mask=m16)

    plsc.subcore_barrier()

    @pl.loop(0, SROWS // ZR)
    def _(j):
        row0 = s * SROWS + j * ZR
        pltpu.sync_copy(cnt_sh.at[pl.ds(row0, ZR)], cntp_hbm.at[c, pl.ds(row0, ZR)])

    @pl.when(s == NS - 1)
    def _():
        pltpu.sync_copy(cnt_sh.at[pl.ds(NS * SROWS, REM)],
                        cntp_hbm.at[c, pl.ds(NS * SROWS, REM)])


BN = 1000


def _dense_body(aggp_ref, cntp_ref, emb_ref, relh_ref, w_ref, wl_ref, wr_ref,
                h_ref, r_ref):
    deg = (jnp.sum(cntp_ref[0], axis=1, keepdims=True)
           + jnp.sum(cntp_ref[1], axis=1, keepdims=True))
    agg = jnp.concatenate([aggp_ref[0], aggp_ref[1]], axis=1)
    agg = agg - (jnp.dot(cntp_ref[0], relh_ref[0],
                         preferred_element_type=jnp.float32)
                 + jnp.dot(cntp_ref[1], relh_ref[1],
                           preferred_element_type=jnp.float32))
    agg = agg / jnp.maximum(deg, 1.0)
    h = jnp.dot(agg, w_ref[...], preferred_element_type=jnp.float32)
    h = h + jnp.dot(emb_ref[...], wl_ref[...], preferred_element_type=jnp.float32)
    ui = lax.bitcast_convert_type(jnp.tanh(h), jnp.uint32)
    rnd = (ui + 0x7FFF + ((ui >> 16) & 1)) >> 16
    words = rnd[:, : D // 2] | (rnd[:, D // 2:] << 16)
    h_ref[...] = lax.bitcast_convert_type(words, jnp.float32)
    relp = jnp.concatenate([relh_ref[0], relh_ref[1]], axis=0)
    r_ref[...] = jnp.dot(relp, wr_ref[...], preferred_element_type=jnp.float32)


_dense = pl.pallas_call(
    _dense_body,
    grid=(N // BN,),
    in_specs=[
        pl.BlockSpec((NC, BN, DH), lambda i: (0, i, 0)),
        pl.BlockSpec((NC, BN, RH), lambda i: (0, i, 0)),
        pl.BlockSpec((BN, D), lambda i: (i, 0)),
        pl.BlockSpec((NC, RH, D), lambda i: (0, 0, 0)),
        pl.BlockSpec((D, D), lambda i: (0, 0)),
        pl.BlockSpec((D, D), lambda i: (0, 0)),
        pl.BlockSpec((D, D), lambda i: (0, 0)),
    ],
    out_specs=[
        pl.BlockSpec((BN, D // 2), lambda i: (i, 0)),
        pl.BlockSpec((RP, D), lambda i: (0, 0)),
    ],
    out_shape=[
        jax.ShapeDtypeStruct((N, D // 2), jnp.float32),
        jax.ShapeDtypeStruct((RP, D), jnp.float32),
    ],
)


@functools.partial(
    pl.kernel,
    out_type=jax.ShapeDtypeStruct((NW, NCH, K, D), jnp.float32),
    mesh=_mesh,
    scratch_types=[
        pltpu.VMEM((NCH, K), jnp.int32),
        pltpu.VMEM((NCH, K), jnp.int32),
        pltpu.VMEM((2, K, D // 2), jnp.float32),
        pltpu.VMEM((2, K, D // 2), jnp.float32),
        pltpu.VMEM((2, K, D), jnp.float32),
        pltpu.SemaphoreType.DMA,
        pltpu.SemaphoreType.DMA,
        pltpu.SemaphoreType.DMA,
        pltpu.SemaphoreType.DMA,
    ],
    compiler_params=_cp,
)
def _decode(h_hbm, src_hbm, dst_hbm, q_hbm,
            src_v, dst_v, a_v, b_v, q_v, g0, g1, o0, o1):
    wid = _worker_id()
    gs = (g0, g1)
    os = (o0, o1)

    pltpu.sync_copy(src_hbm.at[wid], src_v)
    pltpu.sync_copy(dst_hbm.at[wid], dst_v)

    def start_gather(j, p):
        pltpu.async_copy(h_hbm.at[src_v.at[j]], a_v.at[p], gs[p])
        pltpu.async_copy(h_hbm.at[dst_v.at[j]], b_v.at[p], gs[p])

    def wait_gather(j, p):
        pltpu.make_async_copy(h_hbm.at[src_v.at[j]], a_v.at[p], gs[p]).wait()
        pltpu.make_async_copy(h_hbm.at[dst_v.at[j]], b_v.at[p], gs[p]).wait()

    def start_out(j, p):
        pltpu.async_copy(q_v.at[p], q_hbm.at[wid, j], os[p])

    def wait_out(j, p):
        pltpu.make_async_copy(q_v.at[p], q_hbm.at[wid, j], os[p]).wait()

    def compute(j, p):
        @pl.loop(0, K, step=2)
        def _(e):
            for u in range(2):
                for t in range(D // 32):
                    sl = pl.ds(t * 16, 16)
                    ab = plsc.bitcast(a_v[p, e + u, sl], jnp.bfloat16)
                    bb = plsc.bitcast(b_v[p, e + u, sl], jnp.bfloat16)
                    lo, hi = plsc.unpack(ab * bb,
                                         format=plsc.PackFormat.INTERLEAVED)
                    q_v[p, e + u, pl.ds(t * 16, 16)] = lo
                    q_v[p, e + u, pl.ds(D // 2 + t * 16, 16)] = hi

    start_gather(0, 0)
    start_gather(1, 1)

    @pl.loop(0, NCH - 1, step=2)
    def _(i):
        wait_gather(i, 0)

        @pl.when(i >= 2)
        def _():
            wait_out(i - 2, 0)

        compute(i, 0)
        start_out(i, 0)
        start_gather(i + 2, 0)
        wait_gather(i + 1, 1)

        @pl.when(i >= 2)
        def _():
            wait_out(i - 1, 1)

        compute(i + 1, 1)
        start_out(i + 1, 1)

        @pl.when(i + 3 < NCH)
        def _():
            start_gather(i + 3, 1)

    wait_gather(NCH - 1, 0)
    wait_out(NCH - 3, 0)
    compute(NCH - 1, 0)
    start_out(NCH - 1, 0)
    wait_out(NCH - 2, 1)
    wait_out(NCH - 1, 0)


BE = 2000
EB = E // BE


def _finish_body(q_ref, et_ref, r_ref, out_ref):
    et = et_ref[0, 0]
    oh = (et[:, None] == lax.broadcasted_iota(jnp.int32, (BE, RP), 1))
    re = jnp.dot(oh.astype(jnp.float32), r_ref[...],
                 preferred_element_type=jnp.float32)
    out_ref[...] = jnp.sum(q_ref[...] * re, axis=1)[None, None, :]


_finish = pl.pallas_call(
    _finish_body,
    grid=(EB,),
    in_specs=[
        pl.BlockSpec((BE, D), lambda i: (i, 0)),
        pl.BlockSpec((1, 1, BE), lambda i: (i, 0, 0)),
        pl.BlockSpec((RP, D), lambda i: (0, 0)),
    ],
    out_specs=pl.BlockSpec((1, 1, BE), lambda i: (i, 0, 0)),
    out_shape=jax.ShapeDtypeStruct((EB, 1, BE), jnp.float32),
)


@jax.jit
def kernel(x, node_emb, rel_emb, W, W_loop, W_rel, edge_index, edge_type):
    del x
    src = edge_index[0]
    dst = edge_index[1]
    et = edge_type
    emb2 = node_emb.reshape(N * NC, DH)
    relh = jnp.pad(rel_emb, ((0, RP - R), (0, 0))).reshape(NC, RH, D)
    aggp = _encode(src.reshape(NS, NCHE, K), dst.reshape(NS, NCHE, K), emb2)
    cntp = _counts(dst.reshape(NS, NCHE, K), et.reshape(NS, NCHE, K))
    h, r = _dense(aggp, cntp, node_emb, relh, W, W_loop, W_rel)
    q = _decode(h, src.reshape(NW, NCH, K), dst.reshape(NW, NCH, K))
    scores = _finish(q.reshape(E, D), et.reshape(EB, 1, BE), r)
    return scores.reshape(E)

# --- scband reference (transcript-rebuilt; emitter-appended) ---
"""Pipeline reference for scband-model-wrapper-73435350827596 (READ-ONLY COPY).

The authoritative reference and input builder live on the scoring server;
editing this copy changes nothing except your own understanding.
"""

import jax, jax.numpy as jnp
import numpy as np

N = 10000   # n_nodes
E = 320000  # n_edges (avg_degree=32)
D = 128     # hidden dim
R = 50      # num relations


def setup_inputs(seed: int = 0) -> dict:
    key = jax.random.key(seed)
    ks = jax.random.split(key, 8)
    x = jax.random.normal(ks[0], (N, D), dtype=jnp.float32)
    edge_index = jax.random.randint(ks[1], (2, E), 0, N, dtype=jnp.int32)
    edge_type = jax.random.randint(ks[2], (E,), 0, R, dtype=jnp.int32)
    # learned parameters of the wrapped CompGCN-style kg_model
    node_emb = jax.random.normal(ks[3], (N, D), dtype=jnp.float32) * 0.1
    rel_emb = jax.random.normal(ks[4], (R, D), dtype=jnp.float32) * 0.1
    W = jax.random.normal(ks[5], (D, D), dtype=jnp.float32) * (1.0 / np.sqrt(D))
    W_loop = jax.random.normal(ks[6], (D, D), dtype=jnp.float32) * (1.0 / np.sqrt(D))
    W_rel = jax.random.normal(ks[7], (D, D), dtype=jnp.float32) * (1.0 / np.sqrt(D))
    return {
        "x": x,
        "node_emb": node_emb,
        "rel_emb": rel_emb,
        "W": W,
        "W_loop": W_loop,
        "W_rel": W_rel,
        "edge_index": edge_index,
        "edge_type": edge_type,
    }


def reference(x, node_emb, rel_emb, W, W_loop, W_rel, edge_index, edge_type):
    # ModelWrapper.forward with mode='link_prediction', current_subset=None:
    #   node_emb_subset, rel_out = kg_model.encode(edge_index, edge_type)
    #   scores = kg_model.decode(node_emb_subset, rel_out, head, tail, edge_type)
    n_nodes = node_emb.shape[0]
    src = edge_index[0]
    dst = edge_index[1]
    # --- encode: one CompGCN layer (subtraction composition, mean aggregation) ---
    msg = node_emb[src] - rel_emb[edge_type]                       # gather + compose
    agg = jax.ops.segment_sum(msg, dst, num_segments=n_nodes)      # scatter-add
    deg = jax.ops.segment_sum(jnp.ones((msg.shape[0],), msg.dtype), dst,
                              num_segments=n_nodes)
    agg = agg / jnp.clip(deg, 1.0, None)[:, None]                  # mean
    h = jnp.tanh(agg @ W + node_emb @ W_loop)                      # neighbor + self-loop transform
    r = rel_emb @ W_rel                                            # relation transform
    # --- decode: DistMult scoring of every subgraph edge ---
    scores = jnp.sum(h[src] * r[edge_type] * h[dst], axis=-1)      # [E]
    return scores

if __name__ == "__main__":
    import jax
    _d = setup_inputs()
    print(jax.jit(kernel)(*tuple(_d.values())))

</pallas_src>

<mosaic_0001>
#map = affine_map<(d0, d1) -> (0, 0, 0)>
#map1 = affine_map<(d0, d1) -> (0, 0)>
module attributes {stable_mosaic.version = 14 : i64} {
  func.func @_encode(%arg0: i32, %arg1: i32, %arg2: memref<16x250x80xi32, #tpu.memory_space<hbm>>, %arg3: memref<16x250x80xi32, #tpu.memory_space<hbm>>, %arg4: memref<20000x64xf32, #tpu.memory_space<hbm>>, %arg5: memref<2x10000x64xf32, #tpu.memory_space<hbm>>, %arg6: memref<250x80xi32, #tpu.memory_space<vmem>>, %arg7: memref<250x80xi32, #tpu.memory_space<vmem>>, %arg8: memref<4x80xi32, #tpu.memory_space<vmem>>, %arg9: memref<4x80x64xf32, #tpu.memory_space<vmem>>, %arg10: memref<208x64xf32, #tpu.memory_space<vmem>>, %arg11: memref<10000x64xf32, #tpu.memory_space<vmem_shared>>, %arg12: memref<!tpu.dma_semaphore, #tpu.memory_space<semaphore_mem>>, %arg13: memref<!tpu.dma_semaphore, #tpu.memory_space<semaphore_mem>>, %arg14: memref<!tpu.dma_semaphore, #tpu.memory_space<semaphore_mem>>, %arg15: memref<!tpu.dma_semaphore, #tpu.memory_space<semaphore_mem>>, %arg16: memref<!tpu.dma_semaphore, #tpu.memory_space<semaphore_mem>>, %arg17: memref<!tpu.dma_semaphore, #tpu.memory_space<semaphore_mem>>, %arg18: memref<!tpu.dma_semaphore, #tpu.memory_space<semaphore_mem>>, %arg19: memref<!tpu.dma_semaphore, #tpu.memory_space<semaphore_mem>>) attributes {dimension_semantics = [#tpu.dimension_semantics<core_parallel>, #tpu.dimension_semantics<subcore_parallel>], iteration_bounds = array<i64: 2, 16>, scalar_prefetch = 0 : i64, scratch_operands = 14 : i64, tpu.core_type = #tpu.core_type<sc_vector_subcore>, window_params = [{transform_indices = #map}, {transform_indices = #map}, {transform_indices = #map1}, {transform_indices = #map}]} {
    %broadcast_in_dim3A = arith.constant 0.000000e+00 : f32
    %broadcast_in_dim3A_0 = vector.broadcast %broadcast_in_dim3A : f32 to vector<16xf32>
    %scan3A = arith.constant 0 : i32
    %scan3A_1 = arith.constant 208 : i32
    %scan3A_2 = arith.addi %scan3A, %scan3A_1 : i32
    %scan3A_3 = arith.constant 1 : i32
    scf.for %scan3A_272 = %scan3A to %scan3A_2 step %scan3A_3  : i32 {
      %mul3A_273 = arith.constant 1 : i32
      %mul3A_274 = arith.muli %scan3A_272, %mul3A_273 : i32
      %add3A_275 = arith.constant 0 : i32
      %add3A_276 = arith.addi %add3A_275, %mul3A_274 : i32
      %swap3A_277 = arith.index_cast %add3A_276 : i32 to index
      %swap3A_278 = arith.constant 0 : index
      %swap3A_279 = tpu.vector_load %arg10[%swap3A_277, %swap3A_278] {strides = array<i32>} : memref<208x64xf32, #tpu.memory_space<vmem>>, vector<16xf32>,
      tpu.vector_store %arg10[%swap3A_277, %swap3A_278], %broadcast_in_dim3A_0 {strides = array<i32>} : memref<208x64xf32, #tpu.memory_space<vmem>>, vector<16xf32>,
      %swap3A_280 = arith.index_cast %add3A_276 : i32 to index
      %swap3A_281 = arith.constant 16 : index
      %swap3A_282 = tpu.vector_load %arg10[%swap3A_280, %swap3A_281] {strides = array<i32>} : memref<208x64xf32, #tpu.memory_space<vmem>>, vector<16xf32>,
      tpu.vector_store %arg10[%swap3A_280, %swap3A_281], %broadcast_in_dim3A_0 {strides = array<i32>} : memref<208x64xf32, #tpu.memory_space<vmem>>, vector<16xf32>,
      %swap3A_283 = arith.index_cast %add3A_276 : i32 to index
      %swap3A_284 = arith.constant 32 : index
      %swap3A_285 = tpu.vector_load %arg10[%swap3A_283, %swap3A_284] {strides = array<i32>} : memref<208x64xf32, #tpu.memory_space<vmem>>, vector<16xf32>,
      tpu.vector_store %arg10[%swap3A_283, %swap3A_284], %broadcast_in_dim3A_0 {strides = array<i32>} : memref<208x64xf32, #tpu.memory_space<vmem>>, vector<16xf32>,
      %swap3A_286 = arith.index_cast %add3A_276 : i32 to index
      %swap3A_287 = arith.constant 48 : index
      %swap3A_288 = tpu.vector_load %arg10[%swap3A_286, %swap3A_287] {strides = array<i32>} : memref<208x64xf32, #tpu.memory_space<vmem>>, vector<16xf32>,
      tpu.vector_store %arg10[%swap3A_286, %swap3A_287], %broadcast_in_dim3A_0 {strides = array<i32>} : memref<208x64xf32, #tpu.memory_space<vmem>>, vector<16xf32>,
    }
    %scan3A_4 = arith.constant 208 : i32
    %scan3A_5 = arith.constant 0 : i32
    %scan3A_6 = arith.constant 3 : i32
    %scan3A_7 = arith.addi %scan3A_5, %scan3A_6 : i32
    %scan3A_8 = arith.constant 1 : i32
    scf.for %scan3A_272 = %scan3A_5 to %scan3A_7 step %scan3A_8  : i32 {
      %mul3A_273 = arith.constant 1 : i32
      %mul3A_274 = arith.muli %scan3A_272, %mul3A_273 : i32
      %add3A_275 = arith.constant 0 : i32
      %add3A_276 = arith.addi %add3A_275, %mul3A_274 : i32
      %mul3A_277 = arith.constant 624 : i32
      %mul3A_278 = arith.muli %arg1, %mul3A_277 : i32
      %mul3A_279 = arith.constant 208 : i32
      %mul3A_280 = arith.muli %add3A_276, %mul3A_279 : i32
      %add3A_281 = arith.addi %mul3A_278, %mul3A_280 : i32
      "tpu.region"() ({
        %run_scoped3A = tpu.sem_alloc : memref<!tpu.dma_semaphore, #tpu.memory_space<semaphore_mem>>
        %dma_start3A_282 = arith.constant 0 : i32
        %dma_start3A_283 = tpu.memref_slice %arg11[%add3A_281, %dma_start3A_282] : memref<10000x64xf32, #tpu.memory_space<vmem_shared>> -> memref<208x64xf32, #tpu.memory_space<vmem_shared>>
        %dma_start3A_284 = arith.constant 0 : i32
        %dma_start3A_285 = tpu.memref_slice %arg11[%add3A_281, %dma_start3A_284] : memref<10000x64xf32, #tpu.memory_space<vmem_shared>> -> memref<208x64xf32, #tpu.memory_space<vmem_shared>>
        tpu.enqueue_dma source(%arg10 : memref<208x64xf32, #tpu.memory_space<vmem>>) target(%dma_start3A_285 : memref<208x64xf32, #tpu.memory_space<vmem_shared>>) target_semaphore(%run_scoped3A : memref<!tpu.dma_semaphore, #tpu.memory_space<semaphore_mem>>)
        %dma_wait3A_286 = arith.constant 0 : i32
        %dma_wait3A_287 = tpu.memref_slice %arg11[%add3A_281, %dma_wait3A_286] : memref<10000x64xf32, #tpu.memory_space<vmem_shared>> -> memref<208x64xf32, #tpu.memory_space<vmem_shared>>
        %dma_wait3A_288 = arith.constant 0 : i32
        %dma_wait3A_289 = tpu.memref_slice %arg11[%add3A_281, %dma_wait3A_288] : memref<10000x64xf32, #tpu.memory_space<vmem_shared>> -> memref<208x64xf32, #tpu.memory_space<vmem_shared>>
        tpu.wait_dma2 semaphore(%run_scoped3A : memref<!tpu.dma_semaphore, #tpu.memory_space<semaphore_mem>>) src(%arg10 : memref<208x64xf32, #tpu.memory_space<vmem>>) dst(%dma_wait3A_289 : memref<208x64xf32, #tpu.memory_space<vmem_shared>>)
        tpu.yield
      }) : () -> ()
    }
    %scan3A_9 = arith.constant 3 : i32
    %eq3A = arith.constant 15 : i32
    %eq3A_10 = arith.cmpi eq, %arg1, %eq3A : i32
    %convert_element_type3A = arith.extui %eq3A_10 : i1 to i32
    %cond3A = arith.constant 0 : i32
    %cond3A_11 = arith.cmpi ne, %convert_element_type3A, %cond3A : i32
    scf.if %cond3A_11 {
      "tpu.region"() ({
        %run_scoped3A = tpu.sem_alloc : memref<!tpu.dma_semaphore, #tpu.memory_space<semaphore_mem>>
        %dma_start3A_272 = arith.constant 0 : i32
        %dma_start3A_273 = arith.constant 0 : i32
        %dma_start3A_274 = tpu.memref_slice %arg10[%dma_start3A_272, %dma_start3A_273] : memref<208x64xf32, #tpu.memory_space<vmem>> -> memref<16x64xf32, #tpu.memory_space<vmem>>
        %dma_start3A_275 = arith.constant 9984 : i32
        %dma_start3A_276 = arith.constant 0 : i32
        %dma_start3A_277 = tpu.memref_slice %arg11[%dma_start3A_275, %dma_start3A_276] : memref<10000x64xf32, #tpu.memory_space<vmem_shared>> -> memref<16x64xf32, #tpu.memory_space<vmem_shared>>
        %dma_start3A_278 = arith.constant 9984 : i32
        %dma_start3A_279 = arith.constant 0 : i32
        %dma_start3A_280 = tpu.memref_slice %arg11[%dma_start3A_278, %dma_start3A_279] : memref<10000x64xf32, #tpu.memory_space<vmem_shared>> -> memref<16x64xf32, #tpu.memory_space<vmem_shared>>
        %dma_start3A_281 = arith.constant 0 : i32
        %dma_start3A_282 = arith.constant 0 : i32
        %dma_start3A_283 = tpu.memref_slice %arg10[%dma_start3A_281, %dma_start3A_282] : memref<208x64xf32, #tpu.memory_space<vmem>> -> memref<16x64xf32, #tpu.memory_space<vmem>>
        tpu.enqueue_dma source(%dma_start3A_283 : memref<16x64xf32, #tpu.memory_space<vmem>>) target(%dma_start3A_280 : memref<16x64xf32, #tpu.memory_space<vmem_shared>>) target_semaphore(%run_scoped3A : memref<!tpu.dma_semaphore, #tpu.memory_space<semaphore_mem>>)
        %dma_wait3A_284 = arith.constant 0 : i32
        %dma_wait3A_285 = arith.constant 0 : i32
        %dma_wait3A_286 = tpu.memref_slice %arg10[%dma_wait3A_284, %dma_wait3A_285] : memref<208x64xf32, #tpu.memory_space<vmem>> -> memref<16x64xf32, #tpu.memory_space<vmem>>
        %dma_wait3A_287 = arith.constant 9984 : i32
        %dma_wait3A_288 = arith.constant 0 : i32
        %dma_wait3A_289 = tpu.memref_slice %arg11[%dma_wait3A_287, %dma_wait3A_288] : memref<10000x64xf32, #tpu.memory_space<vmem_shared>> -> memref<16x64xf32, #tpu.memory_space<vmem_shared>>
        %dma_wait3A_290 = arith.constant 9984 : i32
        %dma_wait3A_291 = arith.constant 0 : i32
        %dma_wait3A_292 = tpu.memref_slice %arg11[%dma_wait3A_290, %dma_wait3A_291] : memref<10000x64xf32, #tpu.memory_space<vmem_shared>> -> memref<16x64xf32, #tpu.memory_space<vmem_shared>>
        %dma_wait3A_293 = arith.constant 0 : i32
        %dma_wait3A_294 = arith.constant 0 : i32
        %dma_wait3A_295 = tpu.memref_slice %arg10[%dma_wait3A_293, %dma_wait3A_294] : memref<208x64xf32, #tpu.memory_space<vmem>> -> memref<16x64xf32, #tpu.memory_space<vmem>>
        tpu.wait_dma2 semaphore(%run_scoped3A : memref<!tpu.dma_semaphore, #tpu.memory_space<semaphore_mem>>) src(%dma_wait3A_295 : memref<16x64xf32, #tpu.memory_space<vmem>>) dst(%dma_wait3A_292 : memref<16x64xf32, #tpu.memory_space<vmem_shared>>)
        tpu.yield
      }) : () -> ()
    } else {
    }
    "tpu.region"() ({
      %run_scoped3A = tpu.sem_alloc : memref<!tpu.dma_semaphore, #tpu.memory_space<semaphore_mem>>
      %dma_start3A_272 = arith.constant 0 : i32
      %dma_start3A_273 = arith.constant 0 : i32
      %dma_start3A_274 = tpu.memref_slice %arg2[%arg1, %dma_start3A_272, %dma_start3A_273] : memref<16x250x80xi32, #tpu.memory_space<hbm>> -> memref<1x250x80xi32, #tpu.memory_space<hbm>>
      %dma_start3A_275 = tpu.memref_squeeze %dma_start3A_274 : memref<1x250x80xi32, #tpu.memory_space<hbm>> -> memref<250x80xi32, #tpu.memory_space<hbm>>
      %dma_start3A_276 = arith.constant 0 : i32
      %dma_start3A_277 = arith.constant 0 : i32
      %dma_start3A_278 = tpu.memref_slice %arg2[%arg1, %dma_start3A_276, %dma_start3A_277] : memref<16x250x80xi32, #tpu.memory_space<hbm>> -> memref<1x250x80xi32, #tpu.memory_space<hbm>>
      %dma_start3A_279 = tpu.memref_squeeze %dma_start3A_278 : memref<1x250x80xi32, #tpu.memory_space<hbm>> -> memref<250x80xi32, #tpu.memory_space<hbm>>
      tpu.enqueue_dma source(%dma_start3A_279 : memref<250x80xi32, #tpu.memory_space<hbm>>) target(%arg6 : memref<250x80xi32, #tpu.memory_space<vmem>>) target_semaphore(%run_scoped3A : memref<!tpu.dma_semaphore, #tpu.memory_space<semaphore_mem>>)
      %dma_wait3A_280 = arith.constant 0 : i32
      %dma_wait3A_281 = arith.constant 0 : i32
      %dma_wait3A_282 = tpu.memref_slice %arg2[%arg1, %dma_wait3A_280, %dma_wait3A_281] : memref<16x250x80xi32, #tpu.memory_space<hbm>> -> memref<1x250x80xi32, #tpu.memory_space<hbm>>
      %dma_wait3A_283 = tpu.memref_squeeze %dma_wait3A_282 : memref<1x250x80xi32, #tpu.memory_space<hbm>> -> memref<250x80xi32, #tpu.memory_space<hbm>>
      %dma_wait3A_284 = arith.constant 0 : i32
      %dma_wait3A_285 = arith.constant 0 : i32
      %dma_wait3A_286 = tpu.memref_slice %arg2[%arg1, %dma_wait3A_284, %dma_wait3A_285] : memref<16x250x80xi32, #tpu.memory_space<hbm>> -> memref<1x250x80xi32, #tpu.memory_space<hbm>>
      %dma_wait3A_287 = tpu.memref_squeeze %dma_wait3A_286 : memref<1x250x80xi32, #tpu.memory_space<hbm>> -> memref<250x80xi32, #tpu.memory_space<hbm>>
      tpu.wait_dma2 semaphore(%run_scoped3A : memref<!tpu.dma_semaphore, #tpu.memory_space<semaphore_mem>>) src(%dma_wait3A_287 : memref<250x80xi32, #tpu.memory_space<hbm>>) dst(%arg6 : memref<250x80xi32, #tpu.memory_space<vmem>>)
      tpu.yield
    }) : () -> ()
    "tpu.region"() ({
      %run_scoped3A = tpu.sem_alloc : memref<!tpu.dma_semaphore, #tpu.memory_space<semaphore_mem>>
      %dma_start3A_272 = arith.constant 0 : i32
      %dma_start3A_273 = arith.constant 0 : i32
      %dma_start3A_274 = tpu.memref_slice %arg3[%arg1, %dma_start3A_272, %dma_start3A_273] : memref<16x250x80xi32, #tpu.memory_space<hbm>> -> memref<1x250x80xi32, #tpu.memory_space<hbm>>
      %dma_start3A_275 = tpu.memref_squeeze %dma_start3A_274 : memref<1x250x80xi32, #tpu.memory_space<hbm>> -> memref<250x80xi32, #tpu.memory_space<hbm>>
      %dma_start3A_276 = arith.constant 0 : i32
      %dma_start3A_277 = arith.constant 0 : i32
      %dma_start3A_278 = tpu.memref_slice %arg3[%arg1, %dma_start3A_276, %dma_start3A_277] : memref<16x250x80xi32, #tpu.memory_space<hbm>> -> memref<1x250x80xi32, #tpu.memory_space<hbm>>
      %dma_start3A_279 = tpu.memref_squeeze %dma_start3A_278 : memref<1x250x80xi32, #tpu.memory_space<hbm>> -> memref<250x80xi32, #tpu.memory_space<hbm>>
      tpu.enqueue_dma source(%dma_start3A_279 : memref<250x80xi32, #tpu.memory_space<hbm>>) target(%arg7 : memref<250x80xi32, #tpu.memory_space<vmem>>) target_semaphore(%run_scoped3A : memref<!tpu.dma_semaphore, #tpu.memory_space<semaphore_mem>>)
      %dma_wait3A_280 = arith.constant 0 : i32
      %dma_wait3A_281 = arith.constant 0 : i32
      %dma_wait3A_282 = tpu.memref_slice %arg3[%arg1, %dma_wait3A_280, %dma_wait3A_281] : memref<16x250x80xi32, #tpu.memory_space<hbm>> -> memref<1x250x80xi32, #tpu.memory_space<hbm>>
      %dma_wait3A_283 = tpu.memref_squeeze %dma_wait3A_282 : memref<1x250x80xi32, #tpu.memory_space<hbm>> -> memref<250x80xi32, #tpu.memory_space<hbm>>
      %dma_wait3A_284 = arith.constant 0 : i32
      %dma_wait3A_285 = arith.constant 0 : i32
      %dma_wait3A_286 = tpu.memref_slice %arg3[%arg1, %dma_wait3A_284, %dma_wait3A_285] : memref<16x250x80xi32, #tpu.memory_space<hbm>> -> memref<1x250x80xi32, #tpu.memory_space<hbm>>
      %dma_wait3A_287 = tpu.memref_squeeze %dma_wait3A_286 : memref<1x250x80xi32, #tpu.memory_space<hbm>> -> memref<250x80xi32, #tpu.memory_space<hbm>>
      tpu.wait_dma2 semaphore(%run_scoped3A : memref<!tpu.dma_semaphore, #tpu.memory_space<semaphore_mem>>) src(%dma_wait3A_287 : memref<250x80xi32, #tpu.memory_space<hbm>>) dst(%arg7 : memref<250x80xi32, #tpu.memory_space<vmem>>)
      tpu.yield
    }) : () -> ()
    %barrier3A = arith.constant 0 : index
    tpu.barrier barrier_id(%barrier3A)
    %get3A = arith.constant 0 : i32
    %get3A_12 = arith.index_cast %get3A : i32 to index
    %get3A_13 = arith.constant 0 : index
    %get3A_14 = tpu.vector_load %arg6[%get3A_12, %get3A_13] {strides = array<i32>} : memref<250x80xi32, #tpu.memory_space<vmem>>, vector<16xi32>,
    %mul3A = arith.constant 2 : i32
    %mul3A_15 = vector.broadcast %mul3A : i32 to vector<16xi32>
    %mul3A_16 = arith.muli %get3A_14, %mul3A_15 : vector<16xi32>
    %add3A = vector.broadcast %arg0 : i32 to vector<16xi32>
    %add3A_17 = arith.addi %mul3A_16, %add3A : vector<16xi32>
    %swap3A = arith.constant 0 : i32
    %swap3A_18 = arith.index_cast %swap3A : i32 to index
    %swap3A_19 = arith.constant 0 : index
    %swap3A_20 = tpu.vector_load %arg8[%swap3A_18, %swap3A_19] {strides = array<i32>} : memref<4x80xi32, #tpu.memory_space<vmem>>, vector<16xi32>,
    tpu.vector_store %arg8[%swap3A_18, %swap3A_19], %add3A_17 {strides = array<i32>} : memref<4x80xi32, #tpu.memory_space<vmem>>, vector<16xi32>,
    %get3A_21 = arith.constant 0 : i32
    %get3A_22 = arith.index_cast %get3A_21 : i32 to index
    %get3A_23 = arith.constant 16 : index
    %get3A_24 = tpu.vector_load %arg6[%get3A_22, %get3A_23] {strides = array<i32>} : memref<250x80xi32, #tpu.memory_space<vmem>>, vector<16xi32>,
    %mul3A_25 = arith.constant 2 : i32
    %mul3A_26 = vector.broadcast %mul3A_25 : i32 to vector<16xi32>
    %mul3A_27 = arith.muli %get3A_24, %mul3A_26 : vector<16xi32>
    %add3A_28 = vector.broadcast %arg0 : i32 to vector<16xi32>
    %add3A_29 = arith.addi %mul3A_27, %add3A_28 : vector<16xi32>
    %swap3A_30 = arith.constant 0 : i32
    %swap3A_31 = arith.index_cast %swap3A_30 : i32 to index
    %swap3A_32 = arith.constant 16 : index
    %swap3A_33 = tpu.vector_load %arg8[%swap3A_31, %swap3A_32] {strides = array<i32>} : memref<4x80xi32, #tpu.memory_space<vmem>>, vector<16xi32>,
    tpu.vector_store %arg8[%swap3A_31, %swap3A_32], %add3A_29 {strides = array<i32>} : memref<4x80xi32, #tpu.memory_space<vmem>>, vector<16xi32>,
    %get3A_34 = arith.constant 0 : i32
    %get3A_35 = arith.index_cast %get3A_34 : i32 to index
    %get3A_36 = arith.constant 32 : index
    %get3A_37 = tpu.vector_load %arg6[%get3A_35, %get3A_36] {strides = array<i32>} : memref<250x80xi32, #tpu.memory_space<vmem>>, vector<16xi32>,
    %mul3A_38 = arith.constant 2 : i32
    %mul3A_39 = vector.broadcast %mul3A_38 : i32 to vector<16xi32>
    %mul3A_40 = arith.muli %get3A_37, %mul3A_39 : vector<16xi32>
    %add3A_41 = vector.broadcast %arg0 : i32 to vector<16xi32>
    %add3A_42 = arith.addi %mul3A_40, %add3A_41 : vector<16xi32>
    %swap3A_43 = arith.constant 0 : i32
    %swap3A_44 = arith.index_cast %swap3A_43 : i32 to index
    %swap3A_45 = arith.constant 32 : index
    %swap3A_46 = tpu.vector_load %arg8[%swap3A_44, %swap3A_45] {strides = array<i32>} : memref<4x80xi32, #tpu.memory_space<vmem>>, vector<16xi32>,
    tpu.vector_store %arg8[%swap3A_44, %swap3A_45], %add3A_42 {strides = array<i32>} : memref<4x80xi32, #tpu.memory_space<vmem>>, vector<16xi32>,
    %get3A_47 = arith.constant 0 : i32
    %get3A_48 = arith.index_cast %get3A_47 : i32 to index
    %get3A_49 = arith.constant 48 : index
    %get3A_50 = tpu.vector_load %arg6[%get3A_48, %get3A_49] {strides = array<i32>} : memref<250x80xi32, #tpu.memory_space<vmem>>, vector<16xi32>,
    %mul3A_51 = arith.constant 2 : i32
    %mul3A_52 = vector.broadcast %mul3A_51 : i32 to vector<16xi32>
    %mul3A_53 = arith.muli %get3A_50, %mul3A_52 : vector<16xi32>
    %add3A_54 = vector.broadcast %arg0 : i32 to vector<16xi32>
    %add3A_55 = arith.addi %mul3A_53, %add3A_54 : vector<16xi32>
    %swap3A_56 = arith.constant 0 : i32
    %swap3A_57 = arith.index_cast %swap3A_56 : i32 to index
    %swap3A_58 = arith.constant 48 : index
    %swap3A_59 = tpu.vector_load %arg8[%swap3A_57, %swap3A_58] {strides = array<i32>} : memref<4x80xi32, #tpu.memory_space<vmem>>, vector<16xi32>,
    tpu.vector_store %arg8[%swap3A_57, %swap3A_58], %add3A_55 {strides = array<i32>} : memref<4x80xi32, #tpu.memory_space<vmem>>, vector<16xi32>,
    %get3A_60 = arith.constant 0 : i32
    %get3A_61 = arith.index_cast %get3A_60 : i32 to index
    %get3A_62 = arith.constant 64 : index
    %get3A_63 = tpu.vector_load %arg6[%get3A_61, %get3A_62] {strides = array<i32>} : memref<250x80xi32, #tpu.memory_space<vmem>>, vector<16xi32>,
    %mul3A_64 = arith.constant 2 : i32
    %mul3A_65 = vector.broadcast %mul3A_64 : i32 to vector<16xi32>
    %mul3A_66 = arith.muli %get3A_63, %mul3A_65 : vector<16xi32>
    %add3A_67 = vector.broadcast %arg0 : i32 to vector<16xi32>
    %add3A_68 = arith.addi %mul3A_66, %add3A_67 : vector<16xi32>
    %swap3A_69 = arith.constant 0 : i32
    %swap3A_70 = arith.index_cast %swap3A_69 : i32 to index
    %swap3A_71 = arith.constant 64 : index
    %swap3A_72 = tpu.vector_load %arg8[%swap3A_70, %swap3A_71] {strides = array<i32>} : memref<4x80xi32, #tpu.memory_space<vmem>>, vector<16xi32>,
    tpu.vector_store %arg8[%swap3A_70, %swap3A_71], %add3A_68 {strides = array<i32>} : memref<4x80xi32, #tpu.memory_space<vmem>>, vector<16xi32>,
    %dma_start3A = arith.constant 0 : i32
    %dma_start3A_73 = arith.constant 0 : i32
    %dma_start3A_74 = arith.constant 0 : i32
    %dma_start3A_75 = arith.constant 0 : i32
    %dma_start3A_76 = tpu.memref_slice %arg9[%dma_start3A_73, %dma_start3A_74, %dma_start3A_75] : memref<4x80x64xf32, #tpu.memory_space<vmem>> -> memref<1x80x64xf32, #tpu.memory_space<vmem>>
    %dma_start3A_77 = tpu.memref_squeeze %dma_start3A_76 : memref<1x80x64xf32, #tpu.memory_space<vmem>> -> memref<80x64xf32, #tpu.memory_space<vmem>>
    %dma_start3A_78 = arith.constant 0 : i32
    %dma_start3A_79 = tpu.memref_slice %arg8[%dma_start3A, %dma_start3A_78] : memref<4x80xi32, #tpu.memory_space<vmem>> -> memref<1x80xi32, #tpu.memory_space<vmem>>
    %dma_start3A_80 = tpu.memref_squeeze %dma_start3A_79 : memref<1x80xi32, #tpu.memory_space<vmem>> -> memref<80xi32, #tpu.memory_space<vmem>>
    %dma_start3A_81 = arith.constant 0 : i32
    %dma_start3A_82 = arith.constant 0 : i32
    %dma_start3A_83 = tpu.memref_slice %arg4[%dma_start3A_81, %dma_start3A_82] : memref<20000x64xf32, #tpu.memory_space<hbm>> -> memref<20000x64xf32, #tpu.memory_space<hbm>>
    tpu.enqueue_indirect_dma source(%dma_start3A_83 : memref<20000x64xf32, #tpu.memory_space<hbm>>) target(%dma_start3A_77 : memref<80x64xf32, #tpu.memory_space<vmem>>) offsets(%dma_start3A_80 : memref<80xi32, #tpu.memory_space<vmem>>) semaphore(%arg12 : memref<!tpu.dma_semaphore, #tpu.memory_space<semaphore_mem>>)
    %get3A_84 = arith.constant 1 : i32
    %get3A_85 = arith.index_cast %get3A_84 : i32 to index
    %get3A_86 = arith.constant 0 : index
    %get3A_87 = tpu.vector_load %arg6[%get3A_85, %get3A_86] {strides = array<i32>} : memref<250x80xi32, #tpu.memory_space<vmem>>, vector<16xi32>,
    %mul3A_88 = arith.constant 2 : i32
    %mul3A_89 = vector.broadcast %mul3A_88 : i32 to vector<16xi32>
    %mul3A_90 = arith.muli %get3A_87, %mul3A_89 : vector<16xi32>
    %add3A_91 = vector.broadcast %arg0 : i32 to vector<16xi32>
    %add3A_92 = arith.addi %mul3A_90, %add3A_91 : vector<16xi32>
    %swap3A_93 = arith.constant 1 : i32
    %swap3A_94 = arith.index_cast %swap3A_93 : i32 to index
    %swap3A_95 = arith.constant 0 : index
    %swap3A_96 = tpu.vector_load %arg8[%swap3A_94, %swap3A_95] {strides = array<i32>} : memref<4x80xi32, #tpu.memory_space<vmem>>, vector<16xi32>,
    tpu.vector_store %arg8[%swap3A_94, %swap3A_95], %add3A_92 {strides = array<i32>} : memref<4x80xi32, #tpu.memory_space<vmem>>, vector<16xi32>,
    %get3A_97 = arith.constant 1 : i32
    %get3A_98 = arith.index_cast %get3A_97 : i32 to index
    %get3A_99 = arith.constant 16 : index
    %get3A_100 = tpu.vector_load %arg6[%get3A_98, %get3A_99] {strides = array<i32>} : memref<250x80xi32, #tpu.memory_space<vmem>>, vector<16xi32>,
    %mul3A_101 = arith.constant 2 : i32
    %mul3A_102 = vector.broadcast %mul3A_101 : i32 to vector<16xi32>
    %mul3A_103 = arith.muli %get3A_100, %mul3A_102 : vector<16xi32>
    %add3A_104 = vector.broadcast %arg0 : i32 to vector<16xi32>
    %add3A_105 = arith.addi %mul3A_103, %add3A_104 : vector<16xi32>
    %swap3A_106 = arith.constant 1 : i32
    %swap3A_107 = arith.index_cast %swap3A_106 : i32 to index
    %swap3A_108 = arith.constant 16 : index
    %swap3A_109 = tpu.vector_load %arg8[%swap3A_107, %swap3A_108] {strides = array<i32>} : memref<4x80xi32, #tpu.memory_space<vmem>>, vector<16xi32>,
    tpu.vector_store %arg8[%swap3A_107, %swap3A_108], %add3A_105 {strides = array<i32>} : memref<4x80xi32, #tpu.memory_space<vmem>>, vector<16xi32>,
    %get3A_110 = arith.constant 1 : i32
    %get3A_111 = arith.index_cast %get3A_110 : i32 to index
    %get3A_112 = arith.constant 32 : index
    %get3A_113 = tpu.vector_load %arg6[%get3A_111, %get3A_112] {strides = array<i32>} : memref<250x80xi32, #tpu.memory_space<vmem>>, vector<16xi32>,
    %mul3A_114 = arith.constant 2 : i32
    %mul3A_115 = vector.broadcast %mul3A_114 : i32 to vector<16xi32>
    %mul3A_116 = arith.muli %get3A_113, %mul3A_115 : vector<16xi32>
    %add3A_117 = vector.broadcast %arg0 : i32 to vector<16xi32>
    %add3A_118 = arith.addi %mul3A_116, %add3A_117 : vector<16xi32>
    %swap3A_119 = arith.constant 1 : i32
    %swap3A_120 = arith.index_cast %swap3A_119 : i32 to index
    %swap3A_121 = arith.constant 32 : index
    %swap3A_122 = tpu.vector_load %arg8[%swap3A_120, %swap3A_121] {strides = array<i32>} : memref<4x80xi32, #tpu.memory_space<vmem>>, vector<16xi32>,
    tpu.vector_store %arg8[%swap3A_120, %swap3A_121], %add3A_118 {strides = array<i32>} : memref<4x80xi32, #tpu.memory_space<vmem>>, vector<16xi32>,
    %get3A_123 = arith.constant 1 : i32
    %get3A_124 = arith.index_cast %get3A_123 : i32 to index
    %get3A_125 = arith.constant 48 : index
    %get3A_126 = tpu.vector_load %arg6[%get3A_124, %get3A_125] {strides = array<i32>} : memref<250x80xi32, #tpu.memory_space<vmem>>, vector<16xi32>,
    %mul3A_127 = arith.constant 2 : i32
    %mul3A_128 = vector.broadcast %mul3A_127 : i32 to vector<16xi32>
    %mul3A_129 = arith.muli %get3A_126, %mul3A_128 : vector<16xi32>
    %add3A_130 = vector.broadcast %arg0 : i32 to vector<16xi32>
    %add3A_131 = arith.addi %mul3A_129, %add3A_130 : vector<16xi32>
    %swap3A_132 = arith.constant 1 : i32
    %swap3A_133 = arith.index_cast %swap3A_132 : i32 to index
    %swap3A_134 = arith.constant 48 : index
    %swap3A_135 = tpu.vector_load %arg8[%swap3A_133, %swap3A_134] {strides = array<i32>} : memref<4x80xi32, #tpu.memory_space<vmem>>, vector<16xi32>,
    tpu.vector_store %arg8[%swap3A_133, %swap3A_134], %add3A_131 {strides = array<i32>} : memref<4x80xi32, #tpu.memory_space<vmem>>, vector<16xi32>,
    %get3A_136 = arith.constant 1 : i32
    %get3A_137 = arith.index_cast %get3A_136 : i32 to index
    %get3A_138 = arith.constant 64 : index
    %get3A_139 = tpu.vector_load %arg6[%get3A_137, %get3A_138] {strides = array<i32>} : memref<250x80xi32, #tpu.memory_space<vmem>>, vector<16xi32>,
    %mul3A_140 = arith.constant 2 : i32
    %mul3A_141 = vector.broadcast %mul3A_140 : i32 to vector<16xi32>
    %mul3A_142 = arith.muli %get3A_139, %mul3A_141 : vector<16xi32>
    %add3A_143 = vector.broadcast %arg0 : i32 to vector<16xi32>
    %add3A_144 = arith.addi %mul3A_142, %add3A_143 : vector<16xi32>
    %swap3A_145 = arith.constant 1 : i32
    %swap3A_146 = arith.index_cast %swap3A_145 : i32 to index
    %swap3A_147 = arith.constant 64 : index
    %swap3A_148 = tpu.vector_load %arg8[%swap3A_146, %swap3A_147] {strides = array<i32>} : memref<4x80xi32, #tpu.memory_space<vmem>>, vector<16xi32>,
    tpu.vector_store %arg8[%swap3A_146, %swap3A_147], %add3A_144 {strides = array<i32>} : memref<4x80xi32, #tpu.memory_space<vmem>>, vector<16xi32>,
    %dma_start3A_149 = arith.constant 1 : i32
    %dma_start3A_150 = arith.constant 1 : i32
    %dma_start3A_151 = arith.constant 0 : i32
    %dma_start3A_152 = arith.constant 0 : i32
    %dma_start3A_153 = tpu.memref_slice %arg9[%dma_start3A_150, %dma_start3A_151, %dma_start3A_152] : memref<4x80x64xf32, #tpu.memory_space<vmem>> -> memref<1x80x64xf32, #tpu.memory_space<vmem>>
    %dma_start3A_154 = tpu.memref_squeeze %dma_start3A_153 : memref<1x80x64xf32, #tpu.memory_space<vmem>> -> memref<80x64xf32, #tpu.memory_space<vmem>>
    %dma_start3A_155 = arith.constant 0 : i32
    %dma_start3A_156 = tpu.memref_slice %arg8[%dma_start3A_149, %dma_start3A_155] : memref<4x80xi32, #tpu.memory_space<vmem>> -> memref<1x80xi32, #tpu.memory_space<vmem>>
    %dma_start3A_157 = tpu.memref_squeeze %dma_start3A_156 : memref<1x80xi32, #tpu.memory_space<vmem>> -> memref<80xi32, #tpu.memory_space<vmem>>
    %dma_start3A_158 = arith.constant 0 : i32
    %dma_start3A_159 = arith.constant 0 : i32
    %dma_start3A_160 = tpu.memref_slice %arg4[%dma_start3A_158, %dma_start3A_159] : memref<20000x64xf32, #tpu.memory_space<hbm>> -> memref<20000x64xf32, #tpu.memory_space<hbm>>
    tpu.enqueue_indirect_dma source(%dma_start3A_160 : memref<20000x64xf32, #tpu.memory_space<hbm>>) target(%dma_start3A_154 : memref<80x64xf32, #tpu.memory_space<vmem>>) offsets(%dma_start3A_157 : memref<80xi32, #tpu.memory_space<vmem>>) semaphore(%arg13 : memref<!tpu.dma_semaphore, #tpu.memory_space<semaphore_mem>>)
    %scan3A_161 = arith.constant 0 : i32
    %scan3A_162 = arith.constant 62 : i32
    %scan3A_163 = arith.addi %scan3A_161, %scan3A_162 : i32
    %scan3A_164 = arith.constant 1 : i32
    scf.for %scan3A_272 = %scan3A_161 to %scan3A_163 step %scan3A_164  : i32 {
      %mul3A_273 = arith.constant 4 : i32
      %mul3A_274 = arith.muli %scan3A_272, %mul3A_273 : i32
      %add3A_275 = arith.constant 0 : i32
      %add3A_276 = arith.addi %add3A_275, %mul3A_274 : i32
      %add3A_277 = arith.constant 0 : i32
      %add3A_278 = arith.addi %add3A_276, %add3A_277 : i32
      %dma_wait3A_279 = arith.constant 0 : i32
      %dma_wait3A_280 = arith.constant 0 : i32
      %dma_wait3A_281 = arith.constant 0 : i32
      %dma_wait3A_282 = arith.constant 0 : i32
      %dma_wait3A_283 = tpu.memref_slice %arg9[%dma_wait3A_280, %dma_wait3A_281, %dma_wait3A_282] : memref<4x80x64xf32, #tpu.memory_space<vmem>> -> memref<1x80x64xf32, #tpu.memory_space<vmem>>
      %dma_wait3A_284 = tpu.memref_squeeze %dma_wait3A_283 : memref<1x80x64xf32, #tpu.memory_space<vmem>> -> memref<80x64xf32, #tpu.memory_space<vmem>>
      %dma_wait3A_285 = arith.constant 0 : i32
      %dma_wait3A_286 = tpu.memref_slice %arg8[%dma_wait3A_279, %dma_wait3A_285] : memref<4x80xi32, #tpu.memory_space<vmem>> -> memref<1x80xi32, #tpu.memory_space<vmem>>
      %dma_wait3A_287 = tpu.memref_squeeze %dma_wait3A_286 : memref<1x80xi32, #tpu.memory_space<vmem>> -> memref<80xi32, #tpu.memory_space<vmem>>
      %dma_wait3A_288 = arith.constant 0 : i32
      %dma_wait3A_289 = arith.constant 0 : i32
      %dma_wait3A_290 = tpu.memref_slice %arg4[%dma_wait3A_288, %dma_wait3A_289] : memref<20000x64xf32, #tpu.memory_space<hbm>> -> memref<20000x64xf32, #tpu.memory_space<hbm>>
      tpu.wait_indirect_dma semaphore(%arg12 : memref<!tpu.dma_semaphore, #tpu.memory_space<semaphore_mem>>) src(%dma_wait3A_290 : memref<20000x64xf32, #tpu.memory_space<hbm>>) dst(%dma_wait3A_284 : memref<80x64xf32, #tpu.memory_space<vmem>>)
      %dma_start3A_291 = arith.constant 0 : i32
      %dma_start3A_292 = arith.constant 0 : i32
      %dma_start3A_293 = arith.constant 0 : i32
      %dma_start3A_294 = tpu.memref_slice %arg9[%dma_start3A_291, %dma_start3A_292, %dma_start3A_293] : memref<4x80x64xf32, #tpu.memory_space<vmem>> -> memref<1x80x64xf32, #tpu.memory_space<vmem>>
      %dma_start3A_295 = tpu.memref_squeeze %dma_start3A_294 : memref<1x80x64xf32, #tpu.memory_space<vmem>> -> memref<80x64xf32, #tpu.memory_space<vmem>>
      %dma_start3A_296 = arith.constant 0 : i32
      %dma_start3A_297 = tpu.memref_slice %arg7[%add3A_278, %dma_start3A_296] : memref<250x80xi32, #tpu.memory_space<vmem>> -> memref<1x80xi32, #tpu.memory_space<vmem>>
      %dma_start3A_298 = tpu.memref_squeeze %dma_start3A_297 : memref<1x80xi32, #tpu.memory_space<vmem>> -> memref<80xi32, #tpu.memory_space<vmem>>
      %dma_start3A_299 = arith.constant 0 : i32
      %dma_start3A_300 = arith.constant 0 : i32
      %dma_start3A_301 = tpu.memref_slice %arg11[%dma_start3A_299, %dma_start3A_300] : memref<10000x64xf32, #tpu.memory_space<vmem_shared>> -> memref<10000x64xf32, #tpu.memory_space<vmem_shared>>
      tpu.enqueue_indirect_dma source(%dma_start3A_295 : memref<80x64xf32, #tpu.memory_space<vmem>>) target(%dma_start3A_301 : memref<10000x64xf32, #tpu.memory_space<vmem_shared>>) offsets(%dma_start3A_298 : memref<80xi32, #tpu.memory_space<vmem>>) semaphore(%arg16 : memref<!tpu.dma_semaphore, #tpu.memory_space<semaphore_mem>>) {add = true}
      %ge3A = arith.constant 2 : i32
      %ge3A_302 = arith.cmpi sge, %add3A_278, %ge3A : i32
      %convert_element_type3A_303 = arith.extui %ge3A_302 : i1 to i32
      %cond3A_304 = arith.constant 0 : i32
      %cond3A_305 = arith.cmpi ne, %convert_element_type3A_303, %cond3A_304 : i32
      scf.if %cond3A_305 {
        %sub3A = arith.constant 2 : i32
        %sub3A_692 = arith.subi %add3A_278, %sub3A : i32
        %dma_wait3A_693 = arith.constant 2 : i32
        %dma_wait3A_694 = arith.constant 0 : i32
        %dma_wait3A_695 = arith.constant 0 : i32
        %dma_wait3A_696 = tpu.memref_slice %arg9[%dma_wait3A_693, %dma_wait3A_694, %dma_wait3A_695] : memref<4x80x64xf32, #tpu.memory_space<vmem>> -> memref<1x80x64xf32, #tpu.memory_space<vmem>>
        %dma_wait3A_697 = tpu.memref_squeeze %dma_wait3A_696 : memref<1x80x64xf32, #tpu.memory_space<vmem>> -> memref<80x64xf32, #tpu.memory_space<vmem>>
        %dma_wait3A_698 = arith.constant 0 : i32
        %dma_wait3A_699 = tpu.memref_slice %arg7[%sub3A_692, %dma_wait3A_698] : memref<250x80xi32, #tpu.memory_space<vmem>> -> memref<1x80xi32, #tpu.memory_space<vmem>>
        %dma_wait3A_700 = tpu.memref_squeeze %dma_wait3A_699 : memref<1x80xi32, #tpu.memory_space<vmem>> -> memref<80xi32, #tpu.memory_space<vmem>>
        %dma_wait3A_701 = arith.constant 0 : i32
        %dma_wait3A_702 = arith.constant 0 : i32
        %dma_wait3A_703 = tpu.memref_slice %arg11[%dma_wait3A_701, %dma_wait3A_702] : memref<10000x64xf32, #tpu.memory_space<vmem_shared>> -> memref<10000x64xf32, #tpu.memory_space<vmem_shared>>
        tpu.wait_indirect_dma semaphore(%arg18 : memref<!tpu.dma_semaphore, #tpu.memory_space<semaphore_mem>>) src(%dma_wait3A_697 : memref<80x64xf32, #tpu.memory_space<vmem>>) dst(%dma_wait3A_703 : memref<10000x64xf32, #tpu.memory_space<vmem_shared>>)
      } else {
      }
      %add3A_306 = arith.constant 2 : i32
      %add3A_307 = arith.addi %add3A_278, %add3A_306 : i32
      %get3A_308 = arith.index_cast %add3A_307 : i32 to index
      %get3A_309 = arith.constant 0 : index
      %get3A_310 = tpu.vector_load %arg6[%get3A_308, %get3A_309] {strides = array<i32>} : memref<250x80xi32, #tpu.memory_space<vmem>>, vector<16xi32>,
      %mul3A_311 = arith.constant 2 : i32
      %mul3A_312 = vector.broadcast %mul3A_311 : i32 to vector<16xi32>
      %mul3A_313 = arith.muli %get3A_310, %mul3A_312 : vector<16xi32>
      %add3A_314 = vector.broadcast %arg0 : i32 to vector<16xi32>
      %add3A_315 = arith.addi %mul3A_313, %add3A_314 : vector<16xi32>
      %swap3A_316 = arith.constant 2 : i32
      %swap3A_317 = arith.index_cast %swap3A_316 : i32 to index
      %swap3A_318 = arith.constant 0 : index
      %swap3A_319 = tpu.vector_load %arg8[%swap3A_317, %swap3A_318] {strides = array<i32>} : memref<4x80xi32, #tpu.memory_space<vmem>>, vector<16xi32>,
      tpu.vector_store %arg8[%swap3A_317, %swap3A_318], %add3A_315 {strides = array<i32>} : memref<4x80xi32, #tpu.memory_space<vmem>>, vector<16xi32>,
      %get3A_320 = arith.index_cast %add3A_307 : i32 to index
      %get3A_321 = arith.constant 16 : index
      %get3A_322 = tpu.vector_load %arg6[%get3A_320, %get3A_321] {strides = array<i32>} : memref<250x80xi32, #tpu.memory_space<vmem>>, vector<16xi32>,
      %mul3A_323 = arith.constant 2 : i32
      %mul3A_324 = vector.broadcast %mul3A_323 : i32 to vector<16xi32>
      %mul3A_325 = arith.muli %get3A_322, %mul3A_324 : vector<16xi32>
      %add3A_326 = vector.broadcast %arg0 : i32 to vector<16xi32>
      %add3A_327 = arith.addi %mul3A_325, %add3A_326 : vector<16xi32>
      %swap3A_328 = arith.constant 2 : i32
      %swap3A_329 = arith.index_cast %swap3A_328 : i32 to index
      %swap3A_330 = arith.constant 16 : index
      %swap3A_331 = tpu.vector_load %arg8[%swap3A_329, %swap3A_330] {strides = array<i32>} : memref<4x80xi32, #tpu.memory_space<vmem>>, vector<16xi32>,
      tpu.vector_store %arg8[%swap3A_329, %swap3A_330], %add3A_327 {strides = array<i32>} : memref<4x80xi32, #tpu.memory_space<vmem>>, vector<16xi32>,
      %get3A_332 = arith.index_cast %add3A_307 : i32 to index
      %get3A_333 = arith.constant 32 : index
      %get3A_334 = tpu.vector_load %arg6[%get3A_332, %get3A_333] {strides = array<i32>} : memref<250x80xi32, #tpu.memory_space<vmem>>, vector<16xi32>,
      %mul3A_335 = arith.constant 2 : i32
      %mul3A_336 = vector.broadcast %mul3A_335 : i32 to vector<16xi32>
      %mul3A_337 = arith.muli %get3A_334, %mul3A_336 : vector<16xi32>
      %add3A_338 = vector.broadcast %arg0 : i32 to vector<16xi32>
      %add3A_339 = arith.addi %mul3A_337, %add3A_338 : vector<16xi32>
      %swap3A_340 = arith.constant 2 : i32
      %swap3A_341 = arith.index_cast %swap3A_340 : i32 to index
      %swap3A_342 = arith.constant 32 : index
      %swap3A_343 = tpu.vector_load %arg8[%swap3A_341, %swap3A_342] {strides = array<i32>} : memref<4x80xi32, #tpu.memory_space<vmem>>, vector<16xi32>,
      tpu.vector_store %arg8[%swap3A_341, %swap3A_342], %add3A_339 {strides = array<i32>} : memref<4x80xi32, #tpu.memory_space<vmem>>, vector<16xi32>,
      %get3A_344 = arith.index_cast %add3A_307 : i32 to index
      %get3A_345 = arith.constant 48 : index
      %get3A_346 = tpu.vector_load %arg6[%get3A_344, %get3A_345] {strides = array<i32>} : memref<250x80xi32, #tpu.memory_space<vmem>>, vector<16xi32>,
      %mul3A_347 = arith.constant 2 : i32
      %mul3A_348 = vector.broadcast %mul3A_347 : i32 to vector<16xi32>
      %mul3A_349 = arith.muli %get3A_346, %mul3A_348 : vector<16xi32>
      %add3A_350 = vector.broadcast %arg0 : i32 to vector<16xi32>
      %add3A_351 = arith.addi %mul3A_349, %add3A_350 : vector<16xi32>
      %swap3A_352 = arith.constant 2 : i32
      %swap3A_353 = arith.index_cast %swap3A_352 : i32 to index
      %swap3A_354 = arith.constant 48 : index
      %swap3A_355 = tpu.vector_load %arg8[%swap3A_353, %swap3A_354] {strides = array<i32>} : memref<4x80xi32, #tpu.memory_space<vmem>>, vector<16xi32>,
      tpu.vector_store %arg8[%swap3A_353, %swap3A_354], %add3A_351 {strides = array<i32>} : memref<4x80xi32, #tpu.memory_space<vmem>>, vector<16xi32>,
      %get3A_356 = arith.index_cast %add3A_307 : i32 to index
      %get3A_357 = arith.constant 64 : index
      %get3A_358 = tpu.vector_load %arg6[%get3A_356, %get3A_357] {strides = array<i32>} : memref<250x80xi32, #tpu.memory_space<vmem>>, vector<16xi32>,
      %mul3A_359 = arith.constant 2 : i32
      %mul3A_360 = vector.broadcast %mul3A_359 : i32 to vector<16xi32>
      %mul3A_361 = arith.muli %get3A_358, %mul3A_360 : vector<16xi32>
      %add3A_362 = vector.broadcast %arg0 : i32 to vector<16xi32>
      %add3A_363 = arith.addi %mul3A_361, %add3A_362 : vector<16xi32>
      %swap3A_364 = arith.constant 2 : i32
      %swap3A_365 = arith.index_cast %swap3A_364 : i32 to index
      %swap3A_366 = arith.constant 64 : index
      %swap3A_367 = tpu.vector_load %arg8[%swap3A_365, %swap3A_366] {strides = array<i32>} : memref<4x80xi32, #tpu.memory_space<vmem>>, vector<16xi32>,
      tpu.vector_store %arg8[%swap3A_365, %swap3A_366], %add3A_363 {strides = array<i32>} : memref<4x80xi32, #tpu.memory_space<vmem>>, vector<16xi32>,
      %dma_start3A_368 = arith.constant 2 : i32
      %dma_start3A_369 = arith.constant 2 : i32
      %dma_start3A_370 = arith.constant 0 : i32
      %dma_start3A_371 = arith.constant 0 : i32
      %dma_start3A_372 = tpu.memref_slice %arg9[%dma_start3A_369, %dma_start3A_370, %dma_start3A_371] : memref<4x80x64xf32, #tpu.memory_space<vmem>> -> memref<1x80x64xf32, #tpu.memory_space<vmem>>
      %dma_start3A_373 = tpu.memref_squeeze %dma_start3A_372 : memref<1x80x64xf32, #tpu.memory_space<vmem>> -> memref<80x64xf32, #tpu.memory_space<vmem>>
      %dma_start3A_374 = arith.constant 0 : i32
      %dma_start3A_375 = tpu.memref_slice %arg8[%dma_start3A_368, %dma_start3A_374] : memref<4x80xi32, #tpu.memory_space<vmem>> -> memref<1x80xi32, #tpu.memory_space<vmem>>
      %dma_start3A_376 = tpu.memref_squeeze %dma_start3A_375 : memref<1x80xi32, #tpu.memory_space<vmem>> -> memref<80xi32, #tpu.memory_space<vmem>>
      %dma_start3A_377 = arith.constant 0 : i32
      %dma_start3A_378 = arith.constant 0 : i32
      %dma_start3A_379 = tpu.memref_slice %arg4[%dma_start3A_377, %dma_start3A_378] : memref<20000x64xf32, #tpu.memory_space<hbm>> -> memref<20000x64xf32, #tpu.memory_space<hbm>>
      tpu.enqueue_indirect_dma source(%dma_start3A_379 : memref<20000x64xf32, #tpu.memory_space<hbm>>) target(%dma_start3A_373 : memref<80x64xf32, #tpu.memory_space<vmem>>) offsets(%dma_start3A_376 : memref<80xi32, #tpu.memory_space<vmem>>) semaphore(%arg14 : memref<!tpu.dma_semaphore, #tpu.memory_space<semaphore_mem>>)
      %add3A_380 = arith.constant 1 : i32
      %add3A_381 = arith.addi %add3A_276, %add3A_380 : i32
      %dma_wait3A_382 = arith.constant 1 : i32
      %dma_wait3A_383 = arith.constant 1 : i32
      %dma_wait3A_384 = arith.constant 0 : i32
      %dma_wait3A_385 = arith.constant 0 : i32
      %dma_wait3A_386 = tpu.memref_slice %arg9[%dma_wait3A_383, %dma_wait3A_384, %dma_wait3A_385] : memref<4x80x64xf32, #tpu.memory_space<vmem>> -> memref<1x80x64xf32, #tpu.memory_space<vmem>>
      %dma_wait3A_387 = tpu.memref_squeeze %dma_wait3A_386 : memref<1x80x64xf32, #tpu.memory_space<vmem>> -> memref<80x64xf32, #tpu.memory_space<vmem>>
      %dma_wait3A_388 = arith.constant 0 : i32
      %dma_wait3A_389 = tpu.memref_slice %arg8[%dma_wait3A_382, %dma_wait3A_388] : memref<4x80xi32, #tpu.memory_space<vmem>> -> memref<1x80xi32, #tpu.memory_space<vmem>>
      %dma_wait3A_390 = tpu.memref_squeeze %dma_wait3A_389 : memref<1x80xi32, #tpu.memory_space<vmem>> -> memref<80xi32, #tpu.memory_space<vmem>>
      %dma_wait3A_391 = arith.constant 0 : i32
      %dma_wait3A_392 = arith.constant 0 : i32
      %dma_wait3A_393 = tpu.memref_slice %arg4[%dma_wait3A_391, %dma_wait3A_392] : memref<20000x64xf32, #tpu.memory_space<hbm>> -> memref<20000x64xf32, #tpu.memory_space<hbm>>
      tpu.wait_indirect_dma semaphore(%arg13 : memref<!tpu.dma_semaphore, #tpu.memory_space<semaphore_mem>>) src(%dma_wait3A_393 : memref<20000x64xf32, #tpu.memory_space<hbm>>) dst(%dma_wait3A_387 : memref<80x64xf32, #tpu.memory_space<vmem>>)
      %dma_start3A_394 = arith.constant 1 : i32
      %dma_start3A_395 = arith.constant 0 : i32
      %dma_start3A_396 = arith.constant 0 : i32
      %dma_start3A_397 = tpu.memref_slice %arg9[%dma_start3A_394, %dma_start3A_395, %dma_start3A_396] : memref<4x80x64xf32, #tpu.memory_space<vmem>> -> memref<1x80x64xf32, #tpu.memory_space<vmem>>
      %dma_start3A_398 = tpu.memref_squeeze %dma_start3A_397 : memref<1x80x64xf32, #tpu.memory_space<vmem>> -> memref<80x64xf32, #tpu.memory_space<vmem>>
      %dma_start3A_399 = arith.constant 0 : i32
      %dma_start3A_400 = tpu.memref_slice %arg7[%add3A_381, %dma_start3A_399] : memref<250x80xi32, #tpu.memory_space<vmem>> -> memref<1x80xi32, #tpu.memory_space<vmem>>
      %dma_start3A_401 = tpu.memref_squeeze %dma_start3A_400 : memref<1x80xi32, #tpu.memory_space<vmem>> -> memref<80xi32, #tpu.memory_space<vmem>>
      %dma_start3A_402 = arith.constant 0 : i32
      %dma_start3A_403 = arith.constant 0 : i32
      %dma_start3A_404 = tpu.memref_slice %arg11[%dma_start3A_402, %dma_start3A_403] : memref<10000x64xf32, #tpu.memory_space<vmem_shared>> -> memref<10000x64xf32, #tpu.memory_space<vmem_shared>>
      tpu.enqueue_indirect_dma source(%dma_start3A_398 : memref<80x64xf32, #tpu.memory_space<vmem>>) target(%dma_start3A_404 : memref<10000x64xf32, #tpu.memory_space<vmem_shared>>) offsets(%dma_start3A_401 : memref<80xi32, #tpu.memory_space<vmem>>) semaphore(%arg17 : memref<!tpu.dma_semaphore, #tpu.memory_space<semaphore_mem>>) {add = true}
      %ge3A_405 = arith.constant 2 : i32
      %ge3A_406 = arith.cmpi sge, %add3A_381, %ge3A_405 : i32
      %convert_element_type3A_407 = arith.extui %ge3A_406 : i1 to i32
      %cond3A_408 = arith.constant 0 : i32
      %cond3A_409 = arith.cmpi ne, %convert_element_type3A_407, %cond3A_408 : i32
      scf.if %cond3A_409 {
        %sub3A = arith.constant 2 : i32
        %sub3A_692 = arith.subi %add3A_381, %sub3A : i32
        %dma_wait3A_693 = arith.constant 3 : i32
        %dma_wait3A_694 = arith.constant 0 : i32
        %dma_wait3A_695 = arith.constant 0 : i32
        %dma_wait3A_696 = tpu.memref_slice %arg9[%dma_wait3A_693, %dma_wait3A_694, %dma_wait3A_695] : memref<4x80x64xf32, #tpu.memory_space<vmem>> -> memref<1x80x64xf32, #tpu.memory_space<vmem>>
        %dma_wait3A_697 = tpu.memref_squeeze %dma_wait3A_696 : memref<1x80x64xf32, #tpu.memory_space<vmem>> -> memref<80x64xf32, #tpu.memory_space<vmem>>
        %dma_wait3A_698 = arith.constant 0 : i32
        %dma_wait3A_699 = tpu.memref_slice %arg7[%sub3A_692, %dma_wait3A_698] : memref<250x80xi32, #tpu.memory_space<vmem>> -> memref<1x80xi32, #tpu.memory_space<vmem>>
        %dma_wait3A_700 = tpu.memref_squeeze %dma_wait3A_699 : memref<1x80xi32, #tpu.memory_space<vmem>> -> memref<80xi32, #tpu.memory_space<vmem>>
        %dma_wait3A_701 = arith.constant 0 : i32
        %dma_wait3A_702 = arith.constant 0 : i32
        %dma_wait3A_703 = tpu.memref_slice %arg11[%dma_wait3A_701, %dma_wait3A_702] : memref<10000x64xf32, #tpu.memory_space<vmem_shared>> -> memref<10000x64xf32, #tpu.memory_space<vmem_shared>>
        tpu.wait_indirect_dma semaphore(%arg19 : memref<!tpu.dma_semaphore, #tpu.memory_space<semaphore_mem>>) src(%dma_wait3A_697 : memref<80x64xf32, #tpu.memory_space<vmem>>) dst(%dma_wait3A_703 : memref<10000x64xf32, #tpu.memory_space<vmem_shared>>)
      } else {
      }
      %add3A_410 = arith.constant 2 : i32
      %add3A_411 = arith.addi %add3A_381, %add3A_410 : i32
      %get3A_412 = arith.index_cast %add3A_411 : i32 to index
      %get3A_413 = arith.constant 0 : index
      %get3A_414 = tpu.vector_load %arg6[%get3A_412, %get3A_413] {strides = array<i32>} : memref<250x80xi32, #tpu.memory_space<vmem>>, vector<16xi32>,
      %mul3A_415 = arith.constant 2 : i32
      %mul3A_416 = vector.broadcast %mul3A_415 : i32 to vector<16xi32>
      %mul3A_417 = arith.muli %get3A_414, %mul3A_416 : vector<16xi32>
      %add3A_418 = vector.broadcast %arg0 : i32 to vector<16xi32>
      %add3A_419 = arith.addi %mul3A_417, %add3A_418 : vector<16xi32>
      %swap3A_420 = arith.constant 3 : i32
      %swap3A_421 = arith.index_cast %swap3A_420 : i32 to index
      %swap3A_422 = arith.constant 0 : index
      %swap3A_423 = tpu.vector_load %arg8[%swap3A_421, %swap3A_422] {strides = array<i32>} : memref<4x80xi32, #tpu.memory_space<vmem>>, vector<16xi32>,
      tpu.vector_store %arg8[%swap3A_421, %swap3A_422], %add3A_419 {strides = array<i32>} : memref<4x80xi32, #tpu.memory_space<vmem>>, vector<16xi32>,
      %get3A_424 = arith.index_cast %add3A_411 : i32 to index
      %get3A_425 = arith.constant 16 : index
      %get3A_426 = tpu.vector_load %arg6[%get3A_424, %get3A_425] {strides = array<i32>} : memref<250x80xi32, #tpu.memory_space<vmem>>, vector<16xi32>,
      %mul3A_427 = arith.constant 2 : i32
      %mul3A_428 = vector.broadcast %mul3A_427 : i32 to vector<16xi32>
      %mul3A_429 = arith.muli %get3A_426, %mul3A_428 : vector<16xi32>
      %add3A_430 = vector.broadcast %arg0 : i32 to vector<16xi32>
      %add3A_431 = arith.addi %mul3A_429, %add3A_430 : vector<16xi32>
      %swap3A_432 = arith.constant 3 : i32
      %swap3A_433 = arith.index_cast %swap3A_432 : i32 to index
      %swap3A_434 = arith.constant 16 : index
      %swap3A_435 = tpu.vector_load %arg8[%swap3A_433, %swap3A_434] {strides = array<i32>} : memref<4x80xi32, #tpu.memory_space<vmem>>, vector<16xi32>,
      tpu.vector_store %arg8[%swap3A_433, %swap3A_434], %add3A_431 {strides = array<i32>} : memref<4x80xi32, #tpu.memory_space<vmem>>, vector<16xi32>,
      %get3A_436 = arith.index_cast %add3A_411 : i32 to index
      %get3A_437 = arith.constant 32 : index
      %get3A_438 = tpu.vector_load %arg6[%get3A_436, %get3A_437] {strides = array<i32>} : memref<250x80xi32, #tpu.memory_space<vmem>>, vector<16xi32>,
      %mul3A_439 = arith.constant 2 : i32
      %mul3A_440 = vector.broadcast %mul3A_439 : i32 to vector<16xi32>
      %mul3A_441 = arith.muli %get3A_438, %mul3A_440 : vector<16xi32>
      %add3A_442 = vector.broadcast %arg0 : i32 to vector<16xi32>
      %add3A_443 = arith.addi %mul3A_441, %add3A_442 : vector<16xi32>
      %swap3A_444 = arith.constant 3 : i32
      %swap3A_445 = arith.index_cast %swap3A_444 : i32 to index
      %swap3A_446 = arith.constant 32 : index
      %swap3A_447 = tpu.vector_load %arg8[%swap3A_445, %swap3A_446] {strides = array<i32>} : memref<4x80xi32, #tpu.memory_space<vmem>>, vector<16xi32>,
      tpu.vector_store %arg8[%swap3A_445, %swap3A_446], %add3A_443 {strides = array<i32>} : memref<4x80xi32, #tpu.memory_space<vmem>>, vector<16xi32>,
      %get3A_448 = arith.index_cast %add3A_411 : i32 to index
      %get3A_449 = arith.constant 48 : index
      %get3A_450 = tpu.vector_load %arg6[%get3A_448, %get3A_449] {strides = array<i32>} : memref<250x80xi32, #tpu.memory_space<vmem>>, vector<16xi32>,
      %mul3A_451 = arith.constant 2 : i32
      %mul3A_452 = vector.broadcast %mul3A_451 : i32 to vector<16xi32>
      %mul3A_453 = arith.muli %get3A_450, %mul3A_452 : vector<16xi32>
      %add3A_454 = vector.broadcast %arg0 : i32 to vector<16xi32>
      %add3A_455 = arith.addi %mul3A_453, %add3A_454 : vector<16xi32>
      %swap3A_456 = arith.constant 3 : i32
      %swap3A_457 = arith.index_cast %swap3A_456 : i32 to index
      %swap3A_458 = arith.constant 48 : index
      %swap3A_459 = tpu.vector_load %arg8[%swap3A_457, %swap3A_458] {strides = array<i32>} : memref<4x80xi32, #tpu.memory_space<vmem>>, vector<16xi32>,
      tpu.vector_store %arg8[%swap3A_457, %swap3A_458], %add3A_455 {strides = array<i32>} : memref<4x80xi32, #tpu.memory_space<vmem>>, vector<16xi32>,
      %get3A_460 = arith.index_cast %add3A_411 : i32 to index
      %get3A_461 = arith.constant 64 : index
      %get3A_462 = tpu.vector_load %arg6[%get3A_460, %get3A_461] {strides = array<i32>} : memref<250x80xi32, #tpu.memory_space<vmem>>, vector<16xi32>,
      %mul3A_463 = arith.constant 2 : i32
      %mul3A_464 = vector.broadcast %mul3A_463 : i32 to vector<16xi32>
      %mul3A_465 = arith.muli %get3A_462, %mul3A_464 : vector<16xi32>
      %add3A_466 = vector.broadcast %arg0 : i32 to vector<16xi32>
      %add3A_467 = arith.addi %mul3A_465, %add3A_466 : vector<16xi32>
      %swap3A_468 = arith.constant 3 : i32
      %swap3A_469 = arith.index_cast %swap3A_468 : i32 to index
      %swap3A_470 = arith.constant 64 : index
      %swap3A_471 = tpu.vector_load %arg8[%swap3A_469, %swap3A_470] {strides = array<i32>} : memref<4x80xi32, #tpu.memory_space<vmem>>, vector<16xi32>,
      tpu.vector_store %arg8[%swap3A_469, %swap3A_470], %add3A_467 {strides = array<i32>} : memref<4x80xi32, #tpu.memory_space<vmem>>, vector<16xi32>,
      %dma_start3A_472 = arith.constant 3 : i32
      %dma_start3A_473 = arith.constant 3 : i32
      %dma_start3A_474 = arith.constant 0 : i32
      %dma_start3A_475 = arith.constant 0 : i32
      %dma_start3A_476 = tpu.memref_slice %arg9[%dma_start3A_473, %dma_start3A_474, %dma_start3A_475] : memref<4x80x64xf32, #tpu.memory_space<vmem>> -> memref<1x80x64xf32, #tpu.memory_space<vmem>>
      %dma_start3A_477 = tpu.memref_squeeze %dma_start3A_476 : memref<1x80x64xf32, #tpu.memory_space<vmem>> -> memref<80x64xf32, #tpu.memory_space<vmem>>
      %dma_start3A_478 = arith.constant 0 : i32
      %dma_start3A_479 = tpu.memref_slice %arg8[%dma_start3A_472, %dma_start3A_478] : memref<4x80xi32, #tpu.memory_space<vmem>> -> memref<1x80xi32, #tpu.memory_space<vmem>>
      %dma_start3A_480 = tpu.memref_squeeze %dma_start3A_479 : memref<1x80xi32, #tpu.memory_space<vmem>> -> memref<80xi32, #tpu.memory_space<vmem>>
      %dma_start3A_481 = arith.constant 0 : i32
      %dma_start3A_482 = arith.constant 0 : i32
      %dma_start3A_483 = tpu.memref_slice %arg4[%dma_start3A_481, %dma_start3A_482] : memref<20000x64xf32, #tpu.memory_space<hbm>> -> memref<20000x64xf32, #tpu.memory_space<hbm>>
      tpu.enqueue_indirect_dma source(%dma_start3A_483 : memref<20000x64xf32, #tpu.memory_space<hbm>>) target(%dma_start3A_477 : memref<80x64xf32, #tpu.memory_space<vmem>>) offsets(%dma_start3A_480 : memref<80xi32, #tpu.memory_space<vmem>>) semaphore(%arg15 : memref<!tpu.dma_semaphore, #tpu.memory_space<semaphore_mem>>)
      %add3A_484 = arith.constant 2 : i32
      %add3A_485 = arith.addi %add3A_276, %add3A_484 : i32
      %dma_wait3A_486 = arith.constant 2 : i32
      %dma_wait3A_487 = arith.constant 2 : i32
      %dma_wait3A_488 = arith.constant 0 : i32
      %dma_wait3A_489 = arith.constant 0 : i32
      %dma_wait3A_490 = tpu.memref_slice %arg9[%dma_wait3A_487, %dma_wait3A_488, %dma_wait3A_489] : memref<4x80x64xf32, #tpu.memory_space<vmem>> -> memref<1x80x64xf32, #tpu.memory_space<vmem>>
      %dma_wait3A_491 = tpu.memref_squeeze %dma_wait3A_490 : memref<1x80x64xf32, #tpu.memory_space<vmem>> -> memref<80x64xf32, #tpu.memory_space<vmem>>
      %dma_wait3A_492 = arith.constant 0 : i32
      %dma_wait3A_493 = tpu.memref_slice %arg8[%dma_wait3A_486, %dma_wait3A_492] : memref<4x80xi32, #tpu.memory_space<vmem>> -> memref<1x80xi32, #tpu.memory_space<vmem>>
      %dma_wait3A_494 = tpu.memref_squeeze %dma_wait3A_493 : memref<1x80xi32, #tpu.memory_space<vmem>> -> memref<80xi32, #tpu.memory_space<vmem>>
      %dma_wait3A_495 = arith.constant 0 : i32
      %dma_wait3A_496 = arith.constant 0 : i32
      %dma_wait3A_497 = tpu.memref_slice %arg4[%dma_wait3A_495, %dma_wait3A_496] : memref<20000x64xf32, #tpu.memory_space<hbm>> -> memref<20000x64xf32, #tpu.memory_space<hbm>>
      tpu.wait_indirect_dma semaphore(%arg14 : memref<!tpu.dma_semaphore, #tpu.memory_space<semaphore_mem>>) src(%dma_wait3A_497 : memref<20000x64xf32, #tpu.memory_space<hbm>>) dst(%dma_wait3A_491 : memref<80x64xf32, #tpu.memory_space<vmem>>)
      %dma_start3A_498 = arith.constant 2 : i32
      %dma_start3A_499 = arith.constant 0 : i32
      %dma_start3A_500 = arith.constant 0 : i32
      %dma_start3A_501 = tpu.memref_slice %arg9[%dma_start3A_498, %dma_start3A_499, %dma_start3A_500] : memref<4x80x64xf32, #tpu.memory_space<vmem>> -> memref<1x80x64xf32, #tpu.memory_space<vmem>>
      %dma_start3A_502 = tpu.memref_squeeze %dma_start3A_501 : memref<1x80x64xf32, #tpu.memory_space<vmem>> -> memref<80x64xf32, #tpu.memory_space<vmem>>
      %dma_start3A_503 = arith.constant 0 : i32
      %dma_start3A_504 = tpu.memref_slice %arg7[%add3A_485, %dma_start3A_503] : memref<250x80xi32, #tpu.memory_space<vmem>> -> memref<1x80xi32, #tpu.memory_space<vmem>>
      %dma_start3A_505 = tpu.memref_squeeze %dma_start3A_504 : memref<1x80xi32, #tpu.memory_space<vmem>> -> memref<80xi32, #tpu.memory_space<vmem>>
      %dma_start3A_506 = arith.constant 0 : i32
      %dma_start3A_507 = arith.constant 0 : i32
      %dma_start3A_508 = tpu.memref_slice %arg11[%dma_start3A_506, %dma_start3A_507] : memref<10000x64xf32, #tpu.memory_space<vmem_shared>> -> memref<10000x64xf32, #tpu.memory_space<vmem_shared>>
      tpu.enqueue_indirect_dma source(%dma_start3A_502 : memref<80x64xf32, #tpu.memory_space<vmem>>) target(%dma_start3A_508 : memref<10000x64xf32, #tpu.memory_space<vmem_shared>>) offsets(%dma_start3A_505 : memref<80xi32, #tpu.memory_space<vmem>>) semaphore(%arg18 : memref<!tpu.dma_semaphore, #tpu.memory_space<semaphore_mem>>) {add = true}
      %ge3A_509 = arith.constant 2 : i32
      %ge3A_510 = arith.cmpi sge, %add3A_485, %ge3A_509 : i32
      %convert_element_type3A_511 = arith.extui %ge3A_510 : i1 to i32
      %cond3A_512 = arith.constant 0 : i32
      %cond3A_513 = arith.cmpi ne, %convert_element_type3A_511, %cond3A_512 : i32
      scf.if %cond3A_513 {
        %sub3A = arith.constant 2 : i32
        %sub3A_692 = arith.subi %add3A_485, %sub3A : i32
        %dma_wait3A_693 = arith.constant 0 : i32
        %dma_wait3A_694 = arith.constant 0 : i32
        %dma_wait3A_695 = arith.constant 0 : i32
        %dma_wait3A_696 = tpu.memref_slice %arg9[%dma_wait3A_693, %dma_wait3A_694, %dma_wait3A_695] : memref<4x80x64xf32, #tpu.memory_space<vmem>> -> memref<1x80x64xf32, #tpu.memory_space<vmem>>
        %dma_wait3A_697 = tpu.memref_squeeze %dma_wait3A_696 : memref<1x80x64xf32, #tpu.memory_space<vmem>> -> memref<80x64xf32, #tpu.memory_space<vmem>>
        %dma_wait3A_698 = arith.constant 0 : i32
        %dma_wait3A_699 = tpu.memref_slice %arg7[%sub3A_692, %dma_wait3A_698] : memref<250x80xi32, #tpu.memory_space<vmem>> -> memref<1x80xi32, #tpu.memory_space<vmem>>
        %dma_wait3A_700 = tpu.memref_squeeze %dma_wait3A_699 : memref<1x80xi32, #tpu.memory_space<vmem>> -> memref<80xi32, #tpu.memory_space<vmem>>
        %dma_wait3A_701 = arith.constant 0 : i32
        %dma_wait3A_702 = arith.constant 0 : i32
        %dma_wait3A_703 = tpu.memref_slice %arg11[%dma_wait3A_701, %dma_wait3A_702] : memref<10000x64xf32, #tpu.memory_space<vmem_shared>> -> memref<10000x64xf32, #tpu.memory_space<vmem_shared>>
        tpu.wait_indirect_dma semaphore(%arg16 : memref<!tpu.dma_semaphore, #tpu.memory_space<semaphore_mem>>) src(%dma_wait3A_697 : memref<80x64xf32, #tpu.memory_space<vmem>>) dst(%dma_wait3A_703 : memref<10000x64xf32, #tpu.memory_space<vmem_shared>>)
      } else {
      }
      %add3A_514 = arith.constant 2 : i32
      %add3A_515 = arith.addi %add3A_485, %add3A_514 : i32
      %get3A_516 = arith.index_cast %add3A_515 : i32 to index
      %get3A_517 = arith.constant 0 : index
      %get3A_518 = tpu.vector_load %arg6[%get3A_516, %get3A_517] {strides = array<i32>} : memref<250x80xi32, #tpu.memory_space<vmem>>, vector<16xi32>,
      %mul3A_519 = arith.constant 2 : i32
      %mul3A_520 = vector.broadcast %mul3A_519 : i32 to vector<16xi32>
      %mul3A_521 = arith.muli %get3A_518, %mul3A_520 : vector<16xi32>
      %add3A_522 = vector.broadcast %arg0 : i32 to vector<16xi32>
      %add3A_523 = arith.addi %mul3A_521, %add3A_522 : vector<16xi32>
      %swap3A_524 = arith.constant 0 : i32
      %swap3A_525 = arith.index_cast %swap3A_524 : i32 to index
      %swap3A_526 = arith.constant 0 : index
      %swap3A_527 = tpu.vector_load %arg8[%swap3A_525, %swap3A_526] {strides = array<i32>} : memref<4x80xi32, #tpu.memory_space<vmem>>, vector<16xi32>,
      tpu.vector_store %arg8[%swap3A_525, %swap3A_526], %add3A_523 {strides = array<i32>} : memref<4x80xi32, #tpu.memory_space<vmem>>, vector<16xi32>,
      %get3A_528 = arith.index_cast %add3A_515 : i32 to index
      %get3A_529 = arith.constant 16 : index
      %get3A_530 = tpu.vector_load %arg6[%get3A_528, %get3A_529] {strides = array<i32>} : memref<250x80xi32, #tpu.memory_space<vmem>>, vector<16xi32>,
      %mul3A_531 = arith.constant 2 : i32
      %mul3A_532 = vector.broadcast %mul3A_531 : i32 to vector<16xi32>
      %mul3A_533 = arith.muli %get3A_530, %mul3A_532 : vector<16xi32>
      %add3A_534 = vector.broadcast %arg0 : i32 to vector<16xi32>
      %add3A_535 = arith.addi %mul3A_533, %add3A_534 : vector<16xi32>
      %swap3A_536 = arith.constant 0 : i32
      %swap3A_537 = arith.index_cast %swap3A_536 : i32 to index
      %swap3A_538 = arith.constant 16 : index
      %swap3A_539 = tpu.vector_load %arg8[%swap3A_537, %swap3A_538] {strides = array<i32>} : memref<4x80xi32, #tpu.memory_space<vmem>>, vector<16xi32>,
      tpu.vector_store %arg8[%swap3A_537, %swap3A_538], %add3A_535 {strides = array<i32>} : memref<4x80xi32, #tpu.memory_space<vmem>>, vector<16xi32>,
      %get3A_540 = arith.index_cast %add3A_515 : i32 to index
      %get3A_541 = arith.constant 32 : index
      %get3A_542 = tpu.vector_load %arg6[%get3A_540, %get3A_541] {strides = array<i32>} : memref<250x80xi32, #tpu.memory_space<vmem>>, vector<16xi32>,
      %mul3A_543 = arith.constant 2 : i32
      %mul3A_544 = vector.broadcast %mul3A_543 : i32 to vector<16xi32>
      %mul3A_545 = arith.muli %get3A_542, %mul3A_544 : vector<16xi32>
      %add3A_546 = vector.broadcast %arg0 : i32 to vector<16xi32>
      %add3A_547 = arith.addi %mul3A_545, %add3A_546 : vector<16xi32>
      %swap3A_548 = arith.constant 0 : i32
      %swap3A_549 = arith.index_cast %swap3A_548 : i32 to index
      %swap3A_550 = arith.constant 32 : index
      %swap3A_551 = tpu.vector_load %arg8[%swap3A_549, %swap3A_550] {strides = array<i32>} : memref<4x80xi32, #tpu.memory_space<vmem>>, vector<16xi32>,
      tpu.vector_store %arg8[%swap3A_549, %swap3A_550], %add3A_547 {strides = array<i32>} : memref<4x80xi32, #tpu.memory_space<vmem>>, vector<16xi32>,
      %get3A_552 = arith.index_cast %add3A_515 : i32 to index
      %get3A_553 = arith.constant 48 : index
      %get3A_554 = tpu.vector_load %arg6[%get3A_552, %get3A_553] {strides = array<i32>} : memref<250x80xi32, #tpu.memory_space<vmem>>, vector<16xi32>,
      %mul3A_555 = arith.constant 2 : i32
      %mul3A_556 = vector.broadcast %mul3A_555 : i32 to vector<16xi32>
      %mul3A_557 = arith.muli %get3A_554, %mul3A_556 : vector<16xi32>
      %add3A_558 = vector.broadcast %arg0 : i32 to vector<16xi32>
      %add3A_559 = arith.addi %mul3A_557, %add3A_558 : vector<16xi32>
      %swap3A_560 = arith.constant 0 : i32
      %swap3A_561 = arith.index_cast %swap3A_560 : i32 to index
      %swap3A_562 = arith.constant 48 : index
      %swap3A_563 = tpu.vector_load %arg8[%swap3A_561, %swap3A_562] {strides = array<i32>} : memref<4x80xi32, #tpu.memory_space<vmem>>, vector<16xi32>,
      tpu.vector_store %arg8[%swap3A_561, %swap3A_562], %add3A_559 {strides = array<i32>} : memref<4x80xi32, #tpu.memory_space<vmem>>, vector<16xi32>,
      %get3A_564 = arith.index_cast %add3A_515 : i32 to index
      %get3A_565 = arith.constant 64 : index
      %get3A_566 = tpu.vector_load %arg6[%get3A_564, %get3A_565] {strides = array<i32>} : memref<250x80xi32, #tpu.memory_space<vmem>>, vector<16xi32>,
      %mul3A_567 = arith.constant 2 : i32
      %mul3A_568 = vector.broadcast %mul3A_567 : i32 to vector<16xi32>
      %mul3A_569 = arith.muli %get3A_566, %mul3A_568 : vector<16xi32>
      %add3A_570 = vector.broadcast %arg0 : i32 to vector<16xi32>
      %add3A_571 = arith.addi %mul3A_569, %add3A_570 : vector<16xi32>
      %swap3A_572 = arith.constant 0 : i32
      %swap3A_573 = arith.index_cast %swap3A_572 : i32 to index
      %swap3A_574 = arith.constant 64 : index
      %swap3A_575 = tpu.vector_load %arg8[%swap3A_573, %swap3A_574] {strides = array<i32>} : memref<4x80xi32, #tpu.memory_space<vmem>>, vector<16xi32>,
      tpu.vector_store %arg8[%swap3A_573, %swap3A_574], %add3A_571 {strides = array<i32>} : memref<4x80xi32, #tpu.memory_space<vmem>>, vector<16xi32>,
      %dma_start3A_576 = arith.constant 0 : i32
      %dma_start3A_577 = arith.constant 0 : i32
      %dma_start3A_578 = arith.constant 0 : i32
      %dma_start3A_579 = arith.constant 0 : i32
      %dma_start3A_580 = tpu.memref_slice %arg9[%dma_start3A_577, %dma_start3A_578, %dma_start3A_579] : memref<4x80x64xf32, #tpu.memory_space<vmem>> -> memref<1x80x64xf32, #tpu.memory_space<vmem>>
      %dma_start3A_581 = tpu.memref_squeeze %dma_start3A_580 : memref<1x80x64xf32, #tpu.memory_space<vmem>> -> memref<80x64xf32, #tpu.memory_space<vmem>>
      %dma_start3A_582 = arith.constant 0 : i32
      %dma_start3A_583 = tpu.memref_slice %arg8[%dma_start3A_576, %dma_start3A_582] : memref<4x80xi32, #tpu.memory_space<vmem>> -> memref<1x80xi32, #tpu.memory_space<vmem>>
      %dma_start3A_584 = tpu.memref_squeeze %dma_start3A_583 : memref<1x80xi32, #tpu.memory_space<vmem>> -> memref<80xi32, #tpu.memory_space<vmem>>
      %dma_start3A_585 = arith.constant 0 : i32
      %dma_start3A_586 = arith.constant 0 : i32
      %dma_start3A_587 = tpu.memref_slice %arg4[%dma_start3A_585, %dma_start3A_586] : memref<20000x64xf32, #tpu.memory_space<hbm>> -> memref<20000x64xf32, #tpu.memory_space<hbm>>
      tpu.enqueue_indirect_dma source(%dma_start3A_587 : memref<20000x64xf32, #tpu.memory_space<hbm>>) target(%dma_start3A_581 : memref<80x64xf32, #tpu.memory_space<vmem>>) offsets(%dma_start3A_584 : memref<80xi32, #tpu.memory_space<vmem>>) semaphore(%arg12 : memref<!tpu.dma_semaphore, #tpu.memory_space<semaphore_mem>>)
      %add3A_588 = arith.constant 3 : i32
      %add3A_589 = arith.addi %add3A_276, %add3A_588 : i32
      %dma_wait3A_590 = arith.constant 3 : i32
      %dma_wait3A_591 = arith.constant 3 : i32
      %dma_wait3A_592 = arith.constant 0 : i32
      %dma_wait3A_593 = arith.constant 0 : i32
      %dma_wait3A_594 = tpu.memref_slice %arg9[%dma_wait3A_591, %dma_wait3A_592, %dma_wait3A_593] : memref<4x80x64xf32, #tpu.memory_space<vmem>> -> memref<1x80x64xf32, #tpu.memory_space<vmem>>
      %dma_wait3A_595 = tpu.memref_squeeze %dma_wait3A_594 : memref<1x80x64xf32, #tpu.memory_space<vmem>> -> memref<80x64xf32, #tpu.memory_space<vmem>>
      %dma_wait3A_596 = arith.constant 0 : i32
      %dma_wait3A_597 = tpu.memref_slice %arg8[%dma_wait3A_590, %dma_wait3A_596] : memref<4x80xi32, #tpu.memory_space<vmem>> -> memref<1x80xi32, #tpu.memory_space<vmem>>
      %dma_wait3A_598 = tpu.memref_squeeze %dma_wait3A_597 : memref<1x80xi32, #tpu.memory_space<vmem>> -> memref<80xi32, #tpu.memory_space<vmem>>
      %dma_wait3A_599 = arith.constant 0 : i32
      %dma_wait3A_600 = arith.constant 0 : i32
      %dma_wait3A_601 = tpu.memref_slice %arg4[%dma_wait3A_599, %dma_wait3A_600] : memref<20000x64xf32, #tpu.memory_space<hbm>> -> memref<20000x64xf32, #tpu.memory_space<hbm>>
      tpu.wait_indirect_dma semaphore(%arg15 : memref<!tpu.dma_semaphore, #tpu.memory_space<semaphore_mem>>) src(%dma_wait3A_601 : memref<20000x64xf32, #tpu.memory_space<hbm>>) dst(%dma_wait3A_595 : memref<80x64xf32, #tpu.memory_space<vmem>>)
      %dma_start3A_602 = arith.constant 3 : i32
      %dma_start3A_603 = arith.constant 0 : i32
      %dma_start3A_604 = arith.constant 0 : i32
      %dma_start3A_605 = tpu.memref_slice %arg9[%dma_start3A_602, %dma_start3A_603, %dma_start3A_604] : memref<4x80x64xf32, #tpu.memory_space<vmem>> -> memref<1x80x64xf32, #tpu.memory_space<vmem>>
      %dma_start3A_606 = tpu.memref_squeeze %dma_start3A_605 : memref<1x80x64xf32, #tpu.memory_space<vmem>> -> memref<80x64xf32, #tpu.memory_space<vmem>>
      %dma_start3A_607 = arith.constant 0 : i32
      %dma_start3A_608 = tpu.memref_slice %arg7[%add3A_589, %dma_start3A_607] : memref<250x80xi32, #tpu.memory_space<vmem>> -> memref<1x80xi32, #tpu.memory_space<vmem>>
      %dma_start3A_609 = tpu.memref_squeeze %dma_start3A_608 : memref<1x80xi32, #tpu.memory_space<vmem>> -> memref<80xi32, #tpu.memory_space<vmem>>
      %dma_start3A_610 = arith.constant 0 : i32
      %dma_start3A_611 = arith.constant 0 : i32
      %dma_start3A_612 = tpu.memref_slice %arg11[%dma_start3A_610, %dma_start3A_611] : memref<10000x64xf32, #tpu.memory_space<vmem_shared>> -> memref<10000x64xf32, #tpu.memory_space<vmem_shared>>
      tpu.enqueue_indirect_dma source(%dma_start3A_606 : memref<80x64xf32, #tpu.memory_space<vmem>>) target(%dma_start3A_612 : memref<10000x64xf32, #tpu.memory_space<vmem_shared>>) offsets(%dma_start3A_609 : memref<80xi32, #tpu.memory_space<vmem>>) semaphore(%arg19 : memref<!tpu.dma_semaphore, #tpu.memory_space<semaphore_mem>>) {add = true}
      %ge3A_613 = arith.constant 2 : i32
      %ge3A_614 = arith.cmpi sge, %add3A_589, %ge3A_613 : i32
      %convert_element_type3A_615 = arith.extui %ge3A_614 : i1 to i32
      %cond3A_616 = arith.constant 0 : i32
      %cond3A_617 = arith.cmpi ne, %convert_element_type3A_615, %cond3A_616 : i32
      scf.if %cond3A_617 {
        %sub3A = arith.constant 2 : i32
        %sub3A_692 = arith.subi %add3A_589, %sub3A : i32
        %dma_wait3A_693 = arith.constant 1 : i32
        %dma_wait3A_694 = arith.constant 0 : i32
        %dma_wait3A_695 = arith.constant 0 : i32
        %dma_wait3A_696 = tpu.memref_slice %arg9[%dma_wait3A_693, %dma_wait3A_694, %dma_wait3A_695] : memref<4x80x64xf32, #tpu.memory_space<vmem>> -> memref<1x80x64xf32, #tpu.memory_space<vmem>>
        %dma_wait3A_697 = tpu.memref_squeeze %dma_wait3A_696 : memref<1x80x64xf32, #tpu.memory_space<vmem>> -> memref<80x64xf32, #tpu.memory_space<vmem>>
        %dma_wait3A_698 = arith.constant 0 : i32
        %dma_wait3A_699 = tpu.memref_slice %arg7[%sub3A_692, %dma_wait3A_698] : memref<250x80xi32, #tpu.memory_space<vmem>> -> memref<1x80xi32, #tpu.memory_space<vmem>>
        %dma_wait3A_700 = tpu.memref_squeeze %dma_wait3A_699 : memref<1x80xi32, #tpu.memory_space<vmem>> -> memref<80xi32, #tpu.memory_space<vmem>>
        %dma_wait3A_701 = arith.constant 0 : i32
        %dma_wait3A_702 = arith.constant 0 : i32
        %dma_wait3A_703 = tpu.memref_slice %arg11[%dma_wait3A_701, %dma_wait3A_702] : memref<10000x64xf32, #tpu.memory_space<vmem_shared>> -> memref<10000x64xf32, #tpu.memory_space<vmem_shared>>
        tpu.wait_indirect_dma semaphore(%arg17 : memref<!tpu.dma_semaphore, #tpu.memory_space<semaphore_mem>>) src(%dma_wait3A_697 : memref<80x64xf32, #tpu.memory_space<vmem>>) dst(%dma_wait3A_703 : memref<10000x64xf32, #tpu.memory_space<vmem_shared>>)
      } else {
      }
      %add3A_618 = arith.constant 2 : i32
      %add3A_619 = arith.addi %add3A_589, %add3A_618 : i32
      %get3A_620 = arith.index_cast %add3A_619 : i32 to index
      %get3A_621 = arith.constant 0 : index
      %get3A_622 = tpu.vector_load %arg6[%get3A_620, %get3A_621] {strides = array<i32>} : memref<250x80xi32, #tpu.memory_space<vmem>>, vector<16xi32>,
      %mul3A_623 = arith.constant 2 : i32
      %mul3A_624 = vector.broadcast %mul3A_623 : i32 to vector<16xi32>
      %mul3A_625 = arith.muli %get3A_622, %mul3A_624 : vector<16xi32>
      %add3A_626 = vector.broadcast %arg0 : i32 to vector<16xi32>
      %add3A_627 = arith.addi %mul3A_625, %add3A_626 : vector<16xi32>
      %swap3A_628 = arith.constant 1 : i32
      %swap3A_629 = arith.index_cast %swap3A_628 : i32 to index
      %swap3A_630 = arith.constant 0 : index
      %swap3A_631 = tpu.vector_load %arg8[%swap3A_629, %swap3A_630] {strides = array<i32>} : memref<4x80xi32, #tpu.memory_space<vmem>>, vector<16xi32>,
      tpu.vector_store %arg8[%swap3A_629, %swap3A_630], %add3A_627 {strides = array<i32>} : memref<4x80xi32, #tpu.memory_space<vmem>>, vector<16xi32>,
      %get3A_632 = arith.index_cast %add3A_619 : i32 to index
      %get3A_633 = arith.constant 16 : index
      %get3A_634 = tpu.vector_load %arg6[%get3A_632, %get3A_633] {strides = array<i32>} : memref<250x80xi32, #tpu.memory_space<vmem>>, vector<16xi32>,
      %mul3A_635 = arith.constant 2 : i32
      %mul3A_636 = vector.broadcast %mul3A_635 : i32 to vector<16xi32>
      %mul3A_637 = arith.muli %get3A_634, %mul3A_636 : vector<16xi32>
      %add3A_638 = vector.broadcast %arg0 : i32 to vector<16xi32>
      %add3A_639 = arith.addi %mul3A_637, %add3A_638 : vector<16xi32>
      %swap3A_640 = arith.constant 1 : i32
      %swap3A_641 = arith.index_cast %swap3A_640 : i32 to index
      %swap3A_642 = arith.constant 16 : index
      %swap3A_643 = tpu.vector_load %arg8[%swap3A_641, %swap3A_642] {strides = array<i32>} : memref<4x80xi32, #tpu.memory_space<vmem>>, vector<16xi32>,
      tpu.vector_store %arg8[%swap3A_641, %swap3A_642], %add3A_639 {strides = array<i32>} : memref<4x80xi32, #tpu.memory_space<vmem>>, vector<16xi32>,
      %get3A_644 = arith.index_cast %add3A_619 : i32 to index
      %get3A_645 = arith.constant 32 : index
      %get3A_646 = tpu.vector_load %arg6[%get3A_644, %get3A_645] {strides = array<i32>} : memref<250x80xi32, #tpu.memory_space<vmem>>, vector<16xi32>,
      %mul3A_647 = arith.constant 2 : i32
      %mul3A_648 = vector.broadcast %mul3A_647 : i32 to vector<16xi32>
      %mul3A_649 = arith.muli %get3A_646, %mul3A_648 : vector<16xi32>
      %add3A_650 = vector.broadcast %arg0 : i32 to vector<16xi32>
      %add3A_651 = arith.addi %mul3A_649, %add3A_650 : vector<16xi32>
      %swap3A_652 = arith.constant 1 : i32
      %swap3A_653 = arith.index_cast %swap3A_652 : i32 to index
      %swap3A_654 = arith.constant 32 : index
      %swap3A_655 = tpu.vector_load %arg8[%swap3A_653, %swap3A_654] {strides = array<i32>} : memref<4x80xi32, #tpu.memory_space<vmem>>, vector<16xi32>,
      tpu.vector_store %arg8[%swap3A_653, %swap3A_654], %add3A_651 {strides = array<i32>} : memref<4x80xi32, #tpu.memory_space<vmem>>, vector<16xi32>,
      %get3A_656 = arith.index_cast %add3A_619 : i32 to index
      %get3A_657 = arith.constant 48 : index
      %get3A_658 = tpu.vector_load %arg6[%get3A_656, %get3A_657] {strides = array<i32>} : memref<250x80xi32, #tpu.memory_space<vmem>>, vector<16xi32>,
      %mul3A_659 = arith.constant 2 : i32
      %mul3A_660 = vector.broadcast %mul3A_659 : i32 to vector<16xi32>
      %mul3A_661 = arith.muli %get3A_658, %mul3A_660 : vector<16xi32>
      %add3A_662 = vector.broadcast %arg0 : i32 to vector<16xi32>
      %add3A_663 = arith.addi %mul3A_661, %add3A_662 : vector<16xi32>
      %swap3A_664 = arith.constant 1 : i32
      %swap3A_665 = arith.index_cast %swap3A_664 : i32 to index
      %swap3A_666 = arith.constant 48 : index
      %swap3A_667 = tpu.vector_load %arg8[%swap3A_665, %swap3A_666] {strides = array<i32>} : memref<4x80xi32, #tpu.memory_space<vmem>>, vector<16xi32>,
      tpu.vector_store %arg8[%swap3A_665, %swap3A_666], %add3A_663 {strides = array<i32>} : memref<4x80xi32, #tpu.memory_space<vmem>>, vector<16xi32>,
      %get3A_668 = arith.index_cast %add3A_619 : i32 to index
      %get3A_669 = arith.constant 64 : index
      %get3A_670 = tpu.vector_load %arg6[%get3A_668, %get3A_669] {strides = array<i32>} : memref<250x80xi32, #tpu.memory_space<vmem>>, vector<16xi32>,
      %mul3A_671 = arith.constant 2 : i32
      %mul3A_672 = vector.broadcast %mul3A_671 : i32 to vector<16xi32>
      %mul3A_673 = arith.muli %get3A_670, %mul3A_672 : vector<16xi32>
      %add3A_674 = vector.broadcast %arg0 : i32 to vector<16xi32>
      %add3A_675 = arith.addi %mul3A_673, %add3A_674 : vector<16xi32>
      %swap3A_676 = arith.constant 1 : i32
      %swap3A_677 = arith.index_cast %swap3A_676 : i32 to index
      %swap3A_678 = arith.constant 64 : index
      %swap3A_679 = tpu.vector_load %arg8[%swap3A_677, %swap3A_678] {strides = array<i32>} : memref<4x80xi32, #tpu.memory_space<vmem>>, vector<16xi32>,
      tpu.vector_store %arg8[%swap3A_677, %swap3A_678], %add3A_675 {strides = array<i32>} : memref<4x80xi32, #tpu.memory_space<vmem>>, vector<16xi32>,
      %dma_start3A_680 = arith.constant 1 : i32
      %dma_start3A_681 = arith.constant 1 : i32
      %dma_start3A_682 = arith.constant 0 : i32
      %dma_start3A_683 = arith.constant 0 : i32
      %dma_start3A_684 = tpu.memref_slice %arg9[%dma_start3A_681, %dma_start3A_682, %dma_start3A_683] : memref<4x80x64xf32, #tpu.memory_space<vmem>> -> memref<1x80x64xf32, #tpu.memory_space<vmem>>
      %dma_start3A_685 = tpu.memref_squeeze %dma_start3A_684 : memref<1x80x64xf32, #tpu.memory_space<vmem>> -> memref<80x64xf32, #tpu.memory_space<vmem>>
      %dma_start3A_686 = arith.constant 0 : i32
      %dma_start3A_687 = tpu.memref_slice %arg8[%dma_start3A_680, %dma_start3A_686] : memref<4x80xi32, #tpu.memory_space<vmem>> -> memref<1x80xi32, #tpu.memory_space<vmem>>
      %dma_start3A_688 = tpu.memref_squeeze %dma_start3A_687 : memref<1x80xi32, #tpu.memory_space<vmem>> -> memref<80xi32, #tpu.memory_space<vmem>>
      %dma_start3A_689 = arith.constant 0 : i32
      %dma_start3A_690 = arith.constant 0 : i32
      %dma_start3A_691 = tpu.memref_slice %arg4[%dma_start3A_689, %dma_start3A_690] : memref<20000x64xf32, #tpu.memory_space<hbm>> -> memref<20000x64xf32, #tpu.memory_space<hbm>>
      tpu.enqueue_indirect_dma source(%dma_start3A_691 : memref<20000x64xf32, #tpu.memory_space<hbm>>) target(%dma_start3A_685 : memref<80x64xf32, #tpu.memory_space<vmem>>) offsets(%dma_start3A_688 : memref<80xi32, #tpu.memory_space<vmem>>) semaphore(%arg13 : memref<!tpu.dma_semaphore, #tpu.memory_space<semaphore_mem>>)
    }
    %scan3A_165 = arith.constant 62 : i32
    %dma_wait3A = arith.constant 0 : i32
    %dma_wait3A_166 = arith.constant 0 : i32
    %dma_wait3A_167 = arith.constant 0 : i32
    %dma_wait3A_168 = arith.constant 0 : i32
    %dma_wait3A_169 = tpu.memref_slice %arg9[%dma_wait3A_166, %dma_wait3A_167, %dma_wait3A_168] : memref<4x80x64xf32, #tpu.memory_space<vmem>> -> memref<1x80x64xf32, #tpu.memory_space<vmem>>
    %dma_wait3A_170 = tpu.memref_squeeze %dma_wait3A_169 : memref<1x80x64xf32, #tpu.memory_space<vmem>> -> memref<80x64xf32, #tpu.memory_space<vmem>>
    %dma_wait3A_171 = arith.constant 0 : i32
    %dma_wait3A_172 = tpu.memref_slice %arg8[%dma_wait3A, %dma_wait3A_171] : memref<4x80xi32, #tpu.memory_space<vmem>> -> memref<1x80xi32, #tpu.memory_space<vmem>>
    %dma_wait3A_173 = tpu.memref_squeeze %dma_wait3A_172 : memref<1x80xi32, #tpu.memory_space<vmem>> -> memref<80xi32, #tpu.memory_space<vmem>>
    %dma_wait3A_174 = arith.constant 0 : i32
    %dma_wait3A_175 = arith.constant 0 : i32
    %dma_wait3A_176 = tpu.memref_slice %arg4[%dma_wait3A_174, %dma_wait3A_175] : memref<20000x64xf32, #tpu.memory_space<hbm>> -> memref<20000x64xf32, #tpu.memory_space<hbm>>
    tpu.wait_indirect_dma semaphore(%arg12 : memref<!tpu.dma_semaphore, #tpu.memory_space<semaphore_mem>>) src(%dma_wait3A_176 : memref<20000x64xf32, #tpu.memory_space<hbm>>) dst(%dma_wait3A_170 : memref<80x64xf32, #tpu.memory_space<vmem>>)
    %dma_start3A_177 = arith.constant 0 : i32
    %dma_start3A_178 = arith.constant 248 : i32
    %dma_start3A_179 = arith.constant 0 : i32
    %dma_start3A_180 = arith.constant 0 : i32
    %dma_start3A_181 = tpu.memref_slice %arg9[%dma_start3A_177, %dma_start3A_179, %dma_start3A_180] : memref<4x80x64xf32, #tpu.memory_space<vmem>> -> memref<1x80x64xf32, #tpu.memory_space<vmem>>
    %dma_start3A_182 = tpu.memref_squeeze %dma_start3A_181 : memref<1x80x64xf32, #tpu.memory_space<vmem>> -> memref<80x64xf32, #tpu.memory_space<vmem>>
    %dma_start3A_183 = arith.constant 0 : i32
    %dma_start3A_184 = tpu.memref_slice %arg7[%dma_start3A_178, %dma_start3A_183] : memref<250x80xi32, #tpu.memory_space<vmem>> -> memref<1x80xi32, #tpu.memory_space<vmem>>
    %dma_start3A_185 = tpu.memref_squeeze %dma_start3A_184 : memref<1x80xi32, #tpu.memory_space<vmem>> -> memref<80xi32, #tpu.memory_space<vmem>>
    %dma_start3A_186 = arith.constant 0 : i32
    %dma_start3A_187 = arith.constant 0 : i32
    %dma_start3A_188 = tpu.memref_slice %arg11[%dma_start3A_186, %dma_start3A_187] : memref<10000x64xf32, #tpu.memory_space<vmem_shared>> -> memref<10000x64xf32, #tpu.memory_space<vmem_shared>>
    tpu.enqueue_indirect_dma source(%dma_start3A_182 : memref<80x64xf32, #tpu.memory_space<vmem>>) target(%dma_start3A_188 : memref<10000x64xf32, #tpu.memory_space<vmem_shared>>) offsets(%dma_start3A_185 : memref<80xi32, #tpu.memory_space<vmem>>) semaphore(%arg16 : memref<!tpu.dma_semaphore, #tpu.memory_space<semaphore_mem>>) {add = true}
    %dma_wait3A_189 = arith.constant 1 : i32
    %dma_wait3A_190 = arith.constant 1 : i32
    %dma_wait3A_191 = arith.constant 0 : i32
    %dma_wait3A_192 = arith.constant 0 : i32
    %dma_wait3A_193 = tpu.memref_slice %arg9[%dma_wait3A_190, %dma_wait3A_191, %dma_wait3A_192] : memref<4x80x64xf32, #tpu.memory_space<vmem>> -> memref<1x80x64xf32, #tpu.memory_space<vmem>>
    %dma_wait3A_194 = tpu.memref_squeeze %dma_wait3A_193 : memref<1x80x64xf32, #tpu.memory_space<vmem>> -> memref<80x64xf32, #tpu.memory_space<vmem>>
    %dma_wait3A_195 = arith.constant 0 : i32
    %dma_wait3A_196 = tpu.memref_slice %arg8[%dma_wait3A_189, %dma_wait3A_195] : memref<4x80xi32, #tpu.memory_space<vmem>> -> memref<1x80xi32, #tpu.memory_space<vmem>>
    %dma_wait3A_197 = tpu.memref_squeeze %dma_wait3A_196 : memref<1x80xi32, #tpu.memory_space<vmem>> -> memref<80xi32, #tpu.memory_space<vmem>>
    %dma_wait3A_198 = arith.constant 0 : i32
    %dma_wait3A_199 = arith.constant 0 : i32
    %dma_wait3A_200 = tpu.memref_slice %arg4[%dma_wait3A_198, %dma_wait3A_199] : memref<20000x64xf32, #tpu.memory_space<hbm>> -> memref<20000x64xf32, #tpu.memory_space<hbm>>
    tpu.wait_indirect_dma semaphore(%arg13 : memref<!tpu.dma_semaphore, #tpu.memory_space<semaphore_mem>>) src(%dma_wait3A_200 : memref<20000x64xf32, #tpu.memory_space<hbm>>) dst(%dma_wait3A_194 : memref<80x64xf32, #tpu.memory_space<vmem>>)
    %dma_start3A_201 = arith.constant 1 : i32
    %dma_start3A_202 = arith.constant 249 : i32
    %dma_start3A_203 = arith.constant 0 : i32
    %dma_start3A_204 = arith.constant 0 : i32
    %dma_start3A_205 = tpu.memref_slice %arg9[%dma_start3A_201, %dma_start3A_203, %dma_start3A_204] : memref<4x80x64xf32, #tpu.memory_space<vmem>> -> memref<1x80x64xf32, #tpu.memory_space<vmem>>
    %dma_start3A_206 = tpu.memref_squeeze %dma_start3A_205 : memref<1x80x64xf32, #tpu.memory_space<vmem>> -> memref<80x64xf32, #tpu.memory_space<vmem>>
    %dma_start3A_207 = arith.constant 0 : i32
    %dma_start3A_208 = tpu.memref_slice %arg7[%dma_start3A_202, %dma_start3A_207] : memref<250x80xi32, #tpu.memory_space<vmem>> -> memref<1x80xi32, #tpu.memory_space<vmem>>
    %dma_start3A_209 = tpu.memref_squeeze %dma_start3A_208 : memref<1x80xi32, #tpu.memory_space<vmem>> -> memref<80xi32, #tpu.memory_space<vmem>>
    %dma_start3A_210 = arith.constant 0 : i32
    %dma_start3A_211 = arith.constant 0 : i32
    %dma_start3A_212 = tpu.memref_slice %arg11[%dma_start3A_210, %dma_start3A_211] : memref<10000x64xf32, #tpu.memory_space<vmem_shared>> -> memref<10000x64xf32, #tpu.memory_space<vmem_shared>>
    tpu.enqueue_indirect_dma source(%dma_start3A_206 : memref<80x64xf32, #tpu.memory_space<vmem>>) target(%dma_start3A_212 : memref<10000x64xf32, #tpu.memory_space<vmem_shared>>) offsets(%dma_start3A_209 : memref<80xi32, #tpu.memory_space<vmem>>) semaphore(%arg17 : memref<!tpu.dma_semaphore, #tpu.memory_space<semaphore_mem>>) {add = true}
    %dma_wait3A_213 = arith.constant 2 : i32
    %dma_wait3A_214 = arith.constant 246 : i32
    %dma_wait3A_215 = arith.constant 0 : i32
    %dma_wait3A_216 = arith.constant 0 : i32
    %dma_wait3A_217 = tpu.memref_slice %arg9[%dma_wait3A_213, %dma_wait3A_215, %dma_wait3A_216] : memref<4x80x64xf32, #tpu.memory_space<vmem>> -> memref<1x80x64xf32, #tpu.memory_space<vmem>>
    %dma_wait3A_218 = tpu.memref_squeeze %dma_wait3A_217 : memref<1x80x64xf32, #tpu.memory_space<vmem>> -> memref<80x64xf32, #tpu.memory_space<vmem>>
    %dma_wait3A_219 = arith.constant 0 : i32
    %dma_wait3A_220 = tpu.memref_slice %arg7[%dma_wait3A_214, %dma_wait3A_219] : memref<250x80xi32, #tpu.memory_space<vmem>> -> memref<1x80xi32, #tpu.memory_space<vmem>>
    %dma_wait3A_221 = tpu.memref_squeeze %dma_wait3A_220 : memref<1x80xi32, #tpu.memory_space<vmem>> -> memref<80xi32, #tpu.memory_space<vmem>>
    %dma_wait3A_222 = arith.constant 0 : i32
    %dma_wait3A_223 = arith.constant 0 : i32
    %dma_wait3A_224 = tpu.memref_slice %arg11[%dma_wait3A_222, %dma_wait3A_223] : memref<10000x64xf32, #tpu.memory_space<vmem_shared>> -> memref<10000x64xf32, #tpu.memory_space<vmem_shared>>
    tpu.wait_indirect_dma semaphore(%arg18 : memref<!tpu.dma_semaphore, #tpu.memory_space<semaphore_mem>>) src(%dma_wait3A_218 : memref<80x64xf32, #tpu.memory_space<vmem>>) dst(%dma_wait3A_224 : memref<10000x64xf32, #tpu.memory_space<vmem_shared>>)
    %dma_wait3A_225 = arith.constant 3 : i32
    %dma_wait3A_226 = arith.constant 247 : i32
    %dma_wait3A_227 = arith.constant 0 : i32
    %dma_wait3A_228 = arith.constant 0 : i32
    %dma_wait3A_229 = tpu.memref_slice %arg9[%dma_wait3A_225, %dma_wait3A_227, %dma_wait3A_228] : memref<4x80x64xf32, #tpu.memory_space<vmem>> -> memref<1x80x64xf32, #tpu.memory_space<vmem>>
    %dma_wait3A_230 = tpu.memref_squeeze %dma_wait3A_229 : memref<1x80x64xf32, #tpu.memory_space<vmem>> -> memref<80x64xf32, #tpu.memory_space<vmem>>
    %dma_wait3A_231 = arith.constant 0 : i32
    %dma_wait3A_232 = tpu.memref_slice %arg7[%dma_wait3A_226, %dma_wait3A_231] : memref<250x80xi32, #tpu.memory_space<vmem>> -> memref<1x80xi32, #tpu.memory_space<vmem>>
    %dma_wait3A_233 = tpu.memref_squeeze %dma_wait3A_232 : memref<1x80xi32, #tpu.memory_space<vmem>> -> memref<80xi32, #tpu.memory_space<vmem>>
    %dma_wait3A_234 = arith.constant 0 : i32
    %dma_wait3A_235 = arith.constant 0 : i32
    %dma_wait3A_236 = tpu.memref_slice %arg11[%dma_wait3A_234, %dma_wait3A_235] : memref<10000x64xf32, #tpu.memory_space<vmem_shared>> -> memref<10000x64xf32, #tpu.memory_space<vmem_shared>>
    tpu.wait_indirect_dma semaphore(%arg19 : memref<!tpu.dma_semaphore, #tpu.memory_space<semaphore_mem>>) src(%dma_wait3A_230 : memref<80x64xf32, #tpu.memory_space<vmem>>) dst(%dma_wait3A_236 : memref<10000x64xf32, #tpu.memory_space<vmem_shared>>)
    %dma_wait3A_237 = arith.constant 0 : i32
    %dma_wait3A_238 = arith.constant 248 : i32
    %dma_wait3A_239 = arith.constant 0 : i32
    %dma_wait3A_240 = arith.constant 0 : i32
    %dma_wait3A_241 = tpu.memref_slice %arg9[%dma_wait3A_237, %dma_wait3A_239, %dma_wait3A_240] : memref<4x80x64xf32, #tpu.memory_space<vmem>> -> memref<1x80x64xf32, #tpu.memory_space<vmem>>
    %dma_wait3A_242 = tpu.memref_squeeze %dma_wait3A_241 : memref<1x80x64xf32, #tpu.memory_space<vmem>> -> memref<80x64xf32, #tpu.memory_space<vmem>>
    %dma_wait3A_243 = arith.constant 0 : i32
    %dma_wait3A_244 = tpu.memref_slice %arg7[%dma_wait3A_238, %dma_wait3A_243] : memref<250x80xi32, #tpu.memory_space<vmem>> -> memref<1x80xi32, #tpu.memory_space<vmem>>
    %dma_wait3A_245 = tpu.memref_squeeze %dma_wait3A_244 : memref<1x80xi32, #tpu.memory_space<vmem>> -> memref<80xi32, #tpu.memory_space<vmem>>
    %dma_wait3A_246 = arith.constant 0 : i32
    %dma_wait3A_247 = arith.constant 0 : i32
    %dma_wait3A_248 = tpu.memref_slice %arg11[%dma_wait3A_246, %dma_wait3A_247] : memref<10000x64xf32, #tpu.memory_space<vmem_shared>> -> memref<10000x64xf32, #tpu.memory_space<vmem_shared>>
    tpu.wait_indirect_dma semaphore(%arg16 : memref<!tpu.dma_semaphore, #tpu.memory_space<semaphore_mem>>) src(%dma_wait3A_242 : memref<80x64xf32, #tpu.memory_space<vmem>>) dst(%dma_wait3A_248 : memref<10000x64xf32, #tpu.memory_space<vmem_shared>>)
    %dma_wait3A_249 = arith.constant 1 : i32
    %dma_wait3A_250 = arith.constant 249 : i32
    %dma_wait3A_251 = arith.constant 0 : i32
    %dma_wait3A_252 = arith.constant 0 : i32
    %dma_wait3A_253 = tpu.memref_slice %arg9[%dma_wait3A_249, %dma_wait3A_251, %dma_wait3A_252] : memref<4x80x64xf32, #tpu.memory_space<vmem>> -> memref<1x80x64xf32, #tpu.memory_space<vmem>>
    %dma_wait3A_254 = tpu.memref_squeeze %dma_wait3A_253 : memref<1x80x64xf32, #tpu.memory_space<vmem>> -> memref<80x64xf32, #tpu.memory_space<vmem>>
    %dma_wait3A_255 = arith.constant 0 : i32
    %dma_wait3A_256 = tpu.memref_slice %arg7[%dma_wait3A_250, %dma_wait3A_255] : memref<250x80xi32, #tpu.memory_space<vmem>> -> memref<1x80xi32, #tpu.memory_space<vmem>>
    %dma_wait3A_257 = tpu.memref_squeeze %dma_wait3A_256 : memref<1x80xi32, #tpu.memory_space<vmem>> -> memref<80xi32, #tpu.memory_space<vmem>>
    %dma_wait3A_258 = arith.constant 0 : i32
    %dma_wait3A_259 = arith.constant 0 : i32
    %dma_wait3A_260 = tpu.memref_slice %arg11[%dma_wait3A_258, %dma_wait3A_259] : memref<10000x64xf32, #tpu.memory_space<vmem_shared>> -> memref<10000x64xf32, #tpu.memory_space<vmem_shared>>
    tpu.wait_indirect_dma semaphore(%arg17 : memref<!tpu.dma_semaphore, #tpu.memory_space<semaphore_mem>>) src(%dma_wait3A_254 : memref<80x64xf32, #tpu.memory_space<vmem>>) dst(%dma_wait3A_260 : memref<10000x64xf32, #tpu.memory_space<vmem_shared>>)
    %barrier3A_261 = arith.constant 0 : index
    tpu.barrier barrier_id(%barrier3A_261)
    %scan3A_262 = arith.constant 0 : i32
    %scan3A_263 = arith.constant 3 : i32
    %scan3A_264 = arith.addi %scan3A_262, %scan3A_263 : i32
    %scan3A_265 = arith.constant 1 : i32
    scf.for %scan3A_272 = %scan3A_262 to %scan3A_264 step %scan3A_265  : i32 {
      %mul3A_273 = arith.constant 1 : i32
      %mul3A_274 = arith.muli %scan3A_272, %mul3A_273 : i32
      %add3A_275 = arith.constant 0 : i32
      %add3A_276 = arith.addi %add3A_275, %mul3A_274 : i32
      %mul3A_277 = arith.constant 624 : i32
      %mul3A_278 = arith.muli %arg1, %mul3A_277 : i32
      %mul3A_279 = arith.constant 208 : i32
      %mul3A_280 = arith.muli %add3A_276, %mul3A_279 : i32
      %add3A_281 = arith.addi %mul3A_278, %mul3A_280 : i32
      "tpu.region"() ({
        %run_scoped3A = tpu.sem_alloc : memref<!tpu.dma_semaphore, #tpu.memory_space<semaphore_mem>>
        %dma_start3A_282 = arith.constant 0 : i32
        %dma_start3A_283 = tpu.memref_slice %arg5[%arg0, %add3A_281, %dma_start3A_282] : memref<2x10000x64xf32, #tpu.memory_space<hbm>> -> memref<1x208x64xf32, #tpu.memory_space<hbm>>
        %dma_start3A_284 = tpu.memref_squeeze %dma_start3A_283 : memref<1x208x64xf32, #tpu.memory_space<hbm>> -> memref<208x64xf32, #tpu.memory_space<hbm>>
        %dma_start3A_285 = arith.constant 0 : i32
        %dma_start3A_286 = tpu.memref_slice %arg11[%add3A_281, %dma_start3A_285] : memref<10000x64xf32, #tpu.memory_space<vmem_shared>> -> memref<208x64xf32, #tpu.memory_space<vmem_shared>>
        tpu.enqueue_dma source(%dma_start3A_286 : memref<208x64xf32, #tpu.memory_space<vmem_shared>>) target(%dma_start3A_284 : memref<208x64xf32, #tpu.memory_space<hbm>>) target_semaphore(%run_scoped3A : memref<!tpu.dma_semaphore, #tpu.memory_space<semaphore_mem>>)
        %dma_wait3A_287 = arith.constant 0 : i32
        %dma_wait3A_288 = tpu.memref_slice %arg5[%arg0, %add3A_281, %dma_wait3A_287] : memref<2x10000x64xf32, #tpu.memory_space<hbm>> -> memref<1x208x64xf32, #tpu.memory_space<hbm>>
        %dma_wait3A_289 = tpu.memref_squeeze %dma_wait3A_288 : memref<1x208x64xf32, #tpu.memory_space<hbm>> -> memref<208x64xf32, #tpu.memory_space<hbm>>
        %dma_wait3A_290 = arith.constant 0 : i32
        %dma_wait3A_291 = tpu.memref_slice %arg11[%add3A_281, %dma_wait3A_290] : memref<10000x64xf32, #tpu.memory_space<vmem_shared>> -> memref<208x64xf32, #tpu.memory_space<vmem_shared>>
        tpu.wait_dma2 semaphore(%run_scoped3A : memref<!tpu.dma_semaphore, #tpu.memory_space<semaphore_mem>>) src(%dma_wait3A_291 : memref<208x64xf32, #tpu.memory_space<vmem_shared>>) dst(%dma_wait3A_289 : memref<208x64xf32, #tpu.memory_space<hbm>>)
        tpu.yield
      }) : () -> ()
    }
    %scan3A_266 = arith.constant 3 : i32
    %eq3A_267 = arith.constant 15 : i32
    %eq3A_268 = arith.cmpi eq, %arg1, %eq3A_267 : i32
    %convert_element_type3A_269 = arith.extui %eq3A_268 : i1 to i32
    %cond3A_270 = arith.constant 0 : i32
    %cond3A_271 = arith.cmpi ne, %convert_element_type3A_269, %cond3A_270 : i32
    scf.if %cond3A_271 {
      "tpu.region"() ({
        %run_scoped3A = tpu.sem_alloc : memref<!tpu.dma_semaphore, #tpu.memory_space<semaphore_mem>>
        %dma_start3A_272 = arith.constant 9984 : i32
        %dma_start3A_273 = arith.constant 0 : i32
        %dma_start3A_274 = tpu.memref_slice %arg5[%arg0, %dma_start3A_272, %dma_start3A_273] : memref<2x10000x64xf32, #tpu.memory_space<hbm>> -> memref<1x16x64xf32, #tpu.memory_space<hbm>>
        %dma_start3A_275 = tpu.memref_squeeze %dma_start3A_274 : memref<1x16x64xf32, #tpu.memory_space<hbm>> -> memref<16x64xf32, #tpu.memory_space<hbm>>
        %dma_start3A_276 = arith.constant 9984 : i32
        %dma_start3A_277 = arith.constant 0 : i32
        %dma_start3A_278 = tpu.memref_slice %arg11[%dma_start3A_276, %dma_start3A_277] : memref<10000x64xf32, #tpu.memory_space<vmem_shared>> -> memref<16x64xf32, #tpu.memory_space<vmem_shared>>
        tpu.enqueue_dma source(%dma_start3A_278 : memref<16x64xf32, #tpu.memory_space<vmem_shared>>) target(%dma_start3A_275 : memref<16x64xf32, #tpu.memory_space<hbm>>) target_semaphore(%run_scoped3A : memref<!tpu.dma_semaphore, #tpu.memory_space<semaphore_mem>>)
        %dma_wait3A_279 = arith.constant 9984 : i32
        %dma_wait3A_280 = arith.constant 0 : i32
        %dma_wait3A_281 = tpu.memref_slice %arg5[%arg0, %dma_wait3A_279, %dma_wait3A_280] : memref<2x10000x64xf32, #tpu.memory_space<hbm>> -> memref<1x16x64xf32, #tpu.memory_space<hbm>>
        %dma_wait3A_282 = tpu.memref_squeeze %dma_wait3A_281 : memref<1x16x64xf32, #tpu.memory_space<hbm>> -> memref<16x64xf32, #tpu.memory_space<hbm>>
        %dma_wait3A_283 = arith.constant 9984 : i32
        %dma_wait3A_284 = arith.constant 0 : i32
        %dma_wait3A_285 = tpu.memref_slice %arg11[%dma_wait3A_283, %dma_wait3A_284] : memref<10000x64xf32, #tpu.memory_space<vmem_shared>> -> memref<16x64xf32, #tpu.memory_space<vmem_shared>>
        tpu.wait_dma2 semaphore(%run_scoped3A : memref<!tpu.dma_semaphore, #tpu.memory_space<semaphore_mem>>) src(%dma_wait3A_285 : memref<16x64xf32, #tpu.memory_space<vmem_shared>>) dst(%dma_wait3A_282 : memref<16x64xf32, #tpu.memory_space<hbm>>)
        tpu.yield
      }) : () -> ()
    } else {
    }
    return
  }
}

#map = affine_map<(d0, d1) -> (0, 0, 0)>
module attributes {stable_mosaic.version = 14 : i64} {
  func.func @_counts(%arg0: i32, %arg1: i32, %arg2: memref<16x250x80xi32, #tpu.memory_space<hbm>>, %arg3: memref<16x250x80xi32, #tpu.memory_space<hbm>>, %arg4: memref<2x10000x32xf32, #tpu.memory_space<hbm>>, %arg5: memref<250x80xi32, #tpu.memory_space<vmem>>, %arg6: memref<250x80xi32, #tpu.memory_space<vmem>>, %arg7: memref<80x32xf32, #tpu.memory_space<vmem>>, %arg8: memref<208x32xf32, #tpu.memory_space<vmem>>, %arg9: memref<10000x32xf32, #tpu.memory_space<vmem_shared>>) attributes {dimension_semantics = [#tpu.dimension_semantics<core_parallel>, #tpu.dimension_semantics<subcore_parallel>], iteration_bounds = array<i64: 2, 16>, scalar_prefetch = 0 : i64, scratch_operands = 5 : i64, tpu.core_type = #tpu.core_type<sc_vector_subcore>, window_params = [{transform_indices = #map}, {transform_indices = #map}, {transform_indices = #map}]} {
    %broadcast_in_dim3A = arith.constant 0.000000e+00 : f32
    %broadcast_in_dim3A_0 = vector.broadcast %broadcast_in_dim3A : f32 to vector<16xf32>
    %broadcast_in_dim3A_1 = arith.constant 1.000000e+00 : f32
    %broadcast_in_dim3A_2 = vector.broadcast %broadcast_in_dim3A_1 : f32 to vector<16xf32>
    %iota3A = tpu.iota {dimensions = array<i32: 0>} : vector<16xi32>
    %mul3A = arith.constant 32 : i32
    %mul3A_3 = arith.muli %arg0, %mul3A : i32
    %scan3A = arith.constant 0 : i32
    %scan3A_4 = arith.constant 208 : i32
    %scan3A_5 = arith.addi %scan3A, %scan3A_4 : i32
    %scan3A_6 = arith.constant 1 : i32
    scf.for %scan3A_36 = %scan3A to %scan3A_5 step %scan3A_6  : i32 {
      %mul3A_37 = arith.constant 1 : i32
      %mul3A_38 = arith.muli %scan3A_36, %mul3A_37 : i32
      %add3A = arith.constant 0 : i32
      %add3A_39 = arith.addi %add3A, %mul3A_38 : i32
      %swap3A = arith.index_cast %add3A_39 : i32 to index
      %swap3A_40 = arith.constant 0 : index
      %swap3A_41 = tpu.vector_load %arg8[%swap3A, %swap3A_40] {strides = array<i32>} : memref<208x32xf32, #tpu.memory_space<vmem>>, vector<16xf32>,
      tpu.vector_store %arg8[%swap3A, %swap3A_40], %broadcast_in_dim3A_0 {strides = array<i32>} : memref<208x32xf32, #tpu.memory_space<vmem>>, vector<16xf32>,
      %swap3A_42 = arith.index_cast %add3A_39 : i32 to index
      %swap3A_43 = arith.constant 16 : index
      %swap3A_44 = tpu.vector_load %arg8[%swap3A_42, %swap3A_43] {strides = array<i32>} : memref<208x32xf32, #tpu.memory_space<vmem>>, vector<16xf32>,
      tpu.vector_store %arg8[%swap3A_42, %swap3A_43], %broadcast_in_dim3A_0 {strides = array<i32>} : memref<208x32xf32, #tpu.memory_space<vmem>>, vector<16xf32>,
    }
    %scan3A_7 = arith.constant 208 : i32
    %scan3A_8 = arith.constant 0 : i32
    %scan3A_9 = arith.constant 80 : i32
    %scan3A_10 = arith.addi %scan3A_8, %scan3A_9 : i32
    %scan3A_11 = arith.constant 1 : i32
    scf.for %scan3A_36 = %scan3A_8 to %scan3A_10 step %scan3A_11  : i32 {
      %mul3A_37 = arith.constant 1 : i32
      %mul3A_38 = arith.muli %scan3A_36, %mul3A_37 : i32
      %add3A = arith.constant 0 : i32
      %add3A_39 = arith.addi %add3A, %mul3A_38 : i32
      %swap3A = arith.index_cast %add3A_39 : i32 to index
      %swap3A_40 = arith.constant 0 : index
      %swap3A_41 = tpu.vector_load %arg7[%swap3A, %swap3A_40] {strides = array<i32>} : memref<80x32xf32, #tpu.memory_space<vmem>>, vector<16xf32>,
      tpu.vector_store %arg7[%swap3A, %swap3A_40], %broadcast_in_dim3A_0 {strides = array<i32>} : memref<80x32xf32, #tpu.memory_space<vmem>>, vector<16xf32>,
      %swap3A_42 = arith.index_cast %add3A_39 : i32 to index
      %swap3A_43 = arith.constant 16 : index
      %swap3A_44 = tpu.vector_load %arg7[%swap3A_42, %swap3A_43] {strides = array<i32>} : memref<80x32xf32, #tpu.memory_space<vmem>>, vector<16xf32>,
      tpu.vector_store %arg7[%swap3A_42, %swap3A_43], %broadcast_in_dim3A_0 {strides = array<i32>} : memref<80x32xf32, #tpu.memory_space<vmem>>, vector<16xf32>,
    }
    %scan3A_12 = arith.constant 80 : i32
    %scan3A_13 = arith.constant 0 : i32
    %scan3A_14 = arith.constant 3 : i32
    %scan3A_15 = arith.addi %scan3A_13, %scan3A_14 : i32
    %scan3A_16 = arith.constant 1 : i32
    scf.for %scan3A_36 = %scan3A_13 to %scan3A_15 step %scan3A_16  : i32 {
      %mul3A_37 = arith.constant 1 : i32
      %mul3A_38 = arith.muli %scan3A_36, %mul3A_37 : i32
      %add3A = arith.constant 0 : i32
      %add3A_39 = arith.addi %add3A, %mul3A_38 : i32
      %mul3A_40 = arith.constant 624 : i32
      %mul3A_41 = arith.muli %arg1, %mul3A_40 : i32
      %mul3A_42 = arith.constant 208 : i32
      %mul3A_43 = arith.muli %add3A_39, %mul3A_42 : i32
      %add3A_44 = arith.addi %mul3A_41, %mul3A_43 : i32
      "tpu.region"() ({
        %run_scoped3A = tpu.sem_alloc : memref<!tpu.dma_semaphore, #tpu.memory_space<semaphore_mem>>
        %dma_start3A = arith.constant 0 : i32
        %dma_start3A_45 = tpu.memref_slice %arg9[%add3A_44, %dma_start3A] : memref<10000x32xf32, #tpu.memory_space<vmem_shared>> -> memref<208x32xf32, #tpu.memory_space<vmem_shared>>
        %dma_start3A_46 = arith.constant 0 : i32
        %dma_start3A_47 = tpu.memref_slice %arg9[%add3A_44, %dma_start3A_46] : memref<10000x32xf32, #tpu.memory_space<vmem_shared>> -> memref<208x32xf32, #tpu.memory_space<vmem_shared>>
        tpu.enqueue_dma source(%arg8 : memref<208x32xf32, #tpu.memory_space<vmem>>) target(%dma_start3A_47 : memref<208x32xf32, #tpu.memory_space<vmem_shared>>) target_semaphore(%run_scoped3A : memref<!tpu.dma_semaphore, #tpu.memory_space<semaphore_mem>>)
        %dma_wait3A = arith.constant 0 : i32
        %dma_wait3A_48 = tpu.memref_slice %arg9[%add3A_44, %dma_wait3A] : memref<10000x32xf32, #tpu.memory_space<vmem_shared>> -> memref<208x32xf32, #tpu.memory_space<vmem_shared>>
        %dma_wait3A_49 = arith.constant 0 : i32
        %dma_wait3A_50 = tpu.memref_slice %arg9[%add3A_44, %dma_wait3A_49] : memref<10000x32xf32, #tpu.memory_space<vmem_shared>> -> memref<208x32xf32, #tpu.memory_space<vmem_shared>>
        tpu.wait_dma2 semaphore(%run_scoped3A : memref<!tpu.dma_semaphore, #tpu.memory_space<semaphore_mem>>) src(%arg8 : memref<208x32xf32, #tpu.memory_space<vmem>>) dst(%dma_wait3A_50 : memref<208x32xf32, #tpu.memory_space<vmem_shared>>)
        tpu.yield
      }) : () -> ()
    }
    %scan3A_17 = arith.constant 3 : i32
    %eq3A = arith.constant 15 : i32
    %eq3A_18 = arith.cmpi eq, %arg1, %eq3A : i32
    %convert_element_type3A = arith.extui %eq3A_18 : i1 to i32
    %cond3A = arith.constant 0 : i32
    %cond3A_19 = arith.cmpi ne, %convert_element_type3A, %cond3A : i32
    scf.if %cond3A_19 {
      "tpu.region"() ({
        %run_scoped3A = tpu.sem_alloc : memref<!tpu.dma_semaphore, #tpu.memory_space<semaphore_mem>>
        %dma_start3A = arith.constant 0 : i32
        %dma_start3A_36 = arith.constant 0 : i32
        %dma_start3A_37 = tpu.memref_slice %arg8[%dma_start3A, %dma_start3A_36] : memref<208x32xf32, #tpu.memory_space<vmem>> -> memref<16x32xf32, #tpu.memory_space<vmem>>
        %dma_start3A_38 = arith.constant 9984 : i32
        %dma_start3A_39 = arith.constant 0 : i32
        %dma_start3A_40 = tpu.memref_slice %arg9[%dma_start3A_38, %dma_start3A_39] : memref<10000x32xf32, #tpu.memory_space<vmem_shared>> -> memref<16x32xf32, #tpu.memory_space<vmem_shared>>
        %dma_start3A_41 = arith.constant 9984 : i32
        %dma_start3A_42 = arith.constant 0 : i32
        %dma_start3A_43 = tpu.memref_slice %arg9[%dma_start3A_41, %dma_start3A_42] : memref<10000x32xf32, #tpu.memory_space<vmem_shared>> -> memref<16x32xf32, #tpu.memory_space<vmem_shared>>
        %dma_start3A_44 = arith.constant 0 : i32
        %dma_start3A_45 = arith.constant 0 : i32
        %dma_start3A_46 = tpu.memref_slice %arg8[%dma_start3A_44, %dma_start3A_45] : memref<208x32xf32, #tpu.memory_space<vmem>> -> memref<16x32xf32, #tpu.memory_space<vmem>>
        tpu.enqueue_dma source(%dma_start3A_46 : memref<16x32xf32, #tpu.memory_space<vmem>>) target(%dma_start3A_43 : memref<16x32xf32, #tpu.memory_space<vmem_shared>>) target_semaphore(%run_scoped3A : memref<!tpu.dma_semaphore, #tpu.memory_space<semaphore_mem>>)
        %dma_wait3A = arith.constant 0 : i32
        %dma_wait3A_47 = arith.constant 0 : i32
        %dma_wait3A_48 = tpu.memref_slice %arg8[%dma_wait3A, %dma_wait3A_47] : memref<208x32xf32, #tpu.memory_space<vmem>> -> memref<16x32xf32, #tpu.memory_space<vmem>>
        %dma_wait3A_49 = arith.constant 9984 : i32
        %dma_wait3A_50 = arith.constant 0 : i32
        %dma_wait3A_51 = tpu.memref_slice %arg9[%dma_wait3A_49, %dma_wait3A_50] : memref<10000x32xf32, #tpu.memory_space<vmem_shared>> -> memref<16x32xf32, #tpu.memory_space<vmem_shared>>
        %dma_wait3A_52 = arith.constant 9984 : i32
        %dma_wait3A_53 = arith.constant 0 : i32
        %dma_wait3A_54 = tpu.memref_slice %arg9[%dma_wait3A_52, %dma_wait3A_53] : memref<10000x32xf32, #tpu.memory_space<vmem_shared>> -> memref<16x32xf32, #tpu.memory_space<vmem_shared>>
        %dma_wait3A_55 = arith.constant 0 : i32
        %dma_wait3A_56 = arith.constant 0 : i32
        %dma_wait3A_57 = tpu.memref_slice %arg8[%dma_wait3A_55, %dma_wait3A_56] : memref<208x32xf32, #tpu.memory_space<vmem>> -> memref<16x32xf32, #tpu.memory_space<vmem>>
        tpu.wait_dma2 semaphore(%run_scoped3A : memref<!tpu.dma_semaphore, #tpu.memory_space<semaphore_mem>>) src(%dma_wait3A_57 : memref<16x32xf32, #tpu.memory_space<vmem>>) dst(%dma_wait3A_54 : memref<16x32xf32, #tpu.memory_space<vmem_shared>>)
        tpu.yield
      }) : () -> ()
    } else {
    }
    "tpu.region"() ({
      %run_scoped3A = tpu.sem_alloc : memref<!tpu.dma_semaphore, #tpu.memory_space<semaphore_mem>>
      %dma_start3A = arith.constant 0 : i32
      %dma_start3A_36 = arith.constant 0 : i32
      %dma_start3A_37 = tpu.memref_slice %arg2[%arg1, %dma_start3A, %dma_start3A_36] : memref<16x250x80xi32, #tpu.memory_space<hbm>> -> memref<1x250x80xi32, #tpu.memory_space<hbm>>
      %dma_start3A_38 = tpu.memref_squeeze %dma_start3A_37 : memref<1x250x80xi32, #tpu.memory_space<hbm>> -> memref<250x80xi32, #tpu.memory_space<hbm>>
      %dma_start3A_39 = arith.constant 0 : i32
      %dma_start3A_40 = arith.constant 0 : i32
      %dma_start3A_41 = tpu.memref_slice %arg2[%arg1, %dma_start3A_39, %dma_start3A_40] : memref<16x250x80xi32, #tpu.memory_space<hbm>> -> memref<1x250x80xi32, #tpu.memory_space<hbm>>
      %dma_start3A_42 = tpu.memref_squeeze %dma_start3A_41 : memref<1x250x80xi32, #tpu.memory_space<hbm>> -> memref<250x80xi32, #tpu.memory_space<hbm>>
      tpu.enqueue_dma source(%dma_start3A_42 : memref<250x80xi32, #tpu.memory_space<hbm>>) target(%arg5 : memref<250x80xi32, #tpu.memory_space<vmem>>) target_semaphore(%run_scoped3A : memref<!tpu.dma_semaphore, #tpu.memory_space<semaphore_mem>>)
      %dma_wait3A = arith.constant 0 : i32
      %dma_wait3A_43 = arith.constant 0 : i32
      %dma_wait3A_44 = tpu.memref_slice %arg2[%arg1, %dma_wait3A, %dma_wait3A_43] : memref<16x250x80xi32, #tpu.memory_space<hbm>> -> memref<1x250x80xi32, #tpu.memory_space<hbm>>
      %dma_wait3A_45 = tpu.memref_squeeze %dma_wait3A_44 : memref<1x250x80xi32, #tpu.memory_space<hbm>> -> memref<250x80xi32, #tpu.memory_space<hbm>>
      %dma_wait3A_46 = arith.constant 0 : i32
      %dma_wait3A_47 = arith.constant 0 : i32
      %dma_wait3A_48 = tpu.memref_slice %arg2[%arg1, %dma_wait3A_46, %dma_wait3A_47] : memref<16x250x80xi32, #tpu.memory_space<hbm>> -> memref<1x250x80xi32, #tpu.memory_space<hbm>>
      %dma_wait3A_49 = tpu.memref_squeeze %dma_wait3A_48 : memref<1x250x80xi32, #tpu.memory_space<hbm>> -> memref<250x80xi32, #tpu.memory_space<hbm>>
      tpu.wait_dma2 semaphore(%run_scoped3A : memref<!tpu.dma_semaphore, #tpu.memory_space<semaphore_mem>>) src(%dma_wait3A_49 : memref<250x80xi32, #tpu.memory_space<hbm>>) dst(%arg5 : memref<250x80xi32, #tpu.memory_space<vmem>>)
      tpu.yield
    }) : () -> ()
    "tpu.region"() ({
      %run_scoped3A = tpu.sem_alloc : memref<!tpu.dma_semaphore, #tpu.memory_space<semaphore_mem>>
      %dma_start3A = arith.constant 0 : i32
      %dma_start3A_36 = arith.constant 0 : i32
      %dma_start3A_37 = tpu.memref_slice %arg3[%arg1, %dma_start3A, %dma_start3A_36] : memref<16x250x80xi32, #tpu.memory_space<hbm>> -> memref<1x250x80xi32, #tpu.memory_space<hbm>>
      %dma_start3A_38 = tpu.memref_squeeze %dma_start3A_37 : memref<1x250x80xi32, #tpu.memory_space<hbm>> -> memref<250x80xi32, #tpu.memory_space<hbm>>
      %dma_start3A_39 = arith.constant 0 : i32
      %dma_start3A_40 = arith.constant 0 : i32
      %dma_start3A_41 = tpu.memref_slice %arg3[%arg1, %dma_start3A_39, %dma_start3A_40] : memref<16x250x80xi32, #tpu.memory_space<hbm>> -> memref<1x250x80xi32, #tpu.memory_space<hbm>>
      %dma_start3A_42 = tpu.memref_squeeze %dma_start3A_41 : memref<1x250x80xi32, #tpu.memory_space<hbm>> -> memref<250x80xi32, #tpu.memory_space<hbm>>
      tpu.enqueue_dma source(%dma_start3A_42 : memref<250x80xi32, #tpu.memory_space<hbm>>) target(%arg6 : memref<250x80xi32, #tpu.memory_space<vmem>>) target_semaphore(%run_scoped3A : memref<!tpu.dma_semaphore, #tpu.memory_space<semaphore_mem>>)
      %dma_wait3A = arith.constant 0 : i32
      %dma_wait3A_43 = arith.constant 0 : i32
      %dma_wait3A_44 = tpu.memref_slice %arg3[%arg1, %dma_wait3A, %dma_wait3A_43] : memref<16x250x80xi32, #tpu.memory_space<hbm>> -> memref<1x250x80xi32, #tpu.memory_space<hbm>>
      %dma_wait3A_45 = tpu.memref_squeeze %dma_wait3A_44 : memref<1x250x80xi32, #tpu.memory_space<hbm>> -> memref<250x80xi32, #tpu.memory_space<hbm>>
      %dma_wait3A_46 = arith.constant 0 : i32
      %dma_wait3A_47 = arith.constant 0 : i32
      %dma_wait3A_48 = tpu.memref_slice %arg3[%arg1, %dma_wait3A_46, %dma_wait3A_47] : memref<16x250x80xi32, #tpu.memory_space<hbm>> -> memref<1x250x80xi32, #tpu.memory_space<hbm>>
      %dma_wait3A_49 = tpu.memref_squeeze %dma_wait3A_48 : memref<1x250x80xi32, #tpu.memory_space<hbm>> -> memref<250x80xi32, #tpu.memory_space<hbm>>
      tpu.wait_dma2 semaphore(%run_scoped3A : memref<!tpu.dma_semaphore, #tpu.memory_space<semaphore_mem>>) src(%dma_wait3A_49 : memref<250x80xi32, #tpu.memory_space<hbm>>) dst(%arg6 : memref<250x80xi32, #tpu.memory_space<vmem>>)
      tpu.yield
    }) : () -> ()
    %barrier3A = arith.constant 0 : index
    tpu.barrier barrier_id(%barrier3A)
    %scan3A_20 = arith.constant 0 : i32
    %scan3A_21 = arith.constant 250 : i32
    %scan3A_22 = arith.addi %scan3A_20, %scan3A_21 : i32
    %scan3A_23 = arith.constant 1 : i32
    scf.for %scan3A_36 = %scan3A_20 to %scan3A_22 step %scan3A_23  : i32 {
      %mul3A_37 = arith.constant 1 : i32
      %mul3A_38 = arith.muli %scan3A_36, %mul3A_37 : i32
      %add3A = arith.constant 0 : i32
      %add3A_39 = arith.addi %add3A, %mul3A_38 : i32
      %add3A_40 = arith.constant 0 : i32
      %add3A_41 = vector.broadcast %add3A_40 : i32 to vector<16xi32>
      %add3A_42 = arith.addi %add3A_41, %iota3A : vector<16xi32>
      %get3A = arith.index_cast %add3A_39 : i32 to index
      %get3A_43 = arith.constant 0 : index
      %get3A_44 = tpu.vector_load %arg6[%get3A, %get3A_43] {strides = array<i32>} : memref<250x80xi32, #tpu.memory_space<vmem>>, vector<16xi32>,
      %sub3A = vector.broadcast %mul3A_3 : i32 to vector<16xi32>
      %sub3A_45 = arith.subi %get3A_44, %sub3A : vector<16xi32>
      %ge3A = vector.broadcast %mul3A_3 : i32 to vector<16xi32>
      %ge3A_46 = arith.cmpi sge, %get3A_44, %ge3A : vector<16xi32>
      %lt3A = arith.constant 32 : i32
      %lt3A_47 = vector.broadcast %lt3A : i32 to vector<16xi32>
      %lt3A_48 = arith.cmpi slt, %sub3A_45, %lt3A_47 : vector<16xi32>
      %and3A = arith.andi %ge3A_46, %lt3A_48 : vector<16xi1>
      tpu.vector_store_idx %arg7[%add3A_42, %sub3A_45], %broadcast_in_dim3A_2 masked %and3A : memref<80x32xf32, #tpu.memory_space<vmem>>[vector<16xi32>, vector<16xi32>], vector<16xf32>, vector<16xi1>
      %add3A_49 = arith.constant 16 : i32
      %add3A_50 = vector.broadcast %add3A_49 : i32 to vector<16xi32>
      %add3A_51 = arith.addi %add3A_50, %iota3A : vector<16xi32>
      %get3A_52 = arith.index_cast %add3A_39 : i32 to index
      %get3A_53 = arith.constant 16 : index
      %get3A_54 = tpu.vector_load %arg6[%get3A_52, %get3A_53] {strides = array<i32>} : memref<250x80xi32, #tpu.memory_space<vmem>>, vector<16xi32>,
      %sub3A_55 = vector.broadcast %mul3A_3 : i32 to vector<16xi32>
      %sub3A_56 = arith.subi %get3A_54, %sub3A_55 : vector<16xi32>
      %ge3A_57 = vector.broadcast %mul3A_3 : i32 to vector<16xi32>
      %ge3A_58 = arith.cmpi sge, %get3A_54, %ge3A_57 : vector<16xi32>
      %lt3A_59 = arith.constant 32 : i32
      %lt3A_60 = vector.broadcast %lt3A_59 : i32 to vector<16xi32>
      %lt3A_61 = arith.cmpi slt, %sub3A_56, %lt3A_60 : vector<16xi32>
      %and3A_62 = arith.andi %ge3A_58, %lt3A_61 : vector<16xi1>
      tpu.vector_store_idx %arg7[%add3A_51, %sub3A_56], %broadcast_in_dim3A_2 masked %and3A_62 : memref<80x32xf32, #tpu.memory_space<vmem>>[vector<16xi32>, vector<16xi32>], vector<16xf32>, vector<16xi1>
      %add3A_63 = arith.constant 32 : i32
      %add3A_64 = vector.broadcast %add3A_63 : i32 to vector<16xi32>
      %add3A_65 = arith.addi %add3A_64, %iota3A : vector<16xi32>
      %get3A_66 = arith.index_cast %add3A_39 : i32 to index
      %get3A_67 = arith.constant 32 : index
      %get3A_68 = tpu.vector_load %arg6[%get3A_66, %get3A_67] {strides = array<i32>} : memref<250x80xi32, #tpu.memory_space<vmem>>, vector<16xi32>,
      %sub3A_69 = vector.broadcast %mul3A_3 : i32 to vector<16xi32>
      %sub3A_70 = arith.subi %get3A_68, %sub3A_69 : vector<16xi32>
      %ge3A_71 = vector.broadcast %mul3A_3 : i32 to vector<16xi32>
      %ge3A_72 = arith.cmpi sge, %get3A_68, %ge3A_71 : vector<16xi32>
      %lt3A_73 = arith.constant 32 : i32
      %lt3A_74 = vector.broadcast %lt3A_73 : i32 to vector<16xi32>
      %lt3A_75 = arith.cmpi slt, %sub3A_70, %lt3A_74 : vector<16xi32>
      %and3A_76 = arith.andi %ge3A_72, %lt3A_75 : vector<16xi1>
      tpu.vector_store_idx %arg7[%add3A_65, %sub3A_70], %broadcast_in_dim3A_2 masked %and3A_76 : memref<80x32xf32, #tpu.memory_space<vmem>>[vector<16xi32>, vector<16xi32>], vector<16xf32>, vector<16xi1>
      %add3A_77 = arith.constant 48 : i32
      %add3A_78 = vector.broadcast %add3A_77 : i32 to vector<16xi32>
      %add3A_79 = arith.addi %add3A_78, %iota3A : vector<16xi32>
      %get3A_80 = arith.index_cast %add3A_39 : i32 to index
      %get3A_81 = arith.constant 48 : index
      %get3A_82 = tpu.vector_load %arg6[%get3A_80, %get3A_81] {strides = array<i32>} : memref<250x80xi32, #tpu.memory_space<vmem>>, vector<16xi32>,
      %sub3A_83 = vector.broadcast %mul3A_3 : i32 to vector<16xi32>
      %sub3A_84 = arith.subi %get3A_82, %sub3A_83 : vector<16xi32>
      %ge3A_85 = vector.broadcast %mul3A_3 : i32 to vector<16xi32>
      %ge3A_86 = arith.cmpi sge, %get3A_82, %ge3A_85 : vector<16xi32>
      %lt3A_87 = arith.constant 32 : i32
      %lt3A_88 = vector.broadcast %lt3A_87 : i32 to vector<16xi32>
      %lt3A_89 = arith.cmpi slt, %sub3A_84, %lt3A_88 : vector<16xi32>
      %and3A_90 = arith.andi %ge3A_86, %lt3A_89 : vector<16xi1>
      tpu.vector_store_idx %arg7[%add3A_79, %sub3A_84], %broadcast_in_dim3A_2 masked %and3A_90 : memref<80x32xf32, #tpu.memory_space<vmem>>[vector<16xi32>, vector<16xi32>], vector<16xf32>, vector<16xi1>
      %add3A_91 = arith.constant 64 : i32
      %add3A_92 = vector.broadcast %add3A_91 : i32 to vector<16xi32>
      %add3A_93 = arith.addi %add3A_92, %iota3A : vector<16xi32>
      %get3A_94 = arith.index_cast %add3A_39 : i32 to index
      %get3A_95 = arith.constant 64 : index
      %get3A_96 = tpu.vector_load %arg6[%get3A_94, %get3A_95] {strides = array<i32>} : memref<250x80xi32, #tpu.memory_space<vmem>>, vector<16xi32>,
      %sub3A_97 = vector.broadcast %mul3A_3 : i32 to vector<16xi32>
      %sub3A_98 = arith.subi %get3A_96, %sub3A_97 : vector<16xi32>
      %ge3A_99 = vector.broadcast %mul3A_3 : i32 to vector<16xi32>
      %ge3A_100 = arith.cmpi sge, %get3A_96, %ge3A_99 : vector<16xi32>
      %lt3A_101 = arith.constant 32 : i32
      %lt3A_102 = vector.broadcast %lt3A_101 : i32 to vector<16xi32>
      %lt3A_103 = arith.cmpi slt, %sub3A_98, %lt3A_102 : vector<16xi32>
      %and3A_104 = arith.andi %ge3A_100, %lt3A_103 : vector<16xi1>
      tpu.vector_store_idx %arg7[%add3A_93, %sub3A_98], %broadcast_in_dim3A_2 masked %and3A_104 : memref<80x32xf32, #tpu.memory_space<vmem>>[vector<16xi32>, vector<16xi32>], vector<16xf32>, vector<16xi1>
      "tpu.region"() ({
        %run_scoped3A = tpu.sem_alloc : memref<!tpu.dma_semaphore, #tpu.memory_space<semaphore_mem>>
        %dma_start3A = arith.constant 0 : i32
        %dma_start3A_175 = tpu.memref_slice %arg5[%add3A_39, %dma_start3A] : memref<250x80xi32, #tpu.memory_space<vmem>> -> memref<1x80xi32, #tpu.memory_space<vmem>>
        %dma_start3A_176 = tpu.memref_squeeze %dma_start3A_175 : memref<1x80xi32, #tpu.memory_space<vmem>> -> memref<80xi32, #tpu.memory_space<vmem>>
        %dma_start3A_177 = arith.constant 0 : i32
        %dma_start3A_178 = arith.constant 0 : i32
        %dma_start3A_179 = tpu.memref_slice %arg9[%dma_start3A_177, %dma_start3A_178] : memref<10000x32xf32, #tpu.memory_space<vmem_shared>> -> memref<10000x32xf32, #tpu.memory_space<vmem_shared>>
        tpu.enqueue_indirect_dma source(%arg7 : memref<80x32xf32, #tpu.memory_space<vmem>>) target(%dma_start3A_179 : memref<10000x32xf32, #tpu.memory_space<vmem_shared>>) offsets(%dma_start3A_176 : memref<80xi32, #tpu.memory_space<vmem>>) semaphore(%run_scoped3A : memref<!tpu.dma_semaphore, #tpu.memory_space<semaphore_mem>>) {add = true}
        %dma_wait3A = arith.constant 0 : i32
        %dma_wait3A_180 = tpu.memref_slice %arg5[%add3A_39, %dma_wait3A] : memref<250x80xi32, #tpu.memory_space<vmem>> -> memref<1x80xi32, #tpu.memory_space<vmem>>
        %dma_wait3A_181 = tpu.memref_squeeze %dma_wait3A_180 : memref<1x80xi32, #tpu.memory_space<vmem>> -> memref<80xi32, #tpu.memory_space<vmem>>
        %dma_wait3A_182 = arith.constant 0 : i32
        %dma_wait3A_183 = arith.constant 0 : i32
        %dma_wait3A_184 = tpu.memref_slice %arg9[%dma_wait3A_182, %dma_wait3A_183] : memref<10000x32xf32, #tpu.memory_space<vmem_shared>> -> memref<10000x32xf32, #tpu.memory_space<vmem_shared>>
        tpu.wait_indirect_dma semaphore(%run_scoped3A : memref<!tpu.dma_semaphore, #tpu.memory_space<semaphore_mem>>) src(%arg7 : memref<80x32xf32, #tpu.memory_space<vmem>>) dst(%dma_wait3A_184 : memref<10000x32xf32, #tpu.memory_space<vmem_shared>>)
        tpu.yield
      }) : () -> ()
      %add3A_105 = arith.constant 0 : i32
      %add3A_106 = vector.broadcast %add3A_105 : i32 to vector<16xi32>
      %add3A_107 = arith.addi %add3A_106, %iota3A : vector<16xi32>
      %get3A_108 = arith.index_cast %add3A_39 : i32 to index
      %get3A_109 = arith.constant 0 : index
      %get3A_110 = tpu.vector_load %arg6[%get3A_108, %get3A_109] {strides = array<i32>} : memref<250x80xi32, #tpu.memory_space<vmem>>, vector<16xi32>,
      %sub3A_111 = vector.broadcast %mul3A_3 : i32 to vector<16xi32>
      %sub3A_112 = arith.subi %get3A_110, %sub3A_111 : vector<16xi32>
      %ge3A_113 = vector.broadcast %mul3A_3 : i32 to vector<16xi32>
      %ge3A_114 = arith.cmpi sge, %get3A_110, %ge3A_113 : vector<16xi32>
      %lt3A_115 = arith.constant 32 : i32
      %lt3A_116 = vector.broadcast %lt3A_115 : i32 to vector<16xi32>
      %lt3A_117 = arith.cmpi slt, %sub3A_112, %lt3A_116 : vector<16xi32>
      %and3A_118 = arith.andi %ge3A_114, %lt3A_117 : vector<16xi1>
      tpu.vector_store_idx %arg7[%add3A_107, %sub3A_112], %broadcast_in_dim3A_0 masked %and3A_118 : memref<80x32xf32, #tpu.memory_space<vmem>>[vector<16xi32>, vector<16xi32>], vector<16xf32>, vector<16xi1>
      %add3A_119 = arith.constant 16 : i32
      %add3A_120 = vector.broadcast %add3A_119 : i32 to vector<16xi32>
      %add3A_121 = arith.addi %add3A_120, %iota3A : vector<16xi32>
      %get3A_122 = arith.index_cast %add3A_39 : i32 to index
      %get3A_123 = arith.constant 16 : index
      %get3A_124 = tpu.vector_load %arg6[%get3A_122, %get3A_123] {strides = array<i32>} : memref<250x80xi32, #tpu.memory_space<vmem>>, vector<16xi32>,
      %sub3A_125 = vector.broadcast %mul3A_3 : i32 to vector<16xi32>
      %sub3A_126 = arith.subi %get3A_124, %sub3A_125 : vector<16xi32>
      %ge3A_127 = vector.broadcast %mul3A_3 : i32 to vector<16xi32>
      %ge3A_128 = arith.cmpi sge, %get3A_124, %ge3A_127 : vector<16xi32>
      %lt3A_129 = arith.constant 32 : i32
      %lt3A_130 = vector.broadcast %lt3A_129 : i32 to vector<16xi32>
      %lt3A_131 = arith.cmpi slt, %sub3A_126, %lt3A_130 : vector<16xi32>
      %and3A_132 = arith.andi %ge3A_128, %lt3A_131 : vector<16xi1>
      tpu.vector_store_idx %arg7[%add3A_121, %sub3A_126], %broadcast_in_dim3A_0 masked %and3A_132 : memref<80x32xf32, #tpu.memory_space<vmem>>[vector<16xi32>, vector<16xi32>], vector<16xf32>, vector<16xi1>
      %add3A_133 = arith.constant 32 : i32
      %add3A_134 = vector.broadcast %add3A_133 : i32 to vector<16xi32>
      %add3A_135 = arith.addi %add3A_134, %iota3A : vector<16xi32>
      %get3A_136 = arith.index_cast %add3A_39 : i32 to index
      %get3A_137 = arith.constant 32 : index
      %get3A_138 = tpu.vector_load %arg6[%get3A_136, %get3A_137] {strides = array<i32>} : memref<250x80xi32, #tpu.memory_space<vmem>>, vector<16xi32>,
      %sub3A_139 = vector.broadcast %mul3A_3 : i32 to vector<16xi32>
      %sub3A_140 = arith.subi %get3A_138, %sub3A_139 : vector<16xi32>
      %ge3A_141 = vector.broadcast %mul3A_3 : i32 to vector<16xi32>
      %ge3A_142 = arith.cmpi sge, %get3A_138, %ge3A_141 : vector<16xi32>
      %lt3A_143 = arith.constant 32 : i32
      %lt3A_144 = vector.broadcast %lt3A_143 : i32 to vector<16xi32>
      %lt3A_145 = arith.cmpi slt, %sub3A_140, %lt3A_144 : vector<16xi32>
      %and3A_146 = arith.andi %ge3A_142, %lt3A_145 : vector<16xi1>
      tpu.vector_store_idx %arg7[%add3A_135, %sub3A_140], %broadcast_in_dim3A_0 masked %and3A_146 : memref<80x32xf32, #tpu.memory_space<vmem>>[vector<16xi32>, vector<16xi32>], vector<16xf32>, vector<16xi1>
      %add3A_147 = arith.constant 48 : i32
      %add3A_148 = vector.broadcast %add3A_147 : i32 to vector<16xi32>
      %add3A_149 = arith.addi %add3A_148, %iota3A : vector<16xi32>
      %get3A_150 = arith.index_cast %add3A_39 : i32 to index
      %get3A_151 = arith.constant 48 : index
      %get3A_152 = tpu.vector_load %arg6[%get3A_150, %get3A_151] {strides = array<i32>} : memref<250x80xi32, #tpu.memory_space<vmem>>, vector<16xi32>,
      %sub3A_153 = vector.broadcast %mul3A_3 : i32 to vector<16xi32>
      %sub3A_154 = arith.subi %get3A_152, %sub3A_153 : vector<16xi32>
      %ge3A_155 = vector.broadcast %mul3A_3 : i32 to vector<16xi32>
      %ge3A_156 = arith.cmpi sge, %get3A_152, %ge3A_155 : vector<16xi32>
      %lt3A_157 = arith.constant 32 : i32
      %lt3A_158 = vector.broadcast %lt3A_157 : i32 to vector<16xi32>
      %lt3A_159 = arith.cmpi slt, %sub3A_154, %lt3A_158 : vector<16xi32>
      %and3A_160 = arith.andi %ge3A_156, %lt3A_159 : vector<16xi1>
      tpu.vector_store_idx %arg7[%add3A_149, %sub3A_154], %broadcast_in_dim3A_0 masked %and3A_160 : memref<80x32xf32, #tpu.memory_space<vmem>>[vector<16xi32>, vector<16xi32>], vector<16xf32>, vector<16xi1>
      %add3A_161 = arith.constant 64 : i32
      %add3A_162 = vector.broadcast %add3A_161 : i32 to vector<16xi32>
      %add3A_163 = arith.addi %add3A_162, %iota3A : vector<16xi32>
      %get3A_164 = arith.index_cast %add3A_39 : i32 to index
      %get3A_165 = arith.constant 64 : index
      %get3A_166 = tpu.vector_load %arg6[%get3A_164, %get3A_165] {strides = array<i32>} : memref<250x80xi32, #tpu.memory_space<vmem>>, vector<16xi32>,
      %sub3A_167 = vector.broadcast %mul3A_3 : i32 to vector<16xi32>
      %sub3A_168 = arith.subi %get3A_166, %sub3A_167 : vector<16xi32>
      %ge3A_169 = vector.broadcast %mul3A_3 : i32 to vector<16xi32>
      %ge3A_170 = arith.cmpi sge, %get3A_166, %ge3A_169 : vector<16xi32>
      %lt3A_171 = arith.constant 32 : i32
      %lt3A_172 = vector.broadcast %lt3A_171 : i32 to vector<16xi32>
      %lt3A_173 = arith.cmpi slt, %sub3A_168, %lt3A_172 : vector<16xi32>
      %and3A_174 = arith.andi %ge3A_170, %lt3A_173 : vector<16xi1>
      tpu.vector_store_idx %arg7[%add3A_163, %sub3A_168], %broadcast_in_dim3A_0 masked %and3A_174 : memref<80x32xf32, #tpu.memory_space<vmem>>[vector<16xi32>, vector<16xi32>], vector<16xf32>, vector<16xi1>
    }
    %scan3A_24 = arith.constant 250 : i32
    %barrier3A_25 = arith.constant 0 : index
    tpu.barrier barrier_id(%barrier3A_25)
    %scan3A_26 = arith.constant 0 : i32
    %scan3A_27 = arith.constant 3 : i32
    %scan3A_28 = arith.addi %scan3A_26, %scan3A_27 : i32
    %scan3A_29 = arith.constant 1 : i32
    scf.for %scan3A_36 = %scan3A_26 to %scan3A_28 step %scan3A_29  : i32 {
      %mul3A_37 = arith.constant 1 : i32
      %mul3A_38 = arith.muli %scan3A_36, %mul3A_37 : i32
      %add3A = arith.constant 0 : i32
      %add3A_39 = arith.addi %add3A, %mul3A_38 : i32
      %mul3A_40 = arith.constant 624 : i32
      %mul3A_41 = arith.muli %arg1, %mul3A_40 : i32
      %mul3A_42 = arith.constant 208 : i32
      %mul3A_43 = arith.muli %add3A_39, %mul3A_42 : i32
      %add3A_44 = arith.addi %mul3A_41, %mul3A_43 : i32
      "tpu.region"() ({
        %run_scoped3A = tpu.sem_alloc : memref<!tpu.dma_semaphore, #tpu.memory_space<semaphore_mem>>
        %dma_start3A = arith.constant 0 : i32
        %dma_start3A_45 = tpu.memref_slice %arg4[%arg0, %add3A_44, %dma_start3A] : memref<2x10000x32xf32, #tpu.memory_space<hbm>> -> memref<1x208x32xf32, #tpu.memory_space<hbm>>
        %dma_start3A_46 = tpu.memref_squeeze %dma_start3A_45 : memref<1x208x32xf32, #tpu.memory_space<hbm>> -> memref<208x32xf32, #tpu.memory_space<hbm>>
        %dma_start3A_47 = arith.constant 0 : i32
        %dma_start3A_48 = tpu.memref_slice %arg9[%add3A_44, %dma_start3A_47] : memref<10000x32xf32, #tpu.memory_space<vmem_shared>> -> memref<208x32xf32, #tpu.memory_space<vmem_shared>>
        tpu.enqueue_dma source(%dma_start3A_48 : memref<208x32xf32, #tpu.memory_space<vmem_shared>>) target(%dma_start3A_46 : memref<208x32xf32, #tpu.memory_space<hbm>>) target_semaphore(%run_scoped3A : memref<!tpu.dma_semaphore, #tpu.memory_space<semaphore_mem>>)
        %dma_wait3A = arith.constant 0 : i32
        %dma_wait3A_49 = tpu.memref_slice %arg4[%arg0, %add3A_44, %dma_wait3A] : memref<2x10000x32xf32, #tpu.memory_space<hbm>> -> memref<1x208x32xf32, #tpu.memory_space<hbm>>
        %dma_wait3A_50 = tpu.memref_squeeze %dma_wait3A_49 : memref<1x208x32xf32, #tpu.memory_space<hbm>> -> memref<208x32xf32, #tpu.memory_space<hbm>>
        %dma_wait3A_51 = arith.constant 0 : i32
        %dma_wait3A_52 = tpu.memref_slice %arg9[%add3A_44, %dma_wait3A_51] : memref<10000x32xf32, #tpu.memory_space<vmem_shared>> -> memref<208x32xf32, #tpu.memory_space<vmem_shared>>
        tpu.wait_dma2 semaphore(%run_scoped3A : memref<!tpu.dma_semaphore, #tpu.memory_space<semaphore_mem>>) src(%dma_wait3A_52 : memref<208x32xf32, #tpu.memory_space<vmem_shared>>) dst(%dma_wait3A_50 : memref<208x32xf32, #tpu.memory_space<hbm>>)
        tpu.yield
      }) : () -> ()
    }
    %scan3A_30 = arith.constant 3 : i32
    %eq3A_31 = arith.constant 15 : i32
    %eq3A_32 = arith.cmpi eq, %arg1, %eq3A_31 : i32
    %convert_element_type3A_33 = arith.extui %eq3A_32 : i1 to i32
    %cond3A_34 = arith.constant 0 : i32
    %cond3A_35 = arith.cmpi ne, %convert_element_type3A_33, %cond3A_34 : i32
    scf.if %cond3A_35 {
      "tpu.region"() ({
        %run_scoped3A = tpu.sem_alloc : memref<!tpu.dma_semaphore, #tpu.memory_space<semaphore_mem>>
        %dma_start3A = arith.constant 9984 : i32
        %dma_start3A_36 = arith.constant 0 : i32
        %dma_start3A_37 = tpu.memref_slice %arg4[%arg0, %dma_start3A, %dma_start3A_36] : memref<2x10000x32xf32, #tpu.memory_space<hbm>> -> memref<1x16x32xf32, #tpu.memory_space<hbm>>
        %dma_start3A_38 = tpu.memref_squeeze %dma_start3A_37 : memref<1x16x32xf32, #tpu.memory_space<hbm>> -> memref<16x32xf32, #tpu.memory_space<hbm>>
        %dma_start3A_39 = arith.constant 9984 : i32
        %dma_start3A_40 = arith.constant 0 : i32
        %dma_start3A_41 = tpu.memref_slice %arg9[%dma_start3A_39, %dma_start3A_40] : memref<10000x32xf32, #tpu.memory_space<vmem_shared>> -> memref<16x32xf32, #tpu.memory_space<vmem_shared>>
        tpu.enqueue_dma source(%dma_start3A_41 : memref<16x32xf32, #tpu.memory_space<vmem_shared>>) target(%dma_start3A_38 : memref<16x32xf32, #tpu.memory_space<hbm>>) target_semaphore(%run_scoped3A : memref<!tpu.dma_semaphore, #tpu.memory_space<semaphore_mem>>)
        %dma_wait3A = arith.constant 9984 : i32
        %dma_wait3A_42 = arith.constant 0 : i32
        %dma_wait3A_43 = tpu.memref_slice %arg4[%arg0, %dma_wait3A, %dma_wait3A_42] : memref<2x10000x32xf32, #tpu.memory_space<hbm>> -> memref<1x16x32xf32, #tpu.memory_space<hbm>>
        %dma_wait3A_44 = tpu.memref_squeeze %dma_wait3A_43 : memref<1x16x32xf32, #tpu.memory_space<hbm>> -> memref<16x32xf32, #tpu.memory_space<hbm>>
        %dma_wait3A_45 = arith.constant 9984 : i32
        %dma_wait3A_46 = arith.constant 0 : i32
        %dma_wait3A_47 = tpu.memref_slice %arg9[%dma_wait3A_45, %dma_wait3A_46] : memref<10000x32xf32, #tpu.memory_space<vmem_shared>> -> memref<16x32xf32, #tpu.memory_space<vmem_shared>>
        tpu.wait_dma2 semaphore(%run_scoped3A : memref<!tpu.dma_semaphore, #tpu.memory_space<semaphore_mem>>) src(%dma_wait3A_47 : memref<16x32xf32, #tpu.memory_space<vmem_shared>>) dst(%dma_wait3A_44 : memref<16x32xf32, #tpu.memory_space<hbm>>)
        tpu.yield
      }) : () -> ()
    } else {
    }
    return
  }
}

#map = affine_map<(d0, d1) -> (0, 0)>
#map1 = affine_map<(d0, d1) -> (0, 0, 0)>
#map2 = affine_map<(d0, d1) -> (0, 0, 0, 0)>
module attributes {stable_mosaic.version = 14 : i64} {
  func.func @_decode(%arg0: i32, %arg1: i32, %arg2: memref<10000x64xf32, #tpu.memory_space<hbm>>, %arg3: memref<32x125x80xi32, #tpu.memory_space<hbm>>, %arg4: memref<32x125x80xi32, #tpu.memory_space<hbm>>, %arg5: memref<32x125x80x128xf32, #tpu.memory_space<hbm>>, %arg6: memref<125x80xi32, #tpu.memory_space<vmem>>, %arg7: memref<125x80xi32, #tpu.memory_space<vmem>>, %arg8: memref<2x80x64xf32, #tpu.memory_space<vmem>>, %arg9: memref<2x80x64xf32, #tpu.memory_space<vmem>>, %arg10: memref<2x80x128xf32, #tpu.memory_space<vmem>>, %arg11: memref<!tpu.dma_semaphore, #tpu.memory_space<semaphore_mem>>, %arg12: memref<!tpu.dma_semaphore, #tpu.memory_space<semaphore_mem>>, %arg13: memref<!tpu.dma_semaphore, #tpu.memory_space<semaphore_mem>>, %arg14: memref<!tpu.dma_semaphore, #tpu.memory_space<semaphore_mem>>) attributes {dimension_semantics = [#tpu.dimension_semantics<core_parallel>, #tpu.dimension_semantics<subcore_parallel>], iteration_bounds = array<i64: 2, 16>, scalar_prefetch = 0 : i64, scratch_operands = 9 : i64, tpu.core_type = #tpu.core_type<sc_vector_subcore>, window_params = [{transform_indices = #map}, {transform_indices = #map1}, {transform_indices = #map1}, {transform_indices = #map2}]} {
    %mul3A = arith.constant 16 : i32
    %mul3A_0 = arith.muli %arg0, %mul3A : i32
    %add3A = arith.addi %mul3A_0, %arg1 : i32
    "tpu.region"() ({
      %run_scoped3A = tpu.sem_alloc : memref<!tpu.dma_semaphore, #tpu.memory_space<semaphore_mem>>
      %dma_start3A_152 = arith.constant 0 : i32
      %dma_start3A_153 = arith.constant 0 : i32
      %dma_start3A_154 = tpu.memref_slice %arg3[%add3A, %dma_start3A_152, %dma_start3A_153] : memref<32x125x80xi32, #tpu.memory_space<hbm>> -> memref<1x125x80xi32, #tpu.memory_space<hbm>>
      %dma_start3A_155 = tpu.memref_squeeze %dma_start3A_154 : memref<1x125x80xi32, #tpu.memory_space<hbm>> -> memref<125x80xi32, #tpu.memory_space<hbm>>
      %dma_start3A_156 = arith.constant 0 : i32
      %dma_start3A_157 = arith.constant 0 : i32
      %dma_start3A_158 = tpu.memref_slice %arg3[%add3A, %dma_start3A_156, %dma_start3A_157] : memref<32x125x80xi32, #tpu.memory_space<hbm>> -> memref<1x125x80xi32, #tpu.memory_space<hbm>>
      %dma_start3A_159 = tpu.memref_squeeze %dma_start3A_158 : memref<1x125x80xi32, #tpu.memory_space<hbm>> -> memref<125x80xi32, #tpu.memory_space<hbm>>
      tpu.enqueue_dma source(%dma_start3A_159 : memref<125x80xi32, #tpu.memory_space<hbm>>) target(%arg6 : memref<125x80xi32, #tpu.memory_space<vmem>>) target_semaphore(%run_scoped3A : memref<!tpu.dma_semaphore, #tpu.memory_space<semaphore_mem>>)
      %dma_wait3A_160 = arith.constant 0 : i32
      %dma_wait3A_161 = arith.constant 0 : i32
      %dma_wait3A_162 = tpu.memref_slice %arg3[%add3A, %dma_wait3A_160, %dma_wait3A_161] : memref<32x125x80xi32, #tpu.memory_space<hbm>> -> memref<1x125x80xi32, #tpu.memory_space<hbm>>
      %dma_wait3A_163 = tpu.memref_squeeze %dma_wait3A_162 : memref<1x125x80xi32, #tpu.memory_space<hbm>> -> memref<125x80xi32, #tpu.memory_space<hbm>>
      %dma_wait3A_164 = arith.constant 0 : i32
      %dma_wait3A_165 = arith.constant 0 : i32
      %dma_wait3A_166 = tpu.memref_slice %arg3[%add3A, %dma_wait3A_164, %dma_wait3A_165] : memref<32x125x80xi32, #tpu.memory_space<hbm>> -> memref<1x125x80xi32, #tpu.memory_space<hbm>>
      %dma_wait3A_167 = tpu.memref_squeeze %dma_wait3A_166 : memref<1x125x80xi32, #tpu.memory_space<hbm>> -> memref<125x80xi32, #tpu.memory_space<hbm>>
      tpu.wait_dma2 semaphore(%run_scoped3A : memref<!tpu.dma_semaphore, #tpu.memory_space<semaphore_mem>>) src(%dma_wait3A_167 : memref<125x80xi32, #tpu.memory_space<hbm>>) dst(%arg6 : memref<125x80xi32, #tpu.memory_space<vmem>>)
      tpu.yield
    }) : () -> ()
    "tpu.region"() ({
      %run_scoped3A = tpu.sem_alloc : memref<!tpu.dma_semaphore, #tpu.memory_space<semaphore_mem>>
      %dma_start3A_152 = arith.constant 0 : i32
      %dma_start3A_153 = arith.constant 0 : i32
      %dma_start3A_154 = tpu.memref_slice %arg4[%add3A, %dma_start3A_152, %dma_start3A_153] : memref<32x125x80xi32, #tpu.memory_space<hbm>> -> memref<1x125x80xi32, #tpu.memory_space<hbm>>
      %dma_start3A_155 = tpu.memref_squeeze %dma_start3A_154 : memref<1x125x80xi32, #tpu.memory_space<hbm>> -> memref<125x80xi32, #tpu.memory_space<hbm>>
      %dma_start3A_156 = arith.constant 0 : i32
      %dma_start3A_157 = arith.constant 0 : i32
      %dma_start3A_158 = tpu.memref_slice %arg4[%add3A, %dma_start3A_156, %dma_start3A_157] : memref<32x125x80xi32, #tpu.memory_space<hbm>> -> memref<1x125x80xi32, #tpu.memory_space<hbm>>
      %dma_start3A_159 = tpu.memref_squeeze %dma_start3A_158 : memref<1x125x80xi32, #tpu.memory_space<hbm>> -> memref<125x80xi32, #tpu.memory_space<hbm>>
      tpu.enqueue_dma source(%dma_start3A_159 : memref<125x80xi32, #tpu.memory_space<hbm>>) target(%arg7 : memref<125x80xi32, #tpu.memory_space<vmem>>) target_semaphore(%run_scoped3A : memref<!tpu.dma_semaphore, #tpu.memory_space<semaphore_mem>>)
      %dma_wait3A_160 = arith.constant 0 : i32
      %dma_wait3A_161 = arith.constant 0 : i32
      %dma_wait3A_162 = tpu.memref_slice %arg4[%add3A, %dma_wait3A_160, %dma_wait3A_161] : memref<32x125x80xi32, #tpu.memory_space<hbm>> -> memref<1x125x80xi32, #tpu.memory_space<hbm>>
      %dma_wait3A_163 = tpu.memref_squeeze %dma_wait3A_162 : memref<1x125x80xi32, #tpu.memory_space<hbm>> -> memref<125x80xi32, #tpu.memory_space<hbm>>
      %dma_wait3A_164 = arith.constant 0 : i32
      %dma_wait3A_165 = arith.constant 0 : i32
      %dma_wait3A_166 = tpu.memref_slice %arg4[%add3A, %dma_wait3A_164, %dma_wait3A_165] : memref<32x125x80xi32, #tpu.memory_space<hbm>> -> memref<1x125x80xi32, #tpu.memory_space<hbm>>
      %dma_wait3A_167 = tpu.memref_squeeze %dma_wait3A_166 : memref<1x125x80xi32, #tpu.memory_space<hbm>> -> memref<125x80xi32, #tpu.memory_space<hbm>>
      tpu.wait_dma2 semaphore(%run_scoped3A : memref<!tpu.dma_semaphore, #tpu.memory_space<semaphore_mem>>) src(%dma_wait3A_167 : memref<125x80xi32, #tpu.memory_space<hbm>>) dst(%arg7 : memref<125x80xi32, #tpu.memory_space<vmem>>)
      tpu.yield
    }) : () -> ()
    %dma_start3A = arith.constant 0 : i32
    %dma_start3A_1 = arith.constant 0 : i32
    %dma_start3A_2 = arith.constant 0 : i32
    %dma_start3A_3 = arith.constant 0 : i32
    %dma_start3A_4 = tpu.memref_slice %arg8[%dma_start3A_1, %dma_start3A_2, %dma_start3A_3] : memref<2x80x64xf32, #tpu.memory_space<vmem>> -> memref<1x80x64xf32, #tpu.memory_space<vmem>>
    %dma_start3A_5 = tpu.memref_squeeze %dma_start3A_4 : memref<1x80x64xf32, #tpu.memory_space<vmem>> -> memref<80x64xf32, #tpu.memory_space<vmem>>
    %dma_start3A_6 = arith.constant 0 : i32
    %dma_start3A_7 = tpu.memref_slice %arg6[%dma_start3A, %dma_start3A_6] : memref<125x80xi32, #tpu.memory_space<vmem>> -> memref<1x80xi32, #tpu.memory_space<vmem>>
    %dma_start3A_8 = tpu.memref_squeeze %dma_start3A_7 : memref<1x80xi32, #tpu.memory_space<vmem>> -> memref<80xi32, #tpu.memory_space<vmem>>
    %dma_start3A_9 = arith.constant 0 : i32
    %dma_start3A_10 = arith.constant 0 : i32
    %dma_start3A_11 = tpu.memref_slice %arg2[%dma_start3A_9, %dma_start3A_10] : memref<10000x64xf32, #tpu.memory_space<hbm>> -> memref<10000x64xf32, #tpu.memory_space<hbm>>
    tpu.enqueue_indirect_dma source(%dma_start3A_11 : memref<10000x64xf32, #tpu.memory_space<hbm>>) target(%dma_start3A_5 : memref<80x64xf32, #tpu.memory_space<vmem>>) offsets(%dma_start3A_8 : memref<80xi32, #tpu.memory_space<vmem>>) semaphore(%arg11 : memref<!tpu.dma_semaphore, #tpu.memory_space<semaphore_mem>>)
    %dma_start3A_12 = arith.constant 0 : i32
    %dma_start3A_13 = arith.constant 0 : i32
    %dma_start3A_14 = arith.constant 0 : i32
    %dma_start3A_15 = arith.constant 0 : i32
    %dma_start3A_16 = tpu.memref_slice %arg9[%dma_start3A_13, %dma_start3A_14, %dma_start3A_15] : memref<2x80x64xf32, #tpu.memory_space<vmem>> -> memref<1x80x64xf32, #tpu.memory_space<vmem>>
    %dma_start3A_17 = tpu.memref_squeeze %dma_start3A_16 : memref<1x80x64xf32, #tpu.memory_space<vmem>> -> memref<80x64xf32, #tpu.memory_space<vmem>>
    %dma_start3A_18 = arith.constant 0 : i32
    %dma_start3A_19 = tpu.memref_slice %arg7[%dma_start3A_12, %dma_start3A_18] : memref<125x80xi32, #tpu.memory_space<vmem>> -> memref<1x80xi32, #tpu.memory_space<vmem>>
    %dma_start3A_20 = tpu.memref_squeeze %dma_start3A_19 : memref<1x80xi32, #tpu.memory_space<vmem>> -> memref<80xi32, #tpu.memory_space<vmem>>
    %dma_start3A_21 = arith.constant 0 : i32
    %dma_start3A_22 = arith.constant 0 : i32
    %dma_start3A_23 = tpu.memref_slice %arg2[%dma_start3A_21, %dma_start3A_22] : memref<10000x64xf32, #tpu.memory_space<hbm>> -> memref<10000x64xf32, #tpu.memory_space<hbm>>
    tpu.enqueue_indirect_dma source(%dma_start3A_23 : memref<10000x64xf32, #tpu.memory_space<hbm>>) target(%dma_start3A_17 : memref<80x64xf32, #tpu.memory_space<vmem>>) offsets(%dma_start3A_20 : memref<80xi32, #tpu.memory_space<vmem>>) semaphore(%arg11 : memref<!tpu.dma_semaphore, #tpu.memory_space<semaphore_mem>>)
    %dma_start3A_24 = arith.constant 1 : i32
    %dma_start3A_25 = arith.constant 1 : i32
    %dma_start3A_26 = arith.constant 0 : i32
    %dma_start3A_27 = arith.constant 0 : i32
    %dma_start3A_28 = tpu.memref_slice %arg8[%dma_start3A_25, %dma_start3A_26, %dma_start3A_27] : memref<2x80x64xf32, #tpu.memory_space<vmem>> -> memref<1x80x64xf32, #tpu.memory_space<vmem>>
    %dma_start3A_29 = tpu.memref_squeeze %dma_start3A_28 : memref<1x80x64xf32, #tpu.memory_space<vmem>> -> memref<80x64xf32, #tpu.memory_space<vmem>>
    %dma_start3A_30 = arith.constant 0 : i32
    %dma_start3A_31 = tpu.memref_slice %arg6[%dma_start3A_24, %dma_start3A_30] : memref<125x80xi32, #tpu.memory_space<vmem>> -> memref<1x80xi32, #tpu.memory_space<vmem>>
    %dma_start3A_32 = tpu.memref_squeeze %dma_start3A_31 : memref<1x80xi32, #tpu.memory_space<vmem>> -> memref<80xi32, #tpu.memory_space<vmem>>
    %dma_start3A_33 = arith.constant 0 : i32
    %dma_start3A_34 = arith.constant 0 : i32
    %dma_start3A_35 = tpu.memref_slice %arg2[%dma_start3A_33, %dma_start3A_34] : memref<10000x64xf32, #tpu.memory_space<hbm>> -> memref<10000x64xf32, #tpu.memory_space<hbm>>
    tpu.enqueue_indirect_dma source(%dma_start3A_35 : memref<10000x64xf32, #tpu.memory_space<hbm>>) target(%dma_start3A_29 : memref<80x64xf32, #tpu.memory_space<vmem>>) offsets(%dma_start3A_32 : memref<80xi32, #tpu.memory_space<vmem>>) semaphore(%arg12 : memref<!tpu.dma_semaphore, #tpu.memory_space<semaphore_mem>>)
    %dma_start3A_36 = arith.constant 1 : i32
    %dma_start3A_37 = arith.constant 1 : i32
    %dma_start3A_38 = arith.constant 0 : i32
    %dma_start3A_39 = arith.constant 0 : i32
    %dma_start3A_40 = tpu.memref_slice %arg9[%dma_start3A_37, %dma_start3A_38, %dma_start3A_39] : memref<2x80x64xf32, #tpu.memory_space<vmem>> -> memref<1x80x64xf32, #tpu.memory_space<vmem>>
    %dma_start3A_41 = tpu.memref_squeeze %dma_start3A_40 : memref<1x80x64xf32, #tpu.memory_space<vmem>> -> memref<80x64xf32, #tpu.memory_space<vmem>>
    %dma_start3A_42 = arith.constant 0 : i32
    %dma_start3A_43 = tpu.memref_slice %arg7[%dma_start3A_36, %dma_start3A_42] : memref<125x80xi32, #tpu.memory_space<vmem>> -> memref<1x80xi32, #tpu.memory_space<vmem>>
    %dma_start3A_44 = tpu.memref_squeeze %dma_start3A_43 : memref<1x80xi32, #tpu.memory_space<vmem>> -> memref<80xi32, #tpu.memory_space<vmem>>
    %dma_start3A_45 = arith.constant 0 : i32
    %dma_start3A_46 = arith.constant 0 : i32
    %dma_start3A_47 = tpu.memref_slice %arg2[%dma_start3A_45, %dma_start3A_46] : memref<10000x64xf32, #tpu.memory_space<hbm>> -> memref<10000x64xf32, #tpu.memory_space<hbm>>
    tpu.enqueue_indirect_dma source(%dma_start3A_47 : memref<10000x64xf32, #tpu.memory_space<hbm>>) target(%dma_start3A_41 : memref<80x64xf32, #tpu.memory_space<vmem>>) offsets(%dma_start3A_44 : memref<80xi32, #tpu.memory_space<vmem>>) semaphore(%arg12 : memref<!tpu.dma_semaphore, #tpu.memory_space<semaphore_mem>>)
    %scan3A = arith.constant 0 : i32
    %scan3A_48 = arith.constant 62 : i32
    %scan3A_49 = arith.addi %scan3A, %scan3A_48 : i32
    %scan3A_50 = arith.constant 1 : i32
    scf.for %scan3A_152 = %scan3A to %scan3A_49 step %scan3A_50  : i32 {
      %mul3A_153 = arith.constant 2 : i32
      %mul3A_154 = arith.muli %scan3A_152, %mul3A_153 : i32
      %add3A_155 = arith.constant 0 : i32
      %add3A_156 = arith.addi %add3A_155, %mul3A_154 : i32
      %dma_wait3A_157 = arith.constant 0 : i32
      %dma_wait3A_158 = arith.constant 0 : i32
      %dma_wait3A_159 = arith.constant 0 : i32
      %dma_wait3A_160 = tpu.memref_slice %arg8[%dma_wait3A_157, %dma_wait3A_158, %dma_wait3A_159] : memref<2x80x64xf32, #tpu.memory_space<vmem>> -> memref<1x80x64xf32, #tpu.memory_space<vmem>>
      %dma_wait3A_161 = tpu.memref_squeeze %dma_wait3A_160 : memref<1x80x64xf32, #tpu.memory_space<vmem>> -> memref<80x64xf32, #tpu.memory_space<vmem>>
      %dma_wait3A_162 = arith.constant 0 : i32
      %dma_wait3A_163 = tpu.memref_slice %arg6[%add3A_156, %dma_wait3A_162] : memref<125x80xi32, #tpu.memory_space<vmem>> -> memref<1x80xi32, #tpu.memory_space<vmem>>
      %dma_wait3A_164 = tpu.memref_squeeze %dma_wait3A_163 : memref<1x80xi32, #tpu.memory_space<vmem>> -> memref<80xi32, #tpu.memory_space<vmem>>
      %dma_wait3A_165 = arith.constant 0 : i32
      %dma_wait3A_166 = arith.constant 0 : i32
      %dma_wait3A_167 = tpu.memref_slice %arg2[%dma_wait3A_165, %dma_wait3A_166] : memref<10000x64xf32, #tpu.memory_space<hbm>> -> memref<10000x64xf32, #tpu.memory_space<hbm>>
      tpu.wait_indirect_dma semaphore(%arg11 : memref<!tpu.dma_semaphore, #tpu.memory_space<semaphore_mem>>) src(%dma_wait3A_167 : memref<10000x64xf32, #tpu.memory_space<hbm>>) dst(%dma_wait3A_161 : memref<80x64xf32, #tpu.memory_space<vmem>>)
      %dma_wait3A_168 = arith.constant 0 : i32
      %dma_wait3A_169 = arith.constant 0 : i32
      %dma_wait3A_170 = arith.constant 0 : i32
      %dma_wait3A_171 = tpu.memref_slice %arg9[%dma_wait3A_168, %dma_wait3A_169, %dma_wait3A_170] : memref<2x80x64xf32, #tpu.memory_space<vmem>> -> memref<1x80x64xf32, #tpu.memory_space<vmem>>
      %dma_wait3A_172 = tpu.memref_squeeze %dma_wait3A_171 : memref<1x80x64xf32, #tpu.memory_space<vmem>> -> memref<80x64xf32, #tpu.memory_space<vmem>>
      %dma_wait3A_173 = arith.constant 0 : i32
      %dma_wait3A_174 = tpu.memref_slice %arg7[%add3A_156, %dma_wait3A_173] : memref<125x80xi32, #tpu.memory_space<vmem>> -> memref<1x80xi32, #tpu.memory_space<vmem>>
      %dma_wait3A_175 = tpu.memref_squeeze %dma_wait3A_174 : memref<1x80xi32, #tpu.memory_space<vmem>> -> memref<80xi32, #tpu.memory_space<vmem>>
      %dma_wait3A_176 = arith.constant 0 : i32
      %dma_wait3A_177 = arith.constant 0 : i32
      %dma_wait3A_178 = tpu.memref_slice %arg2[%dma_wait3A_176, %dma_wait3A_177] : memref<10000x64xf32, #tpu.memory_space<hbm>> -> memref<10000x64xf32, #tpu.memory_space<hbm>>
      tpu.wait_indirect_dma semaphore(%arg11 : memref<!tpu.dma_semaphore, #tpu.memory_space<semaphore_mem>>) src(%dma_wait3A_178 : memref<10000x64xf32, #tpu.memory_space<hbm>>) dst(%dma_wait3A_172 : memref<80x64xf32, #tpu.memory_space<vmem>>)
      %ge3A = arith.constant 2 : i32
      %ge3A_179 = arith.cmpi sge, %add3A_156, %ge3A : i32
      %convert_element_type3A = arith.extui %ge3A_179 : i1 to i32
      %cond3A = arith.constant 0 : i32
      %cond3A_180 = arith.cmpi ne, %convert_element_type3A, %cond3A : i32
      scf.if %cond3A_180 {
        %sub3A = arith.constant 2 : i32
        %sub3A_288 = arith.subi %add3A_156, %sub3A : i32
        %dma_wait3A_289 = arith.constant 0 : i32
        %dma_wait3A_290 = arith.constant 0 : i32
        %dma_wait3A_291 = arith.constant 0 : i32
        %dma_wait3A_292 = tpu.memref_slice %arg10[%dma_wait3A_289, %dma_wait3A_290, %dma_wait3A_291] : memref<2x80x128xf32, #tpu.memory_space<vmem>> -> memref<1x80x128xf32, #tpu.memory_space<vmem>>
        %dma_wait3A_293 = tpu.memref_squeeze %dma_wait3A_292 : memref<1x80x128xf32, #tpu.memory_space<vmem>> -> memref<80x128xf32, #tpu.memory_space<vmem>>
        %dma_wait3A_294 = arith.constant 0 : i32
        %dma_wait3A_295 = arith.constant 0 : i32
        %dma_wait3A_296 = tpu.memref_slice %arg5[%add3A, %sub3A_288, %dma_wait3A_294, %dma_wait3A_295] : memref<32x125x80x128xf32, #tpu.memory_space<hbm>> -> memref<1x1x80x128xf32, #tpu.memory_space<hbm>>
        %dma_wait3A_297 = tpu.memref_squeeze %dma_wait3A_296 : memref<1x1x80x128xf32, #tpu.memory_space<hbm>> -> memref<80x128xf32, #tpu.memory_space<hbm>>
        %dma_wait3A_298 = arith.constant 0 : i32
        %dma_wait3A_299 = arith.constant 0 : i32
        %dma_wait3A_300 = tpu.memref_slice %arg5[%add3A, %sub3A_288, %dma_wait3A_298, %dma_wait3A_299] : memref<32x125x80x128xf32, #tpu.memory_space<hbm>> -> memref<1x1x80x128xf32, #tpu.memory_space<hbm>>
        %dma_wait3A_301 = tpu.memref_squeeze %dma_wait3A_300 : memref<1x1x80x128xf32, #tpu.memory_space<hbm>> -> memref<80x128xf32, #tpu.memory_space<hbm>>
        %dma_wait3A_302 = arith.constant 0 : i32
        %dma_wait3A_303 = arith.constant 0 : i32
        %dma_wait3A_304 = tpu.memref_slice %arg10[%dma_wait3A_289, %dma_wait3A_302, %dma_wait3A_303] : memref<2x80x128xf32, #tpu.memory_space<vmem>> -> memref<1x80x128xf32, #tpu.memory_space<vmem>>
        %dma_wait3A_305 = tpu.memref_squeeze %dma_wait3A_304 : memref<1x80x128xf32, #tpu.memory_space<vmem>> -> memref<80x128xf32, #tpu.memory_space<vmem>>
        tpu.wait_dma2 semaphore(%arg13 : memref<!tpu.dma_semaphore, #tpu.memory_space<semaphore_mem>>) src(%dma_wait3A_305 : memref<80x128xf32, #tpu.memory_space<vmem>>) dst(%dma_wait3A_301 : memref<80x128xf32, #tpu.memory_space<hbm>>)
      } else {
      }
      %scan3A_181 = arith.constant 0 : i32
      %scan3A_182 = arith.constant 40 : i32
      %scan3A_183 = arith.addi %scan3A_181, %scan3A_182 : i32
      %scan3A_184 = arith.constant 1 : i32
      scf.for %scan3A_288 = %scan3A_181 to %scan3A_183 step %scan3A_184  : i32 {
        %mul3A_289 = arith.constant 2 : i32
        %mul3A_290 = arith.muli %scan3A_288, %mul3A_289 : i32
        %add3A_291 = arith.constant 0 : i32
        %add3A_292 = arith.addi %add3A_291, %mul3A_290 : i32
        %add3A_293 = arith.constant 0 : i32
        %add3A_294 = arith.addi %add3A_292, %add3A_293 : i32
        %get3A = arith.constant 0 : i32
        %get3A_295 = arith.index_cast %get3A : i32 to index
        %get3A_296 = arith.index_cast %add3A_294 : i32 to index
        %get3A_297 = arith.constant 0 : index
        %get3A_298 = tpu.vector_load %arg8[%get3A_295, %get3A_296, %get3A_297] {strides = array<i32>} : memref<2x80x64xf32, #tpu.memory_space<vmem>>, vector<16xf32>,
        %bitcast3A = vector.bitcast %get3A_298 : vector<16xf32> to vector<32xbf16>
        %add3A_299 = arith.constant 0 : i32
        %add3A_300 = arith.addi %add3A_292, %add3A_299 : i32
        %get3A_301 = arith.constant 0 : i32
        %get3A_302 = arith.index_cast %get3A_301 : i32 to index
        %get3A_303 = arith.index_cast %add3A_300 : i32 to index
        %get3A_304 = arith.constant 0 : index
        %get3A_305 = tpu.vector_load %arg9[%get3A_302, %get3A_303, %get3A_304] {strides = array<i32>} : memref<2x80x64xf32, #tpu.memory_space<vmem>>, vector<16xf32>,
        %bitcast3A_306 = vector.bitcast %get3A_305 : vector<16xf32> to vector<32xbf16>
        %mul3A_307 = arith.mulf %bitcast3A, %bitcast3A_306 : vector<32xbf16>
        %unpack3A = tpu.unpack_subelements %mul3A_307, 0 {pack_format = #tpu.pack_format<interleaved>} : vector<32xbf16> -> vector<16xf32>
        %unpack3A_308 = tpu.unpack_subelements %mul3A_307, 1 {pack_format = #tpu.pack_format<interleaved>} : vector<32xbf16> -> vector<16xf32>
        %add3A_309 = arith.constant 0 : i32
        %add3A_310 = arith.addi %add3A_292, %add3A_309 : i32
        %swap3A = arith.constant 0 : i32
        %swap3A_311 = arith.index_cast %swap3A : i32 to index
        %swap3A_312 = arith.index_cast %add3A_310 : i32 to index
        %swap3A_313 = arith.constant 0 : index
        %swap3A_314 = tpu.vector_load %arg10[%swap3A_311, %swap3A_312, %swap3A_313] {strides = array<i32>} : memref<2x80x128xf32, #tpu.memory_space<vmem>>, vector<16xf32>,
        tpu.vector_store %arg10[%swap3A_311, %swap3A_312, %swap3A_313], %unpack3A {strides = array<i32>} : memref<2x80x128xf32, #tpu.memory_space<vmem>>, vector<16xf32>,
        %add3A_315 = arith.constant 0 : i32
        %add3A_316 = arith.addi %add3A_292, %add3A_315 : i32
        %swap3A_317 = arith.constant 0 : i32
        %swap3A_318 = arith.index_cast %swap3A_317 : i32 to index
        %swap3A_319 = arith.index_cast %add3A_316 : i32 to index
        %swap3A_320 = arith.constant 64 : index
        %swap3A_321 = tpu.vector_load %arg10[%swap3A_318, %swap3A_319, %swap3A_320] {strides = array<i32>} : memref<2x80x128xf32, #tpu.memory_space<vmem>>, vector<16xf32>,
        tpu.vector_store %arg10[%swap3A_318, %swap3A_319, %swap3A_320], %unpack3A_308 {strides = array<i32>} : memref<2x80x128xf32, #tpu.memory_space<vmem>>, vector<16xf32>,
        %add3A_322 = arith.constant 0 : i32
        %add3A_323 = arith.addi %add3A_292, %add3A_322 : i32
        %get3A_324 = arith.constant 0 : i32
        %get3A_325 = arith.index_cast %get3A_324 : i32 to index
        %get3A_326 = arith.index_cast %add3A_323 : i32 to index
        %get3A_327 = arith.constant 16 : index
        %get3A_328 = tpu.vector_load %arg8[%get3A_325, %get3A_326, %get3A_327] {strides = array<i32>} : memref<2x80x64xf32, #tpu.memory_space<vmem>>, vector<16xf32>,
        %bitcast3A_329 = vector.bitcast %get3A_328 : vector<16xf32> to vector<32xbf16>
        %add3A_330 = arith.constant 0 : i32
        %add3A_331 = arith.addi %add3A_292, %add3A_330 : i32
        %get3A_332 = arith.constant 0 : i32
        %get3A_333 = arith.index_cast %get3A_332 : i32 to index
        %get3A_334 = arith.index_cast %add3A_331 : i32 to index
        %get3A_335 = arith.constant 16 : index
        %get3A_336 = tpu.vector_load %arg9[%get3A_333, %get3A_334, %get3A_335] {strides = array<i32>} : memref<2x80x64xf32, #tpu.memory_space<vmem>>, vector<16xf32>,
        %bitcast3A_337 = vector.bitcast %get3A_336 : vector<16xf32> to vector<32xbf16>
        %mul3A_338 = arith.mulf %bitcast3A_329, %bitcast3A_337 : vector<32xbf16>
        %unpack3A_339 = tpu.unpack_subelements %mul3A_338, 0 {pack_format = #tpu.pack_format<interleaved>} : vector<32xbf16> -> vector<16xf32>
        %unpack3A_340 = tpu.unpack_subelements %mul3A_338, 1 {pack_format = #tpu.pack_format<interleaved>} : vector<32xbf16> -> vector<16xf32>
        %add3A_341 = arith.constant 0 : i32
        %add3A_342 = arith.addi %add3A_292, %add3A_341 : i32
        %swap3A_343 = arith.constant 0 : i32
        %swap3A_344 = arith.index_cast %swap3A_343 : i32 to index
        %swap3A_345 = arith.index_cast %add3A_342 : i32 to index
        %swap3A_346 = arith.constant 16 : index
        %swap3A_347 = tpu.vector_load %arg10[%swap3A_344, %swap3A_345, %swap3A_346] {strides = array<i32>} : memref<2x80x128xf32, #tpu.memory_space<vmem>>, vector<16xf32>,
        tpu.vector_store %arg10[%swap3A_344, %swap3A_345, %swap3A_346], %unpack3A_339 {strides = array<i32>} : memref<2x80x128xf32, #tpu.memory_space<vmem>>, vector<16xf32>,
        %add3A_348 = arith.constant 0 : i32
        %add3A_349 = arith.addi %add3A_292, %add3A_348 : i32
        %swap3A_350 = arith.constant 0 : i32
        %swap3A_351 = arith.index_cast %swap3A_350 : i32 to index
        %swap3A_352 = arith.index_cast %add3A_349 : i32 to index
        %swap3A_353 = arith.constant 80 : index
        %swap3A_354 = tpu.vector_load %arg10[%swap3A_351, %swap3A_352, %swap3A_353] {strides = array<i32>} : memref<2x80x128xf32, #tpu.memory_space<vmem>>, vector<16xf32>,
        tpu.vector_store %arg10[%swap3A_351, %swap3A_352, %swap3A_353], %unpack3A_340 {strides = array<i32>} : memref<2x80x128xf32, #tpu.memory_space<vmem>>, vector<16xf32>,
        %add3A_355 = arith.constant 0 : i32
        %add3A_356 = arith.addi %add3A_292, %add3A_355 : i32
        %get3A_357 = arith.constant 0 : i32
        %get3A_358 = arith.index_cast %get3A_357 : i32 to index
        %get3A_359 = arith.index_cast %add3A_356 : i32 to index
        %get3A_360 = arith.constant 32 : index
        %get3A_361 = tpu.vector_load %arg8[%get3A_358, %get3A_359, %get3A_360] {strides = array<i32>} : memref<2x80x64xf32, #tpu.memory_space<vmem>>, vector<16xf32>,
        %bitcast3A_362 = vector.bitcast %get3A_361 : vector<16xf32> to vector<32xbf16>
        %add3A_363 = arith.constant 0 : i32
        %add3A_364 = arith.addi %add3A_292, %add3A_363 : i32
        %get3A_365 = arith.constant 0 : i32
        %get3A_366 = arith.index_cast %get3A_365 : i32 to index
        %get3A_367 = arith.index_cast %add3A_364 : i32 to index
        %get3A_368 = arith.constant 32 : index
        %get3A_369 = tpu.vector_load %arg9[%get3A_366, %get3A_367, %get3A_368] {strides = array<i32>} : memref<2x80x64xf32, #tpu.memory_space<vmem>>, vector<16xf32>,
        %bitcast3A_370 = vector.bitcast %get3A_369 : vector<16xf32> to vector<32xbf16>
        %mul3A_371 = arith.mulf %bitcast3A_362, %bitcast3A_370 : vector<32xbf16>
        %unpack3A_372 = tpu.unpack_subelements %mul3A_371, 0 {pack_format = #tpu.pack_format<interleaved>} : vector<32xbf16> -> vector<16xf32>
        %unpack3A_373 = tpu.unpack_subelements %mul3A_371, 1 {pack_format = #tpu.pack_format<interleaved>} : vector<32xbf16> -> vector<16xf32>
        %add3A_374 = arith.constant 0 : i32
        %add3A_375 = arith.addi %add3A_292, %add3A_374 : i32
        %swap3A_376 = arith.constant 0 : i32
        %swap3A_377 = arith.index_cast %swap3A_376 : i32 to index
        %swap3A_378 = arith.index_cast %add3A_375 : i32 to index
        %swap3A_379 = arith.constant 32 : index
        %swap3A_380 = tpu.vector_load %arg10[%swap3A_377, %swap3A_378, %swap3A_379] {strides = array<i32>} : memref<2x80x128xf32, #tpu.memory_space<vmem>>, vector<16xf32>,
        tpu.vector_store %arg10[%swap3A_377, %swap3A_378, %swap3A_379], %unpack3A_372 {strides = array<i32>} : memref<2x80x128xf32, #tpu.memory_space<vmem>>, vector<16xf32>,
        %add3A_381 = arith.constant 0 : i32
        %add3A_382 = arith.addi %add3A_292, %add3A_381 : i32
        %swap3A_383 = arith.constant 0 : i32
        %swap3A_384 = arith.index_cast %swap3A_383 : i32 to index
        %swap3A_385 = arith.index_cast %add3A_382 : i32 to index
        %swap3A_386 = arith.constant 96 : index
        %swap3A_387 = tpu.vector_load %arg10[%swap3A_384, %swap3A_385, %swap3A_386] {strides = array<i32>} : memref<2x80x128xf32, #tpu.memory_space<vmem>>, vector<16xf32>,
        tpu.vector_store %arg10[%swap3A_384, %swap3A_385, %swap3A_386], %unpack3A_373 {strides = array<i32>} : memref<2x80x128xf32, #tpu.memory_space<vmem>>, vector<16xf32>,
        %add3A_388 = arith.constant 0 : i32
        %add3A_389 = arith.addi %add3A_292, %add3A_388 : i32
        %get3A_390 = arith.constant 0 : i32
        %get3A_391 = arith.index_cast %get3A_390 : i32 to index
        %get3A_392 = arith.index_cast %add3A_389 : i32 to index
        %get3A_393 = arith.constant 48 : index
        %get3A_394 = tpu.vector_load %arg8[%get3A_391, %get3A_392, %get3A_393] {strides = array<i32>} : memref<2x80x64xf32, #tpu.memory_space<vmem>>, vector<16xf32>,
        %bitcast3A_395 = vector.bitcast %get3A_394 : vector<16xf32> to vector<32xbf16>
        %add3A_396 = arith.constant 0 : i32
        %add3A_397 = arith.addi %add3A_292, %add3A_396 : i32
        %get3A_398 = arith.constant 0 : i32
        %get3A_399 = arith.index_cast %get3A_398 : i32 to index
        %get3A_400 = arith.index_cast %add3A_397 : i32 to index
        %get3A_401 = arith.constant 48 : index
        %get3A_402 = tpu.vector_load %arg9[%get3A_399, %get3A_400, %get3A_401] {strides = array<i32>} : memref<2x80x64xf32, #tpu.memory_space<vmem>>, vector<16xf32>,
        %bitcast3A_403 = vector.bitcast %get3A_402 : vector<16xf32> to vector<32xbf16>
        %mul3A_404 = arith.mulf %bitcast3A_395, %bitcast3A_403 : vector<32xbf16>
        %unpack3A_405 = tpu.unpack_subelements %mul3A_404, 0 {pack_format = #tpu.pack_format<interleaved>} : vector<32xbf16> -> vector<16xf32>
        %unpack3A_406 = tpu.unpack_subelements %mul3A_404, 1 {pack_format = #tpu.pack_format<interleaved>} : vector<32xbf16> -> vector<16xf32>
        %add3A_407 = arith.constant 0 : i32
        %add3A_408 = arith.addi %add3A_292, %add3A_407 : i32
        %swap3A_409 = arith.constant 0 : i32
        %swap3A_410 = arith.index_cast %swap3A_409 : i32 to index
        %swap3A_411 = arith.index_cast %add3A_408 : i32 to index
        %swap3A_412 = arith.constant 48 : index
        %swap3A_413 = tpu.vector_load %arg10[%swap3A_410, %swap3A_411, %swap3A_412] {strides = array<i32>} : memref<2x80x128xf32, #tpu.memory_space<vmem>>, vector<16xf32>,
        tpu.vector_store %arg10[%swap3A_410, %swap3A_411, %swap3A_412], %unpack3A_405 {strides = array<i32>} : memref<2x80x128xf32, #tpu.memory_space<vmem>>, vector<16xf32>,
        %add3A_414 = arith.constant 0 : i32
        %add3A_415 = arith.addi %add3A_292, %add3A_414 : i32
        %swap3A_416 = arith.constant 0 : i32
        %swap3A_417 = arith.index_cast %swap3A_416 : i32 to index
        %swap3A_418 = arith.index_cast %add3A_415 : i32 to index
        %swap3A_419 = arith.constant 112 : index
        %swap3A_420 = tpu.vector_load %arg10[%swap3A_417, %swap3A_418, %swap3A_419] {strides = array<i32>} : memref<2x80x128xf32, #tpu.memory_space<vmem>>, vector<16xf32>,
        tpu.vector_store %arg10[%swap3A_417, %swap3A_418, %swap3A_419], %unpack3A_406 {strides = array<i32>} : memref<2x80x128xf32, #tpu.memory_space<vmem>>, vector<16xf32>,
        %add3A_421 = arith.constant 1 : i32
        %add3A_422 = arith.addi %add3A_292, %add3A_421 : i32
        %get3A_423 = arith.constant 0 : i32
        %get3A_424 = arith.index_cast %get3A_423 : i32 to index
        %get3A_425 = arith.index_cast %add3A_422 : i32 to index
        %get3A_426 = arith.constant 0 : index
        %get3A_427 = tpu.vector_load %arg8[%get3A_424, %get3A_425, %get3A_426] {strides = array<i32>} : memref<2x80x64xf32, #tpu.memory_space<vmem>>, vector<16xf32>,
        %bitcast3A_428 = vector.bitcast %get3A_427 : vector<16xf32> to vector<32xbf16>
        %add3A_429 = arith.constant 1 : i32
        %add3A_430 = arith.addi %add3A_292, %add3A_429 : i32
        %get3A_431 = arith.constant 0 : i32
        %get3A_432 = arith.index_cast %get3A_431 : i32 to index
        %get3A_433 = arith.index_cast %add3A_430 : i32 to index
        %get3A_434 = arith.constant 0 : index
        %get3A_435 = tpu.vector_load %arg9[%get3A_432, %get3A_433, %get3A_434] {strides = array<i32>} : memref<2x80x64xf32, #tpu.memory_space<vmem>>, vector<16xf32>,
        %bitcast3A_436 = vector.bitcast %get3A_435 : vector<16xf32> to vector<32xbf16>
        %mul3A_437 = arith.mulf %bitcast3A_428, %bitcast3A_436 : vector<32xbf16>
        %unpack3A_438 = tpu.unpack_subelements %mul3A_437, 0 {pack_format = #tpu.pack_format<interleaved>} : vector<32xbf16> -> vector<16xf32>
        %unpack3A_439 = tpu.unpack_subelements %mul3A_437, 1 {pack_format = #tpu.pack_format<interleaved>} : vector<32xbf16> -> vector<16xf32>
        %add3A_440 = arith.constant 1 : i32
        %add3A_441 = arith.addi %add3A_292, %add3A_440 : i32
        %swap3A_442 = arith.constant 0 : i32
        %swap3A_443 = arith.index_cast %swap3A_442 : i32 to index
        %swap3A_444 = arith.index_cast %add3A_441 : i32 to index
        %swap3A_445 = arith.constant 0 : index
        %swap3A_446 = tpu.vector_load %arg10[%swap3A_443, %swap3A_444, %swap3A_445] {strides = array<i32>} : memref<2x80x128xf32, #tpu.memory_space<vmem>>, vector<16xf32>,
        tpu.vector_store %arg10[%swap3A_443, %swap3A_444, %swap3A_445], %unpack3A_438 {strides = array<i32>} : memref<2x80x128xf32, #tpu.memory_space<vmem>>, vector<16xf32>,
        %add3A_447 = arith.constant 1 : i32
        %add3A_448 = arith.addi %add3A_292, %add3A_447 : i32
        %swap3A_449 = arith.constant 0 : i32
        %swap3A_450 = arith.index_cast %swap3A_449 : i32 to index
        %swap3A_451 = arith.index_cast %add3A_448 : i32 to index
        %swap3A_452 = arith.constant 64 : index
        %swap3A_453 = tpu.vector_load %arg10[%swap3A_450, %swap3A_451, %swap3A_452] {strides = array<i32>} : memref<2x80x128xf32, #tpu.memory_space<vmem>>, vector<16xf32>,
        tpu.vector_store %arg10[%swap3A_450, %swap3A_451, %swap3A_452], %unpack3A_439 {strides = array<i32>} : memref<2x80x128xf32, #tpu.memory_space<vmem>>, vector<16xf32>,
        %add3A_454 = arith.constant 1 : i32
        %add3A_455 = arith.addi %add3A_292, %add3A_454 : i32
        %get3A_456 = arith.constant 0 : i32
        %get3A_457 = arith.index_cast %get3A_456 : i32 to index
        %get3A_458 = arith.index_cast %add3A_455 : i32 to index
        %get3A_459 = arith.constant 16 : index
        %get3A_460 = tpu.vector_load %arg8[%get3A_457, %get3A_458, %get3A_459] {strides = array<i32>} : memref<2x80x64xf32, #tpu.memory_space<vmem>>, vector<16xf32>,
        %bitcast3A_461 = vector.bitcast %get3A_460 : vector<16xf32> to vector<32xbf16>
        %add3A_462 = arith.constant 1 : i32
        %add3A_463 = arith.addi %add3A_292, %add3A_462 : i32
        %get3A_464 = arith.constant 0 : i32
        %get3A_465 = arith.index_cast %get3A_464 : i32 to index
        %get3A_466 = arith.index_cast %add3A_463 : i32 to index
        %get3A_467 = arith.constant 16 : index
        %get3A_468 = tpu.vector_load %arg9[%get3A_465, %get3A_466, %get3A_467] {strides = array<i32>} : memref<2x80x64xf32, #tpu.memory_space<vmem>>, vector<16xf32>,
        %bitcast3A_469 = vector.bitcast %get3A_468 : vector<16xf32> to vector<32xbf16>
        %mul3A_470 = arith.mulf %bitcast3A_461, %bitcast3A_469 : vector<32xbf16>
        %unpack3A_471 = tpu.unpack_subelements %mul3A_470, 0 {pack_format = #tpu.pack_format<interleaved>} : vector<32xbf16> -> vector<16xf32>
        %unpack3A_472 = tpu.unpack_subelements %mul3A_470, 1 {pack_format = #tpu.pack_format<interleaved>} : vector<32xbf16> -> vector<16xf32>
        %add3A_473 = arith.constant 1 : i32
        %add3A_474 = arith.addi %add3A_292, %add3A_473 : i32
        %swap3A_475 = arith.constant 0 : i32
        %swap3A_476 = arith.index_cast %swap3A_475 : i32 to index
        %swap3A_477 = arith.index_cast %add3A_474 : i32 to index
        %swap3A_478 = arith.constant 16 : index
        %swap3A_479 = tpu.vector_load %arg10[%swap3A_476, %swap3A_477, %swap3A_478] {strides = array<i32>} : memref<2x80x128xf32, #tpu.memory_space<vmem>>, vector<16xf32>,
        tpu.vector_store %arg10[%swap3A_476, %swap3A_477, %swap3A_478], %unpack3A_471 {strides = array<i32>} : memref<2x80x128xf32, #tpu.memory_space<vmem>>, vector<16xf32>,
        %add3A_480 = arith.constant 1 : i32
        %add3A_481 = arith.addi %add3A_292, %add3A_480 : i32
        %swap3A_482 = arith.constant 0 : i32
        %swap3A_483 = arith.index_cast %swap3A_482 : i32 to index
        %swap3A_484 = arith.index_cast %add3A_481 : i32 to index
        %swap3A_485 = arith.constant 80 : index
        %swap3A_486 = tpu.vector_load %arg10[%swap3A_483, %swap3A_484, %swap3A_485] {strides = array<i32>} : memref<2x80x128xf32, #tpu.memory_space<vmem>>, vector<16xf32>,
        tpu.vector_store %arg10[%swap3A_483, %swap3A_484, %swap3A_485], %unpack3A_472 {strides = array<i32>} : memref<2x80x128xf32, #tpu.memory_space<vmem>>, vector<16xf32>,
        %add3A_487 = arith.constant 1 : i32
        %add3A_488 = arith.addi %add3A_292, %add3A_487 : i32
        %get3A_489 = arith.constant 0 : i32
        %get3A_490 = arith.index_cast %get3A_489 : i32 to index
        %get3A_491 = arith.index_cast %add3A_488 : i32 to index
        %get3A_492 = arith.constant 32 : index
        %get3A_493 = tpu.vector_load %arg8[%get3A_490, %get3A_491, %get3A_492] {strides = array<i32>} : memref<2x80x64xf32, #tpu.memory_space<vmem>>, vector<16xf32>,
        %bitcast3A_494 = vector.bitcast %get3A_493 : vector<16xf32> to vector<32xbf16>
        %add3A_495 = arith.constant 1 : i32
        %add3A_496 = arith.addi %add3A_292, %add3A_495 : i32
        %get3A_497 = arith.constant 0 : i32
        %get3A_498 = arith.index_cast %get3A_497 : i32 to index
        %get3A_499 = arith.index_cast %add3A_496 : i32 to index
        %get3A_500 = arith.constant 32 : index
        %get3A_501 = tpu.vector_load %arg9[%get3A_498, %get3A_499, %get3A_500] {strides = array<i32>} : memref<2x80x64xf32, #tpu.memory_space<vmem>>, vector<16xf32>,
        %bitcast3A_502 = vector.bitcast %get3A_501 : vector<16xf32> to vector<32xbf16>
        %mul3A_503 = arith.mulf %bitcast3A_494, %bitcast3A_502 : vector<32xbf16>
        %unpack3A_504 = tpu.unpack_subelements %mul3A_503, 0 {pack_format = #tpu.pack_format<interleaved>} : vector<32xbf16> -> vector<16xf32>
        %unpack3A_505 = tpu.unpack_subelements %mul3A_503, 1 {pack_format = #tpu.pack_format<interleaved>} : vector<32xbf16> -> vector<16xf32>
        %add3A_506 = arith.constant 1 : i32
        %add3A_507 = arith.addi %add3A_292, %add3A_506 : i32
        %swap3A_508 = arith.constant 0 : i32
        %swap3A_509 = arith.index_cast %swap3A_508 : i32 to index
        %swap3A_510 = arith.index_cast %add3A_507 : i32 to index
        %swap3A_511 = arith.constant 32 : index
        %swap3A_512 = tpu.vector_load %arg10[%swap3A_509, %swap3A_510, %swap3A_511] {strides = array<i32>} : memref<2x80x128xf32, #tpu.memory_space<vmem>>, vector<16xf32>,
        tpu.vector_store %arg10[%swap3A_509, %swap3A_510, %swap3A_511], %unpack3A_504 {strides = array<i32>} : memref<2x80x128xf32, #tpu.memory_space<vmem>>, vector<16xf32>,
        %add3A_513 = arith.constant 1 : i32
        %add3A_514 = arith.addi %add3A_292, %add3A_513 : i32
        %swap3A_515 = arith.constant 0 : i32
        %swap3A_516 = arith.index_cast %swap3A_515 : i32 to index
        %swap3A_517 = arith.index_cast %add3A_514 : i32 to index
        %swap3A_518 = arith.constant 96 : index
        %swap3A_519 = tpu.vector_load %arg10[%swap3A_516, %swap3A_517, %swap3A_518] {strides = array<i32>} : memref<2x80x128xf32, #tpu.memory_space<vmem>>, vector<16xf32>,
        tpu.vector_store %arg10[%swap3A_516, %swap3A_517, %swap3A_518], %unpack3A_505 {strides = array<i32>} : memref<2x80x128xf32, #tpu.memory_space<vmem>>, vector<16xf32>,
        %add3A_520 = arith.constant 1 : i32
        %add3A_521 = arith.addi %add3A_292, %add3A_520 : i32
        %get3A_522 = arith.constant 0 : i32
        %get3A_523 = arith.index_cast %get3A_522 : i32 to index
        %get3A_524 = arith.index_cast %add3A_521 : i32 to index
        %get3A_525 = arith.constant 48 : index
        %get3A_526 = tpu.vector_load %arg8[%get3A_523, %get3A_524, %get3A_525] {strides = array<i32>} : memref<2x80x64xf32, #tpu.memory_space<vmem>>, vector<16xf32>,
        %bitcast3A_527 = vector.bitcast %get3A_526 : vector<16xf32> to vector<32xbf16>
        %add3A_528 = arith.constant 1 : i32
        %add3A_529 = arith.addi %add3A_292, %add3A_528 : i32
        %get3A_530 = arith.constant 0 : i32
        %get3A_531 = arith.index_cast %get3A_530 : i32 to index
        %get3A_532 = arith.index_cast %add3A_529 : i32 to index
        %get3A_533 = arith.constant 48 : index
        %get3A_534 = tpu.vector_load %arg9[%get3A_531, %get3A_532, %get3A_533] {strides = array<i32>} : memref<2x80x64xf32, #tpu.memory_space<vmem>>, vector<16xf32>,
        %bitcast3A_535 = vector.bitcast %get3A_534 : vector<16xf32> to vector<32xbf16>
        %mul3A_536 = arith.mulf %bitcast3A_527, %bitcast3A_535 : vector<32xbf16>
        %unpack3A_537 = tpu.unpack_subelements %mul3A_536, 0 {pack_format = #tpu.pack_format<interleaved>} : vector<32xbf16> -> vector<16xf32>
        %unpack3A_538 = tpu.unpack_subelements %mul3A_536, 1 {pack_format = #tpu.pack_format<interleaved>} : vector<32xbf16> -> vector<16xf32>
        %add3A_539 = arith.constant 1 : i32
        %add3A_540 = arith.addi %add3A_292, %add3A_539 : i32
        %swap3A_541 = arith.constant 0 : i32
        %swap3A_542 = arith.index_cast %swap3A_541 : i32 to index
        %swap3A_543 = arith.index_cast %add3A_540 : i32 to index
        %swap3A_544 = arith.constant 48 : index
        %swap3A_545 = tpu.vector_load %arg10[%swap3A_542, %swap3A_543, %swap3A_544] {strides = array<i32>} : memref<2x80x128xf32, #tpu.memory_space<vmem>>, vector<16xf32>,
        tpu.vector_store %arg10[%swap3A_542, %swap3A_543, %swap3A_544], %unpack3A_537 {strides = array<i32>} : memref<2x80x128xf32, #tpu.memory_space<vmem>>, vector<16xf32>,
        %add3A_546 = arith.constant 1 : i32
        %add3A_547 = arith.addi %add3A_292, %add3A_546 : i32
        %swap3A_548 = arith.constant 0 : i32
        %swap3A_549 = arith.index_cast %swap3A_548 : i32 to index
        %swap3A_550 = arith.index_cast %add3A_547 : i32 to index
        %swap3A_551 = arith.constant 112 : index
        %swap3A_552 = tpu.vector_load %arg10[%swap3A_549, %swap3A_550, %swap3A_551] {strides = array<i32>} : memref<2x80x128xf32, #tpu.memory_space<vmem>>, vector<16xf32>,
        tpu.vector_store %arg10[%swap3A_549, %swap3A_550, %swap3A_551], %unpack3A_538 {strides = array<i32>} : memref<2x80x128xf32, #tpu.memory_space<vmem>>, vector<16xf32>,
      }
      %scan3A_185 = arith.constant 40 : i32
      %dma_start3A_186 = arith.constant 0 : i32
      %dma_start3A_187 = arith.constant 0 : i32
      %dma_start3A_188 = arith.constant 0 : i32
      %dma_start3A_189 = tpu.memref_slice %arg10[%dma_start3A_186, %dma_start3A_187, %dma_start3A_188] : memref<2x80x128xf32, #tpu.memory_space<vmem>> -> memref<1x80x128xf32, #tpu.memory_space<vmem>>
      %dma_start3A_190 = tpu.memref_squeeze %dma_start3A_189 : memref<1x80x128xf32, #tpu.memory_space<vmem>> -> memref<80x128xf32, #tpu.memory_space<vmem>>
      %dma_start3A_191 = arith.constant 0 : i32
      %dma_start3A_192 = arith.constant 0 : i32
      %dma_start3A_193 = tpu.memref_slice %arg5[%add3A, %add3A_156, %dma_start3A_191, %dma_start3A_192] : memref<32x125x80x128xf32, #tpu.memory_space<hbm>> -> memref<1x1x80x128xf32, #tpu.memory_space<hbm>>
      %dma_start3A_194 = tpu.memref_squeeze %dma_start3A_193 : memref<1x1x80x128xf32, #tpu.memory_space<hbm>> -> memref<80x128xf32, #tpu.memory_space<hbm>>
      %dma_start3A_195 = arith.constant 0 : i32
      %dma_start3A_196 = arith.constant 0 : i32
      %dma_start3A_197 = tpu.memref_slice %arg5[%add3A, %add3A_156, %dma_start3A_195, %dma_start3A_196] : memref<32x125x80x128xf32, #tpu.memory_space<hbm>> -> memref<1x1x80x128xf32, #tpu.memory_space<hbm>>
      %dma_start3A_198 = tpu.memref_squeeze %dma_start3A_197 : memref<1x1x80x128xf32, #tpu.memory_space<hbm>> -> memref<80x128xf32, #tpu.memory_space<hbm>>
      %dma_start3A_199 = arith.constant 0 : i32
      %dma_start3A_200 = arith.constant 0 : i32
      %dma_start3A_201 = tpu.memref_slice %arg10[%dma_start3A_186, %dma_start3A_199, %dma_start3A_200] : memref<2x80x128xf32, #tpu.memory_space<vmem>> -> memref<1x80x128xf32, #tpu.memory_space<vmem>>
      %dma_start3A_202 = tpu.memref_squeeze %dma_start3A_201 : memref<1x80x128xf32, #tpu.memory_space<vmem>> -> memref<80x128xf32, #tpu.memory_space<vmem>>
      tpu.enqueue_dma source(%dma_start3A_202 : memref<80x128xf32, #tpu.memory_space<vmem>>) target(%dma_start3A_198 : memref<80x128xf32, #tpu.memory_space<hbm>>) target_semaphore(%arg13 : memref<!tpu.dma_semaphore, #tpu.memory_space<semaphore_mem>>)
      %add3A_203 = arith.constant 2 : i32
      %add3A_204 = arith.addi %add3A_156, %add3A_203 : i32
      %dma_start3A_205 = arith.constant 0 : i32
      %dma_start3A_206 = arith.constant 0 : i32
      %dma_start3A_207 = arith.constant 0 : i32
      %dma_start3A_208 = tpu.memref_slice %arg8[%dma_start3A_205, %dma_start3A_206, %dma_start3A_207] : memref<2x80x64xf32, #tpu.memory_space<vmem>> -> memref<1x80x64xf32, #tpu.memory_space<vmem>>
      %dma_start3A_209 = tpu.memref_squeeze %dma_start3A_208 : memref<1x80x64xf32, #tpu.memory_space<vmem>> -> memref<80x64xf32, #tpu.memory_space<vmem>>
      %dma_start3A_210 = arith.constant 0 : i32
      %dma_start3A_211 = tpu.memref_slice %arg6[%add3A_204, %dma_start3A_210] : memref<125x80xi32, #tpu.memory_space<vmem>> -> memref<1x80xi32, #tpu.memory_space<vmem>>
      %dma_start3A_212 = tpu.memref_squeeze %dma_start3A_211 : memref<1x80xi32, #tpu.memory_space<vmem>> -> memref<80xi32, #tpu.memory_space<vmem>>
      %dma_start3A_213 = arith.constant 0 : i32
      %dma_start3A_214 = arith.constant 0 : i32
      %dma_start3A_215 = tpu.memref_slice %arg2[%dma_start3A_213, %dma_start3A_214] : memref<10000x64xf32, #tpu.memory_space<hbm>> -> memref<10000x64xf32, #tpu.memory_space<hbm>>
      tpu.enqueue_indirect_dma source(%dma_start3A_215 : memref<10000x64xf32, #tpu.memory_space<hbm>>) target(%dma_start3A_209 : memref<80x64xf32, #tpu.memory_space<vmem>>) offsets(%dma_start3A_212 : memref<80xi32, #tpu.memory_space<vmem>>) semaphore(%arg11 : memref<!tpu.dma_semaphore, #tpu.memory_space<semaphore_mem>>)
      %dma_start3A_216 = arith.constant 0 : i32
      %dma_start3A_217 = arith.constant 0 : i32
      %dma_start3A_218 = arith.constant 0 : i32
      %dma_start3A_219 = tpu.memref_slice %arg9[%dma_start3A_216, %dma_start3A_217, %dma_start3A_218] : memref<2x80x64xf32, #tpu.memory_space<vmem>> -> memref<1x80x64xf32, #tpu.memory_space<vmem>>
      %dma_start3A_220 = tpu.memref_squeeze %dma_start3A_219 : memref<1x80x64xf32, #tpu.memory_space<vmem>> -> memref<80x64xf32, #tpu.memory_space<vmem>>
      %dma_start3A_221 = arith.constant 0 : i32
      %dma_start3A_222 = tpu.memref_slice %arg7[%add3A_204, %dma_start3A_221] : memref<125x80xi32, #tpu.memory_space<vmem>> -> memref<1x80xi32, #tpu.memory_space<vmem>>
      %dma_start3A_223 = tpu.memref_squeeze %dma_start3A_222 : memref<1x80xi32, #tpu.memory_space<vmem>> -> memref<80xi32, #tpu.memory_space<vmem>>
      %dma_start3A_224 = arith.constant 0 : i32
      %dma_start3A_225 = arith.constant 0 : i32
      %dma_start3A_226 = tpu.memref_slice %arg2[%dma_start3A_224, %dma_start3A_225] : memref<10000x64xf32, #tpu.memory_space<hbm>> -> memref<10000x64xf32, #tpu.memory_space<hbm>>
      tpu.enqueue_indirect_dma source(%dma_start3A_226 : memref<10000x64xf32, #tpu.memory_space<hbm>>) target(%dma_start3A_220 : memref<80x64xf32, #tpu.memory_space<vmem>>) offsets(%dma_start3A_223 : memref<80xi32, #tpu.memory_space<vmem>>) semaphore(%arg11 : memref<!tpu.dma_semaphore, #tpu.memory_space<semaphore_mem>>)
      %add3A_227 = arith.constant 1 : i32
      %add3A_228 = arith.addi %add3A_156, %add3A_227 : i32
      %dma_wait3A_229 = arith.constant 1 : i32
      %dma_wait3A_230 = arith.constant 0 : i32
      %dma_wait3A_231 = arith.constant 0 : i32
      %dma_wait3A_232 = tpu.memref_slice %arg8[%dma_wait3A_229, %dma_wait3A_230, %dma_wait3A_231] : memref<2x80x64xf32, #tpu.memory_space<vmem>> -> memref<1x80x64xf32, #tpu.memory_space<vmem>>
      %dma_wait3A_233 = tpu.memref_squeeze %dma_wait3A_232 : memref<1x80x64xf32, #tpu.memory_space<vmem>> -> memref<80x64xf32, #tpu.memory_space<vmem>>
      %dma_wait3A_234 = arith.constant 0 : i32
      %dma_wait3A_235 = tpu.memref_slice %arg6[%add3A_228, %dma_wait3A_234] : memref<125x80xi32, #tpu.memory_space<vmem>> -> memref<1x80xi32, #tpu.memory_space<vmem>>
      %dma_wait3A_236 = tpu.memref_squeeze %dma_wait3A_235 : memref<1x80xi32, #tpu.memory_space<vmem>> -> memref<80xi32, #tpu.memory_space<vmem>>
      %dma_wait3A_237 = arith.constant 0 : i32
      %dma_wait3A_238 = arith.constant 0 : i32
      %dma_wait3A_239 = tpu.memref_slice %arg2[%dma_wait3A_237, %dma_wait3A_238] : memref<10000x64xf32, #tpu.memory_space<hbm>> -> memref<10000x64xf32, #tpu.memory_space<hbm>>
      tpu.wait_indirect_dma semaphore(%arg12 : memref<!tpu.dma_semaphore, #tpu.memory_space<semaphore_mem>>) src(%dma_wait3A_239 : memref<10000x64xf32, #tpu.memory_space<hbm>>) dst(%dma_wait3A_233 : memref<80x64xf32, #tpu.memory_space<vmem>>)
      %dma_wait3A_240 = arith.constant 1 : i32
      %dma_wait3A_241 = arith.constant 0 : i32
      %dma_wait3A_242 = arith.constant 0 : i32
      %dma_wait3A_243 = tpu.memref_slice %arg9[%dma_wait3A_240, %dma_wait3A_241, %dma_wait3A_242] : memref<2x80x64xf32, #tpu.memory_space<vmem>> -> memref<1x80x64xf32, #tpu.memory_space<vmem>>
      %dma_wait3A_244 = tpu.memref_squeeze %dma_wait3A_243 : memref<1x80x64xf32, #tpu.memory_space<vmem>> -> memref<80x64xf32, #tpu.memory_space<vmem>>
      %dma_wait3A_245 = arith.constant 0 : i32
      %dma_wait3A_246 = tpu.memref_slice %arg7[%add3A_228, %dma_wait3A_245] : memref<125x80xi32, #tpu.memory_space<vmem>> -> memref<1x80xi32, #tpu.memory_space<vmem>>
      %dma_wait3A_247 = tpu.memref_squeeze %dma_wait3A_246 : memref<1x80xi32, #tpu.memory_space<vmem>> -> memref<80xi32, #tpu.memory_space<vmem>>
      %dma_wait3A_248 = arith.constant 0 : i32
      %dma_wait3A_249 = arith.constant 0 : i32
      %dma_wait3A_250 = tpu.memref_slice %arg2[%dma_wait3A_248, %dma_wait3A_249] : memref<10000x64xf32, #tpu.memory_space<hbm>> -> memref<10000x64xf32, #tpu.memory_space<hbm>>
      tpu.wait_indirect_dma semaphore(%arg12 : memref<!tpu.dma_semaphore, #tpu.memory_space<semaphore_mem>>) src(%dma_wait3A_250 : memref<10000x64xf32, #tpu.memory_space<hbm>>) dst(%dma_wait3A_244 : memref<80x64xf32, #tpu.memory_space<vmem>>)
      %ge3A_251 = arith.constant 2 : i32
      %ge3A_252 = arith.cmpi sge, %add3A_156, %ge3A_251 : i32
      %convert_element_type3A_253 = arith.extui %ge3A_252 : i1 to i32
      %cond3A_254 = arith.constant 0 : i32
      %cond3A_255 = arith.cmpi ne, %convert_element_type3A_253, %cond3A_254 : i32
      scf.if %cond3A_255 {
        %sub3A = arith.constant 1 : i32
        %sub3A_288 = arith.subi %add3A_156, %sub3A : i32
        %dma_wait3A_289 = arith.constant 1 : i32
        %dma_wait3A_290 = arith.constant 0 : i32
        %dma_wait3A_291 = arith.constant 0 : i32
        %dma_wait3A_292 = tpu.memref_slice %arg10[%dma_wait3A_289, %dma_wait3A_290, %dma_wait3A_291] : memref<2x80x128xf32, #tpu.memory_space<vmem>> -> memref<1x80x128xf32, #tpu.memory_space<vmem>>
        %dma_wait3A_293 = tpu.memref_squeeze %dma_wait3A_292 : memref<1x80x128xf32, #tpu.memory_space<vmem>> -> memref<80x128xf32, #tpu.memory_space<vmem>>
        %dma_wait3A_294 = arith.constant 0 : i32
        %dma_wait3A_295 = arith.constant 0 : i32
        %dma_wait3A_296 = tpu.memref_slice %arg5[%add3A, %sub3A_288, %dma_wait3A_294, %dma_wait3A_295] : memref<32x125x80x128xf32, #tpu.memory_space<hbm>> -> memref<1x1x80x128xf32, #tpu.memory_space<hbm>>
        %dma_wait3A_297 = tpu.memref_squeeze %dma_wait3A_296 : memref<1x1x80x128xf32, #tpu.memory_space<hbm>> -> memref<80x128xf32, #tpu.memory_space<hbm>>
        %dma_wait3A_298 = arith.constant 0 : i32
        %dma_wait3A_299 = arith.constant 0 : i32
        %dma_wait3A_300 = tpu.memref_slice %arg5[%add3A, %sub3A_288, %dma_wait3A_298, %dma_wait3A_299] : memref<32x125x80x128xf32, #tpu.memory_space<hbm>> -> memref<1x1x80x128xf32, #tpu.memory_space<hbm>>
        %dma_wait3A_301 = tpu.memref_squeeze %dma_wait3A_300 : memref<1x1x80x128xf32, #tpu.memory_space<hbm>> -> memref<80x128xf32, #tpu.memory_space<hbm>>
        %dma_wait3A_302 = arith.constant 0 : i32
        %dma_wait3A_303 = arith.constant 0 : i32
        %dma_wait3A_304 = tpu.memref_slice %arg10[%dma_wait3A_289, %dma_wait3A_302, %dma_wait3A_303] : memref<2x80x128xf32, #tpu.memory_space<vmem>> -> memref<1x80x128xf32, #tpu.memory_space<vmem>>
        %dma_wait3A_305 = tpu.memref_squeeze %dma_wait3A_304 : memref<1x80x128xf32, #tpu.memory_space<vmem>> -> memref<80x128xf32, #tpu.memory_space<vmem>>
        tpu.wait_dma2 semaphore(%arg14 : memref<!tpu.dma_semaphore, #tpu.memory_space<semaphore_mem>>) src(%dma_wait3A_305 : memref<80x128xf32, #tpu.memory_space<vmem>>) dst(%dma_wait3A_301 : memref<80x128xf32, #tpu.memory_space<hbm>>)
      } else {
      }
      %add3A_256 = arith.constant 1 : i32
      %add3A_257 = arith.addi %add3A_156, %add3A_256 : i32
      %scan3A_258 = arith.constant 0 : i32
      %scan3A_259 = arith.constant 40 : i32
      %scan3A_260 = arith.addi %scan3A_258, %scan3A_259 : i32
      %scan3A_261 = arith.constant 1 : i32
      scf.for %scan3A_288 = %scan3A_258 to %scan3A_260 step %scan3A_261  : i32 {
        %mul3A_289 = arith.constant 2 : i32
        %mul3A_290 = arith.muli %scan3A_288, %mul3A_289 : i32
        %add3A_291 = arith.constant 0 : i32
        %add3A_292 = arith.addi %add3A_291, %mul3A_290 : i32
        %add3A_293 = arith.constant 0 : i32
        %add3A_294 = arith.addi %add3A_292, %add3A_293 : i32
        %get3A = arith.constant 1 : i32
        %get3A_295 = arith.index_cast %get3A : i32 to index
        %get3A_296 = arith.index_cast %add3A_294 : i32 to index
        %get3A_297 = arith.constant 0 : index
        %get3A_298 = tpu.vector_load %arg8[%get3A_295, %get3A_296, %get3A_297] {strides = array<i32>} : memref<2x80x64xf32, #tpu.memory_space<vmem>>, vector<16xf32>,
        %bitcast3A = vector.bitcast %get3A_298 : vector<16xf32> to vector<32xbf16>
        %add3A_299 = arith.constant 0 : i32
        %add3A_300 = arith.addi %add3A_292, %add3A_299 : i32
        %get3A_301 = arith.constant 1 : i32
        %get3A_302 = arith.index_cast %get3A_301 : i32 to index
        %get3A_303 = arith.index_cast %add3A_300 : i32 to index
        %get3A_304 = arith.constant 0 : index
        %get3A_305 = tpu.vector_load %arg9[%get3A_302, %get3A_303, %get3A_304] {strides = array<i32>} : memref<2x80x64xf32, #tpu.memory_space<vmem>>, vector<16xf32>,
        %bitcast3A_306 = vector.bitcast %get3A_305 : vector<16xf32> to vector<32xbf16>
        %mul3A_307 = arith.mulf %bitcast3A, %bitcast3A_306 : vector<32xbf16>
        %unpack3A = tpu.unpack_subelements %mul3A_307, 0 {pack_format = #tpu.pack_format<interleaved>} : vector<32xbf16> -> vector<16xf32>
        %unpack3A_308 = tpu.unpack_subelements %mul3A_307, 1 {pack_format = #tpu.pack_format<interleaved>} : vector<32xbf16> -> vector<16xf32>
        %add3A_309 = arith.constant 0 : i32
        %add3A_310 = arith.addi %add3A_292, %add3A_309 : i32
        %swap3A = arith.constant 1 : i32
        %swap3A_311 = arith.index_cast %swap3A : i32 to index
        %swap3A_312 = arith.index_cast %add3A_310 : i32 to index
        %swap3A_313 = arith.constant 0 : index
        %swap3A_314 = tpu.vector_load %arg10[%swap3A_311, %swap3A_312, %swap3A_313] {strides = array<i32>} : memref<2x80x128xf32, #tpu.memory_space<vmem>>, vector<16xf32>,
        tpu.vector_store %arg10[%swap3A_311, %swap3A_312, %swap3A_313], %unpack3A {strides = array<i32>} : memref<2x80x128xf32, #tpu.memory_space<vmem>>, vector<16xf32>,
        %add3A_315 = arith.constant 0 : i32
        %add3A_316 = arith.addi %add3A_292, %add3A_315 : i32
        %swap3A_317 = arith.constant 1 : i32
        %swap3A_318 = arith.index_cast %swap3A_317 : i32 to index
        %swap3A_319 = arith.index_cast %add3A_316 : i32 to index
        %swap3A_320 = arith.constant 64 : index
        %swap3A_321 = tpu.vector_load %arg10[%swap3A_318, %swap3A_319, %swap3A_320] {strides = array<i32>} : memref<2x80x128xf32, #tpu.memory_space<vmem>>, vector<16xf32>,
        tpu.vector_store %arg10[%swap3A_318, %swap3A_319, %swap3A_320], %unpack3A_308 {strides = array<i32>} : memref<2x80x128xf32, #tpu.memory_space<vmem>>, vector<16xf32>,
        %add3A_322 = arith.constant 0 : i32
        %add3A_323 = arith.addi %add3A_292, %add3A_322 : i32
        %get3A_324 = arith.constant 1 : i32
        %get3A_325 = arith.index_cast %get3A_324 : i32 to index
        %get3A_326 = arith.index_cast %add3A_323 : i32 to index
        %get3A_327 = arith.constant 16 : index
        %get3A_328 = tpu.vector_load %arg8[%get3A_325, %get3A_326, %get3A_327] {strides = array<i32>} : memref<2x80x64xf32, #tpu.memory_space<vmem>>, vector<16xf32>,
        %bitcast3A_329 = vector.bitcast %get3A_328 : vector<16xf32> to vector<32xbf16>
        %add3A_330 = arith.constant 0 : i32
        %add3A_331 = arith.addi %add3A_292, %add3A_330 : i32
        %get3A_332 = arith.constant 1 : i32
        %get3A_333 = arith.index_cast %get3A_332 : i32 to index
        %get3A_334 = arith.index_cast %add3A_331 : i32 to index
        %get3A_335 = arith.constant 16 : index
        %get3A_336 = tpu.vector_load %arg9[%get3A_333, %get3A_334, %get3A_335] {strides = array<i32>} : memref<2x80x64xf32, #tpu.memory_space<vmem>>, vector<16xf32>,
        %bitcast3A_337 = vector.bitcast %get3A_336 : vector<16xf32> to vector<32xbf16>
        %mul3A_338 = arith.mulf %bitcast3A_329, %bitcast3A_337 : vector<32xbf16>
        %unpack3A_339 = tpu.unpack_subelements %mul3A_338, 0 {pack_format = #tpu.pack_format<interleaved>} : vector<32xbf16> -> vector<16xf32>
        %unpack3A_340 = tpu.unpack_subelements %mul3A_338, 1 {pack_format = #tpu.pack_format<interleaved>} : vector<32xbf16> -> vector<16xf32>
        %add3A_341 = arith.constant 0 : i32
        %add3A_342 = arith.addi %add3A_292, %add3A_341 : i32
        %swap3A_343 = arith.constant 1 : i32
        %swap3A_344 = arith.index_cast %swap3A_343 : i32 to index
        %swap3A_345 = arith.index_cast %add3A_342 : i32 to index
        %swap3A_346 = arith.constant 16 : index
        %swap3A_347 = tpu.vector_load %arg10[%swap3A_344, %swap3A_345, %swap3A_346] {strides = array<i32>} : memref<2x80x128xf32, #tpu.memory_space<vmem>>, vector<16xf32>,
        tpu.vector_store %arg10[%swap3A_344, %swap3A_345, %swap3A_346], %unpack3A_339 {strides = array<i32>} : memref<2x80x128xf32, #tpu.memory_space<vmem>>, vector<16xf32>,
        %add3A_348 = arith.constant 0 : i32
        %add3A_349 = arith.addi %add3A_292, %add3A_348 : i32
        %swap3A_350 = arith.constant 1 : i32
        %swap3A_351 = arith.index_cast %swap3A_350 : i32 to index
        %swap3A_352 = arith.index_cast %add3A_349 : i32 to index
        %swap3A_353 = arith.constant 80 : index
        %swap3A_354 = tpu.vector_load %arg10[%swap3A_351, %swap3A_352, %swap3A_353] {strides = array<i32>} : memref<2x80x128xf32, #tpu.memory_space<vmem>>, vector<16xf32>,
        tpu.vector_store %arg10[%swap3A_351, %swap3A_352, %swap3A_353], %unpack3A_340 {strides = array<i32>} : memref<2x80x128xf32, #tpu.memory_space<vmem>>, vector<16xf32>,
        %add3A_355 = arith.constant 0 : i32
        %add3A_356 = arith.addi %add3A_292, %add3A_355 : i32
        %get3A_357 = arith.constant 1 : i32
        %get3A_358 = arith.index_cast %get3A_357 : i32 to index
        %get3A_359 = arith.index_cast %add3A_356 : i32 to index
        %get3A_360 = arith.constant 32 : index
        %get3A_361 = tpu.vector_load %arg8[%get3A_358, %get3A_359, %get3A_360] {strides = array<i32>} : memref<2x80x64xf32, #tpu.memory_space<vmem>>, vector<16xf32>,
        %bitcast3A_362 = vector.bitcast %get3A_361 : vector<16xf32> to vector<32xbf16>
        %add3A_363 = arith.constant 0 : i32
        %add3A_364 = arith.addi %add3A_292, %add3A_363 : i32
        %get3A_365 = arith.constant 1 : i32
        %get3A_366 = arith.index_cast %get3A_365 : i32 to index
        %get3A_367 = arith.index_cast %add3A_364 : i32 to index
        %get3A_368 = arith.constant 32 : index
        %get3A_369 = tpu.vector_load %arg9[%get3A_366, %get3A_367, %get3A_368] {strides = array<i32>} : memref<2x80x64xf32, #tpu.memory_space<vmem>>, vector<16xf32>,
        %bitcast3A_370 = vector.bitcast %get3A_369 : vector<16xf32> to vector<32xbf16>
        %mul3A_371 = arith.mulf %bitcast3A_362, %bitcast3A_370 : vector<32xbf16>
        %unpack3A_372 = tpu.unpack_subelements %mul3A_371, 0 {pack_format = #tpu.pack_format<interleaved>} : vector<32xbf16> -> vector<16xf32>
        %unpack3A_373 = tpu.unpack_subelements %mul3A_371, 1 {pack_format = #tpu.pack_format<interleaved>} : vector<32xbf16> -> vector<16xf32>
        %add3A_374 = arith.constant 0 : i32
        %add3A_375 = arith.addi %add3A_292, %add3A_374 : i32
        %swap3A_376 = arith.constant 1 : i32
        %swap3A_377 = arith.index_cast %swap3A_376 : i32 to index
        %swap3A_378 = arith.index_cast %add3A_375 : i32 to index
        %swap3A_379 = arith.constant 32 : index
        %swap3A_380 = tpu.vector_load %arg10[%swap3A_377, %swap3A_378, %swap3A_379] {strides = array<i32>} : memref<2x80x128xf32, #tpu.memory_space<vmem>>, vector<16xf32>,
        tpu.vector_store %arg10[%swap3A_377, %swap3A_378, %swap3A_379], %unpack3A_372 {strides = array<i32>} : memref<2x80x128xf32, #tpu.memory_space<vmem>>, vector<16xf32>,
        %add3A_381 = arith.constant 0 : i32
        %add3A_382 = arith.addi %add3A_292, %add3A_381 : i32
        %swap3A_383 = arith.constant 1 : i32
        %swap3A_384 = arith.index_cast %swap3A_383 : i32 to index
        %swap3A_385 = arith.index_cast %add3A_382 : i32 to index
        %swap3A_386 = arith.constant 96 : index
        %swap3A_387 = tpu.vector_load %arg10[%swap3A_384, %swap3A_385, %swap3A_386] {strides = array<i32>} : memref<2x80x128xf32, #tpu.memory_space<vmem>>, vector<16xf32>,
        tpu.vector_store %arg10[%swap3A_384, %swap3A_385, %swap3A_386], %unpack3A_373 {strides = array<i32>} : memref<2x80x128xf32, #tpu.memory_space<vmem>>, vector<16xf32>,
        %add3A_388 = arith.constant 0 : i32
        %add3A_389 = arith.addi %add3A_292, %add3A_388 : i32
        %get3A_390 = arith.constant 1 : i32
        %get3A_391 = arith.index_cast %get3A_390 : i32 to index
        %get3A_392 = arith.index_cast %add3A_389 : i32 to index
        %get3A_393 = arith.constant 48 : index
        %get3A_394 = tpu.vector_load %arg8[%get3A_391, %get3A_392, %get3A_393] {strides = array<i32>} : memref<2x80x64xf32, #tpu.memory_space<vmem>>, vector<16xf32>,
        %bitcast3A_395 = vector.bitcast %get3A_394 : vector<16xf32> to vector<32xbf16>
        %add3A_396 = arith.constant 0 : i32
        %add3A_397 = arith.addi %add3A_292, %add3A_396 : i32
        %get3A_398 = arith.constant 1 : i32
        %get3A_399 = arith.index_cast %get3A_398 : i32 to index
        %get3A_400 = arith.index_cast %add3A_397 : i32 to index
        %get3A_401 = arith.constant 48 : index
        %get3A_402 = tpu.vector_load %arg9[%get3A_399, %get3A_400, %get3A_401] {strides = array<i32>} : memref<2x80x64xf32, #tpu.memory_space<vmem>>, vector<16xf32>,
        %bitcast3A_403 = vector.bitcast %get3A_402 : vector<16xf32> to vector<32xbf16>
        %mul3A_404 = arith.mulf %bitcast3A_395, %bitcast3A_403 : vector<32xbf16>
        %unpack3A_405 = tpu.unpack_subelements %mul3A_404, 0 {pack_format = #tpu.pack_format<interleaved>} : vector<32xbf16> -> vector<16xf32>
        %unpack3A_406 = tpu.unpack_subelements %mul3A_404, 1 {pack_format = #tpu.pack_format<interleaved>} : vector<32xbf16> -> vector<16xf32>
        %add3A_407 = arith.constant 0 : i32
        %add3A_408 = arith.addi %add3A_292, %add3A_407 : i32
        %swap3A_409 = arith.constant 1 : i32
        %swap3A_410 = arith.index_cast %swap3A_409 : i32 to index
        %swap3A_411 = arith.index_cast %add3A_408 : i32 to index
        %swap3A_412 = arith.constant 48 : index
        %swap3A_413 = tpu.vector_load %arg10[%swap3A_410, %swap3A_411, %swap3A_412] {strides = array<i32>} : memref<2x80x128xf32, #tpu.memory_space<vmem>>, vector<16xf32>,
        tpu.vector_store %arg10[%swap3A_410, %swap3A_411, %swap3A_412], %unpack3A_405 {strides = array<i32>} : memref<2x80x128xf32, #tpu.memory_space<vmem>>, vector<16xf32>,
        %add3A_414 = arith.constant 0 : i32
        %add3A_415 = arith.addi %add3A_292, %add3A_414 : i32
        %swap3A_416 = arith.constant 1 : i32
        %swap3A_417 = arith.index_cast %swap3A_416 : i32 to index
        %swap3A_418 = arith.index_cast %add3A_415 : i32 to index
        %swap3A_419 = arith.constant 112 : index
        %swap3A_420 = tpu.vector_load %arg10[%swap3A_417, %swap3A_418, %swap3A_419] {strides = array<i32>} : memref<2x80x128xf32, #tpu.memory_space<vmem>>, vector<16xf32>,
        tpu.vector_store %arg10[%swap3A_417, %swap3A_418, %swap3A_419], %unpack3A_406 {strides = array<i32>} : memref<2x80x128xf32, #tpu.memory_space<vmem>>, vector<16xf32>,
        %add3A_421 = arith.constant 1 : i32
        %add3A_422 = arith.addi %add3A_292, %add3A_421 : i32
        %get3A_423 = arith.constant 1 : i32
        %get3A_424 = arith.index_cast %get3A_423 : i32 to index
        %get3A_425 = arith.index_cast %add3A_422 : i32 to index
        %get3A_426 = arith.constant 0 : index
        %get3A_427 = tpu.vector_load %arg8[%get3A_424, %get3A_425, %get3A_426] {strides = array<i32>} : memref<2x80x64xf32, #tpu.memory_space<vmem>>, vector<16xf32>,
        %bitcast3A_428 = vector.bitcast %get3A_427 : vector<16xf32> to vector<32xbf16>
        %add3A_429 = arith.constant 1 : i32
        %add3A_430 = arith.addi %add3A_292, %add3A_429 : i32
        %get3A_431 = arith.constant 1 : i32
        %get3A_432 = arith.index_cast %get3A_431 : i32 to index
        %get3A_433 = arith.index_cast %add3A_430 : i32 to index
        %get3A_434 = arith.constant 0 : index
        %get3A_435 = tpu.vector_load %arg9[%get3A_432, %get3A_433, %get3A_434] {strides = array<i32>} : memref<2x80x64xf32, #tpu.memory_space<vmem>>, vector<16xf32>,
        %bitcast3A_436 = vector.bitcast %get3A_435 : vector<16xf32> to vector<32xbf16>
        %mul3A_437 = arith.mulf %bitcast3A_428, %bitcast3A_436 : vector<32xbf16>
        %unpack3A_438 = tpu.unpack_subelements %mul3A_437, 0 {pack_format = #tpu.pack_format<interleaved>} : vector<32xbf16> -> vector<16xf32>
        %unpack3A_439 = tpu.unpack_subelements %mul3A_437, 1 {pack_format = #tpu.pack_format<interleaved>} : vector<32xbf16> -> vector<16xf32>
        %add3A_440 = arith.constant 1 : i32
        %add3A_441 = arith.addi %add3A_292, %add3A_440 : i32
        %swap3A_442 = arith.constant 1 : i32
        %swap3A_443 = arith.index_cast %swap3A_442 : i32 to index
        %swap3A_444 = arith.index_cast %add3A_441 : i32 to index
        %swap3A_445 = arith.constant 0 : index
        %swap3A_446 = tpu.vector_load %arg10[%swap3A_443, %swap3A_444, %swap3A_445] {strides = array<i32>} : memref<2x80x128xf32, #tpu.memory_space<vmem>>, vector<16xf32>,
        tpu.vector_store %arg10[%swap3A_443, %swap3A_444, %swap3A_445], %unpack3A_438 {strides = array<i32>} : memref<2x80x128xf32, #tpu.memory_space<vmem>>, vector<16xf32>,
        %add3A_447 = arith.constant 1 : i32
        %add3A_448 = arith.addi %add3A_292, %add3A_447 : i32
        %swap3A_449 = arith.constant 1 : i32
        %swap3A_450 = arith.index_cast %swap3A_449 : i32 to index
        %swap3A_451 = arith.index_cast %add3A_448 : i32 to index
        %swap3A_452 = arith.constant 64 : index
        %swap3A_453 = tpu.vector_load %arg10[%swap3A_450, %swap3A_451, %swap3A_452] {strides = array<i32>} : memref<2x80x128xf32, #tpu.memory_space<vmem>>, vector<16xf32>,
        tpu.vector_store %arg10[%swap3A_450, %swap3A_451, %swap3A_452], %unpack3A_439 {strides = array<i32>} : memref<2x80x128xf32, #tpu.memory_space<vmem>>, vector<16xf32>,
        %add3A_454 = arith.constant 1 : i32
        %add3A_455 = arith.addi %add3A_292, %add3A_454 : i32
        %get3A_456 = arith.constant 1 : i32
        %get3A_457 = arith.index_cast %get3A_456 : i32 to index
        %get3A_458 = arith.index_cast %add3A_455 : i32 to index
        %get3A_459 = arith.constant 16 : index
        %get3A_460 = tpu.vector_load %arg8[%get3A_457, %get3A_458, %get3A_459] {strides = array<i32>} : memref<2x80x64xf32, #tpu.memory_space<vmem>>, vector<16xf32>,
        %bitcast3A_461 = vector.bitcast %get3A_460 : vector<16xf32> to vector<32xbf16>
        %add3A_462 = arith.constant 1 : i32
        %add3A_463 = arith.addi %add3A_292, %add3A_462 : i32
        %get3A_464 = arith.constant 1 : i32
        %get3A_465 = arith.index_cast %get3A_464 : i32 to index
        %get3A_466 = arith.index_cast %add3A_463 : i32 to index
        %get3A_467 = arith.constant 16 : index
        %get3A_468 = tpu.vector_load %arg9[%get3A_465, %get3A_466, %get3A_467] {strides = array<i32>} : memref<2x80x64xf32, #tpu.memory_space<vmem>>, vector<16xf32>,
        %bitcast3A_469 = vector.bitcast %get3A_468 : vector<16xf32> to vector<32xbf16>
        %mul3A_470 = arith.mulf %bitcast3A_461, %bitcast3A_469 : vector<32xbf16>
        %unpack3A_471 = tpu.unpack_subelements %mul3A_470, 0 {pack_format = #tpu.pack_format<interleaved>} : vector<32xbf16> -> vector<16xf32>
        %unpack3A_472 = tpu.unpack_subelements %mul3A_470, 1 {pack_format = #tpu.pack_format<interleaved>} : vector<32xbf16> -> vector<16xf32>
        %add3A_473 = arith.constant 1 : i32
        %add3A_474 = arith.addi %add3A_292, %add3A_473 : i32
        %swap3A_475 = arith.constant 1 : i32
        %swap3A_476 = arith.index_cast %swap3A_475 : i32 to index
        %swap3A_477 = arith.index_cast %add3A_474 : i32 to index
        %swap3A_478 = arith.constant 16 : index
        %swap3A_479 = tpu.vector_load %arg10[%swap3A_476, %swap3A_477, %swap3A_478] {strides = array<i32>} : memref<2x80x128xf32, #tpu.memory_space<vmem>>, vector<16xf32>,
        tpu.vector_store %arg10[%swap3A_476, %swap3A_477, %swap3A_478], %unpack3A_471 {strides = array<i32>} : memref<2x80x128xf32, #tpu.memory_space<vmem>>, vector<16xf32>,
        %add3A_480 = arith.constant 1 : i32
        %add3A_481 = arith.addi %add3A_292, %add3A_480 : i32
        %swap3A_482 = arith.constant 1 : i32
        %swap3A_483 = arith.index_cast %swap3A_482 : i32 to index
        %swap3A_484 = arith.index_cast %add3A_481 : i32 to index
        %swap3A_485 = arith.constant 80 : index
        %swap3A_486 = tpu.vector_load %arg10[%swap3A_483, %swap3A_484, %swap3A_485] {strides = array<i32>} : memref<2x80x128xf32, #tpu.memory_space<vmem>>, vector<16xf32>,
        tpu.vector_store %arg10[%swap3A_483, %swap3A_484, %swap3A_485], %unpack3A_472 {strides = array<i32>} : memref<2x80x128xf32, #tpu.memory_space<vmem>>, vector<16xf32>,
        %add3A_487 = arith.constant 1 : i32
        %add3A_488 = arith.addi %add3A_292, %add3A_487 : i32
        %get3A_489 = arith.constant 1 : i32
        %get3A_490 = arith.index_cast %get3A_489 : i32 to index
        %get3A_491 = arith.index_cast %add3A_488 : i32 to index
        %get3A_492 = arith.constant 32 : index
        %get3A_493 = tpu.vector_load %arg8[%get3A_490, %get3A_491, %get3A_492] {strides = array<i32>} : memref<2x80x64xf32, #tpu.memory_space<vmem>>, vector<16xf32>,
        %bitcast3A_494 = vector.bitcast %get3A_493 : vector<16xf32> to vector<32xbf16>
        %add3A_495 = arith.constant 1 : i32
        %add3A_496 = arith.addi %add3A_292, %add3A_495 : i32
        %get3A_497 = arith.constant 1 : i32
        %get3A_498 = arith.index_cast %get3A_497 : i32 to index
        %get3A_499 = arith.index_cast %add3A_496 : i32 to index
        %get3A_500 = arith.constant 32 : index
        %get3A_501 = tpu.vector_load %arg9[%get3A_498, %get3A_499, %get3A_500] {strides = array<i32>} : memref<2x80x64xf32, #tpu.memory_space<vmem>>, vector<16xf32>,
        %bitcast3A_502 = vector.bitcast %get3A_501 : vector<16xf32> to vector<32xbf16>
        %mul3A_503 = arith.mulf %bitcast3A_494, %bitcast3A_502 : vector<32xbf16>
        %unpack3A_504 = tpu.unpack_subelements %mul3A_503, 0 {pack_format = #tpu.pack_format<interleaved>} : vector<32xbf16> -> vector<16xf32>
        %unpack3A_505 = tpu.unpack_subelements %mul3A_503, 1 {pack_format = #tpu.pack_format<interleaved>} : vector<32xbf16> -> vector<16xf32>
        %add3A_506 = arith.constant 1 : i32
        %add3A_507 = arith.addi %add3A_292, %add3A_506 : i32
        %swap3A_508 = arith.constant 1 : i32
        %swap3A_509 = arith.index_cast %swap3A_508 : i32 to index
        %swap3A_510 = arith.index_cast %add3A_507 : i32 to index
        %swap3A_511 = arith.constant 32 : index
        %swap3A_512 = tpu.vector_load %arg10[%swap3A_509, %swap3A_510, %swap3A_511] {strides = array<i32>} : memref<2x80x128xf32, #tpu.memory_space<vmem>>, vector<16xf32>,
        tpu.vector_store %arg10[%swap3A_509, %swap3A_510, %swap3A_511], %unpack3A_504 {strides = array<i32>} : memref<2x80x128xf32, #tpu.memory_space<vmem>>, vector<16xf32>,
        %add3A_513 = arith.constant 1 : i32
        %add3A_514 = arith.addi %add3A_292, %add3A_513 : i32
        %swap3A_515 = arith.constant 1 : i32
        %swap3A_516 = arith.index_cast %swap3A_515 : i32 to index
        %swap3A_517 = arith.index_cast %add3A_514 : i32 to index
        %swap3A_518 = arith.constant 96 : index
        %swap3A_519 = tpu.vector_load %arg10[%swap3A_516, %swap3A_517, %swap3A_518] {strides = array<i32>} : memref<2x80x128xf32, #tpu.memory_space<vmem>>, vector<16xf32>,
        tpu.vector_store %arg10[%swap3A_516, %swap3A_517, %swap3A_518], %unpack3A_505 {strides = array<i32>} : memref<2x80x128xf32, #tpu.memory_space<vmem>>, vector<16xf32>,
        %add3A_520 = arith.constant 1 : i32
        %add3A_521 = arith.addi %add3A_292, %add3A_520 : i32
        %get3A_522 = arith.constant 1 : i32
        %get3A_523 = arith.index_cast %get3A_522 : i32 to index
        %get3A_524 = arith.index_cast %add3A_521 : i32 to index
        %get3A_525 = arith.constant 48 : index
        %get3A_526 = tpu.vector_load %arg8[%get3A_523, %get3A_524, %get3A_525] {strides = array<i32>} : memref<2x80x64xf32, #tpu.memory_space<vmem>>, vector<16xf32>,
        %bitcast3A_527 = vector.bitcast %get3A_526 : vector<16xf32> to vector<32xbf16>
        %add3A_528 = arith.constant 1 : i32
        %add3A_529 = arith.addi %add3A_292, %add3A_528 : i32
        %get3A_530 = arith.constant 1 : i32
        %get3A_531 = arith.index_cast %get3A_530 : i32 to index
        %get3A_532 = arith.index_cast %add3A_529 : i32 to index
        %get3A_533 = arith.constant 48 : index
        %get3A_534 = tpu.vector_load %arg9[%get3A_531, %get3A_532, %get3A_533] {strides = array<i32>} : memref<2x80x64xf32, #tpu.memory_space<vmem>>, vector<16xf32>,
        %bitcast3A_535 = vector.bitcast %get3A_534 : vector<16xf32> to vector<32xbf16>
        %mul3A_536 = arith.mulf %bitcast3A_527, %bitcast3A_535 : vector<32xbf16>
        %unpack3A_537 = tpu.unpack_subelements %mul3A_536, 0 {pack_format = #tpu.pack_format<interleaved>} : vector<32xbf16> -> vector<16xf32>
        %unpack3A_538 = tpu.unpack_subelements %mul3A_536, 1 {pack_format = #tpu.pack_format<interleaved>} : vector<32xbf16> -> vector<16xf32>
        %add3A_539 = arith.constant 1 : i32
        %add3A_540 = arith.addi %add3A_292, %add3A_539 : i32
        %swap3A_541 = arith.constant 1 : i32
        %swap3A_542 = arith.index_cast %swap3A_541 : i32 to index
        %swap3A_543 = arith.index_cast %add3A_540 : i32 to index
        %swap3A_544 = arith.constant 48 : index
        %swap3A_545 = tpu.vector_load %arg10[%swap3A_542, %swap3A_543, %swap3A_544] {strides = array<i32>} : memref<2x80x128xf32, #tpu.memory_space<vmem>>, vector<16xf32>,
        tpu.vector_store %arg10[%swap3A_542, %swap3A_543, %swap3A_544], %unpack3A_537 {strides = array<i32>} : memref<2x80x128xf32, #tpu.memory_space<vmem>>, vector<16xf32>,
        %add3A_546 = arith.constant 1 : i32
        %add3A_547 = arith.addi %add3A_292, %add3A_546 : i32
        %swap3A_548 = arith.constant 1 : i32
        %swap3A_549 = arith.index_cast %swap3A_548 : i32 to index
        %swap3A_550 = arith.index_cast %add3A_547 : i32 to index
        %swap3A_551 = arith.constant 112 : index
        %swap3A_552 = tpu.vector_load %arg10[%swap3A_549, %swap3A_550, %swap3A_551] {strides = array<i32>} : memref<2x80x128xf32, #tpu.memory_space<vmem>>, vector<16xf32>,
        tpu.vector_store %arg10[%swap3A_549, %swap3A_550, %swap3A_551], %unpack3A_538 {strides = array<i32>} : memref<2x80x128xf32, #tpu.memory_space<vmem>>, vector<16xf32>,
      }
      %scan3A_262 = arith.constant 40 : i32
      %add3A_263 = arith.constant 1 : i32
      %add3A_264 = arith.addi %add3A_156, %add3A_263 : i32
      %dma_start3A_265 = arith.constant 1 : i32
      %dma_start3A_266 = arith.constant 0 : i32
      %dma_start3A_267 = arith.constant 0 : i32
      %dma_start3A_268 = tpu.memref_slice %arg10[%dma_start3A_265, %dma_start3A_266, %dma_start3A_267] : memref<2x80x128xf32, #tpu.memory_space<vmem>> -> memref<1x80x128xf32, #tpu.memory_space<vmem>>
      %dma_start3A_269 = tpu.memref_squeeze %dma_start3A_268 : memref<1x80x128xf32, #tpu.memory_space<vmem>> -> memref<80x128xf32, #tpu.memory_space<vmem>>
      %dma_start3A_270 = arith.constant 0 : i32
      %dma_start3A_271 = arith.constant 0 : i32
      %dma_start3A_272 = tpu.memref_slice %arg5[%add3A, %add3A_264, %dma_start3A_270, %dma_start3A_271] : memref<32x125x80x128xf32, #tpu.memory_space<hbm>> -> memref<1x1x80x128xf32, #tpu.memory_space<hbm>>
      %dma_start3A_273 = tpu.memref_squeeze %dma_start3A_272 : memref<1x1x80x128xf32, #tpu.memory_space<hbm>> -> memref<80x128xf32, #tpu.memory_space<hbm>>
      %dma_start3A_274 = arith.constant 0 : i32
      %dma_start3A_275 = arith.constant 0 : i32
      %dma_start3A_276 = tpu.memref_slice %arg5[%add3A, %add3A_264, %dma_start3A_274, %dma_start3A_275] : memref<32x125x80x128xf32, #tpu.memory_space<hbm>> -> memref<1x1x80x128xf32, #tpu.memory_space<hbm>>
      %dma_start3A_277 = tpu.memref_squeeze %dma_start3A_276 : memref<1x1x80x128xf32, #tpu.memory_space<hbm>> -> memref<80x128xf32, #tpu.memory_space<hbm>>
      %dma_start3A_278 = arith.constant 0 : i32
      %dma_start3A_279 = arith.constant 0 : i32
      %dma_start3A_280 = tpu.memref_slice %arg10[%dma_start3A_265, %dma_start3A_278, %dma_start3A_279] : memref<2x80x128xf32, #tpu.memory_space<vmem>> -> memref<1x80x128xf32, #tpu.memory_space<vmem>>
      %dma_start3A_281 = tpu.memref_squeeze %dma_start3A_280 : memref<1x80x128xf32, #tpu.memory_space<vmem>> -> memref<80x128xf32, #tpu.memory_space<vmem>>
      tpu.enqueue_dma source(%dma_start3A_281 : memref<80x128xf32, #tpu.memory_space<vmem>>) target(%dma_start3A_277 : memref<80x128xf32, #tpu.memory_space<hbm>>) target_semaphore(%arg14 : memref<!tpu.dma_semaphore, #tpu.memory_space<semaphore_mem>>)
      %add3A_282 = arith.constant 3 : i32
      %add3A_283 = arith.addi %add3A_156, %add3A_282 : i32
      %lt3A = arith.constant 125 : i32
      %lt3A_284 = arith.cmpi slt, %add3A_283, %lt3A : i32
      %convert_element_type3A_285 = arith.extui %lt3A_284 : i1 to i32
      %cond3A_286 = arith.constant 0 : i32
      %cond3A_287 = arith.cmpi ne, %convert_element_type3A_285, %cond3A_286 : i32
      scf.if %cond3A_287 {
        %add3A_288 = arith.constant 3 : i32
        %add3A_289 = arith.addi %add3A_156, %add3A_288 : i32
        %dma_start3A_290 = arith.constant 1 : i32
        %dma_start3A_291 = arith.constant 0 : i32
        %dma_start3A_292 = arith.constant 0 : i32
        %dma_start3A_293 = tpu.memref_slice %arg8[%dma_start3A_290, %dma_start3A_291, %dma_start3A_292] : memref<2x80x64xf32, #tpu.memory_space<vmem>> -> memref<1x80x64xf32, #tpu.memory_space<vmem>>
        %dma_start3A_294 = tpu.memref_squeeze %dma_start3A_293 : memref<1x80x64xf32, #tpu.memory_space<vmem>> -> memref<80x64xf32, #tpu.memory_space<vmem>>
        %dma_start3A_295 = arith.constant 0 : i32
        %dma_start3A_296 = tpu.memref_slice %arg6[%add3A_289, %dma_start3A_295] : memref<125x80xi32, #tpu.memory_space<vmem>> -> memref<1x80xi32, #tpu.memory_space<vmem>>
        %dma_start3A_297 = tpu.memref_squeeze %dma_start3A_296 : memref<1x80xi32, #tpu.memory_space<vmem>> -> memref<80xi32, #tpu.memory_space<vmem>>
        %dma_start3A_298 = arith.constant 0 : i32
        %dma_start3A_299 = arith.constant 0 : i32
        %dma_start3A_300 = tpu.memref_slice %arg2[%dma_start3A_298, %dma_start3A_299] : memref<10000x64xf32, #tpu.memory_space<hbm>> -> memref<10000x64xf32, #tpu.memory_space<hbm>>
        tpu.enqueue_indirect_dma source(%dma_start3A_300 : memref<10000x64xf32, #tpu.memory_space<hbm>>) target(%dma_start3A_294 : memref<80x64xf32, #tpu.memory_space<vmem>>) offsets(%dma_start3A_297 : memref<80xi32, #tpu.memory_space<vmem>>) semaphore(%arg12 : memref<!tpu.dma_semaphore, #tpu.memory_space<semaphore_mem>>)
        %dma_start3A_301 = arith.constant 1 : i32
        %dma_start3A_302 = arith.constant 0 : i32
        %dma_start3A_303 = arith.constant 0 : i32
        %dma_start3A_304 = tpu.memref_slice %arg9[%dma_start3A_301, %dma_start3A_302, %dma_start3A_303] : memref<2x80x64xf32, #tpu.memory_space<vmem>> -> memref<1x80x64xf32, #tpu.memory_space<vmem>>
        %dma_start3A_305 = tpu.memref_squeeze %dma_start3A_304 : memref<1x80x64xf32, #tpu.memory_space<vmem>> -> memref<80x64xf32, #tpu.memory_space<vmem>>
        %dma_start3A_306 = arith.constant 0 : i32
        %dma_start3A_307 = tpu.memref_slice %arg7[%add3A_289, %dma_start3A_306] : memref<125x80xi32, #tpu.memory_space<vmem>> -> memref<1x80xi32, #tpu.memory_space<vmem>>
        %dma_start3A_308 = tpu.memref_squeeze %dma_start3A_307 : memref<1x80xi32, #tpu.memory_space<vmem>> -> memref<80xi32, #tpu.memory_space<vmem>>
        %dma_start3A_309 = arith.constant 0 : i32
        %dma_start3A_310 = arith.constant 0 : i32
        %dma_start3A_311 = tpu.memref_slice %arg2[%dma_start3A_309, %dma_start3A_310] : memref<10000x64xf32, #tpu.memory_space<hbm>> -> memref<10000x64xf32, #tpu.memory_space<hbm>>
        tpu.enqueue_indirect_dma source(%dma_start3A_311 : memref<10000x64xf32, #tpu.memory_space<hbm>>) target(%dma_start3A_305 : memref<80x64xf32, #tpu.memory_space<vmem>>) offsets(%dma_start3A_308 : memref<80xi32, #tpu.memory_space<vmem>>) semaphore(%arg12 : memref<!tpu.dma_semaphore, #tpu.memory_space<semaphore_mem>>)
      } else {
      }
    }
    %scan3A_51 = arith.constant 62 : i32
    %dma_wait3A = arith.constant 124 : i32
    %dma_wait3A_52 = arith.constant 0 : i32
    %dma_wait3A_53 = arith.constant 0 : i32
    %dma_wait3A_54 = arith.constant 0 : i32
    %dma_wait3A_55 = tpu.memref_slice %arg8[%dma_wait3A_52, %dma_wait3A_53, %dma_wait3A_54] : memref<2x80x64xf32, #tpu.memory_space<vmem>> -> memref<1x80x64xf32, #tpu.memory_space<vmem>>
    %dma_wait3A_56 = tpu.memref_squeeze %dma_wait3A_55 : memref<1x80x64xf32, #tpu.memory_space<vmem>> -> memref<80x64xf32, #tpu.memory_space<vmem>>
    %dma_wait3A_57 = arith.constant 0 : i32
    %dma_wait3A_58 = tpu.memref_slice %arg6[%dma_wait3A, %dma_wait3A_57] : memref<125x80xi32, #tpu.memory_space<vmem>> -> memref<1x80xi32, #tpu.memory_space<vmem>>
    %dma_wait3A_59 = tpu.memref_squeeze %dma_wait3A_58 : memref<1x80xi32, #tpu.memory_space<vmem>> -> memref<80xi32, #tpu.memory_space<vmem>>
    %dma_wait3A_60 = arith.constant 0 : i32
    %dma_wait3A_61 = arith.constant 0 : i32
    %dma_wait3A_62 = tpu.memref_slice %arg2[%dma_wait3A_60, %dma_wait3A_61] : memref<10000x64xf32, #tpu.memory_space<hbm>> -> memref<10000x64xf32, #tpu.memory_space<hbm>>
    tpu.wait_indirect_dma semaphore(%arg11 : memref<!tpu.dma_semaphore, #tpu.memory_space<semaphore_mem>>) src(%dma_wait3A_62 : memref<10000x64xf32, #tpu.memory_space<hbm>>) dst(%dma_wait3A_56 : memref<80x64xf32, #tpu.memory_space<vmem>>)
    %dma_wait3A_63 = arith.constant 124 : i32
    %dma_wait3A_64 = arith.constant 0 : i32
    %dma_wait3A_65 = arith.constant 0 : i32
    %dma_wait3A_66 = arith.constant 0 : i32
    %dma_wait3A_67 = tpu.memref_slice %arg9[%dma_wait3A_64, %dma_wait3A_65, %dma_wait3A_66] : memref<2x80x64xf32, #tpu.memory_space<vmem>> -> memref<1x80x64xf32, #tpu.memory_space<vmem>>
    %dma_wait3A_68 = tpu.memref_squeeze %dma_wait3A_67 : memref<1x80x64xf32, #tpu.memory_space<vmem>> -> memref<80x64xf32, #tpu.memory_space<vmem>>
    %dma_wait3A_69 = arith.constant 0 : i32
    %dma_wait3A_70 = tpu.memref_slice %arg7[%dma_wait3A_63, %dma_wait3A_69] : memref<125x80xi32, #tpu.memory_space<vmem>> -> memref<1x80xi32, #tpu.memory_space<vmem>>
    %dma_wait3A_71 = tpu.memref_squeeze %dma_wait3A_70 : memref<1x80xi32, #tpu.memory_space<vmem>> -> memref<80xi32, #tpu.memory_space<vmem>>
    %dma_wait3A_72 = arith.constant 0 : i32
    %dma_wait3A_73 = arith.constant 0 : i32
    %dma_wait3A_74 = tpu.memref_slice %arg2[%dma_wait3A_72, %dma_wait3A_73] : memref<10000x64xf32, #tpu.memory_space<hbm>> -> memref<10000x64xf32, #tpu.memory_space<hbm>>
    tpu.wait_indirect_dma semaphore(%arg11 : memref<!tpu.dma_semaphore, #tpu.memory_space<semaphore_mem>>) src(%dma_wait3A_74 : memref<10000x64xf32, #tpu.memory_space<hbm>>) dst(%dma_wait3A_68 : memref<80x64xf32, #tpu.memory_space<vmem>>)
    %dma_wait3A_75 = arith.constant 0 : i32
    %dma_wait3A_76 = arith.constant 122 : i32
    %dma_wait3A_77 = arith.constant 0 : i32
    %dma_wait3A_78 = arith.constant 0 : i32
    %dma_wait3A_79 = tpu.memref_slice %arg10[%dma_wait3A_75, %dma_wait3A_77, %dma_wait3A_78] : memref<2x80x128xf32, #tpu.memory_space<vmem>> -> memref<1x80x128xf32, #tpu.memory_space<vmem>>
    %dma_wait3A_80 = tpu.memref_squeeze %dma_wait3A_79 : memref<1x80x128xf32, #tpu.memory_space<vmem>> -> memref<80x128xf32, #tpu.memory_space<vmem>>
    %dma_wait3A_81 = arith.constant 0 : i32
    %dma_wait3A_82 = arith.constant 0 : i32
    %dma_wait3A_83 = tpu.memref_slice %arg5[%add3A, %dma_wait3A_76, %dma_wait3A_81, %dma_wait3A_82] : memref<32x125x80x128xf32, #tpu.memory_space<hbm>> -> memref<1x1x80x128xf32, #tpu.memory_space<hbm>>
    %dma_wait3A_84 = tpu.memref_squeeze %dma_wait3A_83 : memref<1x1x80x128xf32, #tpu.memory_space<hbm>> -> memref<80x128xf32, #tpu.memory_space<hbm>>
    %dma_wait3A_85 = arith.constant 0 : i32
    %dma_wait3A_86 = arith.constant 0 : i32
    %dma_wait3A_87 = tpu.memref_slice %arg5[%add3A, %dma_wait3A_76, %dma_wait3A_85, %dma_wait3A_86] : memref<32x125x80x128xf32, #tpu.memory_space<hbm>> -> memref<1x1x80x128xf32, #tpu.memory_space<hbm>>
    %dma_wait3A_88 = tpu.memref_squeeze %dma_wait3A_87 : memref<1x1x80x128xf32, #tpu.memory_space<hbm>> -> memref<80x128xf32, #tpu.memory_space<hbm>>
    %dma_wait3A_89 = arith.constant 0 : i32
    %dma_wait3A_90 = arith.constant 0 : i32
    %dma_wait3A_91 = tpu.memref_slice %arg10[%dma_wait3A_75, %dma_wait3A_89, %dma_wait3A_90] : memref<2x80x128xf32, #tpu.memory_space<vmem>> -> memref<1x80x128xf32, #tpu.memory_space<vmem>>
    %dma_wait3A_92 = tpu.memref_squeeze %dma_wait3A_91 : memref<1x80x128xf32, #tpu.memory_space<vmem>> -> memref<80x128xf32, #tpu.memory_space<vmem>>
    tpu.wait_dma2 semaphore(%arg13 : memref<!tpu.dma_semaphore, #tpu.memory_space<semaphore_mem>>) src(%dma_wait3A_92 : memref<80x128xf32, #tpu.memory_space<vmem>>) dst(%dma_wait3A_88 : memref<80x128xf32, #tpu.memory_space<hbm>>)
    %scan3A_93 = arith.constant 0 : i32
    %scan3A_94 = arith.constant 40 : i32
    %scan3A_95 = arith.addi %scan3A_93, %scan3A_94 : i32
    %scan3A_96 = arith.constant 1 : i32
    scf.for %scan3A_152 = %scan3A_93 to %scan3A_95 step %scan3A_96  : i32 {
      %mul3A_153 = arith.constant 2 : i32
      %mul3A_154 = arith.muli %scan3A_152, %mul3A_153 : i32
      %add3A_155 = arith.constant 0 : i32
      %add3A_156 = arith.addi %add3A_155, %mul3A_154 : i32
      %add3A_157 = arith.constant 0 : i32
      %add3A_158 = arith.addi %add3A_156, %add3A_157 : i32
      %get3A = arith.constant 0 : i32
      %get3A_159 = arith.index_cast %get3A : i32 to index
      %get3A_160 = arith.index_cast %add3A_158 : i32 to index
      %get3A_161 = arith.constant 0 : index
      %get3A_162 = tpu.vector_load %arg8[%get3A_159, %get3A_160, %get3A_161] {strides = array<i32>} : memref<2x80x64xf32, #tpu.memory_space<vmem>>, vector<16xf32>,
      %bitcast3A = vector.bitcast %get3A_162 : vector<16xf32> to vector<32xbf16>
      %add3A_163 = arith.constant 0 : i32
      %add3A_164 = arith.addi %add3A_156, %add3A_163 : i32
      %get3A_165 = arith.constant 0 : i32
      %get3A_166 = arith.index_cast %get3A_165 : i32 to index
      %get3A_167 = arith.index_cast %add3A_164 : i32 to index
      %get3A_168 = arith.constant 0 : index
      %get3A_169 = tpu.vector_load %arg9[%get3A_166, %get3A_167, %get3A_168] {strides = array<i32>} : memref<2x80x64xf32, #tpu.memory_space<vmem>>, vector<16xf32>,
      %bitcast3A_170 = vector.bitcast %get3A_169 : vector<16xf32> to vector<32xbf16>
      %mul3A_171 = arith.mulf %bitcast3A, %bitcast3A_170 : vector<32xbf16>
      %unpack3A = tpu.unpack_subelements %mul3A_171, 0 {pack_format = #tpu.pack_format<interleaved>} : vector<32xbf16> -> vector<16xf32>
      %unpack3A_172 = tpu.unpack_subelements %mul3A_171, 1 {pack_format = #tpu.pack_format<interleaved>} : vector<32xbf16> -> vector<16xf32>
      %add3A_173 = arith.constant 0 : i32
      %add3A_174 = arith.addi %add3A_156, %add3A_173 : i32
      %swap3A = arith.constant 0 : i32
      %swap3A_175 = arith.index_cast %swap3A : i32 to index
      %swap3A_176 = arith.index_cast %add3A_174 : i32 to index
      %swap3A_177 = arith.constant 0 : index
      %swap3A_178 = tpu.vector_load %arg10[%swap3A_175, %swap3A_176, %swap3A_177] {strides = array<i32>} : memref<2x80x128xf32, #tpu.memory_space<vmem>>, vector<16xf32>,
      tpu.vector_store %arg10[%swap3A_175, %swap3A_176, %swap3A_177], %unpack3A {strides = array<i32>} : memref<2x80x128xf32, #tpu.memory_space<vmem>>, vector<16xf32>,
      %add3A_179 = arith.constant 0 : i32
      %add3A_180 = arith.addi %add3A_156, %add3A_179 : i32
      %swap3A_181 = arith.constant 0 : i32
      %swap3A_182 = arith.index_cast %swap3A_181 : i32 to index
      %swap3A_183 = arith.index_cast %add3A_180 : i32 to index
      %swap3A_184 = arith.constant 64 : index
      %swap3A_185 = tpu.vector_load %arg10[%swap3A_182, %swap3A_183, %swap3A_184] {strides = array<i32>} : memref<2x80x128xf32, #tpu.memory_space<vmem>>, vector<16xf32>,
      tpu.vector_store %arg10[%swap3A_182, %swap3A_183, %swap3A_184], %unpack3A_172 {strides = array<i32>} : memref<2x80x128xf32, #tpu.memory_space<vmem>>, vector<16xf32>,
      %add3A_186 = arith.constant 0 : i32
      %add3A_187 = arith.addi %add3A_156, %add3A_186 : i32
      %get3A_188 = arith.constant 0 : i32
      %get3A_189 = arith.index_cast %get3A_188 : i32 to index
      %get3A_190 = arith.index_cast %add3A_187 : i32 to index
      %get3A_191 = arith.constant 16 : index
      %get3A_192 = tpu.vector_load %arg8[%get3A_189, %get3A_190, %get3A_191] {strides = array<i32>} : memref<2x80x64xf32, #tpu.memory_space<vmem>>, vector<16xf32>,
      %bitcast3A_193 = vector.bitcast %get3A_192 : vector<16xf32> to vector<32xbf16>
      %add3A_194 = arith.constant 0 : i32
      %add3A_195 = arith.addi %add3A_156, %add3A_194 : i32
      %get3A_196 = arith.constant 0 : i32
      %get3A_197 = arith.index_cast %get3A_196 : i32 to index
      %get3A_198 = arith.index_cast %add3A_195 : i32 to index
      %get3A_199 = arith.constant 16 : index
      %get3A_200 = tpu.vector_load %arg9[%get3A_197, %get3A_198, %get3A_199] {strides = array<i32>} : memref<2x80x64xf32, #tpu.memory_space<vmem>>, vector<16xf32>,
      %bitcast3A_201 = vector.bitcast %get3A_200 : vector<16xf32> to vector<32xbf16>
      %mul3A_202 = arith.mulf %bitcast3A_193, %bitcast3A_201 : vector<32xbf16>
      %unpack3A_203 = tpu.unpack_subelements %mul3A_202, 0 {pack_format = #tpu.pack_format<interleaved>} : vector<32xbf16> -> vector<16xf32>
      %unpack3A_204 = tpu.unpack_subelements %mul3A_202, 1 {pack_format = #tpu.pack_format<interleaved>} : vector<32xbf16> -> vector<16xf32>
      %add3A_205 = arith.constant 0 : i32
      %add3A_206 = arith.addi %add3A_156, %add3A_205 : i32
      %swap3A_207 = arith.constant 0 : i32
      %swap3A_208 = arith.index_cast %swap3A_207 : i32 to index
      %swap3A_209 = arith.index_cast %add3A_206 : i32 to index
      %swap3A_210 = arith.constant 16 : index
      %swap3A_211 = tpu.vector_load %arg10[%swap3A_208, %swap3A_209, %swap3A_210] {strides = array<i32>} : memref<2x80x128xf32, #tpu.memory_space<vmem>>, vector<16xf32>,
      tpu.vector_store %arg10[%swap3A_208, %swap3A_209, %swap3A_210], %unpack3A_203 {strides = array<i32>} : memref<2x80x128xf32, #tpu.memory_space<vmem>>, vector<16xf32>,
      %add3A_212 = arith.constant 0 : i32
      %add3A_213 = arith.addi %add3A_156, %add3A_212 : i32
      %swap3A_214 = arith.constant 0 : i32
      %swap3A_215 = arith.index_cast %swap3A_214 : i32 to index
      %swap3A_216 = arith.index_cast %add3A_213 : i32 to index
      %swap3A_217 = arith.constant 80 : index
      %swap3A_218 = tpu.vector_load %arg10[%swap3A_215, %swap3A_216, %swap3A_217] {strides = array<i32>} : memref<2x80x128xf32, #tpu.memory_space<vmem>>, vector<16xf32>,
      tpu.vector_store %arg10[%swap3A_215, %swap3A_216, %swap3A_217], %unpack3A_204 {strides = array<i32>} : memref<2x80x128xf32, #tpu.memory_space<vmem>>, vector<16xf32>,
      %add3A_219 = arith.constant 0 : i32
      %add3A_220 = arith.addi %add3A_156, %add3A_219 : i32
      %get3A_221 = arith.constant 0 : i32
      %get3A_222 = arith.index_cast %get3A_221 : i32 to index
      %get3A_223 = arith.index_cast %add3A_220 : i32 to index
      %get3A_224 = arith.constant 32 : index
      %get3A_225 = tpu.vector_load %arg8[%get3A_222, %get3A_223, %get3A_224] {strides = array<i32>} : memref<2x80x64xf32, #tpu.memory_space<vmem>>, vector<16xf32>,
      %bitcast3A_226 = vector.bitcast %get3A_225 : vector<16xf32> to vector<32xbf16>
      %add3A_227 = arith.constant 0 : i32
      %add3A_228 = arith.addi %add3A_156, %add3A_227 : i32
      %get3A_229 = arith.constant 0 : i32
      %get3A_230 = arith.index_cast %get3A_229 : i32 to index
      %get3A_231 = arith.index_cast %add3A_228 : i32 to index
      %get3A_232 = arith.constant 32 : index
      %get3A_233 = tpu.vector_load %arg9[%get3A_230, %get3A_231, %get3A_232] {strides = array<i32>} : memref<2x80x64xf32, #tpu.memory_space<vmem>>, vector<16xf32>,
      %bitcast3A_234 = vector.bitcast %get3A_233 : vector<16xf32> to vector<32xbf16>
      %mul3A_235 = arith.mulf %bitcast3A_226, %bitcast3A_234 : vector<32xbf16>
      %unpack3A_236 = tpu.unpack_subelements %mul3A_235, 0 {pack_format = #tpu.pack_format<interleaved>} : vector<32xbf16> -> vector<16xf32>
      %unpack3A_237 = tpu.unpack_subelements %mul3A_235, 1 {pack_format = #tpu.pack_format<interleaved>} : vector<32xbf16> -> vector<16xf32>
      %add3A_238 = arith.constant 0 : i32
      %add3A_239 = arith.addi %add3A_156, %add3A_238 : i32
      %swap3A_240 = arith.constant 0 : i32
      %swap3A_241 = arith.index_cast %swap3A_240 : i32 to index
      %swap3A_242 = arith.index_cast %add3A_239 : i32 to index
      %swap3A_243 = arith.constant 32 : index
      %swap3A_244 = tpu.vector_load %arg10[%swap3A_241, %swap3A_242, %swap3A_243] {strides = array<i32>} : memref<2x80x128xf32, #tpu.memory_space<vmem>>, vector<16xf32>,
      tpu.vector_store %arg10[%swap3A_241, %swap3A_242, %swap3A_243], %unpack3A_236 {strides = array<i32>} : memref<2x80x128xf32, #tpu.memory_space<vmem>>, vector<16xf32>,
      %add3A_245 = arith.constant 0 : i32
      %add3A_246 = arith.addi %add3A_156, %add3A_245 : i32
      %swap3A_247 = arith.constant 0 : i32
      %swap3A_248 = arith.index_cast %swap3A_247 : i32 to index
      %swap3A_249 = arith.index_cast %add3A_246 : i32 to index
      %swap3A_250 = arith.constant 96 : index
      %swap3A_251 = tpu.vector_load %arg10[%swap3A_248, %swap3A_249, %swap3A_250] {strides = array<i32>} : memref<2x80x128xf32, #tpu.memory_space<vmem>>, vector<16xf32>,
      tpu.vector_store %arg10[%swap3A_248, %swap3A_249, %swap3A_250], %unpack3A_237 {strides = array<i32>} : memref<2x80x128xf32, #tpu.memory_space<vmem>>, vector<16xf32>,
      %add3A_252 = arith.constant 0 : i32
      %add3A_253 = arith.addi %add3A_156, %add3A_252 : i32
      %get3A_254 = arith.constant 0 : i32
      %get3A_255 = arith.index_cast %get3A_254 : i32 to index
      %get3A_256 = arith.index_cast %add3A_253 : i32 to index
      %get3A_257 = arith.constant 48 : index
      %get3A_258 = tpu.vector_load %arg8[%get3A_255, %get3A_256, %get3A_257] {strides = array<i32>} : memref<2x80x64xf32, #tpu.memory_space<vmem>>, vector<16xf32>,
      %bitcast3A_259 = vector.bitcast %get3A_258 : vector<16xf32> to vector<32xbf16>
      %add3A_260 = arith.constant 0 : i32
      %add3A_261 = arith.addi %add3A_156, %add3A_260 : i32
      %get3A_262 = arith.constant 0 : i32
      %get3A_263 = arith.index_cast %get3A_262 : i32 to index
      %get3A_264 = arith.index_cast %add3A_261 : i32 to index
      %get3A_265 = arith.constant 48 : index
      %get3A_266 = tpu.vector_load %arg9[%get3A_263, %get3A_264, %get3A_265] {strides = array<i32>} : memref<2x80x64xf32, #tpu.memory_space<vmem>>, vector<16xf32>,
      %bitcast3A_267 = vector.bitcast %get3A_266 : vector<16xf32> to vector<32xbf16>
      %mul3A_268 = arith.mulf %bitcast3A_259, %bitcast3A_267 : vector<32xbf16>
      %unpack3A_269 = tpu.unpack_subelements %mul3A_268, 0 {pack_format = #tpu.pack_format<interleaved>} : vector<32xbf16> -> vector<16xf32>
      %unpack3A_270 = tpu.unpack_subelements %mul3A_268, 1 {pack_format = #tpu.pack_format<interleaved>} : vector<32xbf16> -> vector<16xf32>
      %add3A_271 = arith.constant 0 : i32
      %add3A_272 = arith.addi %add3A_156, %add3A_271 : i32
      %swap3A_273 = arith.constant 0 : i32
      %swap3A_274 = arith.index_cast %swap3A_273 : i32 to index
      %swap3A_275 = arith.index_cast %add3A_272 : i32 to index
      %swap3A_276 = arith.constant 48 : index
      %swap3A_277 = tpu.vector_load %arg10[%swap3A_274, %swap3A_275, %swap3A_276] {strides = array<i32>} : memref<2x80x128xf32, #tpu.memory_space<vmem>>, vector<16xf32>,
      tpu.vector_store %arg10[%swap3A_274, %swap3A_275, %swap3A_276], %unpack3A_269 {strides = array<i32>} : memref<2x80x128xf32, #tpu.memory_space<vmem>>, vector<16xf32>,
      %add3A_278 = arith.constant 0 : i32
      %add3A_279 = arith.addi %add3A_156, %add3A_278 : i32
      %swap3A_280 = arith.constant 0 : i32
      %swap3A_281 = arith.index_cast %swap3A_280 : i32 to index
      %swap3A_282 = arith.index_cast %add3A_279 : i32 to index
      %swap3A_283 = arith.constant 112 : index
      %swap3A_284 = tpu.vector_load %arg10[%swap3A_281, %swap3A_282, %swap3A_283] {strides = array<i32>} : memref<2x80x128xf32, #tpu.memory_space<vmem>>, vector<16xf32>,
      tpu.vector_store %arg10[%swap3A_281, %swap3A_282, %swap3A_283], %unpack3A_270 {strides = array<i32>} : memref<2x80x128xf32, #tpu.memory_space<vmem>>, vector<16xf32>,
      %add3A_285 = arith.constant 1 : i32
      %add3A_286 = arith.addi %add3A_156, %add3A_285 : i32
      %get3A_287 = arith.constant 0 : i32
      %get3A_288 = arith.index_cast %get3A_287 : i32 to index
      %get3A_289 = arith.index_cast %add3A_286 : i32 to index
      %get3A_290 = arith.constant 0 : index
      %get3A_291 = tpu.vector_load %arg8[%get3A_288, %get3A_289, %get3A_290] {strides = array<i32>} : memref<2x80x64xf32, #tpu.memory_space<vmem>>, vector<16xf32>,
      %bitcast3A_292 = vector.bitcast %get3A_291 : vector<16xf32> to vector<32xbf16>
      %add3A_293 = arith.constant 1 : i32
      %add3A_294 = arith.addi %add3A_156, %add3A_293 : i32
      %get3A_295 = arith.constant 0 : i32
      %get3A_296 = arith.index_cast %get3A_295 : i32 to index
      %get3A_297 = arith.index_cast %add3A_294 : i32 to index
      %get3A_298 = arith.constant 0 : index
      %get3A_299 = tpu.vector_load %arg9[%get3A_296, %get3A_297, %get3A_298] {strides = array<i32>} : memref<2x80x64xf32, #tpu.memory_space<vmem>>, vector<16xf32>,
      %bitcast3A_300 = vector.bitcast %get3A_299 : vector<16xf32> to vector<32xbf16>
      %mul3A_301 = arith.mulf %bitcast3A_292, %bitcast3A_300 : vector<32xbf16>
      %unpack3A_302 = tpu.unpack_subelements %mul3A_301, 0 {pack_format = #tpu.pack_format<interleaved>} : vector<32xbf16> -> vector<16xf32>
      %unpack3A_303 = tpu.unpack_subelements %mul3A_301, 1 {pack_format = #tpu.pack_format<interleaved>} : vector<32xbf16> -> vector<16xf32>
      %add3A_304 = arith.constant 1 : i32
      %add3A_305 = arith.addi %add3A_156, %add3A_304 : i32
      %swap3A_306 = arith.constant 0 : i32
      %swap3A_307 = arith.index_cast %swap3A_306 : i32 to index
      %swap3A_308 = arith.index_cast %add3A_305 : i32 to index
      %swap3A_309 = arith.constant 0 : index
      %swap3A_310 = tpu.vector_load %arg10[%swap3A_307, %swap3A_308, %swap3A_309] {strides = array<i32>} : memref<2x80x128xf32, #tpu.memory_space<vmem>>, vector<16xf32>,
      tpu.vector_store %arg10[%swap3A_307, %swap3A_308, %swap3A_309], %unpack3A_302 {strides = array<i32>} : memref<2x80x128xf32, #tpu.memory_space<vmem>>, vector<16xf32>,
      %add3A_311 = arith.constant 1 : i32
      %add3A_312 = arith.addi %add3A_156, %add3A_311 : i32
      %swap3A_313 = arith.constant 0 : i32
      %swap3A_314 = arith.index_cast %swap3A_313 : i32 to index
      %swap3A_315 = arith.index_cast %add3A_312 : i32 to index
      %swap3A_316 = arith.constant 64 : index
      %swap3A_317 = tpu.vector_load %arg10[%swap3A_314, %swap3A_315, %swap3A_316] {strides = array<i32>} : memref<2x80x128xf32, #tpu.memory_space<vmem>>, vector<16xf32>,
      tpu.vector_store %arg10[%swap3A_314, %swap3A_315, %swap3A_316], %unpack3A_303 {strides = array<i32>} : memref<2x80x128xf32, #tpu.memory_space<vmem>>, vector<16xf32>,
      %add3A_318 = arith.constant 1 : i32
      %add3A_319 = arith.addi %add3A_156, %add3A_318 : i32
      %get3A_320 = arith.constant 0 : i32
      %get3A_321 = arith.index_cast %get3A_320 : i32 to index
      %get3A_322 = arith.index_cast %add3A_319 : i32 to index
      %get3A_323 = arith.constant 16 : index
      %get3A_324 = tpu.vector_load %arg8[%get3A_321, %get3A_322, %get3A_323] {strides = array<i32>} : memref<2x80x64xf32, #tpu.memory_space<vmem>>, vector<16xf32>,
      %bitcast3A_325 = vector.bitcast %get3A_324 : vector<16xf32> to vector<32xbf16>
      %add3A_326 = arith.constant 1 : i32
      %add3A_327 = arith.addi %add3A_156, %add3A_326 : i32
      %get3A_328 = arith.constant 0 : i32
      %get3A_329 = arith.index_cast %get3A_328 : i32 to index
      %get3A_330 = arith.index_cast %add3A_327 : i32 to index
      %get3A_331 = arith.constant 16 : index
      %get3A_332 = tpu.vector_load %arg9[%get3A_329, %get3A_330, %get3A_331] {strides = array<i32>} : memref<2x80x64xf32, #tpu.memory_space<vmem>>, vector<16xf32>,
      %bitcast3A_333 = vector.bitcast %get3A_332 : vector<16xf32> to vector<32xbf16>
      %mul3A_334 = arith.mulf %bitcast3A_325, %bitcast3A_333 : vector<32xbf16>
      %unpack3A_335 = tpu.unpack_subelements %mul3A_334, 0 {pack_format = #tpu.pack_format<interleaved>} : vector<32xbf16> -> vector<16xf32>
      %unpack3A_336 = tpu.unpack_subelements %mul3A_334, 1 {pack_format = #tpu.pack_format<interleaved>} : vector<32xbf16> -> vector<16xf32>
      %add3A_337 = arith.constant 1 : i32
      %add3A_338 = arith.addi %add3A_156, %add3A_337 : i32
      %swap3A_339 = arith.constant 0 : i32
      %swap3A_340 = arith.index_cast %swap3A_339 : i32 to index
      %swap3A_341 = arith.index_cast %add3A_338 : i32 to index
      %swap3A_342 = arith.constant 16 : index
      %swap3A_343 = tpu.vector_load %arg10[%swap3A_340, %swap3A_341, %swap3A_342] {strides = array<i32>} : memref<2x80x128xf32, #tpu.memory_space<vmem>>, vector<16xf32>,
      tpu.vector_store %arg10[%swap3A_340, %swap3A_341, %swap3A_342], %unpack3A_335 {strides = array<i32>} : memref<2x80x128xf32, #tpu.memory_space<vmem>>, vector<16xf32>,
      %add3A_344 = arith.constant 1 : i32
      %add3A_345 = arith.addi %add3A_156, %add3A_344 : i32
      %swap3A_346 = arith.constant 0 : i32
      %swap3A_347 = arith.index_cast %swap3A_346 : i32 to index
      %swap3A_348 = arith.index_cast %add3A_345 : i32 to index
      %swap3A_349 = arith.constant 80 : index
      %swap3A_350 = tpu.vector_load %arg10[%swap3A_347, %swap3A_348, %swap3A_349] {strides = array<i32>} : memref<2x80x128xf32, #tpu.memory_space<vmem>>, vector<16xf32>,
      tpu.vector_store %arg10[%swap3A_347, %swap3A_348, %swap3A_349], %unpack3A_336 {strides = array<i32>} : memref<2x80x128xf32, #tpu.memory_space<vmem>>, vector<16xf32>,
      %add3A_351 = arith.constant 1 : i32
      %add3A_352 = arith.addi %add3A_156, %add3A_351 : i32
      %get3A_353 = arith.constant 0 : i32
      %get3A_354 = arith.index_cast %get3A_353 : i32 to index
      %get3A_355 = arith.index_cast %add3A_352 : i32 to index
      %get3A_356 = arith.constant 32 : index
      %get3A_357 = tpu.vector_load %arg8[%get3A_354, %get3A_355, %get3A_356] {strides = array<i32>} : memref<2x80x64xf32, #tpu.memory_space<vmem>>, vector<16xf32>,
      %bitcast3A_358 = vector.bitcast %get3A_357 : vector<16xf32> to vector<32xbf16>
      %add3A_359 = arith.constant 1 : i32
      %add3A_360 = arith.addi %add3A_156, %add3A_359 : i32
      %get3A_361 = arith.constant 0 : i32
      %get3A_362 = arith.index_cast %get3A_361 : i32 to index
      %get3A_363 = arith.index_cast %add3A_360 : i32 to index
      %get3A_364 = arith.constant 32 : index
      %get3A_365 = tpu.vector_load %arg9[%get3A_362, %get3A_363, %get3A_364] {strides = array<i32>} : memref<2x80x64xf32, #tpu.memory_space<vmem>>, vector<16xf32>,
      %bitcast3A_366 = vector.bitcast %get3A_365 : vector<16xf32> to vector<32xbf16>
      %mul3A_367 = arith.mulf %bitcast3A_358, %bitcast3A_366 : vector<32xbf16>
      %unpack3A_368 = tpu.unpack_subelements %mul3A_367, 0 {pack_format = #tpu.pack_format<interleaved>} : vector<32xbf16> -> vector<16xf32>
      %unpack3A_369 = tpu.unpack_subelements %mul3A_367, 1 {pack_format = #tpu.pack_format<interleaved>} : vector<32xbf16> -> vector<16xf32>
      %add3A_370 = arith.constant 1 : i32
      %add3A_371 = arith.addi %add3A_156, %add3A_370 : i32
      %swap3A_372 = arith.constant 0 : i32
      %swap3A_373 = arith.index_cast %swap3A_372 : i32 to index
      %swap3A_374 = arith.index_cast %add3A_371 : i32 to index
      %swap3A_375 = arith.constant 32 : index
      %swap3A_376 = tpu.vector_load %arg10[%swap3A_373, %swap3A_374, %swap3A_375] {strides = array<i32>} : memref<2x80x128xf32, #tpu.memory_space<vmem>>, vector<16xf32>,
      tpu.vector_store %arg10[%swap3A_373, %swap3A_374, %swap3A_375], %unpack3A_368 {strides = array<i32>} : memref<2x80x128xf32, #tpu.memory_space<vmem>>, vector<16xf32>,
      %add3A_377 = arith.constant 1 : i32
      %add3A_378 = arith.addi %add3A_156, %add3A_377 : i32
      %swap3A_379 = arith.constant 0 : i32
      %swap3A_380 = arith.index_cast %swap3A_379 : i32 to index
      %swap3A_381 = arith.index_cast %add3A_378 : i32 to index
      %swap3A_382 = arith.constant 96 : index
      %swap3A_383 = tpu.vector_load %arg10[%swap3A_380, %swap3A_381, %swap3A_382] {strides = array<i32>} : memref<2x80x128xf32, #tpu.memory_space<vmem>>, vector<16xf32>,
      tpu.vector_store %arg10[%swap3A_380, %swap3A_381, %swap3A_382], %unpack3A_369 {strides = array<i32>} : memref<2x80x128xf32, #tpu.memory_space<vmem>>, vector<16xf32>,
      %add3A_384 = arith.constant 1 : i32
      %add3A_385 = arith.addi %add3A_156, %add3A_384 : i32
      %get3A_386 = arith.constant 0 : i32
      %get3A_387 = arith.index_cast %get3A_386 : i32 to index
      %get3A_388 = arith.index_cast %add3A_385 : i32 to index
      %get3A_389 = arith.constant 48 : index
      %get3A_390 = tpu.vector_load %arg8[%get3A_387, %get3A_388, %get3A_389] {strides = array<i32>} : memref<2x80x64xf32, #tpu.memory_space<vmem>>, vector<16xf32>,
      %bitcast3A_391 = vector.bitcast %get3A_390 : vector<16xf32> to vector<32xbf16>
      %add3A_392 = arith.constant 1 : i32
      %add3A_393 = arith.addi %add3A_156, %add3A_392 : i32
      %get3A_394 = arith.constant 0 : i32
      %get3A_395 = arith.index_cast %get3A_394 : i32 to index
      %get3A_396 = arith.index_cast %add3A_393 : i32 to index
      %get3A_397 = arith.constant 48 : index
      %get3A_398 = tpu.vector_load %arg9[%get3A_395, %get3A_396, %get3A_397] {strides = array<i32>} : memref<2x80x64xf32, #tpu.memory_space<vmem>>, vector<16xf32>,
      %bitcast3A_399 = vector.bitcast %get3A_398 : vector<16xf32> to vector<32xbf16>
      %mul3A_400 = arith.mulf %bitcast3A_391, %bitcast3A_399 : vector<32xbf16>
      %unpack3A_401 = tpu.unpack_subelements %mul3A_400, 0 {pack_format = #tpu.pack_format<interleaved>} : vector<32xbf16> -> vector<16xf32>
      %unpack3A_402 = tpu.unpack_subelements %mul3A_400, 1 {pack_format = #tpu.pack_format<interleaved>} : vector<32xbf16> -> vector<16xf32>
      %add3A_403 = arith.constant 1 : i32
      %add3A_404 = arith.addi %add3A_156, %add3A_403 : i32
      %swap3A_405 = arith.constant 0 : i32
      %swap3A_406 = arith.index_cast %swap3A_405 : i32 to index
      %swap3A_407 = arith.index_cast %add3A_404 : i32 to index
      %swap3A_408 = arith.constant 48 : index
      %swap3A_409 = tpu.vector_load %arg10[%swap3A_406, %swap3A_407, %swap3A_408] {strides = array<i32>} : memref<2x80x128xf32, #tpu.memory_space<vmem>>, vector<16xf32>,
      tpu.vector_store %arg10[%swap3A_406, %swap3A_407, %swap3A_408], %unpack3A_401 {strides = array<i32>} : memref<2x80x128xf32, #tpu.memory_space<vmem>>, vector<16xf32>,
      %add3A_410 = arith.constant 1 : i32
      %add3A_411 = arith.addi %add3A_156, %add3A_410 : i32
      %swap3A_412 = arith.constant 0 : i32
      %swap3A_413 = arith.index_cast %swap3A_412 : i32 to index
      %swap3A_414 = arith.index_cast %add3A_411 : i32 to index
      %swap3A_415 = arith.constant 112 : index
      %swap3A_416 = tpu.vector_load %arg10[%swap3A_413, %swap3A_414, %swap3A_415] {strides = array<i32>} : memref<2x80x128xf32, #tpu.memory_space<vmem>>, vector<16xf32>,
      tpu.vector_store %arg10[%swap3A_413, %swap3A_414, %swap3A_415], %unpack3A_402 {strides = array<i32>} : memref<2x80x128xf32, #tpu.memory_space<vmem>>, vector<16xf32>,
    }
    %scan3A_97 = arith.constant 40 : i32
    %dma_start3A_98 = arith.constant 0 : i32
    %dma_start3A_99 = arith.constant 124 : i32
    %dma_start3A_100 = arith.constant 0 : i32
    %dma_start3A_101 = arith.constant 0 : i32
    %dma_start3A_102 = tpu.memref_slice %arg10[%dma_start3A_98, %dma_start3A_100, %dma_start3A_101] : memref<2x80x128xf32, #tpu.memory_space<vmem>> -> memref<1x80x128xf32, #tpu.memory_space<vmem>>
    %dma_start3A_103 = tpu.memref_squeeze %dma_start3A_102 : memref<1x80x128xf32, #tpu.memory_space<vmem>> -> memref<80x128xf32, #tpu.memory_space<vmem>>
    %dma_start3A_104 = arith.constant 0 : i32
    %dma_start3A_105 = arith.constant 0 : i32
    %dma_start3A_106 = tpu.memref_slice %arg5[%add3A, %dma_start3A_99, %dma_start3A_104, %dma_start3A_105] : memref<32x125x80x128xf32, #tpu.memory_space<hbm>> -> memref<1x1x80x128xf32, #tpu.memory_space<hbm>>
    %dma_start3A_107 = tpu.memref_squeeze %dma_start3A_106 : memref<1x1x80x128xf32, #tpu.memory_space<hbm>> -> memref<80x128xf32, #tpu.memory_space<hbm>>
    %dma_start3A_108 = arith.constant 0 : i32
    %dma_start3A_109 = arith.constant 0 : i32
    %dma_start3A_110 = tpu.memref_slice %arg5[%add3A, %dma_start3A_99, %dma_start3A_108, %dma_start3A_109] : memref<32x125x80x128xf32, #tpu.memory_space<hbm>> -> memref<1x1x80x128xf32, #tpu.memory_space<hbm>>
    %dma_start3A_111 = tpu.memref_squeeze %dma_start3A_110 : memref<1x1x80x128xf32, #tpu.memory_space<hbm>> -> memref<80x128xf32, #tpu.memory_space<hbm>>
    %dma_start3A_112 = arith.constant 0 : i32
    %dma_start3A_113 = arith.constant 0 : i32
    %dma_start3A_114 = tpu.memref_slice %arg10[%dma_start3A_98, %dma_start3A_112, %dma_start3A_113] : memref<2x80x128xf32, #tpu.memory_space<vmem>> -> memref<1x80x128xf32, #tpu.memory_space<vmem>>
    %dma_start3A_115 = tpu.memref_squeeze %dma_start3A_114 : memref<1x80x128xf32, #tpu.memory_space<vmem>> -> memref<80x128xf32, #tpu.memory_space<vmem>>
    tpu.enqueue_dma source(%dma_start3A_115 : memref<80x128xf32, #tpu.memory_space<vmem>>) target(%dma_start3A_111 : memref<80x128xf32, #tpu.memory_space<hbm>>) target_semaphore(%arg13 : memref<!tpu.dma_semaphore, #tpu.memory_space<semaphore_mem>>)
    %dma_wait3A_116 = arith.constant 1 : i32
    %dma_wait3A_117 = arith.constant 123 : i32
    %dma_wait3A_118 = arith.constant 0 : i32
    %dma_wait3A_119 = arith.constant 0 : i32
    %dma_wait3A_120 = tpu.memref_slice %arg10[%dma_wait3A_116, %dma_wait3A_118, %dma_wait3A_119] : memref<2x80x128xf32, #tpu.memory_space<vmem>> -> memref<1x80x128xf32, #tpu.memory_space<vmem>>
    %dma_wait3A_121 = tpu.memref_squeeze %dma_wait3A_120 : memref<1x80x128xf32, #tpu.memory_space<vmem>> -> memref<80x128xf32, #tpu.memory_space<vmem>>
    %dma_wait3A_122 = arith.constant 0 : i32
    %dma_wait3A_123 = arith.constant 0 : i32
    %dma_wait3A_124 = tpu.memref_slice %arg5[%add3A, %dma_wait3A_117, %dma_wait3A_122, %dma_wait3A_123] : memref<32x125x80x128xf32, #tpu.memory_space<hbm>> -> memref<1x1x80x128xf32, #tpu.memory_space<hbm>>
    %dma_wait3A_125 = tpu.memref_squeeze %dma_wait3A_124 : memref<1x1x80x128xf32, #tpu.memory_space<hbm>> -> memref<80x128xf32, #tpu.memory_space<hbm>>
    %dma_wait3A_126 = arith.constant 0 : i32
    %dma_wait3A_127 = arith.constant 0 : i32
    %dma_wait3A_128 = tpu.memref_slice %arg5[%add3A, %dma_wait3A_117, %dma_wait3A_126, %dma_wait3A_127] : memref<32x125x80x128xf32, #tpu.memory_space<hbm>> -> memref<1x1x80x128xf32, #tpu.memory_space<hbm>>
    %dma_wait3A_129 = tpu.memref_squeeze %dma_wait3A_128 : memref<1x1x80x128xf32, #tpu.memory_space<hbm>> -> memref<80x128xf32, #tpu.memory_space<hbm>>
    %dma_wait3A_130 = arith.constant 0 : i32
    %dma_wait3A_131 = arith.constant 0 : i32
    %dma_wait3A_132 = tpu.memref_slice %arg10[%dma_wait3A_116, %dma_wait3A_130, %dma_wait3A_131] : memref<2x80x128xf32, #tpu.memory_space<vmem>> -> memref<1x80x128xf32, #tpu.memory_space<vmem>>
    %dma_wait3A_133 = tpu.memref_squeeze %dma_wait3A_132 : memref<1x80x128xf32, #tpu.memory_space<vmem>> -> memref<80x128xf32, #tpu.memory_space<vmem>>
    tpu.wait_dma2 semaphore(%arg14 : memref<!tpu.dma_semaphore, #tpu.memory_space<semaphore_mem>>) src(%dma_wait3A_133 : memref<80x128xf32, #tpu.memory_space<vmem>>) dst(%dma_wait3A_129 : memref<80x128xf32, #tpu.memory_space<hbm>>)
    %dma_wait3A_134 = arith.constant 0 : i32
    %dma_wait3A_135 = arith.constant 124 : i32
    %dma_wait3A_136 = arith.constant 0 : i32
    %dma_wait3A_137 = arith.constant 0 : i32
    %dma_wait3A_138 = tpu.memref_slice %arg10[%dma_wait3A_134, %dma_wait3A_136, %dma_wait3A_137] : memref<2x80x128xf32, #tpu.memory_space<vmem>> -> memref<1x80x128xf32, #tpu.memory_space<vmem>>
    %dma_wait3A_139 = tpu.memref_squeeze %dma_wait3A_138 : memref<1x80x128xf32, #tpu.memory_space<vmem>> -> memref<80x128xf32, #tpu.memory_space<vmem>>
    %dma_wait3A_140 = arith.constant 0 : i32
    %dma_wait3A_141 = arith.constant 0 : i32
    %dma_wait3A_142 = tpu.memref_slice %arg5[%add3A, %dma_wait3A_135, %dma_wait3A_140, %dma_wait3A_141] : memref<32x125x80x128xf32, #tpu.memory_space<hbm>> -> memref<1x1x80x128xf32, #tpu.memory_space<hbm>>
    %dma_wait3A_143 = tpu.memref_squeeze %dma_wait3A_142 : memref<1x1x80x128xf32, #tpu.memory_space<hbm>> -> memref<80x128xf32, #tpu.memory_space<hbm>>
    %dma_wait3A_144 = arith.constant 0 : i32
    %dma_wait3A_145 = arith.constant 0 : i32
    %dma_wait3A_146 = tpu.memref_slice %arg5[%add3A, %dma_wait3A_135, %dma_wait3A_144, %dma_wait3A_145] : memref<32x125x80x128xf32, #tpu.memory_space<hbm>> -> memref<1x1x80x128xf32, #tpu.memory_space<hbm>>
    %dma_wait3A_147 = tpu.memref_squeeze %dma_wait3A_146 : memref<1x1x80x128xf32, #tpu.memory_space<hbm>> -> memref<80x128xf32, #tpu.memory_space<hbm>>
    %dma_wait3A_148 = arith.constant 0 : i32
    %dma_wait3A_149 = arith.constant 0 : i32
    %dma_wait3A_150 = tpu.memref_slice %arg10[%dma_wait3A_134, %dma_wait3A_148, %dma_wait3A_149] : memref<2x80x128xf32, #tpu.memory_space<vmem>> -> memref<1x80x128xf32, #tpu.memory_space<vmem>>
    %dma_wait3A_151 = tpu.memref_squeeze %dma_wait3A_150 : memref<1x80x128xf32, #tpu.memory_space<vmem>> -> memref<80x128xf32, #tpu.memory_space<vmem>>
    tpu.wait_dma2 semaphore(%arg13 : memref<!tpu.dma_semaphore, #tpu.memory_space<semaphore_mem>>) src(%dma_wait3A_151 : memref<80x128xf32, #tpu.memory_space<vmem>>) dst(%dma_wait3A_147 : memref<80x128xf32, #tpu.memory_space<hbm>>)
    return
  }
}

module attributes {stable_mosaic.version = 14 : i64} {
  func.func @_dense_body(%arg0: i32, %arg1: memref<2x1000x64xf32, #tpu.memory_space<vmem>>, %arg2: memref<2x1000x32xf32, #tpu.memory_space<vmem>>, %arg3: memref<1000x128xf32, #tpu.memory_space<vmem>>, %arg4: memref<2x32x128xf32, #tpu.memory_space<vmem>>, %arg5: memref<128x128xf32, #tpu.memory_space<vmem>>, %arg6: memref<128x128xf32, #tpu.memory_space<vmem>>, %arg7: memref<128x128xf32, #tpu.memory_space<vmem>>, %arg8: memref<1000x64xf32, #tpu.memory_space<vmem>>, %arg9: memref<64x128xf32, #tpu.memory_space<vmem>>) attributes {dimension_semantics = [#tpu.dimension_semantics<arbitrary>], iteration_bounds = array<i64: 10>, scalar_prefetch = 0 : i64, scratch_operands = 0 : i64, tpu.core_type = #tpu.core_type<tc>, window_params = [{transform_indices = @transform_0, window_bounds = array<i64: 2, 1000, 64>}, {transform_indices = @transform_1, window_bounds = array<i64: 2, 1000, 32>}, {transform_indices = @transform_2, window_bounds = array<i64: 1000, 128>}, {pipeline_mode = #tpu.pipeline_mode<synchronous>, transform_indices = @transform_3, window_bounds = array<i64: 2, 32, 128>}, {pipeline_mode = #tpu.pipeline_mode<synchronous>, transform_indices = @transform_4, window_bounds = array<i64: 128, 128>}, {pipeline_mode = #tpu.pipeline_mode<synchronous>, transform_indices = @transform_5, window_bounds = array<i64: 128, 128>}, {pipeline_mode = #tpu.pipeline_mode<synchronous>, transform_indices = @transform_6, window_bounds = array<i64: 128, 128>}, {transform_indices = @transform_7, window_bounds = array<i64: 1000, 64>}, {pipeline_mode = #tpu.pipeline_mode<synchronous>, transform_indices = @transform_8, window_bounds = array<i64: 64, 128>}]} {
    %get3A = arith.constant 0 : index
    %get3A_0 = arith.constant 0 : index
    %get3A_1 = arith.constant 0 : index
    %get3A_2 = vector.load %arg2[%get3A, %get3A_0, %get3A_1] : memref<2x1000x32xf32, #tpu.memory_space<vmem>>, vector<1x1000x32xf32>
    %get3A_3 = vector.shape_cast %get3A_2 : vector<1x1000x32xf32> to vector<1000x32xf32>
    %reduce_sum3A = arith.constant dense<0.000000e+00> : vector<1000xf32>
    %reduce_sum3A_4 = vector.multi_reduction <add>, %get3A_3, %reduce_sum3A [1] : vector<1000x32xf32> to vector<1000xf32>
    %broadcast_in_dim3A = vector.shape_cast %reduce_sum3A_4 : vector<1000xf32> to vector<1000x1xf32>
    %get3A_5 = arith.constant 1 : index
    %get3A_6 = arith.constant 0 : index
    %get3A_7 = arith.constant 0 : index
    %get3A_8 = vector.load %arg2[%get3A_5, %get3A_6, %get3A_7] : memref<2x1000x32xf32, #tpu.memory_space<vmem>>, vector<1x1000x32xf32>
    %get3A_9 = vector.shape_cast %get3A_8 : vector<1x1000x32xf32> to vector<1000x32xf32>
    %reduce_sum3A_10 = arith.constant dense<0.000000e+00> : vector<1000xf32>
    %reduce_sum3A_11 = vector.multi_reduction <add>, %get3A_9, %reduce_sum3A_10 [1] : vector<1000x32xf32> to vector<1000xf32>
    %broadcast_in_dim3A_12 = vector.shape_cast %reduce_sum3A_11 : vector<1000xf32> to vector<1000x1xf32>
    %add3A = arith.addf %broadcast_in_dim3A, %broadcast_in_dim3A_12 : vector<1000x1xf32>
    %get3A_13 = arith.constant 0 : index
    %get3A_14 = arith.constant 0 : index
    %get3A_15 = arith.constant 0 : index
    %get3A_16 = vector.load %arg1[%get3A_13, %get3A_14, %get3A_15] : memref<2x1000x64xf32, #tpu.memory_space<vmem>>, vector<1x1000x64xf32>
    %get3A_17 = vector.shape_cast %get3A_16 : vector<1x1000x64xf32> to vector<1000x64xf32>
    %get3A_18 = arith.constant 1 : index
    %get3A_19 = arith.constant 0 : index
    %get3A_20 = arith.constant 0 : index
    %get3A_21 = vector.load %arg1[%get3A_18, %get3A_19, %get3A_20] : memref<2x1000x64xf32, #tpu.memory_space<vmem>>, vector<1x1000x64xf32>
    %get3A_22 = vector.shape_cast %get3A_21 : vector<1x1000x64xf32> to vector<1000x64xf32>
    %concatenate3A = tpu.concatenate %get3A_17, %get3A_22 in 1 : vector<1000x64xf32>, vector<1000x64xf32> -> vector<1000x128xf32>
    %get3A_23 = arith.constant 0 : index
    %get3A_24 = arith.constant 0 : index
    %get3A_25 = arith.constant 0 : index
    %get3A_26 = vector.load %arg2[%get3A_23, %get3A_24, %get3A_25] : memref<2x1000x32xf32, #tpu.memory_space<vmem>>, vector<1x1000x32xf32>
    %get3A_27 = vector.shape_cast %get3A_26 : vector<1x1000x32xf32> to vector<1000x32xf32>
    %get3A_28 = arith.constant 0 : index
    %get3A_29 = arith.constant 0 : index
    %get3A_30 = arith.constant 0 : index
    %get3A_31 = vector.load %arg4[%get3A_28, %get3A_29, %get3A_30] : memref<2x32x128xf32, #tpu.memory_space<vmem>>, vector<1x32x128xf32>
    %get3A_32 = vector.shape_cast %get3A_31 : vector<1x32x128xf32> to vector<32x128xf32>
    %dot_general3A = arith.constant dense<0.000000e+00> : vector<1000x128xf32>
    %dot_general3A_33 = tpu.matmul %get3A_27, %get3A_32, %dot_general3A {dimension_numbers = #tpu.dot_dimension_numbers<[1], [0], [0], [1], [0, 0, 1, 1], [], []>, transpose_lhs_hint = false} : vector<1000x32xf32>, vector<32x128xf32>, vector<1000x128xf32> -> vector<1000x128xf32>
    %get3A_34 = arith.constant 1 : index
    %get3A_35 = arith.constant 0 : index
    %get3A_36 = arith.constant 0 : index
    %get3A_37 = vector.load %arg2[%get3A_34, %get3A_35, %get3A_36] : memref<2x1000x32xf32, #tpu.memory_space<vmem>>, vector<1x1000x32xf32>
    %get3A_38 = vector.shape_cast %get3A_37 : vector<1x1000x32xf32> to vector<1000x32xf32>
    %get3A_39 = arith.constant 1 : index
    %get3A_40 = arith.constant 0 : index
    %get3A_41 = arith.constant 0 : index
    %get3A_42 = vector.load %arg4[%get3A_39, %get3A_40, %get3A_41] : memref<2x32x128xf32, #tpu.memory_space<vmem>>, vector<1x32x128xf32>
    %get3A_43 = vector.shape_cast %get3A_42 : vector<1x32x128xf32> to vector<32x128xf32>
    %dot_general3A_44 = arith.constant dense<0.000000e+00> : vector<1000x128xf32>
    %dot_general3A_45 = tpu.matmul %get3A_38, %get3A_43, %dot_general3A_44 {dimension_numbers = #tpu.dot_dimension_numbers<[1], [0], [0], [1], [0, 0, 1, 1], [], []>, transpose_lhs_hint = false} : vector<1000x32xf32>, vector<32x128xf32>, vector<1000x128xf32> -> vector<1000x128xf32>
    %add3A_46 = arith.addf %dot_general3A_33, %dot_general3A_45 : vector<1000x128xf32>
    %sub3A = arith.subf %concatenate3A, %add3A_46 : vector<1000x128xf32>
    %max3A = arith.constant 1.000000e+00 : f32
    %max3A_47 = vector.broadcast %max3A : f32 to vector<1000x1xf32>
    %max3A_48 = arith.maximumf %add3A, %max3A_47 : vector<1000x1xf32>
    %div3A = vector.broadcast %max3A_48 : vector<1000x1xf32> to vector<1000x128xf32>
    %div3A_49 = arith.divf %sub3A, %div3A : vector<1000x128xf32>
    %get3A_50 = arith.constant 0 : index
    %get3A_51 = arith.constant 0 : index
    %get3A_52 = vector.load %arg5[%get3A_50, %get3A_51] : memref<128x128xf32, #tpu.memory_space<vmem>>, vector<128x128xf32>
    %dot_general3A_53 = arith.constant dense<0.000000e+00> : vector<1000x128xf32>
    %dot_general3A_54 = tpu.matmul %div3A_49, %get3A_52, %dot_general3A_53 {dimension_numbers = #tpu.dot_dimension_numbers<[1], [0], [0], [1], [0, 0, 1, 1], [], []>, transpose_lhs_hint = false} : vector<1000x128xf32>, vector<128x128xf32>, vector<1000x128xf32> -> vector<1000x128xf32>
    %get3A_55 = arith.constant 0 : index
    %get3A_56 = arith.constant 0 : index
    %get3A_57 = vector.load %arg3[%get3A_55, %get3A_56] : memref<1000x128xf32, #tpu.memory_space<vmem>>, vector<1000x128xf32>
    %get3A_58 = arith.constant 0 : index
    %get3A_59 = arith.constant 0 : index
    %get3A_60 = vector.load %arg6[%get3A_58, %get3A_59] : memref<128x128xf32, #tpu.memory_space<vmem>>, vector<128x128xf32>
    %dot_general3A_61 = arith.constant dense<0.000000e+00> : vector<1000x128xf32>
    %dot_general3A_62 = tpu.matmul %get3A_57, %get3A_60, %dot_general3A_61 {dimension_numbers = #tpu.dot_dimension_numbers<[1], [0], [0], [1], [0, 0, 1, 1], [], []>, transpose_lhs_hint = false} : vector<1000x128xf32>, vector<128x128xf32>, vector<1000x128xf32> -> vector<1000x128xf32>
    %add3A_63 = arith.addf %dot_general3A_54, %dot_general3A_62 : vector<1000x128xf32>
    %tanh3A = math.tanh %add3A_63 : vector<1000x128xf32>
    %bitcast_convert_type3A = tpu.bitcast %tanh3A : vector<1000x128xf32> -> vector<1000x128xi32>
    %add3A_64 = arith.constant 32767 : i32
    %add3A_65 = vector.broadcast %add3A_64 : i32 to vector<1000x128xi32>
    %add3A_66 = arith.addi %bitcast_convert_type3A, %add3A_65 : vector<1000x128xi32>
    %shift_right_logical3A = arith.constant 16 : i32
    %shift_right_logical3A_67 = vector.broadcast %shift_right_logical3A : i32 to vector<1000x128xi32>
    %shift_right_logical3A_68 = arith.shrui %bitcast_convert_type3A, %shift_right_logical3A_67 : vector<1000x128xi32>
    %and3A = arith.constant 1 : i32
    %and3A_69 = vector.broadcast %and3A : i32 to vector<1000x128xi32>
    %and3A_70 = arith.andi %shift_right_logical3A_68, %and3A_69 : vector<1000x128xi32>
    %add3A_71 = arith.addi %add3A_66, %and3A_70 : vector<1000x128xi32>
    %shift_right_logical3A_72 = arith.constant 16 : i32
    %shift_right_logical3A_73 = vector.broadcast %shift_right_logical3A_72 : i32 to vector<1000x128xi32>
    %shift_right_logical3A_74 = arith.shrui %add3A_71, %shift_right_logical3A_73 : vector<1000x128xi32>
    %slice3A = vector.extract_strided_slice %shift_right_logical3A_74 {offsets = [0, 0], sizes = [1000, 64], strides = [1, 1]} : vector<1000x128xi32> to vector<1000x64xi32>
    %slice3A_75 = vector.extract_strided_slice %shift_right_logical3A_74 {offsets = [0, 64], sizes = [1000, 64], strides = [1, 1]} : vector<1000x128xi32> to vector<1000x64xi32>
    %shift_left3A = arith.constant 16 : i32
    %shift_left3A_76 = vector.broadcast %shift_left3A : i32 to vector<1000x64xi32>
    %shift_left3A_77 = arith.shli %slice3A_75, %shift_left3A_76 : vector<1000x64xi32>
    %or3A = arith.ori %slice3A, %shift_left3A_77 : vector<1000x64xi32>
    %bitcast_convert_type3A_78 = tpu.bitcast %or3A : vector<1000x64xi32> -> vector<1000x64xf32>
    %swap3A = arith.constant 0 : index
    %swap3A_79 = arith.constant 0 : index
    %swap3A_80 = vector.load %arg8[%swap3A, %swap3A_79] : memref<1000x64xf32, #tpu.memory_space<vmem>>, vector<1000x64xf32>
    tpu.vector_store %arg8[%swap3A, %swap3A_79], %bitcast_convert_type3A_78 {strides = array<i32>} : memref<1000x64xf32, #tpu.memory_space<vmem>>, vector<1000x64xf32>,
    %get3A_81 = arith.constant 0 : index
    %get3A_82 = arith.constant 0 : index
    %get3A_83 = arith.constant 0 : index
    %get3A_84 = vector.load %arg4[%get3A_81, %get3A_82, %get3A_83] : memref<2x32x128xf32, #tpu.memory_space<vmem>>, vector<1x32x128xf32>
    %get3A_85 = vector.shape_cast %get3A_84 : vector<1x32x128xf32> to vector<32x128xf32>
    %get3A_86 = arith.constant 1 : index
    %get3A_87 = arith.constant 0 : index
    %get3A_88 = arith.constant 0 : index
    %get3A_89 = vector.load %arg4[%get3A_86, %get3A_87, %get3A_88] : memref<2x32x128xf32, #tpu.memory_space<vmem>>, vector<1x32x128xf32>
    %get3A_90 = vector.shape_cast %get3A_89 : vector<1x32x128xf32> to vector<32x128xf32>
    %concatenate3A_91 = tpu.concatenate %get3A_85, %get3A_90 in 0 : vector<32x128xf32>, vector<32x128xf32> -> vector<64x128xf32>
    %get3A_92 = arith.constant 0 : index
    %get3A_93 = arith.constant 0 : index
    %get3A_94 = vector.load %arg7[%get3A_92, %get3A_93] : memref<128x128xf32, #tpu.memory_space<vmem>>, vector<128x128xf32>
    %dot_general3A_95 = arith.constant dense<0.000000e+00> : vector<64x128xf32>
    %dot_general3A_96 = tpu.matmul %concatenate3A_91, %get3A_94, %dot_general3A_95 {dimension_numbers = #tpu.dot_dimension_numbers<[1], [0], [0], [1], [0, 0, 1, 1], [], []>, transpose_lhs_hint = false} : vector<64x128xf32>, vector<128x128xf32>, vector<64x128xf32> -> vector<64x128xf32>
    %swap3A_97 = arith.constant 0 : index
    %swap3A_98 = arith.constant 0 : index
    %swap3A_99 = vector.load %arg9[%swap3A_97, %swap3A_98] : memref<64x128xf32, #tpu.memory_space<vmem>>, vector<64x128xf32>
    tpu.vector_store %arg9[%swap3A_97, %swap3A_98], %dot_general3A_96 {strides = array<i32>} : memref<64x128xf32, #tpu.memory_space<vmem>>, vector<64x128xf32>,
    return
  }
  func.func @transform_0(%arg0: i32) -> (i32, i32, i32) {
    %c0_i32 = arith.constant 0 : i32
    %c0_i32_0 = arith.constant 0 : i32
    %c0_i32_1 = arith.constant 0 : i32
    return %c0_i32, %arg0, %c0_i32_0 : i32, i32, i32
  }
  func.func @transform_1(%arg0: i32) -> (i32, i32, i32) {
    %c0_i32 = arith.constant 0 : i32
    %c0_i32_0 = arith.constant 0 : i32
    %c0_i32_1 = arith.constant 0 : i32
    return %c0_i32, %arg0, %c0_i32_0 : i32, i32, i32
  }
  func.func @transform_2(%arg0: i32) -> (i32, i32) {
    %c0_i32 = arith.constant 0 : i32
    %c0_i32_0 = arith.constant 0 : i32
    return %arg0, %c0_i32 : i32, i32
  }
  func.func @transform_3(%arg0: i32) -> (i32, i32, i32) {
    %c0_i32 = arith.constant 0 : i32
    %c0_i32_0 = arith.constant 0 : i32
    %c0_i32_1 = arith.constant 0 : i32
    %c0_i32_2 = arith.constant 0 : i32
    return %c0_i32, %c0_i32_0, %c0_i32_1 : i32, i32, i32
  }
  func.func @transform_4(%arg0: i32) -> (i32, i32) {
    %c0_i32 = arith.constant 0 : i32
    %c0_i32_0 = arith.constant 0 : i32
    %c0_i32_1 = arith.constant 0 : i32
    return %c0_i32, %c0_i32_0 : i32, i32
  }
  func.func @transform_5(%arg0: i32) -> (i32, i32) {
    %c0_i32 = arith.constant 0 : i32
    %c0_i32_0 = arith.constant 0 : i32
    %c0_i32_1 = arith.constant 0 : i32
    return %c0_i32, %c0_i32_0 : i32, i32
  }
  func.func @transform_6(%arg0: i32) -> (i32, i32) {
    %c0_i32 = arith.constant 0 : i32
    %c0_i32_0 = arith.constant 0 : i32
    %c0_i32_1 = arith.constant 0 : i32
    return %c0_i32, %c0_i32_0 : i32, i32
  }
  func.func @transform_7(%arg0: i32) -> (i32, i32) {
    %c0_i32 = arith.constant 0 : i32
    %c0_i32_0 = arith.constant 0 : i32
    return %arg0, %c0_i32 : i32, i32
  }
  func.func @transform_8(%arg0: i32) -> (i32, i32) {
    %c0_i32 = arith.constant 0 : i32
    %c0_i32_0 = arith.constant 0 : i32
    %c0_i32_1 = arith.constant 0 : i32
    return %c0_i32, %c0_i32_0 : i32, i32
  }
}

module attributes {stable_mosaic.version = 14 : i64} {
  func.func @_finish_body(%arg0: i32, %arg1: memref<2000x128xf32, #tpu.memory_space<vmem>>, %arg2: memref<1x1x2000xi32, #tpu.memory_space<vmem>>, %arg3: memref<64x128xf32, #tpu.memory_space<vmem>>, %arg4: memref<1x1x2000xf32, #tpu.memory_space<vmem>>) attributes {dimension_semantics = [#tpu.dimension_semantics<arbitrary>], iteration_bounds = array<i64: 160>, scalar_prefetch = 0 : i64, scratch_operands = 0 : i64, tpu.core_type = #tpu.core_type<tc>, window_params = [{transform_indices = @transform_0, window_bounds = array<i64: 2000, 128>}, {transform_indices = @transform_1, window_bounds = array<i64: 1, 1, 2000>}, {pipeline_mode = #tpu.pipeline_mode<synchronous>, transform_indices = @transform_2, window_bounds = array<i64: 64, 128>}, {transform_indices = @transform_3, window_bounds = array<i64: 1, 1, 2000>}]} {
    %get3A = arith.constant 0 : index
    %get3A_0 = arith.constant 0 : index
    %get3A_1 = arith.constant 0 : index
    %get3A_2 = vector.load %arg2[%get3A, %get3A_0, %get3A_1] : memref<1x1x2000xi32, #tpu.memory_space<vmem>>, vector<1x1x2000xi32>
    %get3A_3 = vector.shape_cast %get3A_2 : vector<1x1x2000xi32> to vector<2000xi32>
    %broadcast_in_dim3A = vector.shape_cast %get3A_3 : vector<2000xi32> to vector<2000x1xi32>
    %iota3A = tpu.iota {dimensions = array<i32: 1>} : vector<2000x64xi32>
    %eq3A = vector.broadcast %broadcast_in_dim3A : vector<2000x1xi32> to vector<2000x64xi32>
    %eq3A_4 = arith.cmpi eq, %eq3A, %iota3A : vector<2000x64xi32>
    %convert_element_type3A = arith.extui %eq3A_4 : vector<2000x64xi1> to vector<2000x64xi32>
    %convert_element_type3A_5 = arith.sitofp %convert_element_type3A : vector<2000x64xi32> to vector<2000x64xf32>
    %get3A_6 = arith.constant 0 : index
    %get3A_7 = arith.constant 0 : index
    %get3A_8 = vector.load %arg3[%get3A_6, %get3A_7] : memref<64x128xf32, #tpu.memory_space<vmem>>, vector<64x128xf32>
    %dot_general3A = arith.constant dense<0.000000e+00> : vector<2000x128xf32>
    %dot_general3A_9 = tpu.matmul %convert_element_type3A_5, %get3A_8, %dot_general3A {dimension_numbers = #tpu.dot_dimension_numbers<[1], [0], [0], [1], [0, 0, 1, 1], [], []>, transpose_lhs_hint = false} : vector<2000x64xf32>, vector<64x128xf32>, vector<2000x128xf32> -> vector<2000x128xf32>
    %get3A_10 = arith.constant 0 : index
    %get3A_11 = arith.constant 0 : index
    %get3A_12 = vector.load %arg1[%get3A_10, %get3A_11] : memref<2000x128xf32, #tpu.memory_space<vmem>>, vector<2000x128xf32>
    %mul3A = arith.mulf %get3A_12, %dot_general3A_9 : vector<2000x128xf32>
    %reduce_sum3A = arith.constant dense<0.000000e+00> : vector<2000xf32>
    %reduce_sum3A_13 = vector.multi_reduction <add>, %mul3A, %reduce_sum3A [1] : vector<2000x128xf32> to vector<2000xf32>
    %broadcast_in_dim3A_14 = vector.shape_cast %reduce_sum3A_13 : vector<2000xf32> to vector<1x1x2000xf32>
    %swap3A = arith.constant 0 : index
    %swap3A_15 = arith.constant 0 : index
    %swap3A_16 = arith.constant 0 : index
    %swap3A_17 = vector.load %arg4[%swap3A, %swap3A_15, %swap3A_16] : memref<1x1x2000xf32, #tpu.memory_space<vmem>>, vector<1x1x2000xf32>
    tpu.vector_store %arg4[%swap3A, %swap3A_15, %swap3A_16], %broadcast_in_dim3A_14 {strides = array<i32>} : memref<1x1x2000xf32, #tpu.memory_space<vmem>>, vector<1x1x2000xf32>,
    return
  }
  func.func @transform_0(%arg0: i32) -> (i32, i32) {
    %c0_i32 = arith.constant 0 : i32
    %c0_i32_0 = arith.constant 0 : i32
    return %arg0, %c0_i32 : i32, i32
  }
  func.func @transform_1(%arg0: i32) -> (i32, i32, i32) {
    %c0_i32 = arith.constant 0 : i32
    %c0_i32_0 = arith.constant 0 : i32
    %c0_i32_1 = arith.constant 0 : i32
    return %arg0, %c0_i32, %c0_i32_0 : i32, i32, i32
  }
  func.func @transform_2(%arg0: i32) -> (i32, i32) {
    %c0_i32 = arith.constant 0 : i32
    %c0_i32_0 = arith.constant 0 : i32
    %c0_i32_1 = arith.constant 0 : i32
    return %c0_i32, %c0_i32_0 : i32, i32
  }
  func.func @transform_3(%arg0: i32) -> (i32, i32, i32) {
    %c0_i32 = arith.constant 0 : i32
    %c0_i32_0 = arith.constant 0 : i32
    %c0_i32_1 = arith.constant 0 : i32
    return %arg0, %c0_i32, %c0_i32_0 : i32, i32, i32
  }
}

</mosaic_0001>

<sc_bundles>
// kernel: kernel.10.cloned.1.call-start
scs
__scs_entry_jumppad:
0x0: {  	(pc) =	sbr.rel $0x88, $3  }
0x1: {  	(tag) =	ssettag $0x0;
	lr =	simm.s32 $0x1  }
0x2: {  	[smem:$0x3F9A] =	sst lr;
	_ =	strace $0xD0000000  }
0x3: {  	_ = 	snop  }
0x4: {  	_ = 	snop  }
0x5: {  	_ = 	snop  }
0x6: {  	_ = 	snop  }
0x7: {  	_ = 	snop  }
__scs_overlays_trampoline_lowered:
0x8: {  	[smem:$0x3FA9] =	sst s0  }
0x9: {  	[smem:$0x3FAA] =	sst s1  }
0xa: {  	[smem:$0x3FAB] =	sst s2  }
0xb: {  	[smem:$0x3FAC] =	sst s3  }
0xc: {  	[smem:$0x3FAD] =	sst s4  }
0xd: {  	[smem:$0x3FAE] =	sst s5  }
0xe: {  	[smem:$0x3FAF] =	sst s6  }
0xf: {  	[smem:$0x3FB0] =	sst s7  }
0x10: {  	[smem:$0x3FB1] =	sst s8  }
0x11: {  	[smem:$0x3FB2] =	sst s9;
	s0 =	simm.s32 @!p0 $0x0  }
0x12: {  	s1 =	sld [smem:$0x3F98];
	s0 =	simm.s32 @p0 $0x1  }
0x13: {  	[smem:$0x3FB3] =	sst s0;
	s0 =	simm.s32 @!p1 $0x0  }
0x14: {  	s2 =	sld [smem:$0x3F97];
	s0 =	simm.s32 @p1 $0x1  }
0x15: {  	[smem:$0x3FB4] =	sst s0;
	s0 =	simm.s32 @!p2 $0x0  }
0x16: {  	s3 =	sld [smem:$0x3FDB];
	s0 =	simm.s32 @p2 $0x1  }
0x17: {  	s4 =	simm.s32 $0x1BF5;
	[smem:$0x3FB6] =	sst s0  }
0x18: {  	s0 =	sld [smem:$0x3F99];
	_ =	swait.ge [sflag:s4], $0x0  }
0x19: {  	s7 =	sld [smem:$0x3F9A]  }
0x1a: {  	s8 =	sadd.s32 $0xFFFFE003, lr  }
0x1b: {  	s9 =	sadd.s32 $0xFFFFFEF7, lr;
	s5 =	simm.s32 $0xFFFFFFFF;
	p2 =	slt.u32 s8, $0xFFFFF086  }
0x1c: {  	p1 =	slt.u32 s9, $0xF7A;
	s5 =	simm.s32 @!p2 $0x0  }
0x1d: {  	s5 =	simm.s32 @p1 $0x1;
	p0 =	seq.s32 s7, s2  }
0x1e: {  	s7 =	smul.u32 @!p0 $0xF7A, s2;
	p2 =	seq.s32 @!p0 s5, $0x0  }
0x1f: {  	s9 =	smul.u32 $0xF7A, s1;
	s8 =	simm.s32 @!p0 $0x1BF5;
	p2 =	por !p2, p0  }
0x20: {  	[sflag:s8] =	ssyncset.s32 @!p0 $0xFFFFF086;
	s6 =	sadd.s32 @!p0 s3, s7;
	s7 =	simm.s32 @!p0 $0x108  }
0x21: {  	s3 =	sadd.s32 s3, s9;
	s6 =	sadd.s32 @!p0 $0x88, s6;
	s7 =	simm.s32 @p2 $0x1082  }
0x22: {  	[simem:s7], [sflag:s8] =	dma.local @!p0 [hbm:s6], $0xF7A  }
0x23: {  	s9 =	sor.u32 $0xD0000000, s2;
	s6 =	simm.s32 $0x108;
	_ =	swait.ge @!p0 [sflag:s8], $0x0  }
0x24: {  	s3 =	sadd.s32 $0x88, s3;
	s6 =	simm.s32 @!p1 $0x1082;
	[sflag:s4] =	ssyncset.s32 $0xFFFFF086  }
0x25: {  	[simem:s6], [sflag:s4] =	dma.local [hbm:s3], $0xF7A  }
0x26: {  	[smem:$0x3F9A] =	sst s1;
	(tag) =	ssettag s2;
	_ =	strace s9  }
0x27: {  	s1 =	sld [smem:$0x3FAA]  }
0x28: {  	s2 =	sld [smem:$0x3FAB]  }
0x29: {  	s4 =	sld [smem:$0x3FAD]  }
0x2a: {  	p0 =	seq.s32 s5, $0x0;
	s5 =	sld [smem:$0x3FAE]  }
0x2b: {  	s6 =	sld [smem:$0x3FAF]  }
0x2c: {  	s7 =	sld [smem:$0x3FB0]  }
0x2d: {  	s3 =	simm.s32 $0x108;
	s8 =	sld [smem:$0x3FB1]  }
0x2e: {  	s3 =	simm.s32 @!p0 $0x1082;
	s9 =	sld [smem:$0x3FB2]  }
0x2f: {  	lr =	sadd.s32 s0, s3;
	s0 =	sld [smem:$0x3FA9]  }
0x30: {  	s3 =	sld [smem:$0x3FAC]  }
0x31: {  	[smem:$0x3FB5] =	sst s10  }
0x32: {  	s10 =	sld [smem:$0x3FB3];
	_ =	sdelay $0x3  }
0x33: {  	p0 =	seq.s32 s10, $0x1;
	s10 =	sld [smem:$0x3FB5];
	_ =	sdelay $0x3  }
0x34: {  	[smem:$0x3FB5] =	sst s10  }
0x35: {  	s10 =	sld [smem:$0x3FB4];
	_ =	sdelay $0x3  }
0x36: {  	p1 =	seq.s32 s10, $0x1;
	s10 =	sld [smem:$0x3FB5];
	_ =	sdelay $0x3  }
0x37: {  	[smem:$0x3FB5] =	sst s10  }
0x38: {  	s10 =	sld [smem:$0x3FB6]  }
0x39: {  	_ = 	snop;
	(pc) =	sbr.ind lr, $3  }
0x3a: {  	_ = 	snop  }
0x3b: {  	_ = 	snop  }
0x3c: {  	p2 =	seq.s32 s10, $0x1;
	s10 =	sld [smem:$0x3FB5]  }
0x3d: {  	_ =	shalt  }
0x3e: {  	_ =	shalt  }
0x3f: {  	_ =	shalt  }
0x40: {  	_ =	shalt  }
0x41: {  	_ =	shalt  }
0x42: {  	_ =	shalt  }
0x43: {  	_ =	shalt  }
0x44: {  	_ =	shalt  }
0x45: {  	_ =	shalt  }
0x46: {  	_ =	shalt  }
0x47: {  	_ =	shalt  }
0x48: {  	_ =	shalt  }
0x49: {  	_ =	shalt  }
0x4a: {  	_ =	shalt  }
0x4b: {  	_ =	shalt  }
0x4c: {  	_ =	shalt  }
0x4d: {  	_ =	shalt  }
0x4e: {  	_ =	shalt  }
0x4f: {  	_ =	shalt  }
0x50: {  	_ =	shalt  }
0x51: {  	_ =	shalt  }
0x52: {  	_ =	shalt  }
0x53: {  	_ =	shalt  }
0x54: {  	_ =	shalt  }
0x55: {  	_ =	shalt  }
0x56: {  	_ =	shalt  }
0x57: {  	_ =	shalt  }
0x58: {  	_ =	shalt  }
0x59: {  	_ =	shalt  }
0x5a: {  	_ =	shalt  }
0x5b: {  	_ =	shalt  }
0x5c: {  	_ =	shalt  }
0x5d: {  	_ =	shalt  }
0x5e: {  	_ =	shalt  }
0x5f: {  	_ =	shalt  }
0x60: {  	_ =	shalt  }
0x61: {  	_ =	shalt  }
0x62: {  	_ =	shalt  }
0x63: {  	_ =	shalt  }
0x64: {  	_ =	shalt  }
0x65: {  	_ =	shalt  }
0x66: {  	_ =	shalt  }
0x67: {  	_ =	shalt  }
0x68: {  	_ =	shalt  }
0x69: {  	_ =	shalt  }
0x6a: {  	_ =	shalt  }
0x6b: {  	_ =	shalt  }
0x6c: {  	_ =	shalt  }
0x6d: {  	_ =	shalt  }
0x6e: {  	_ =	shalt  }
0x6f: {  	_ =	shalt  }
0x70: {  	_ =	shalt  }
0x71: {  	_ =	shalt  }
0x72: {  	_ =	shalt  }
0x73: {  	_ =	shalt  }
0x74: {  	_ =	shalt  }
0x75: {  	_ =	shalt  }
0x76: {  	_ =	shalt  }
0x77: {  	_ =	shalt  }
0x78: {  	_ =	shalt  }
0x79: {  	_ =	shalt  }
0x7a: {  	_ =	shalt  }
0x7b: {  	_ =	shalt  }
0x7c: {  	_ =	shalt  }
0x7d: {  	_ =	shalt  }
0x7e: {  	_ =	shalt  }
0x7f: {  	_ =	shalt  }
0x80: {  	_ =	shalt  }
0x81: {  	_ =	shalt  }
0x82: {  	_ =	shalt  }
0x83: {  	_ =	shalt  }
0x84: {  	_ =	shalt  }
0x85: {  	_ =	shalt  }
0x86: {  	_ =	shalt  }
0x87: {  	_ =	shalt  }
.Lfunc_end0:
.L_simem_size_0:
called_computation.1_lowered:
.L_overlay_start_0:
0x88: {  	s2 =	sld [smem:$0x3FD9]  }
0x89: {  	s3 =	sld [smem:$0x3FFE];
	_ =	sdelay $0x1  }
0x8a: {  	s1 =	srdreg.scid  }
0x8b: {  	s0 =	sand.u32 $0x1, s1  }
0x8c: {  	s17 =	sshll.u32 s0, $0xA;
	s2 =	sadd.s32 s3, s2  }
0x8d: {  	s2 =	sadd.s32 s2, s17  }
0x8e: {  	[smem:$0x3FC1] =	sst s2  }
0x8f: {  	_ = 	snop  }
0x90: {  	s18 =	sld [smem:$0x3FC3]  }
0x91: {  	s4 =	sld [smem:$0x3FD0];
	(tm) =	ssettm $0x1  }
0x92: {  	s19 =	sld [smem:$0x3FFB];
	_ =	sdelay $0x3  }
0x93: {  	_ =	strace s19  }
0x94: {  	s2 =	sld [smem:$0x3FFC];
	_ =	sdelay $0x3  }
0x95: {  	_ =	strace s2  }
0x96: {  	s2 =	sld [smem:$0x3FFD];
	_ =	sdelay $0x3  }
0x97: {  	_ =	strace s2  }
0x98: {  	_ =	strace $0x8FFFFFFF  }
0x99: {  	s20 =	sld [smem:$0x3FDB];
	_ =	sdelay $0x1  }
0x9a: {  	s5 =	simm.s32 $_scs_section_size  }
0x9b: {  	s6 =	simm.s32 $_size__tile_overlayer_lowered;
	s7 =	simm.s32 $_tile_overlayer_lowered  }
0x9c: {  	s8 =	simm.s32 $0x1BFF;
	s21 =	sshll.u32 s7, $0x1;
	s5 =	sadd.s32 s5, s20  }
0x9d: {  	s22 =	simm.s32 $0x0;
	s6 =	sshll.u32 s6, $0x1;
	s7 =	sadd.s32 s21, s5  }
0x9e: {  	[timem:s22], [sflag:s8] =	dma.local [hbm:s7], s6  }
0x9f: {  	_ =	swait.ge [sflag:s8], s6  }
0xa0: {  	s6 =	ssub.s32 $0x0, s6;
	[sflag:s8] =	ssyncset.done $0x0  }
0xa1: {  	[sflag:s8] =	ssyncadd.s32 s6;
	_ =	sdelay $0x1  }
0xa2: {  	s23 =	simm.s32 $0x1B8B  }
0xa3: {  	_ =	swait.ge [sflag:s23], $0x1  }
0xa4: {  	[sflag:s23] =	ssyncset.done $0x0  }
0xa5: {  	[sflag:s23] =	ssyncadd.s32 $0xFFFFFFFF  }
0xa6: {  	s6 =	sld [smem:$0x0]  }
0xa7: {  	s7 =	sand.u32 $0xFFFFFFFE, s1  }
0xa8: {  	p0 =	sne.s32 s1, s7  }
0xa9: {  	s7 =	sshll.u32 @p0 s7, $0xE  }
0xaa: {  	s7 =	sadd.s32 @p0 $0x11B8D, s7;
	s8 =	sshll.u32 @p0 s6, $0x11  }
0xab: {  	s7 =	sor.u32 @p0 s8, s7  }
0xac: {  	[sflag:s7] =	ssyncadd.remote.s32 @p0 $0x1;
	_ =	sdelay $0x1  }
0xad: {  	s7 =	simm.s32 @p0 $0x1B8D  }
0xae: {  	_ =	swait.eq @p0 [sflag:s7], $0x1  }
0xaf: {  	[sflag:s7] =	ssyncadd.s32 @p0 $0xFFFFFFFF  }
0xb0: {  	s8 =	sshll.u32 @!p0 s1, $0xE  }
0xb1: {  	s8 =	sor.u32 @!p0 $0x4000, s8;
	s7 =	simm.s32 @!p0 $0x1B8D  }
0xb2: {  	s6 =	sshll.u32 @!p0 s6, $0x11;
	s8 =	sadd.s32 @!p0 $0x11B8D, s8;
	_ =	swait.eq @!p0 [sflag:s7], $0x1  }
0xb3: {  	s6 =	sor.u32 @!p0 s6, s8;
	[sflag:s7] =	ssyncadd.s32 @!p0 $0xFFFFFFFF  }
0xb4: {  	s25 =	simm.s32 $0x1B8E;
	s24 =	sld [smem:$0x3FFE];
	[sflag:s6] =	ssyncadd.remote.s32 @!p0 $0x1  }
0xb5: {  	s26 =	simm.s32 $execute0_lowered;
	[smem:$0x3FD2] =	sst s25  }
0xb6: {  	s7 =	sshll.u32 s26, $0x1;
	_ =	strace $0x80000049;
	[dreg:$0x1] =	wrdreg $0xFFFFFFFF  }
0xb7: {  	s28 =	simm.s32 $_size_execute0_lowered;
	s5 =	sadd.s32 s5, s7;
	[dreg:$0x0] =	wrdreg $0x0  }
0xb8: {  	s7 =	sshll.u32 s28, $0x1;
	[dreg:$0x2] =	wrdreg s5  }
0xb9: {  	[dreg:$0x3] =	wrdreg s7  }
0xba: {  	[dreg:$0x4] =	wrdreg $0xC0  }
0xbb: {  	_ =	task [dreg:s22], $0x5FFFF  }
0xbc: {  	[dreg:$0x1] =	wrdreg $0xFFFFFFFF  }
0xbd: {  	[dreg:$0x0] =	wrdreg $0x60  }
0xbe: {  	[dreg:$0x2] =	wrdreg s4  }
0xbf: {  	[dreg:$0x3] =	wrdreg s18  }
0xc0: {  	[dreg:$0x4] =	wrdreg s24  }
0xc1: {  	[dreg:$0x5] =	wrdreg $0xC0400  }
0xc2: {  	[dreg:$0x6] =	wrdreg $0xA  }
0xc3: {  	_ =	task.clear_ibuf [dreg:s22], $0x7FFFF;
	_ =	strace $0x90000049  }
0xc4: {  	s29 =	simm.s32 $0xA;
	_ =	strace $0x8000004B  }
0xc5: {  	_ =	swait.ge [sflag:s29], $0x1  }
0xc6: {  	[sflag:s29] =	ssyncadd.s32 $0xFFFFFFFF  }
0xc7: {  	_ =	strace $0x9000004B  }
0xc8: {  	_ =	sfence  }
0xc9: {  	s30 =	sld [smem:$0x0];
	_ =	sdelay $0x2  }
0xca: {  	s31 =	sshll.u32 s1, $0xD;
	s1 =	sshrl.u32 s1, $0x2  }
0xcb: {  	s4 =	sand.u32 $0x4000, s31;
	s1 =	sadd.s32 s1, s30  }
0xcc: {  	s0 =	sor.u32 s4, s0;
	s1 =	sshll.u32 s1, $0x11  }
0xcd: {  	s0 =	sor.u32 s1, s0  }
0xce: {  	s0 =	sadd.s32 $0x8F2B, s0  }
0xcf: {  	[sflag:s0] =	ssyncadd.remote.s32 $0x1  }
0xd0: {  	_ =	sfence.sel $0xFFFF  }
0xd1: {  	[dreg:$0x0] =	wrdreg $0xFFFFFFFF;
	(pc) =	sbr.abs _section_cstart, $3  }
0xd2: {  	[dreg:$0x1] =	wrdreg $0xFFFFFFFF  }
0xd3: {  	_ =	task.clear_ibuf [dreg:s22], $0x2FFFF;
	_ =	strace $0x9FFFFFFF  }
0xd4: {  	(tm) =	ssettm $0x7FFFFFFF  }
0xd5: {  	_ =	shalt  }
tec
execute0_lowered:
.L_overlay_start_1:
0x0: {  	(tag) =	ssettag $0x1  }
0x1: {  	s5 =	rddreg [dreg:$0x0]  }
0x2: {  	s6 =	rddreg [dreg:$0x1]  }
0x3: {  	s4 =	rddreg [dreg:$0x2]  }
0x4: {  	s1 =	rddreg [dreg:$0x3];
	s2 =	srdreg.scid  }
0x5: {  	s0 =	rddreg [dreg:$0x4];
	s7 =	sand.u32 $0x1, s2;
	s2 =	stileid.u32  }
0x6: {  	s3 =	simm.s32 $0x0;
	s19 =	simm.s32 $0x50;
	s10 =	smul.u32 $0x9C4, s2  }
0x7: {  	[smem:$0x7FF] =	sst s3;
	s14 =	sadd.s32 $0x32600, s4;
	s13 =	smul.u32 $0x4E200, s7  }
0x8: {  	s4 =	sadd.s32 $0x4E000, s1;
	s8 =	ssub.s32 $0x2, s7;
	s26 =	smul.u32 $0x13800, s2  }
0x9: {  	_ =	strace $0x8000004A;
	s15 =	sshll.u32 s7, $0x5;
	s16 =	smul.u32 $0x4E00, s2  }
0xa: {  	p0 =	sne.s32 s2, $0xF;
	s9 =	sshrl.u32 s8, $0x1;
	v1 =	vmov s15;
	s15 =	simm.s32 $0xA640  }
0xb: {  	s8 =	ssub.s32 s8, s9;
	s5 =	sadd.s32 s5, s10;
	s6 =	sadd.s32 s6, s10  }
0xc: {  	s28 =	sshrl.u32 s13, $0x3;
	s29 =	sshrl.u32 s26, $0x2;
	s17 =	sadd.s32 $0x1A00, s16  }
0xd: {  	s18 =	sadd.s32 $0x3400, s16;
	s12 =	sadd.s32 s13, s16;
	s20 =	sadd.s32 s16, s1  }
0xe: {  	s16 =	simm.s32 $0x1;
	s9 =	sadd.s32 s14, s28;
	s8 =	smax.u32 s8, $0x1  }
0xf: {  	v0 =	vlaneseq.u32;
	s10 =	sadd.s32 s17, s1;
	s11 =	sadd.s32 s18, s1;
	s12 =	sshrl.u32 s12, $0x3  }
0x10: {  	v0 =	vmul.u32 $0x20, v0;
	s17 =	sadd.s32 s13, s17;
	s13 =	sadd.s32 s13, s18;
	s18 =	simm.s32 $0x9C40  }
0x11: {  	s20 =	sshrl.u32 s20, $0x3;
	s7 =	sadd.s32 $0x9C00, s9;
	s9 =	sadd.s32 s29, s1  }
0x12: {  	v2 =	vimm.f32 $0.0e+00;
	v3 =	vimm.f32 $1.000000000e+00;
	v4 =	vor.u32 $0x200, v0;
	s12 =	sadd.s32 s14, s12;
	s30 =	sshrl.u32 s17, $0x3;
	s31 =	sshrl.u32 s13, $0x3  }
0x13: {  	v5 =	vor.u32 $0x400, v0;
	v6 =	vor.u32 $0x600, v0;
	v7 =	vor.u32 $0x800, v0;
	s17 =	simm.s32 $0x4E20;
	s13 =	sadd.s32 s14, s30;
	s14 =	sadd.s32 s14, s31  }
.LBB2_1:
0x14: {  	s21 =	simm.s32 $0x0  }
.LBB2_2:
0x15: {  	p1 =	sne.s32 s21, $0x6780  }
.Ltmp0:
0x16: {  	_ = 	snop;
	(pc) =	sbr.rel @p1 .LBB2_2-.Ltmp0, $4  }
0x17: {  	_ = 	snop  }
0x18: {  	s22 =	sshra.s32 s21, $0x2  }
0x19: {  	[tilespmem:s22+$0xA640] =	vst v2  }
0x1a: {  	s21 =	sadd.s32 $0x80, s21;
	[tilespmem:s22+$0xA650] =	vst v2  }
0x1b: {  	s21 =	simm.s32 $0x80;
	s22 =	simm.s32 $0x0  }
.LBB2_4:
0x1c: {  	p1 =	sne.s32 s21, $0x2780;
	[tilespmem:s22+$0x9C40] =	vst v2;
	s23 =	smov.u32 s21;
	s21 =	sadd.s32 $0x80, s21  }
.Ltmp1:
0x1d: {  	[tilespmem:s22+$0x9C50] =	vst v2;
	(pc) =	sbr.rel @p1 .LBB2_4-.Ltmp1, $2  }
0x1e: {  	_ =	sdelay $0x2  }
0x1f: {  	s22 =	sshra.s32 s23, $0x2  }
0x20: {  	[tilespmem:s22+$0x9C40] =	vst v2  }
0x21: {  	[tilespmem:s22+$0x9C50] =	vst v2  }
0x22: {  	[spmem:s9] =	stream.linear.scatter [tilespmem:s15], [sflag:$0x1], $0x1A00, $0x38;
	[tilespmem:$0x10E60] =	vst v63  }
0x23: {  	_ =	swait.ge [sflag:s16], $0x1A00  }
0x24: {  	[sflag:s16] =	ssyncset.done $0x0  }
0x25: {  	[sflag:s16] =	ssyncadd.s32 $0xFFFFE600  }
0x26: {  	[spmem:s10] =	stream.linear.scatter [tilespmem:s15], [sflag:$0x1], $0x1A00, $0x38;
	[tilespmem:$0x10E60] =	vst v63  }
0x27: {  	_ =	swait.ge [sflag:s16], $0x1A00  }
0x28: {  	[sflag:s16] =	ssyncset.done $0x0  }
0x29: {  	[sflag:s16] =	ssyncadd.s32 $0xFFFFE600  }
0x2a: {  	[spmem:s11] =	stream.linear.scatter [tilespmem:s15], [sflag:$0x1], $0x1A00, $0x38;
	[tilespmem:$0x10E60] =	vst v63  }
0x2b: {  	_ =	swait.ge [sflag:s16], $0x1A00  }
0x2c: {  	[sflag:s16] =	ssyncset.done $0x0  }
0x2d: {  	s21 =	simm.s32 @!p0 $0xA640;
	[sflag:s16] =	ssyncadd.s32 $0xFFFFE600  }
0x2e: {  	[spmem:s4] =	stream.linear.scatter @!p0 [tilespmem:s21], [sflag:$0x1], $0x200, $0x38;
	[tilespmem:$0x10E60] =	vst v63  }
0x2f: {  	s21 =	simm.s32 @!p0 $0x1  }
0x30: {  	_ =	swait.ge @!p0 [sflag:s21], $0x200  }
0x31: {  	[sflag:s21] =	ssyncset.done @!p0 $0x0  }
0x32: {  	[sflag:s21] =	ssyncadd.s32 @!p0 $0xFFFFFE00;
	s21 =	simm.s32 $0x0  }
0x33: {  	[tilespmem:s21], [sflag:$0x1] =	stream.linear.gather [hbm4b:s5+s21], $0x4E20, $0x38;
	[tilespmem:$0x10E60] =	vst v63  }
0x34: {  	_ =	swait.ge [sflag:s16], $0x4E20  }
0x35: {  	[sflag:s16] =	ssyncset.done $0x0  }
0x36: {  	[sflag:s16] =	ssyncadd.s32 $0xFFFFB1E0  }
0x37: {  	[tilespmem:s17], [sflag:$0x1] =	stream.linear.gather [hbm4b:s6+s21], $0x4E20, $0x38;
	[tilespmem:$0x10E60] =	vst v63  }
0x38: {  	_ =	swait.ge [sflag:s16], $0x4E20  }
0x39: {  	[sflag:s16] =	ssyncset.done $0x0  }
0x3a: {  	[sflag:s16] =	ssyncadd.s32 $0xFFFFB1E0  }
0x3b: {  	[bflag:$0x0] =	sbarrier.arrive $0xFFFF  }
.LBB2_6:
0x3c: {  	s22 =	sshra.s32 s21, $0x2  }
0x3d: {  	v8 =	vld [tilespmem:s22+$0x4E20];
	_ =	sdelay $0x4  }
0x3e: {  	v9 =	vsub.s32 v8, v1;
	vm0 =	vge.s32 v8, v1  }
0x3f: {  	v8 =	vand.u32 $0x7, v8;
	vm1 =	vlt.s32 v9, $0x20;
	v9 =	vand.u32 $0xFFFFFFF8, v9  }
0x40: {  	vm0 =	vmand vm0, vm1;
	v8 =	vor.u32 v8, v9  }
0x41: {  	v8 =	vadd.s32 v0, v8;
	_ =	sdelay $0x4  }
0x42: {  	[tilespmem:v8+s18+$0x0] =	vst.idx.msk vm0, v3  }
0x43: {  	v8 =	vld [tilespmem:s22+$0x4E30];
	_ =	sdelay $0x4  }
0x44: {  	v55 =	vsub.s32 v8, v1;
	vm10 =	vge.s32 v8, v1  }
0x45: {  	v8 =	vand.u32 $0x7, v8;
	vm11 =	vlt.s32 v55, $0x20;
	v9 =	vand.u32 $0xFFFFFFF8, v55  }
0x46: {  	vm0 =	vmand vm10, vm11;
	v8 =	vor.u32 v8, v9  }
0x47: {  	v8 =	vadd.s32 v4, v8;
	_ =	sdelay $0x4  }
0x48: {  	[tilespmem:v8+s18+$0x0] =	vst.idx.msk vm0, v3  }
0x49: {  	v8 =	vld [tilespmem:s22+$0x4E40];
	_ =	sdelay $0x4  }
0x4a: {  	v56 =	vsub.s32 v8, v1;
	vm12 =	vge.s32 v8, v1  }
0x4b: {  	v8 =	vand.u32 $0x7, v8;
	vm13 =	vlt.s32 v56, $0x20;
	v9 =	vand.u32 $0xFFFFFFF8, v56  }
0x4c: {  	vm0 =	vmand vm12, vm13;
	v8 =	vor.u32 v8, v9  }
0x4d: {  	v8 =	vadd.s32 v5, v8;
	_ =	sdelay $0x4  }
0x4e: {  	[tilespmem:v8+s18+$0x0] =	vst.idx.msk vm0, v3  }
0x4f: {  	v8 =	vld [tilespmem:s22+$0x4E50];
	_ =	sdelay $0x4  }
0x50: {  	v57 =	vsub.s32 v8, v1;
	vm14 =	vge.s32 v8, v1  }
0x51: {  	v8 =	vand.u32 $0x7, v8;
	vm15 =	vlt.s32 v57, $0x20;
	v9 =	vand.u32 $0xFFFFFFF8, v57  }
0x52: {  	vm0 =	vmand vm14, vm15;
	v8 =	vor.u32 v8, v9  }
0x53: {  	v8 =	vadd.s32 v6, v8;
	_ =	sdelay $0x4  }
0x54: {  	[tilespmem:v8+s18+$0x0] =	vst.idx.msk vm0, v3  }
0x55: {  	v8 =	vld [tilespmem:s22+$0x4E60];
	_ =	sdelay $0x4  }
0x56: {  	v58 =	vsub.s32 v8, v1;
	vm4 =	vge.s32 v8, v1  }
0x57: {  	v8 =	vand.u32 $0x7, v8;
	vm5 =	vlt.s32 v58, $0x20;
	v9 =	vand.u32 $0xFFFFFFF8, v58  }
0x58: {  	vm0 =	vmand vm4, vm5;
	v8 =	vor.u32 v8, v9  }
0x59: {  	v8 =	vadd.s32 v7, v8;
	_ =	sdelay $0x4  }
0x5a: {  	[tilespmem:v8+s18+$0x0] =	vst.idx.msk vm0, v3  }
0x5b: {  	[spmem:s1] =	stream.indirect.scatter.add.f32 [tilespmem:s18], [sflag:$0x1], $0x20, s22, s19, $0xb8;
	[tilespmem:$0x10E60] =	vst v63  }
0x5c: {  	_ =	swait.ge [sflag:s16], $0xA00  }
0x5d: {  	[sflag:s16] =	ssyncset.done $0x0  }
0x5e: {  	[sflag:s16] =	ssyncadd.s32 $0xFFFFF600  }
0x5f: {  	v8 =	vld [tilespmem:s22+$0x4E20];
	_ =	sdelay $0x4  }
0x60: {  	v59 =	vsub.s32 v8, v1;
	vm6 =	vge.s32 v8, v1  }
0x61: {  	v8 =	vand.u32 $0x7, v8;
	vm7 =	vlt.s32 v59, $0x20;
	v9 =	vand.u32 $0xFFFFFFF8, v59  }
0x62: {  	vm0 =	vmand vm6, vm7;
	v8 =	vor.u32 v8, v9  }
0x63: {  	v8 =	vadd.s32 v0, v8;
	_ =	sdelay $0x4  }
0x64: {  	[tilespmem:v8+s18+$0x0] =	vst.idx.msk vm0, v2  }
0x65: {  	v8 =	vld [tilespmem:s22+$0x4E30];
	_ =	sdelay $0x4  }
0x66: {  	v60 =	vsub.s32 v8, v1;
	vm8 =	vge.s32 v8, v1  }
0x67: {  	v8 =	vand.u32 $0x7, v8;
	vm9 =	vlt.s32 v60, $0x20;
	v9 =	vand.u32 $0xFFFFFFF8, v60  }
0x68: {  	vm0 =	vmand vm8, vm9;
	v8 =	vor.u32 v8, v9  }
0x69: {  	v8 =	vadd.s32 v4, v8;
	_ =	sdelay $0x4  }
0x6a: {  	[tilespmem:v8+s18+$0x0] =	vst.idx.msk vm0, v2  }
0x6b: {  	v8 =	vld [tilespmem:s22+$0x4E40];
	_ =	sdelay $0x4  }
0x6c: {  	v61 =	vsub.s32 v8, v1;
	vm10 =	vge.s32 v8, v1  }
0x6d: {  	v8 =	vand.u32 $0x7, v8;
	vm11 =	vlt.s32 v61, $0x20;
	v9 =	vand.u32 $0xFFFFFFF8, v61  }
0x6e: {  	vm0 =	vmand vm10, vm11;
	v8 =	vor.u32 v8, v9  }
0x6f: {  	v8 =	vadd.s32 v5, v8;
	_ =	sdelay $0x4  }
0x70: {  	[tilespmem:v8+s18+$0x0] =	vst.idx.msk vm0, v2  }
0x71: {  	v8 =	vld [tilespmem:s22+$0x4E50];
	_ =	sdelay $0x4  }
0x72: {  	v62 =	vsub.s32 v8, v1;
	vm12 =	vge.s32 v8, v1  }
0x73: {  	v8 =	vand.u32 $0x7, v8;
	vm13 =	vlt.s32 v62, $0x20;
	v9 =	vand.u32 $0xFFFFFFF8, v62  }
0x74: {  	vm0 =	vmand vm12, vm13;
	v8 =	vor.u32 v8, v9  }
0x75: {  	v8 =	vadd.s32 v6, v8;
	_ =	sdelay $0x4  }
0x76: {  	[tilespmem:v8+s18+$0x0] =	vst.idx.msk vm0, v2  }
0x77: {  	v8 =	vld [tilespmem:s22+$0x4E60];
	_ =	sdelay $0x4  }
0x78: {  	v63 =	vsub.s32 v8, v1;
	vm14 =	vge.s32 v8, v1  }
0x79: {  	v8 =	vand.u32 $0x7, v8;
	vm15 =	vlt.s32 v63, $0x20;
	v9 =	vand.u32 $0xFFFFFFF8, v63  }
0x7a: {  	vm0 =	vmand vm14, vm15;
	v8 =	vor.u32 v8, v9  }
0x7b: {  	p1 =	sne.s32 s21, $0x13740;
	v8 =	vadd.s32 v7, v8  }
.Ltmp2:
0x7c: {  	_ = 	snop;
	(pc) =	sbr.rel @p1 .LBB2_6-.Ltmp2, $2  }
0x7d: {  	_ =	sdelay $0x2  }
0x7e: {  	s21 =	sadd.s32 $0x140, s21;
	[tilespmem:v8+s18+$0x0] =	vst.idx.msk vm0, v2  }
0x7f: {  	s21 =	sshll.u32 s2, $0x6  }
0x80: {  	[bflag:$0x0] =	sbarrier.arrive $0xFFFF;
	s21 =	sor.u32 $0x1C01, s21  }
0x81: {  	[hbm:s12], [sflag:s21] =	dma.local [spmem:s20], $0x340  }
0x82: {  	_ =	swait.ge [sflag:s16], $0x340  }
0x83: {  	[sflag:s16] =	ssyncset.done $0x0  }
0x84: {  	s22 =	sshrl.u32 s10, $0x3;
	[sflag:s16] =	ssyncadd.s32 $0xFFFFFCC0  }
0x85: {  	[hbm:s13], [sflag:s21] =	dma.local [spmem:s22], $0x340  }
0x86: {  	_ =	swait.ge [sflag:s16], $0x340  }
0x87: {  	[sflag:s16] =	ssyncset.done $0x0  }
0x88: {  	s31 =	sshrl.u32 s11, $0x3;
	[sflag:s16] =	ssyncadd.s32 $0xFFFFFCC0  }
0x89: {  	[hbm:s14], [sflag:s21] =	dma.local [spmem:s31], $0x340  }
0x8a: {  	s3 =	sadd.s32 $0x1, s3;
	_ =	swait.ge [sflag:s16], $0x340  }
0x8b: {  	p1 =	sne.s32 s3, s8;
	[sflag:s16] =	ssyncset.done $0x0  }
0x8c: {  	s22 =	simm.s32 @!p0 $0x1FC1;
	s21 =	sshrl.u32 @!p0 s4, $0x3;
	[sflag:s16] =	ssyncadd.s32 $0xFFFFFCC0  }
0x8d: {  	[hbm:s7], [sflag:s22] =	dma.local @!p0 [spmem:s21], $0x40  }
.Ltmp3:
0x8e: {  	_ = 	snop;
	(pc) =	sbr.rel @p1 .LBB2_1-.Ltmp3, $4  }
0x8f: {  	s21 =	simm.s32 @!p0 $0x1  }
0x90: {  	_ =	swait.ge @!p0 [sflag:s21], $0x40  }
0x91: {  	[sflag:s21] =	ssyncset.done @!p0 $0x0  }
0x92: {  	[sflag:s21] =	ssyncadd.s32 @!p0 $0xFFFFFFC0  }
0x93: {  	_ =	sfence.sel $0x180000  }
0x94: {  	[bflag:$0x0] =	sbarrier.arrive $0xFFFF  }
0x95: {  	p0 =	sne.s32 s2, $0x0;
	_ =	strace $0x9000004A  }
0x96: {  	s0 =	sadd.s32 @!p0 $0x100000, s0;
	[bflag:$0x2] =	sbarrier.arrive $0xFFFF  }
0x97: {  	[sflag:s0] =	ssyncadd.tile.s32 @!p0 $0x1;
	_ =	shalt  }
.Lfunc_end2:
_tile_overlayer_lowered:
.L_overlay_start_2:
0x98: {  	(tag) =	ssettag $0x2  }
0x99: {  	s0 =	rddreg [dreg:$0x0];
	s2 =	stileid.u32  }
0x9a: {  	s1 =	rddreg [dreg:$0x1];
	p0 =	sne.s32 s2, $0x0  }
0x9b: {  	s3 =	rddreg [dreg:$0x2];
	[bflag:$0x3] =	sbarrier.arrive $0xFFFF;
	s2 =	simm.s32 @!p0 $0x1C01  }
0x9c: {  	[timem:s3], [sflag:s2] =	dma.local @!p0 [hbm:s0], s1  }
0x9d: {  	s0 =	simm.s32 @!p0 $0x1  }
0x9e: {  	_ =	swait.ge @!p0 [sflag:s0], s1  }
0x9f: {  	s1 =	ssub.s32 @!p0 $0x0, s1;
	[sflag:s0] =	ssyncset.done @!p0 $0x0  }
0xa0: {  	[sflag:s0] =	ssyncadd.s32 @!p0 s1  }
0xa1: {  	[bflag:$0x3] =	sbarrier.arrive $0xFFFF  }
0xa2: {  	_ =	shalt  }

// kernel: kernel.13.cloned.1.call-start
scs
__scs_entry_jumppad:
0x0: {  	(pc) =	sbr.rel $0x88, $3  }
0x1: {  	(tag) =	ssettag $0x0;
	lr =	simm.s32 $0x1  }
0x2: {  	[smem:$0x3F9A] =	sst lr;
	_ =	strace $0xD0000000  }
0x3: {  	_ = 	snop  }
0x4: {  	_ = 	snop  }
0x5: {  	_ = 	snop  }
0x6: {  	_ = 	snop  }
0x7: {  	_ = 	snop  }
__scs_overlays_trampoline_lowered:
0x8: {  	[smem:$0x3FA9] =	sst s0  }
0x9: {  	[smem:$0x3FAA] =	sst s1  }
0xa: {  	[smem:$0x3FAB] =	sst s2  }
0xb: {  	[smem:$0x3FAC] =	sst s3  }
0xc: {  	[smem:$0x3FAD] =	sst s4  }
0xd: {  	[smem:$0x3FAE] =	sst s5  }
0xe: {  	[smem:$0x3FAF] =	sst s6  }
0xf: {  	[smem:$0x3FB0] =	sst s7  }
0x10: {  	[smem:$0x3FB1] =	sst s8  }
0x11: {  	[smem:$0x3FB2] =	sst s9;
	s0 =	simm.s32 @!p0 $0x0  }
0x12: {  	s1 =	sld [smem:$0x3F98];
	s0 =	simm.s32 @p0 $0x1  }
0x13: {  	[smem:$0x3FB3] =	sst s0;
	s0 =	simm.s32 @!p1 $0x0  }
0x14: {  	s2 =	sld [smem:$0x3F97];
	s0 =	simm.s32 @p1 $0x1  }
0x15: {  	[smem:$0x3FB4] =	sst s0;
	s0 =	simm.s32 @!p2 $0x0  }
0x16: {  	s3 =	sld [smem:$0x3FDB];
	s0 =	simm.s32 @p2 $0x1  }
0x17: {  	s4 =	simm.s32 $0x1BF5;
	[smem:$0x3FB6] =	sst s0  }
0x18: {  	s0 =	sld [smem:$0x3F99];
	_ =	swait.ge [sflag:s4], $0x0  }
0x19: {  	s7 =	sld [smem:$0x3F9A]  }
0x1a: {  	s8 =	sadd.s32 $0xFFFFE003, lr  }
0x1b: {  	s9 =	sadd.s32 $0xFFFFFEF7, lr;
	s5 =	simm.s32 $0xFFFFFFFF;
	p2 =	slt.u32 s8, $0xFFFFF086  }
0x1c: {  	p1 =	slt.u32 s9, $0xF7A;
	s5 =	simm.s32 @!p2 $0x0  }
0x1d: {  	s5 =	simm.s32 @p1 $0x1;
	p0 =	seq.s32 s7, s2  }
0x1e: {  	s7 =	smul.u32 @!p0 $0xF7A, s2;
	p2 =	seq.s32 @!p0 s5, $0x0  }
0x1f: {  	s9 =	smul.u32 $0xF7A, s1;
	s8 =	simm.s32 @!p0 $0x1BF5;
	p2 =	por !p2, p0  }
0x20: {  	[sflag:s8] =	ssyncset.s32 @!p0 $0xFFFFF086;
	s6 =	sadd.s32 @!p0 s3, s7;
	s7 =	simm.s32 @!p0 $0x108  }
0x21: {  	s3 =	sadd.s32 s3, s9;
	s6 =	sadd.s32 @!p0 $0x88, s6;
	s7 =	simm.s32 @p2 $0x1082  }
0x22: {  	[simem:s7], [sflag:s8] =	dma.local @!p0 [hbm:s6], $0xF7A  }
0x23: {  	s9 =	sor.u32 $0xD0000000, s2;
	s6 =	simm.s32 $0x108;
	_ =	swait.ge @!p0 [sflag:s8], $0x0  }
0x24: {  	s3 =	sadd.s32 $0x88, s3;
	s6 =	simm.s32 @!p1 $0x1082;
	[sflag:s4] =	ssyncset.s32 $0xFFFFF086  }
0x25: {  	[simem:s6], [sflag:s4] =	dma.local [hbm:s3], $0xF7A  }
0x26: {  	[smem:$0x3F9A] =	sst s1;
	(tag) =	ssettag s2;
	_ =	strace s9  }
0x27: {  	s1 =	sld [smem:$0x3FAA]  }
0x28: {  	s2 =	sld [smem:$0x3FAB]  }
0x29: {  	s4 =	sld [smem:$0x3FAD]  }
0x2a: {  	p0 =	seq.s32 s5, $0x0;
	s5 =	sld [smem:$0x3FAE]  }
0x2b: {  	s6 =	sld [smem:$0x3FAF]  }
0x2c: {  	s7 =	sld [smem:$0x3FB0]  }
0x2d: {  	s3 =	simm.s32 $0x108;
	s8 =	sld [smem:$0x3FB1]  }
0x2e: {  	s3 =	simm.s32 @!p0 $0x1082;
	s9 =	sld [smem:$0x3FB2]  }
0x2f: {  	lr =	sadd.s32 s0, s3;
	s0 =	sld [smem:$0x3FA9]  }
0x30: {  	s3 =	sld [smem:$0x3FAC]  }
0x31: {  	[smem:$0x3FB5] =	sst s10  }
0x32: {  	s10 =	sld [smem:$0x3FB3];
	_ =	sdelay $0x3  }
0x33: {  	p0 =	seq.s32 s10, $0x1;
	s10 =	sld [smem:$0x3FB5];
	_ =	sdelay $0x3  }
0x34: {  	[smem:$0x3FB5] =	sst s10  }
0x35: {  	s10 =	sld [smem:$0x3FB4];
	_ =	sdelay $0x3  }
0x36: {  	p1 =	seq.s32 s10, $0x1;
	s10 =	sld [smem:$0x3FB5];
	_ =	sdelay $0x3  }
0x37: {  	[smem:$0x3FB5] =	sst s10  }
0x38: {  	s10 =	sld [smem:$0x3FB6]  }
0x39: {  	_ = 	snop;
	(pc) =	sbr.ind lr, $3  }
0x3a: {  	_ = 	snop  }
0x3b: {  	_ = 	snop  }
0x3c: {  	p2 =	seq.s32 s10, $0x1;
	s10 =	sld [smem:$0x3FB5]  }
0x3d: {  	_ =	shalt  }
0x3e: {  	_ =	shalt  }
0x3f: {  	_ =	shalt  }
0x40: {  	_ =	shalt  }
0x41: {  	_ =	shalt  }
0x42: {  	_ =	shalt  }
0x43: {  	_ =	shalt  }
0x44: {  	_ =	shalt  }
0x45: {  	_ =	shalt  }
0x46: {  	_ =	shalt  }
0x47: {  	_ =	shalt  }
0x48: {  	_ =	shalt  }
0x49: {  	_ =	shalt  }
0x4a: {  	_ =	shalt  }
0x4b: {  	_ =	shalt  }
0x4c: {  	_ =	shalt  }
0x4d: {  	_ =	shalt  }
0x4e: {  	_ =	shalt  }
0x4f: {  	_ =	shalt  }
0x50: {  	_ =	shalt  }
0x51: {  	_ =	shalt  }
0x52: {  	_ =	shalt  }
0x53: {  	_ =	shalt  }
0x54: {  	_ =	shalt  }
0x55: {  	_ =	shalt  }
0x56: {  	_ =	shalt  }
0x57: {  	_ =	shalt  }
0x58: {  	_ =	shalt  }
0x59: {  	_ =	shalt  }
0x5a: {  	_ =	shalt  }
0x5b: {  	_ =	shalt  }
0x5c: {  	_ =	shalt  }
0x5d: {  	_ =	shalt  }
0x5e: {  	_ =	shalt  }
0x5f: {  	_ =	shalt  }
0x60: {  	_ =	shalt  }
0x61: {  	_ =	shalt  }
0x62: {  	_ =	shalt  }
0x63: {  	_ =	shalt  }
0x64: {  	_ =	shalt  }
0x65: {  	_ =	shalt  }
0x66: {  	_ =	shalt  }
0x67: {  	_ =	shalt  }
0x68: {  	_ =	shalt  }
0x69: {  	_ =	shalt  }
0x6a: {  	_ =	shalt  }
0x6b: {  	_ =	shalt  }
0x6c: {  	_ =	shalt  }
0x6d: {  	_ =	shalt  }
0x6e: {  	_ =	shalt  }
0x6f: {  	_ =	shalt  }
0x70: {  	_ =	shalt  }
0x71: {  	_ =	shalt  }
0x72: {  	_ =	shalt  }
0x73: {  	_ =	shalt  }
0x74: {  	_ =	shalt  }
0x75: {  	_ =	shalt  }
0x76: {  	_ =	shalt  }
0x77: {  	_ =	shalt  }
0x78: {  	_ =	shalt  }
0x79: {  	_ =	shalt  }
0x7a: {  	_ =	shalt  }
0x7b: {  	_ =	shalt  }
0x7c: {  	_ =	shalt  }
0x7d: {  	_ =	shalt  }
0x7e: {  	_ =	shalt  }
0x7f: {  	_ =	shalt  }
0x80: {  	_ =	shalt  }
0x81: {  	_ =	shalt  }
0x82: {  	_ =	shalt  }
0x83: {  	_ =	shalt  }
0x84: {  	_ =	shalt  }
0x85: {  	_ =	shalt  }
0x86: {  	_ =	shalt  }
0x87: {  	_ =	shalt  }
.Lfunc_end0:
.L_simem_size_0:
called_computation.2_lowered:
.L_overlay_start_0:
0x88: {  	s2 =	sld [smem:$0x3FD9]  }
0x89: {  	s3 =	sld [smem:$0x3FFE];
	_ =	sdelay $0x1  }
0x8a: {  	s1 =	srdreg.scid  }
0x8b: {  	s0 =	sand.u32 $0x1, s1  }
0x8c: {  	s17 =	sshll.u32 s0, $0xA;
	s2 =	sadd.s32 s3, s2  }
0x8d: {  	s2 =	sadd.s32 s2, s17  }
0x8e: {  	[smem:$0x3FC1] =	sst s2  }
0x8f: {  	_ = 	snop  }
0x90: {  	s2 =	sld [smem:$0x3FD0];
	(tm) =	ssettm $0x1  }
0x91: {  	s18 =	sld [smem:$0x3FFB];
	_ =	sdelay $0x3  }
0x92: {  	_ =	strace s18  }
0x93: {  	s3 =	sld [smem:$0x3FFC];
	_ =	sdelay $0x3  }
0x94: {  	_ =	strace s3  }
0x95: {  	s3 =	sld [smem:$0x3FFD];
	_ =	sdelay $0x3  }
0x96: {  	_ =	strace s3  }
0x97: {  	_ =	strace $0x8FFFFFFF  }
0x98: {  	s19 =	sld [smem:$0x3FDB];
	_ =	sdelay $0x1  }
0x99: {  	s4 =	simm.s32 $_scs_section_size  }
0x9a: {  	s5 =	simm.s32 $_size__tile_overlayer_lowered;
	s6 =	simm.s32 $_tile_overlayer_lowered  }
0x9b: {  	s22 =	simm.s32 $0x1BFF;
	s21 =	sshll.u32 s6, $0x1;
	s3 =	sadd.s32 s4, s19  }
0x9c: {  	s7 =	simm.s32 $0x0;
	s20 =	sshll.u32 s5, $0x1;
	s5 =	sadd.s32 s21, s3  }
0x9d: {  	[timem:s7], [sflag:s22] =	dma.local [hbm:s5], s20  }
0x9e: {  	_ =	swait.ge [sflag:s22], s20  }
0x9f: {  	s4 =	ssub.s32 $0x0, s20;
	[sflag:s22] =	ssyncset.done $0x0  }
0xa0: {  	[sflag:s22] =	ssyncadd.s32 s4;
	_ =	sdelay $0x1  }
0xa1: {  	s23 =	simm.s32 $0x1B8B  }
0xa2: {  	_ =	swait.ge [sflag:s23], $0x1  }
0xa3: {  	[sflag:s23] =	ssyncset.done $0x0  }
0xa4: {  	s25 =	simm.s32 $0x1B8E;
	s24 =	sld [smem:$0x3FFE];
	[sflag:s23] =	ssyncadd.s32 $0xFFFFFFFF  }
0xa5: {  	s26 =	simm.s32 $execute0_lowered;
	[smem:$0x3FD2] =	sst s25  }
0xa6: {  	s5 =	sshll.u32 s26, $0x1;
	_ =	strace $0x8000004C;
	[dreg:$0x1] =	wrdreg $0xFFFFFFFF  }
0xa7: {  	s28 =	simm.s32 $_size_execute0_lowered;
	s3 =	sadd.s32 s3, s5;
	[dreg:$0x0] =	wrdreg $0x0  }
0xa8: {  	s5 =	sshll.u32 s28, $0x1;
	[dreg:$0x2] =	wrdreg s3  }
0xa9: {  	[dreg:$0x3] =	wrdreg s5  }
0xaa: {  	[dreg:$0x4] =	wrdreg $0xC0  }
0xab: {  	_ =	task [dreg:s7], $0x5FFFF  }
0xac: {  	[dreg:$0x1] =	wrdreg $0xFFFFFFFF  }
0xad: {  	[dreg:$0x0] =	wrdreg $0x60  }
0xae: {  	[dreg:$0x2] =	wrdreg s24  }
0xaf: {  	[dreg:$0x3] =	wrdreg s2  }
0xb0: {  	[dreg:$0x4] =	wrdreg $0x9  }
0xb1: {  	_ =	task.clear_ibuf [dreg:s7], $0x5FFFF;
	_ =	strace $0x9000004C  }
0xb2: {  	s29 =	simm.s32 $0x9;
	_ =	strace $0x8000004E  }
0xb3: {  	_ =	swait.ge [sflag:s29], $0x1  }
0xb4: {  	[sflag:s29] =	ssyncadd.s32 $0xFFFFFFFF  }
0xb5: {  	_ =	strace $0x9000004E  }
0xb6: {  	_ =	sfence  }
0xb7: {  	s30 =	sld [smem:$0x0];
	_ =	sdelay $0x2  }
0xb8: {  	s31 =	sshll.u32 s1, $0xD;
	s1 =	sshrl.u32 s1, $0x2  }
0xb9: {  	s3 =	sand.u32 $0x4000, s31;
	s1 =	sadd.s32 s1, s30  }
0xba: {  	s0 =	sor.u32 s3, s0;
	s1 =	sshll.u32 s1, $0x11  }
0xbb: {  	s0 =	sor.u32 s1, s0  }
0xbc: {  	s0 =	sadd.s32 $0x8F2B, s0  }
0xbd: {  	[sflag:s0] =	ssyncadd.remote.s32 $0x1  }
0xbe: {  	_ =	sfence.sel $0xFFFF  }
0xbf: {  	[dreg:$0x0] =	wrdreg $0xFFFFFFFF;
	(pc) =	sbr.abs _section_cstart, $3  }
0xc0: {  	[dreg:$0x1] =	wrdreg $0xFFFFFFFF  }
0xc1: {  	_ =	task.clear_ibuf [dreg:s7], $0x2FFFF;
	_ =	strace $0x9FFFFFFF  }
0xc2: {  	(tm) =	ssettm $0x7FFFFFFF  }
0xc3: {  	_ =	shalt  }
tec
execute0_lowered:
.L_overlay_start_1:
0x0: {  	(tag) =	ssettag $0x1  }
0x1: {  	s1 =	rddreg [dreg:$0x0]  }
0x2: {  	s0 =	srdreg.scid;
	s7 =	rddreg [dreg:$0x1]  }
0x3: {  	s4 =	stileid.u32;
	s2 =	simm.s32 $0x0;
	s11 =	simm.s32 $0x5  }
0x4: {  	s12 =	simm.s32 $0x2710;
	s13 =	simm.s32 $0x50;
	s14 =	simm.s32 $0x4E20  }
0x5: {  	s15 =	simm.s32 $0x7620;
	s16 =	simm.s32 $0x6220;
	s18 =	simm.s32 $0x8A20  }
0x6: {  	s19 =	simm.s32 $0x1;
	s20 =	simm.s32 $0x9E20;
	s0 =	sand.u32 $0x1, s0  }
0x7: {  	s21 =	simm.s32 $0x2;
	s22 =	simm.s32 $0xC620;
	s3 =	sshll.u32 s0, $0x4  }
0x8: {  	s23 =	simm.s32 $0x3;
	s24 =	simm.s32 $0x4;
	s3 =	sor.u32 s4, s3  }
0x9: {  	s25 =	simm.s32 $0x0;
	s0 =	ssub.s32 $0x2, s0;
	s8 =	smul.u32 $0x4E2, s3  }
0xa: {  	[smem:$0x7FF] =	sst s2;
	s9 =	sshrl.u32 s0, $0x1;
	s3 =	smul.u32 $0x138800, s3  }
0xb: {  	s5 =	sadd.s32 $0x1F200, s1;
	_ =	strace $0x8000004D;
	s0 =	ssub.s32 s0, s9  }
0xc: {  	s4 =	sadd.s32 $0xB800, s1;
	s10 =	smax.u32 s0, $0x1;
	s31 =	sshrl.u32 s3, $0x3  }
0xd: {  	s6 =	sadd.s32 s8, s1;
	s7 =	sadd.s32 s7, s8;
	s1 =	sadd.s32 s5, s31  }
0xe: {  	s8 =	sadd.s32 $0x2800, s3;
	s6 =	sadd.s32 $0x1600, s6;
	s9 =	sadd.s32 $0x26C00, s1  }
.LBB2_1:
0xf: {  	[tilespmem:s2], [sflag:$0x5] =	stream.linear.gather [hbm4b:s6+s2], $0x2710, $0x38;
	[tilespmem:$0xEE20] =	vst v63  }
0x10: {  	_ =	swait.ge [sflag:s11], $0x2710  }
0x11: {  	[sflag:s11] =	ssyncset.done $0x0  }
0x12: {  	[sflag:s11] =	ssyncadd.s32 $0xFFFFD8F0  }
0x13: {  	[tilespmem:s12], [sflag:$0x5] =	stream.linear.gather [hbm4b:s7+s2], $0x2710, $0x38;
	[tilespmem:$0xEE20] =	vst v63  }
0x14: {  	_ =	swait.ge [sflag:s11], $0x2710  }
0x15: {  	[sflag:s11] =	ssyncset.done $0x0  }
0x16: {  	[sflag:s11] =	ssyncadd.s32 $0xFFFFD8F0  }
0x17: {  	[tilespmem:s14], [sflag:$0x1] =	stream.indirect.gather [hbm4b:s4+s13], $0x40, s2, s13, $0xb8;
	[tilespmem:$0xEE20] =	vst v63  }
0x18: {  	_ = 	snop  }
0x19: {  	[tilespmem:s15], [sflag:$0x1] =	stream.indirect.gather [hbm4b:s4+s13], $0x40, s12, s13, $0xb8;
	[tilespmem:$0xEE20] =	vst v63  }
0x1a: {  	_ = 	snop  }
0x1b: {  	[tilespmem:s16], [sflag:$0x2] =	stream.indirect.gather [hbm4b:s4+s13], $0x40, s13, s13, $0xb8;
	[tilespmem:$0xEE20] =	vst v63  }
0x1c: {  	s0 =	simm.s32 $0x2760;
	s26 =	simm.s32 $0x0  }
0x1d: {  	[tilespmem:s18], [sflag:$0x2] =	stream.indirect.gather [hbm4b:s4+s13], $0x40, s0, s13, $0xb8;
	[tilespmem:$0xEE20] =	vst v63  }
.LBB2_2:
0x1e: {  	_ =	swait.ge [sflag:s19], $0x1400  }
0x1f: {  	[sflag:s19] =	ssyncset.done $0x0  }
0x20: {  	[sflag:s19] =	ssyncadd.s32 $0xFFFFEC00  }
0x21: {  	_ =	swait.ge [sflag:s19], $0x1400  }
0x22: {  	p0 =	seq.s32 s26, $0x0;
	[sflag:s19] =	ssyncset.done $0x0  }
0x23: {  	s0 =	simm.s32 @!p0 $0x3;
	[sflag:s19] =	ssyncadd.s32 $0xFFFFEC00  }
0x24: {  	_ =	swait.ge @!p0 [sflag:s0], $0x2800  }
0x25: {  	[sflag:s0] =	ssyncset.done @!p0 $0x0  }
0x26: {  	s29 =	simm.s32 $0x0;
	[sflag:s0] =	ssyncadd.s32 @!p0 $0xFFFFD800  }
0x27: {  	v0 =	vld [tilespmem:s29+$0x4E20]  }
0x28: {  	v1 =	vld [tilespmem:s29+$0x7620];
	_ =	sdelay $0x4  }
0x29: {  	v0 =	vmul.bf16 v1, v0;
	_ =	sdelay $0x1  }
0x2a: {  	s28 =	simm.s32 $0x9EA0;
	v1 =	vunpack.i.l.bf16.f32 v0  }
0x2b: {  	v0 =	vunpack.i.u.bf16.f32 v0;
	[tilespmem:s28+$0xFFFFFF80] =	vst v1  }
0x2c: {  	[tilespmem:s28+$0xFFFFFFC0] =	vst v0  }
0x2d: {  	v0 =	vld [tilespmem:s29+$0x4E30]  }
0x2e: {  	v1 =	vld [tilespmem:s29+$0x7630];
	_ =	sdelay $0x4  }
0x2f: {  	v0 =	vmul.bf16 v1, v0;
	_ =	sdelay $0x1  }
0x30: {  	v1 =	vunpack.i.l.bf16.f32 v0  }
0x31: {  	v0 =	vunpack.i.u.bf16.f32 v0;
	[tilespmem:s28+$0xFFFFFF90] =	vst v1  }
0x32: {  	[tilespmem:s28+$0xFFFFFFD0] =	vst v0  }
0x33: {  	v0 =	vld [tilespmem:s29+$0x4E40]  }
0x34: {  	v1 =	vld [tilespmem:s29+$0x7640];
	_ =	sdelay $0x4  }
0x35: {  	v0 =	vmul.bf16 v1, v0;
	_ =	sdelay $0x1  }
0x36: {  	v1 =	vunpack.i.l.bf16.f32 v0  }
0x37: {  	v0 =	vunpack.i.u.bf16.f32 v0;
	[tilespmem:s28+$0xFFFFFFA0] =	vst v1  }
0x38: {  	[tilespmem:s28+$0xFFFFFFE0] =	vst v0  }
0x39: {  	v0 =	vld [tilespmem:s29+$0x4E50]  }
0x3a: {  	v1 =	vld [tilespmem:s29+$0x7650];
	_ =	sdelay $0x4  }
0x3b: {  	v0 =	vmul.bf16 v1, v0;
	_ =	sdelay $0x1  }
0x3c: {  	v1 =	vunpack.i.l.bf16.f32 v0  }
0x3d: {  	v0 =	vunpack.i.u.bf16.f32 v0;
	[tilespmem:s28+$0xFFFFFFB0] =	vst v1  }
0x3e: {  	[tilespmem:s28+$0xFFFFFFF0] =	vst v0  }
0x3f: {  	v0 =	vld [tilespmem:s29+$0x4E60]  }
0x40: {  	v1 =	vld [tilespmem:s29+$0x7660];
	_ =	sdelay $0x4  }
0x41: {  	v0 =	vmul.bf16 v1, v0;
	_ =	sdelay $0x1  }
0x42: {  	v1 =	vunpack.i.l.bf16.f32 v0  }
0x43: {  	v0 =	vunpack.i.u.bf16.f32 v0;
	[tilespmem:s28+$0x0] =	vst v1  }
0x44: {  	[tilespmem:s28+$0x40] =	vst v0  }
0x45: {  	v0 =	vld [tilespmem:s29+$0x4E70]  }
0x46: {  	v1 =	vld [tilespmem:s29+$0x7670];
	_ =	sdelay $0x4  }
0x47: {  	v0 =	vmul.bf16 v1, v0;
	_ =	sdelay $0x1  }
0x48: {  	v1 =	vunpack.i.l.bf16.f32 v0  }
0x49: {  	v0 =	vunpack.i.u.bf16.f32 v0;
	[tilespmem:s28+$0x10] =	vst v1  }
0x4a: {  	[tilespmem:s28+$0x50] =	vst v0  }
0x4b: {  	v0 =	vld [tilespmem:s29+$0x4E80]  }
0x4c: {  	s30 =	simm.s32 $0x9EA0;
	s0 =	simm.s32 $0x200;
	v1 =	vld [tilespmem:s29+$0x7680]  }
.LBB2_3:
0x4d: {  	_ =	sdelay $0x1  }
0x4e: {  	p1 =	sne.s32 s0, $0x4E00  }
0x4f: {  	s28 =	sadd.s32 $0x100, s28;
	s1 =	smov.u32 s0;
	s0 =	sadd.s32 $0x200, s0  }
0x50: {  	v0 =	vmul.bf16 v1, v0;
	_ =	sdelay $0x1  }
0x51: {  	v1 =	vunpack.i.u.bf16.f32 v0;
	v0 =	vunpack.i.l.bf16.f32 v0  }
0x52: {  	[tilespmem:s30+$0x20] =	vst v0  }
0x53: {  	[tilespmem:s30+$0x60] =	vst v1  }
0x54: {  	v0 =	vld [tilespmem:s29+$0x4E90]  }
0x55: {  	v1 =	vld [tilespmem:s29+$0x7690];
	_ =	sdelay $0x4  }
0x56: {  	v0 =	vmul.bf16 v1, v0;
	_ =	sdelay $0x1  }
0x57: {  	v1 =	vunpack.i.u.bf16.f32 v0;
	v0 =	vunpack.i.l.bf16.f32 v0  }
0x58: {  	[tilespmem:s30+$0x30] =	vst v0  }
0x59: {  	s29 =	sshra.s32 s1, $0x2;
	[tilespmem:s30+$0x70] =	vst v1;
	s30 =	smov.u32 s28  }
0x5a: {  	v0 =	vld [tilespmem:s29+$0x4E20]  }
0x5b: {  	v1 =	vld [tilespmem:s29+$0x7620];
	_ =	sdelay $0x4  }
0x5c: {  	v0 =	vmul.bf16 v1, v0;
	_ =	sdelay $0x1  }
0x5d: {  	v1 =	vunpack.i.u.bf16.f32 v0;
	v0 =	vunpack.i.l.bf16.f32 v0  }
0x5e: {  	[tilespmem:s28+$0xFFFFFF80] =	vst v0  }
0x5f: {  	[tilespmem:s28+$0xFFFFFFC0] =	vst v1  }
0x60: {  	v0 =	vld [tilespmem:s29+$0x4E30]  }
0x61: {  	v1 =	vld [tilespmem:s29+$0x7630];
	_ =	sdelay $0x4  }
0x62: {  	v0 =	vmul.bf16 v1, v0;
	_ =	sdelay $0x1  }
0x63: {  	v1 =	vunpack.i.u.bf16.f32 v0;
	v0 =	vunpack.i.l.bf16.f32 v0  }
0x64: {  	[tilespmem:s28+$0xFFFFFF90] =	vst v0  }
0x65: {  	[tilespmem:s28+$0xFFFFFFD0] =	vst v1  }
0x66: {  	v0 =	vld [tilespmem:s29+$0x4E40]  }
0x67: {  	v1 =	vld [tilespmem:s29+$0x7640];
	_ =	sdelay $0x4  }
0x68: {  	v0 =	vmul.bf16 v1, v0;
	_ =	sdelay $0x1  }
0x69: {  	v1 =	vunpack.i.u.bf16.f32 v0;
	v0 =	vunpack.i.l.bf16.f32 v0  }
0x6a: {  	[tilespmem:s28+$0xFFFFFFA0] =	vst v0  }
0x6b: {  	[tilespmem:s28+$0xFFFFFFE0] =	vst v1  }
0x6c: {  	v0 =	vld [tilespmem:s29+$0x4E50]  }
0x6d: {  	v1 =	vld [tilespmem:s29+$0x7650];
	_ =	sdelay $0x4  }
0x6e: {  	v0 =	vmul.bf16 v1, v0;
	_ =	sdelay $0x1  }
0x6f: {  	v1 =	vunpack.i.u.bf16.f32 v0;
	v0 =	vunpack.i.l.bf16.f32 v0  }
0x70: {  	[tilespmem:s28+$0xFFFFFFB0] =	vst v0  }
0x71: {  	[tilespmem:s28+$0xFFFFFFF0] =	vst v1  }
0x72: {  	v0 =	vld [tilespmem:s29+$0x4E60]  }
0x73: {  	v1 =	vld [tilespmem:s29+$0x7660];
	_ =	sdelay $0x4  }
0x74: {  	v0 =	vmul.bf16 v1, v0;
	_ =	sdelay $0x1  }
0x75: {  	v1 =	vunpack.i.u.bf16.f32 v0;
	v0 =	vunpack.i.l.bf16.f32 v0  }
0x76: {  	[tilespmem:s28+$0x0] =	vst v0  }
0x77: {  	[tilespmem:s28+$0x40] =	vst v1  }
0x78: {  	v0 =	vld [tilespmem:s29+$0x4E70]  }
0x79: {  	v1 =	vld [tilespmem:s29+$0x7670];
	_ =	sdelay $0x4  }
0x7a: {  	v0 =	vmul.bf16 v1, v0;
	_ =	sdelay $0x1  }
.Ltmp0:
0x7b: {  	v1 =	vunpack.i.u.bf16.f32 v0;
	v0 =	vunpack.i.l.bf16.f32 v0;
	(pc) =	sbr.rel @p1 .LBB2_3-.Ltmp0, $4  }
0x7c: {  	[tilespmem:s28+$0x10] =	vst v0  }
0x7d: {  	[tilespmem:s28+$0x50] =	vst v1  }
0x7e: {  	v0 =	vld [tilespmem:s29+$0x4E80]  }
0x7f: {  	v1 =	vld [tilespmem:s29+$0x7680]  }
0x80: {  	_ =	sdelay $0x3  }
0x81: {  	v0 =	vmul.bf16 v1, v0;
	_ =	sdelay $0x1  }
0x82: {  	v1 =	vunpack.i.l.bf16.f32 v0  }
0x83: {  	v0 =	vunpack.i.u.bf16.f32 v0;
	[tilespmem:s30+$0x20] =	vst v1  }
0x84: {  	[tilespmem:s30+$0x60] =	vst v0  }
0x85: {  	v0 =	vld [tilespmem:s29+$0x4E90]  }
0x86: {  	v1 =	vld [tilespmem:s29+$0x7690];
	_ =	sdelay $0x4  }
0x87: {  	s29 =	smul.u32 $0x5000, s26;
	v0 =	vmul.bf16 v1, v0;
	_ =	sdelay $0x1  }
0x88: {  	s0 =	sadd.s32 s3, s29;
	v1 =	vunpack.i.l.bf16.f32 v0  }
0x89: {  	s0 =	sshrl.u32 s0, $0x3;
	v0 =	vunpack.i.u.bf16.f32 v0;
	[tilespmem:s30+$0x30] =	vst v1  }
0x8a: {  	s28 =	smul.u32 $0xA0, s26;
	s0 =	sadd.s32 s5, s0;
	[tilespmem:s30+$0x70] =	vst v0  }
0x8b: {  	[hbm4b:s0+s2] =	stream.linear.scatter [tilespmem:s20], [sflag:$0x3], $0x2800, $0x38;
	[tilespmem:$0xEE20] =	vst v63  }
0x8c: {  	s1 =	sadd.s32 $0xA0, s28  }
0x8d: {  	[tilespmem:s14], [sflag:$0x1] =	stream.indirect.gather [hbm4b:s4+s13], $0x40, s1, s13, $0xb8;
	[tilespmem:$0xEE20] =	vst v63  }
0x8e: {  	s17 =	sadd.s32 $0x27B0, s28  }
0x8f: {  	[tilespmem:s15], [sflag:$0x1] =	stream.indirect.gather [hbm4b:s4+s13], $0x40, s17, s13, $0xb8;
	[tilespmem:$0xEE20] =	vst v63  }
0x90: {  	_ =	swait.ge [sflag:s21], $0x1400  }
0x91: {  	[sflag:s21] =	ssyncset.done $0x0  }
0x92: {  	[sflag:s21] =	ssyncadd.s32 $0xFFFFEC00  }
0x93: {  	_ =	swait.ge [sflag:s21], $0x1400  }
0x94: {  	[sflag:s21] =	ssyncset.done $0x0  }
0x95: {  	s0 =	simm.s32 @!p0 $0x4;
	[sflag:s21] =	ssyncadd.s32 $0xFFFFEC00  }
0x96: {  	_ =	swait.ge @!p0 [sflag:s0], $0x2800  }
0x97: {  	[sflag:s0] =	ssyncset.done @!p0 $0x0  }
0x98: {  	s31 =	simm.s32 $0x0;
	[sflag:s0] =	ssyncadd.s32 @!p0 $0xFFFFD800  }
0x99: {  	v0 =	vld [tilespmem:s31+$0x6220]  }
0x9a: {  	v1 =	vld [tilespmem:s31+$0x8A20];
	_ =	sdelay $0x4  }
0x9b: {  	v0 =	vmul.bf16 v1, v0;
	_ =	sdelay $0x1  }
0x9c: {  	s30 =	simm.s32 $0xC710;
	v1 =	vunpack.i.l.bf16.f32 v0  }
0x9d: {  	v0 =	vunpack.i.u.bf16.f32 v0;
	[tilespmem:s30+$0xFFFFFF10] =	vst v1  }
0x9e: {  	[tilespmem:s30+$0xFFFFFF50] =	vst v0  }
0x9f: {  	v0 =	vld [tilespmem:s31+$0x6230]  }
0xa0: {  	v1 =	vld [tilespmem:s31+$0x8A30];
	_ =	sdelay $0x4  }
0xa1: {  	v0 =	vmul.bf16 v1, v0;
	_ =	sdelay $0x1  }
0xa2: {  	v1 =	vunpack.i.l.bf16.f32 v0  }
0xa3: {  	v0 =	vunpack.i.u.bf16.f32 v0;
	[tilespmem:s30+$0xFFFFFF20] =	vst v1  }
0xa4: {  	[tilespmem:s30+$0xFFFFFF60] =	vst v0  }
0xa5: {  	v0 =	vld [tilespmem:s31+$0x6240]  }
0xa6: {  	v1 =	vld [tilespmem:s31+$0x8A40];
	_ =	sdelay $0x4  }
0xa7: {  	v0 =	vmul.bf16 v1, v0;
	_ =	sdelay $0x1  }
0xa8: {  	v1 =	vunpack.i.l.bf16.f32 v0  }
0xa9: {  	v0 =	vunpack.i.u.bf16.f32 v0;
	[tilespmem:s30+$0xFFFFFF30] =	vst v1  }
0xaa: {  	[tilespmem:s30+$0xFFFFFF70] =	vst v0  }
0xab: {  	v0 =	vld [tilespmem:s31+$0x6250]  }
0xac: {  	v1 =	vld [tilespmem:s31+$0x8A50];
	_ =	sdelay $0x4  }
0xad: {  	v0 =	vmul.bf16 v1, v0;
	_ =	sdelay $0x1  }
0xae: {  	v1 =	vunpack.i.l.bf16.f32 v0  }
0xaf: {  	v0 =	vunpack.i.u.bf16.f32 v0;
	[tilespmem:s30+$0xFFFFFF40] =	vst v1  }
0xb0: {  	[tilespmem:s30+$0xFFFFFF80] =	vst v0  }
0xb1: {  	v0 =	vld [tilespmem:s31+$0x6260]  }
0xb2: {  	v1 =	vld [tilespmem:s31+$0x8A60];
	_ =	sdelay $0x4  }
0xb3: {  	v0 =	vmul.bf16 v1, v0;
	_ =	sdelay $0x1  }
0xb4: {  	v1 =	vunpack.i.l.bf16.f32 v0  }
0xb5: {  	v0 =	vunpack.i.u.bf16.f32 v0;
	[tilespmem:s30+$0xFFFFFF90] =	vst v1  }
0xb6: {  	[tilespmem:s30+$0xFFFFFFD0] =	vst v0  }
0xb7: {  	v0 =	vld [tilespmem:s31+$0x6270]  }
0xb8: {  	v1 =	vld [tilespmem:s31+$0x8A70];
	_ =	sdelay $0x4  }
0xb9: {  	v0 =	vmul.bf16 v1, v0;
	_ =	sdelay $0x1  }
0xba: {  	v1 =	vunpack.i.l.bf16.f32 v0  }
0xbb: {  	v0 =	vunpack.i.u.bf16.f32 v0;
	[tilespmem:s30+$0xFFFFFFA0] =	vst v1  }
0xbc: {  	[tilespmem:s30+$0xFFFFFFE0] =	vst v0  }
0xbd: {  	v0 =	vld [tilespmem:s31+$0x6280]  }
0xbe: {  	s1 =	simm.s32 $0x200;
	s0 =	simm.s32 $0xC710;
	v1 =	vld [tilespmem:s31+$0x8A80]  }
.LBB2_5:
0xbf: {  	_ =	sdelay $0x1  }
0xc0: {  	p0 =	sne.s32 s1, $0x4E00  }
0xc1: {  	s30 =	sadd.s32 $0x100, s30;
	s17 =	smov.u32 s1;
	s1 =	sadd.s32 $0x200, s1  }
0xc2: {  	v0 =	vmul.bf16 v1, v0;
	_ =	sdelay $0x1  }
0xc3: {  	v1 =	vunpack.i.u.bf16.f32 v0;
	v0 =	vunpack.i.l.bf16.f32 v0  }
0xc4: {  	[tilespmem:s0+$0xFFFFFFB0] =	vst v0  }
0xc5: {  	[tilespmem:s0+$0xFFFFFFF0] =	vst v1  }
0xc6: {  	v0 =	vld [tilespmem:s31+$0x6290]  }
0xc7: {  	v1 =	vld [tilespmem:s31+$0x8A90];
	_ =	sdelay $0x4  }
0xc8: {  	v0 =	vmul.bf16 v1, v0;
	_ =	sdelay $0x1  }
0xc9: {  	v1 =	vunpack.i.u.bf16.f32 v0;
	v0 =	vunpack.i.l.bf16.f32 v0  }
0xca: {  	[tilespmem:s0+$0xFFFFFFC0] =	vst v0  }
0xcb: {  	s31 =	sshra.s32 s17, $0x2;
	[tilespmem:s0+$0x0] =	vst v1;
	s0 =	smov.u32 s30  }
0xcc: {  	v0 =	vld [tilespmem:s31+$0x6220]  }
0xcd: {  	v1 =	vld [tilespmem:s31+$0x8A20];
	_ =	sdelay $0x4  }
0xce: {  	v0 =	vmul.bf16 v1, v0;
	_ =	sdelay $0x1  }
0xcf: {  	v1 =	vunpack.i.u.bf16.f32 v0;
	v0 =	vunpack.i.l.bf16.f32 v0  }
0xd0: {  	[tilespmem:s30+$0xFFFFFF10] =	vst v0  }
0xd1: {  	[tilespmem:s30+$0xFFFFFF50] =	vst v1  }
0xd2: {  	v0 =	vld [tilespmem:s31+$0x6230]  }
0xd3: {  	v1 =	vld [tilespmem:s31+$0x8A30];
	_ =	sdelay $0x4  }
0xd4: {  	v0 =	vmul.bf16 v1, v0;
	_ =	sdelay $0x1  }
0xd5: {  	v1 =	vunpack.i.u.bf16.f32 v0;
	v0 =	vunpack.i.l.bf16.f32 v0  }
0xd6: {  	[tilespmem:s30+$0xFFFFFF20] =	vst v0  }
0xd7: {  	[tilespmem:s30+$0xFFFFFF60] =	vst v1  }
0xd8: {  	v0 =	vld [tilespmem:s31+$0x6240]  }
0xd9: {  	v1 =	vld [tilespmem:s31+$0x8A40];
	_ =	sdelay $0x4  }
0xda: {  	v0 =	vmul.bf16 v1, v0;
	_ =	sdelay $0x1  }
0xdb: {  	v1 =	vunpack.i.u.bf16.f32 v0;
	v0 =	vunpack.i.l.bf16.f32 v0  }
0xdc: {  	[tilespmem:s30+$0xFFFFFF30] =	vst v0  }
0xdd: {  	[tilespmem:s30+$0xFFFFFF70] =	vst v1  }
0xde: {  	v0 =	vld [tilespmem:s31+$0x6250]  }
0xdf: {  	v1 =	vld [tilespmem:s31+$0x8A50];
	_ =	sdelay $0x4  }
0xe0: {  	v0 =	vmul.bf16 v1, v0;
	_ =	sdelay $0x1  }
0xe1: {  	v1 =	vunpack.i.u.bf16.f32 v0;
	v0 =	vunpack.i.l.bf16.f32 v0  }
0xe2: {  	[tilespmem:s30+$0xFFFFFF40] =	vst v0  }
0xe3: {  	[tilespmem:s30+$0xFFFFFF80] =	vst v1  }
0xe4: {  	v0 =	vld [tilespmem:s31+$0x6260]  }
0xe5: {  	v1 =	vld [tilespmem:s31+$0x8A60];
	_ =	sdelay $0x4  }
0xe6: {  	v0 =	vmul.bf16 v1, v0;
	_ =	sdelay $0x1  }
0xe7: {  	v1 =	vunpack.i.u.bf16.f32 v0;
	v0 =	vunpack.i.l.bf16.f32 v0  }
0xe8: {  	[tilespmem:s30+$0xFFFFFF90] =	vst v0  }
0xe9: {  	[tilespmem:s30+$0xFFFFFFD0] =	vst v1  }
0xea: {  	v0 =	vld [tilespmem:s31+$0x6270]  }
0xeb: {  	v1 =	vld [tilespmem:s31+$0x8A70];
	_ =	sdelay $0x4  }
0xec: {  	v0 =	vmul.bf16 v1, v0;
	_ =	sdelay $0x1  }
.Ltmp1:
0xed: {  	v1 =	vunpack.i.u.bf16.f32 v0;
	v0 =	vunpack.i.l.bf16.f32 v0;
	(pc) =	sbr.rel @p0 .LBB2_5-.Ltmp1, $4  }
0xee: {  	[tilespmem:s30+$0xFFFFFFA0] =	vst v0  }
0xef: {  	[tilespmem:s30+$0xFFFFFFE0] =	vst v1  }
0xf0: {  	v0 =	vld [tilespmem:s31+$0x6280]  }
0xf1: {  	v1 =	vld [tilespmem:s31+$0x8A80]  }
0xf2: {  	_ =	sdelay $0x3  }
0xf3: {  	v0 =	vmul.bf16 v1, v0;
	_ =	sdelay $0x1  }
0xf4: {  	v1 =	vunpack.i.l.bf16.f32 v0  }
0xf5: {  	v0 =	vunpack.i.u.bf16.f32 v0;
	[tilespmem:s0+$0xFFFFFFB0] =	vst v1  }
0xf6: {  	[tilespmem:s0+$0xFFFFFFF0] =	vst v0  }
0xf7: {  	v0 =	vld [tilespmem:s31+$0x6290]  }
0xf8: {  	v1 =	vld [tilespmem:s31+$0x8A90];
	_ =	sdelay $0x4  }
0xf9: {  	p0 =	seq.s32 s26, $0x3D;
	v0 =	vmul.bf16 v1, v0  }
.Ltmp2:
0xfa: {  	_ = 	snop;
	(pc) =	sbr.rel @p0 .LBB2_8-.Ltmp2, $4  }
0xfb: {  	s1 =	sadd.s32 s8, s29;
	v1 =	vunpack.i.l.bf16.f32 v0  }
0xfc: {  	s1 =	sshrl.u32 s1, $0x3;
	v0 =	vunpack.i.u.bf16.f32 v0;
	[tilespmem:s0+$0xFFFFFFC0] =	vst v1  }
0xfd: {  	s31 =	sadd.s32 s5, s1;
	[tilespmem:s0+$0x0] =	vst v0  }
0xfe: {  	[hbm4b:s31+s2] =	stream.linear.scatter [tilespmem:s22], [sflag:$0x4], $0x2800, $0x38;
	[tilespmem:$0xEE20] =	vst v63  }
.Ltmp3:
0xff: {  	(pc) =	sbr.rel .LBB2_2-.Ltmp3, $4  }
0x100: {  	s0 =	sadd.s32 $0xF0, s28  }
0x101: {  	[tilespmem:s16], [sflag:$0x2] =	stream.indirect.gather [hbm4b:s4+s13], $0x40, s0, s13, $0xb8;
	[tilespmem:$0xEE20] =	vst v63  }
0x102: {  	s31 =	sadd.s32 $0x2800, s28;
	s26 =	sadd.s32 $0x1, s26  }
0x103: {  	[tilespmem:s18], [sflag:$0x2] =	stream.indirect.gather [hbm4b:s4+s13], $0x40, s31, s13, $0xb8;
	[tilespmem:$0xEE20] =	vst v63  }
.LBB2_8:
0x104: {  	_ =	swait.ge [sflag:s19], $0x1400  }
0x105: {  	[sflag:s19] =	ssyncset.done $0x0  }
0x106: {  	[sflag:s19] =	ssyncadd.s32 $0xFFFFEC00  }
0x107: {  	_ =	swait.ge [sflag:s19], $0x1400  }
0x108: {  	[sflag:s19] =	ssyncset.done $0x0  }
0x109: {  	[sflag:s19] =	ssyncadd.s32 $0xFFFFEC00  }
0x10a: {  	_ =	swait.ge [sflag:s23], $0x2800  }
0x10b: {  	[sflag:s23] =	ssyncset.done $0x0  }
0x10c: {  	s28 =	simm.s32 $0x0;
	[sflag:s23] =	ssyncadd.s32 $0xFFFFD800  }
0x10d: {  	v0 =	vld [tilespmem:s28+$0x4E20]  }
0x10e: {  	v1 =	vld [tilespmem:s28+$0x7620];
	_ =	sdelay $0x4  }
0x10f: {  	v0 =	vmul.bf16 v1, v0;
	_ =	sdelay $0x1  }
0x110: {  	s26 =	simm.s32 $0x9EA0;
	v1 =	vunpack.i.l.bf16.f32 v0  }
0x111: {  	v0 =	vunpack.i.u.bf16.f32 v0;
	[tilespmem:s26+$0xFFFFFF80] =	vst v1  }
0x112: {  	[tilespmem:s26+$0xFFFFFFC0] =	vst v0  }
0x113: {  	v0 =	vld [tilespmem:s28+$0x4E30]  }
0x114: {  	v1 =	vld [tilespmem:s28+$0x7630];
	_ =	sdelay $0x4  }
0x115: {  	v0 =	vmul.bf16 v1, v0;
	_ =	sdelay $0x1  }
0x116: {  	v1 =	vunpack.i.l.bf16.f32 v0  }
0x117: {  	v0 =	vunpack.i.u.bf16.f32 v0;
	[tilespmem:s26+$0xFFFFFF90] =	vst v1  }
0x118: {  	[tilespmem:s26+$0xFFFFFFD0] =	vst v0  }
0x119: {  	v0 =	vld [tilespmem:s28+$0x4E40]  }
0x11a: {  	v1 =	vld [tilespmem:s28+$0x7640];
	_ =	sdelay $0x4  }
0x11b: {  	v0 =	vmul.bf16 v1, v0;
	_ =	sdelay $0x1  }
0x11c: {  	v1 =	vunpack.i.l.bf16.f32 v0  }
0x11d: {  	v0 =	vunpack.i.u.bf16.f32 v0;
	[tilespmem:s26+$0xFFFFFFA0] =	vst v1  }
0x11e: {  	[tilespmem:s26+$0xFFFFFFE0] =	vst v0  }
0x11f: {  	v0 =	vld [tilespmem:s28+$0x4E50]  }
0x120: {  	v1 =	vld [tilespmem:s28+$0x7650];
	_ =	sdelay $0x4  }
0x121: {  	v0 =	vmul.bf16 v1, v0;
	_ =	sdelay $0x1  }
0x122: {  	v1 =	vunpack.i.l.bf16.f32 v0  }
0x123: {  	v0 =	vunpack.i.u.bf16.f32 v0;
	[tilespmem:s26+$0xFFFFFFB0] =	vst v1  }
0x124: {  	[tilespmem:s26+$0xFFFFFFF0] =	vst v0  }
0x125: {  	v0 =	vld [tilespmem:s28+$0x4E60]  }
0x126: {  	v1 =	vld [tilespmem:s28+$0x7660];
	_ =	sdelay $0x4  }
0x127: {  	v0 =	vmul.bf16 v1, v0;
	_ =	sdelay $0x1  }
0x128: {  	v1 =	vunpack.i.l.bf16.f32 v0  }
0x129: {  	v0 =	vunpack.i.u.bf16.f32 v0;
	[tilespmem:s26+$0x0] =	vst v1  }
0x12a: {  	[tilespmem:s26+$0x40] =	vst v0  }
0x12b: {  	v0 =	vld [tilespmem:s28+$0x4E70]  }
0x12c: {  	v1 =	vld [tilespmem:s28+$0x7670];
	_ =	sdelay $0x4  }
0x12d: {  	v0 =	vmul.bf16 v1, v0;
	_ =	sdelay $0x1  }
0x12e: {  	v1 =	vunpack.i.l.bf16.f32 v0  }
0x12f: {  	v0 =	vunpack.i.u.bf16.f32 v0;
	[tilespmem:s26+$0x10] =	vst v1  }
0x130: {  	[tilespmem:s26+$0x50] =	vst v0  }
0x131: {  	v0 =	vld [tilespmem:s28+$0x4E80]  }
0x132: {  	s1 =	simm.s32 $0x200;
	s0 =	simm.s32 $0x9EA0;
	v1 =	vld [tilespmem:s28+$0x7680]  }
.LBB2_9:
0x133: {  	_ =	sdelay $0x1  }
0x134: {  	p0 =	sne.s32 s1, $0x4E00  }
0x135: {  	s26 =	sadd.s32 $0x100, s26;
	s17 =	smov.u32 s1;
	s1 =	sadd.s32 $0x200, s1  }
0x136: {  	v0 =	vmul.bf16 v1, v0;
	_ =	sdelay $0x1  }
0x137: {  	v1 =	vunpack.i.u.bf16.f32 v0;
	v0 =	vunpack.i.l.bf16.f32 v0  }
0x138: {  	[tilespmem:s0+$0x20] =	vst v0  }
0x139: {  	[tilespmem:s0+$0x60] =	vst v1  }
0x13a: {  	v0 =	vld [tilespmem:s28+$0x4E90]  }
0x13b: {  	v1 =	vld [tilespmem:s28+$0x7690];
	_ =	sdelay $0x4  }
0x13c: {  	v0 =	vmul.bf16 v1, v0;
	_ =	sdelay $0x1  }
0x13d: {  	v1 =	vunpack.i.u.bf16.f32 v0;
	v0 =	vunpack.i.l.bf16.f32 v0  }
0x13e: {  	[tilespmem:s0+$0x30] =	vst v0  }
0x13f: {  	s28 =	sshra.s32 s17, $0x2;
	[tilespmem:s0+$0x70] =	vst v1;
	s0 =	smov.u32 s26  }
0x140: {  	v0 =	vld [tilespmem:s28+$0x4E20]  }
0x141: {  	v1 =	vld [tilespmem:s28+$0x7620];
	_ =	sdelay $0x4  }
0x142: {  	v0 =	vmul.bf16 v1, v0;
	_ =	sdelay $0x1  }
0x143: {  	v1 =	vunpack.i.u.bf16.f32 v0;
	v0 =	vunpack.i.l.bf16.f32 v0  }
0x144: {  	[tilespmem:s26+$0xFFFFFF80] =	vst v0  }
0x145: {  	[tilespmem:s26+$0xFFFFFFC0] =	vst v1  }
0x146: {  	v0 =	vld [tilespmem:s28+$0x4E30]  }
0x147: {  	v1 =	vld [tilespmem:s28+$0x7630];
	_ =	sdelay $0x4  }
0x148: {  	v0 =	vmul.bf16 v1, v0;
	_ =	sdelay $0x1  }
0x149: {  	v1 =	vunpack.i.u.bf16.f32 v0;
	v0 =	vunpack.i.l.bf16.f32 v0  }
0x14a: {  	[tilespmem:s26+$0xFFFFFF90] =	vst v0  }
0x14b: {  	[tilespmem:s26+$0xFFFFFFD0] =	vst v1  }
0x14c: {  	v0 =	vld [tilespmem:s28+$0x4E40]  }
0x14d: {  	v1 =	vld [tilespmem:s28+$0x7640];
	_ =	sdelay $0x4  }
0x14e: {  	v0 =	vmul.bf16 v1, v0;
	_ =	sdelay $0x1  }
0x14f: {  	v1 =	vunpack.i.u.bf16.f32 v0;
	v0 =	vunpack.i.l.bf16.f32 v0  }
0x150: {  	[tilespmem:s26+$0xFFFFFFA0] =	vst v0  }
0x151: {  	[tilespmem:s26+$0xFFFFFFE0] =	vst v1  }
0x152: {  	v0 =	vld [tilespmem:s28+$0x4E50]  }
0x153: {  	v1 =	vld [tilespmem:s28+$0x7650];
	_ =	sdelay $0x4  }
0x154: {  	v0 =	vmul.bf16 v1, v0;
	_ =	sdelay $0x1  }
0x155: {  	v1 =	vunpack.i.u.bf16.f32 v0;
	v0 =	vunpack.i.l.bf16.f32 v0  }
0x156: {  	[tilespmem:s26+$0xFFFFFFB0] =	vst v0  }
0x157: {  	[tilespmem:s26+$0xFFFFFFF0] =	vst v1  }
0x158: {  	v0 =	vld [tilespmem:s28+$0x4E60]  }
0x159: {  	v1 =	vld [tilespmem:s28+$0x7660];
	_ =	sdelay $0x4  }
0x15a: {  	v0 =	vmul.bf16 v1, v0;
	_ =	sdelay $0x1  }
0x15b: {  	v1 =	vunpack.i.u.bf16.f32 v0;
	v0 =	vunpack.i.l.bf16.f32 v0  }
0x15c: {  	[tilespmem:s26+$0x0] =	vst v0  }
0x15d: {  	[tilespmem:s26+$0x40] =	vst v1  }
0x15e: {  	v0 =	vld [tilespmem:s28+$0x4E70]  }
0x15f: {  	v1 =	vld [tilespmem:s28+$0x7670];
	_ =	sdelay $0x4  }
0x160: {  	v0 =	vmul.bf16 v1, v0;
	_ =	sdelay $0x1  }
.Ltmp4:
0x161: {  	v1 =	vunpack.i.u.bf16.f32 v0;
	v0 =	vunpack.i.l.bf16.f32 v0;
	(pc) =	sbr.rel @p0 .LBB2_9-.Ltmp4, $4  }
0x162: {  	[tilespmem:s26+$0x10] =	vst v0  }
0x163: {  	[tilespmem:s26+$0x50] =	vst v1  }
0x164: {  	v0 =	vld [tilespmem:s28+$0x4E80]  }
0x165: {  	v1 =	vld [tilespmem:s28+$0x7680]  }
0x166: {  	_ =	sdelay $0x3  }
0x167: {  	v0 =	vmul.bf16 v1, v0;
	_ =	sdelay $0x1  }
0x168: {  	v1 =	vunpack.i.l.bf16.f32 v0  }
0x169: {  	v0 =	vunpack.i.u.bf16.f32 v0;
	[tilespmem:s0+$0x20] =	vst v1  }
0x16a: {  	[tilespmem:s0+$0x60] =	vst v0  }
0x16b: {  	v0 =	vld [tilespmem:s28+$0x4E90]  }
0x16c: {  	v1 =	vld [tilespmem:s28+$0x7690];
	_ =	sdelay $0x4  }
0x16d: {  	v0 =	vmul.bf16 v1, v0;
	_ =	sdelay $0x1  }
0x16e: {  	v1 =	vunpack.i.l.bf16.f32 v0  }
0x16f: {  	v0 =	vunpack.i.u.bf16.f32 v0;
	[tilespmem:s0+$0x30] =	vst v1  }
0x170: {  	s25 =	sadd.s32 $0x1, s25;
	[tilespmem:s0+$0x70] =	vst v0  }
0x171: {  	[hbm4b:s9+s2] =	stream.linear.scatter [tilespmem:s20], [sflag:$0x3], $0x2800, $0x38;
	[tilespmem:$0xEE20] =	vst v63  }
0x172: {  	p0 =	sne.s32 s25, s10;
	_ =	swait.ge [sflag:s24], $0x2800  }
.Ltmp5:
0x173: {  	[sflag:s24] =	ssyncset.done $0x0;
	(pc) =	sbr.rel @p0 .LBB2_1-.Ltmp5, $4  }
0x174: {  	[sflag:s24] =	ssyncadd.s32 $0xFFFFD800  }
0x175: {  	_ =	swait.ge [sflag:s23], $0x2800  }
0x176: {  	[sflag:s23] =	ssyncset.done $0x0  }
0x177: {  	[sflag:s23] =	ssyncadd.s32 $0xFFFFD800  }
0x178: {  	_ =	sfence.sel $0x180000  }
0x179: {  	[bflag:$0x0] =	sbarrier.arrive $0xFFFF  }
0x17a: {  	_ =	strace $0x9000004D  }
0x17b: {  	s0 =	stileid.u32;
	[bflag:$0x2] =	sbarrier.arrive $0xFFFF  }
0x17c: {  	p0 =	sne.s32 s0, $0x0;
	s0 =	rddreg [dreg:$0x2]  }
0x17d: {  	s0 =	sadd.s32 @!p0 $0x100000, s0  }
0x17e: {  	[sflag:s0] =	ssyncadd.tile.s32 @!p0 $0x1;
	_ =	shalt  }
.Lfunc_end2:
_tile_overlayer_lowered:
.L_overlay_start_2:
0x17f: {  	(tag) =	ssettag $0x2  }
0x180: {  	s0 =	rddreg [dreg:$0x0];
	s2 =	stileid.u32  }
0x181: {  	s1 =	rddreg [dreg:$0x1];
	p0 =	sne.s32 s2, $0x0  }
0x182: {  	s3 =	rddreg [dreg:$0x2];
	[bflag:$0x3] =	sbarrier.arrive $0xFFFF;
	s2 =	simm.s32 @!p0 $0x1C05  }
0x183: {  	[timem:s3], [sflag:s2] =	dma.local @!p0 [hbm:s0], s1  }
0x184: {  	s0 =	simm.s32 @!p0 $0x5  }
0x185: {  	_ =	swait.ge @!p0 [sflag:s0], s1  }
0x186: {  	s1 =	ssub.s32 @!p0 $0x0, s1;
	[sflag:s0] =	ssyncset.done @!p0 $0x0  }
0x187: {  	[sflag:s0] =	ssyncadd.s32 @!p0 s1  }
0x188: {  	[bflag:$0x3] =	sbarrier.arrive $0xFFFF  }
0x189: {  	_ =	shalt  }

// kernel: kernel.7.cloned.1.call-start
scs
__scs_entry_jumppad:
0x0: {  	(pc) =	sbr.rel $0x88, $3  }
0x1: {  	(tag) =	ssettag $0x0;
	lr =	simm.s32 $0x1  }
0x2: {  	[smem:$0x3F9A] =	sst lr;
	_ =	strace $0xD0000000  }
0x3: {  	_ = 	snop  }
0x4: {  	_ = 	snop  }
0x5: {  	_ = 	snop  }
0x6: {  	_ = 	snop  }
0x7: {  	_ = 	snop  }
__scs_overlays_trampoline_lowered:
0x8: {  	[smem:$0x3FA9] =	sst s0  }
0x9: {  	[smem:$0x3FAA] =	sst s1  }
0xa: {  	[smem:$0x3FAB] =	sst s2  }
0xb: {  	[smem:$0x3FAC] =	sst s3  }
0xc: {  	[smem:$0x3FAD] =	sst s4  }
0xd: {  	[smem:$0x3FAE] =	sst s5  }
0xe: {  	[smem:$0x3FAF] =	sst s6  }
0xf: {  	[smem:$0x3FB0] =	sst s7  }
0x10: {  	[smem:$0x3FB1] =	sst s8  }
0x11: {  	[smem:$0x3FB2] =	sst s9;
	s0 =	simm.s32 @!p0 $0x0  }
0x12: {  	s1 =	sld [smem:$0x3F98];
	s0 =	simm.s32 @p0 $0x1  }
0x13: {  	[smem:$0x3FB3] =	sst s0;
	s0 =	simm.s32 @!p1 $0x0  }
0x14: {  	s2 =	sld [smem:$0x3F97];
	s0 =	simm.s32 @p1 $0x1  }
0x15: {  	[smem:$0x3FB4] =	sst s0;
	s0 =	simm.s32 @!p2 $0x0  }
0x16: {  	s3 =	sld [smem:$0x3FDB];
	s0 =	simm.s32 @p2 $0x1  }
0x17: {  	s4 =	simm.s32 $0x1BF5;
	[smem:$0x3FB6] =	sst s0  }
0x18: {  	s0 =	sld [smem:$0x3F99];
	_ =	swait.ge [sflag:s4], $0x0  }
0x19: {  	s7 =	sld [smem:$0x3F9A]  }
0x1a: {  	s8 =	sadd.s32 $0xFFFFE003, lr  }
0x1b: {  	s9 =	sadd.s32 $0xFFFFFEF7, lr;
	s5 =	simm.s32 $0xFFFFFFFF;
	p2 =	slt.u32 s8, $0xFFFFF086  }
0x1c: {  	p1 =	slt.u32 s9, $0xF7A;
	s5 =	simm.s32 @!p2 $0x0  }
0x1d: {  	s5 =	simm.s32 @p1 $0x1;
	p0 =	seq.s32 s7, s2  }
0x1e: {  	s7 =	smul.u32 @!p0 $0xF7A, s2;
	p2 =	seq.s32 @!p0 s5, $0x0  }
0x1f: {  	s9 =	smul.u32 $0xF7A, s1;
	s8 =	simm.s32 @!p0 $0x1BF5;
	p2 =	por !p2, p0  }
0x20: {  	[sflag:s8] =	ssyncset.s32 @!p0 $0xFFFFF086;
	s6 =	sadd.s32 @!p0 s3, s7;
	s7 =	simm.s32 @!p0 $0x108  }
0x21: {  	s3 =	sadd.s32 s3, s9;
	s6 =	sadd.s32 @!p0 $0x88, s6;
	s7 =	simm.s32 @p2 $0x1082  }
0x22: {  	[simem:s7], [sflag:s8] =	dma.local @!p0 [hbm:s6], $0xF7A  }
0x23: {  	s9 =	sor.u32 $0xD0000000, s2;
	s6 =	simm.s32 $0x108;
	_ =	swait.ge @!p0 [sflag:s8], $0x0  }
0x24: {  	s3 =	sadd.s32 $0x88, s3;
	s6 =	simm.s32 @!p1 $0x1082;
	[sflag:s4] =	ssyncset.s32 $0xFFFFF086  }
0x25: {  	[simem:s6], [sflag:s4] =	dma.local [hbm:s3], $0xF7A  }
0x26: {  	[smem:$0x3F9A] =	sst s1;
	(tag) =	ssettag s2;
	_ =	strace s9  }
0x27: {  	s1 =	sld [smem:$0x3FAA]  }
0x28: {  	s2 =	sld [smem:$0x3FAB]  }
0x29: {  	s4 =	sld [smem:$0x3FAD]  }
0x2a: {  	p0 =	seq.s32 s5, $0x0;
	s5 =	sld [smem:$0x3FAE]  }
0x2b: {  	s6 =	sld [smem:$0x3FAF]  }
0x2c: {  	s7 =	sld [smem:$0x3FB0]  }
0x2d: {  	s3 =	simm.s32 $0x108;
	s8 =	sld [smem:$0x3FB1]  }
0x2e: {  	s3 =	simm.s32 @!p0 $0x1082;
	s9 =	sld [smem:$0x3FB2]  }
0x2f: {  	lr =	sadd.s32 s0, s3;
	s0 =	sld [smem:$0x3FA9]  }
0x30: {  	s3 =	sld [smem:$0x3FAC]  }
0x31: {  	[smem:$0x3FB5] =	sst s10  }
0x32: {  	s10 =	sld [smem:$0x3FB3];
	_ =	sdelay $0x3  }
0x33: {  	p0 =	seq.s32 s10, $0x1;
	s10 =	sld [smem:$0x3FB5];
	_ =	sdelay $0x3  }
0x34: {  	[smem:$0x3FB5] =	sst s10  }
0x35: {  	s10 =	sld [smem:$0x3FB4];
	_ =	sdelay $0x3  }
0x36: {  	p1 =	seq.s32 s10, $0x1;
	s10 =	sld [smem:$0x3FB5];
	_ =	sdelay $0x3  }
0x37: {  	[smem:$0x3FB5] =	sst s10  }
0x38: {  	s10 =	sld [smem:$0x3FB6]  }
0x39: {  	_ = 	snop;
	(pc) =	sbr.ind lr, $3  }
0x3a: {  	_ = 	snop  }
0x3b: {  	_ = 	snop  }
0x3c: {  	p2 =	seq.s32 s10, $0x1;
	s10 =	sld [smem:$0x3FB5]  }
0x3d: {  	_ =	shalt  }
0x3e: {  	_ =	shalt  }
0x3f: {  	_ =	shalt  }
0x40: {  	_ =	shalt  }
0x41: {  	_ =	shalt  }
0x42: {  	_ =	shalt  }
0x43: {  	_ =	shalt  }
0x44: {  	_ =	shalt  }
0x45: {  	_ =	shalt  }
0x46: {  	_ =	shalt  }
0x47: {  	_ =	shalt  }
0x48: {  	_ =	shalt  }
0x49: {  	_ =	shalt  }
0x4a: {  	_ =	shalt  }
0x4b: {  	_ =	shalt  }
0x4c: {  	_ =	shalt  }
0x4d: {  	_ =	shalt  }
0x4e: {  	_ =	shalt  }
0x4f: {  	_ =	shalt  }
0x50: {  	_ =	shalt  }
0x51: {  	_ =	shalt  }
0x52: {  	_ =	shalt  }
0x53: {  	_ =	shalt  }
0x54: {  	_ =	shalt  }
0x55: {  	_ =	shalt  }
0x56: {  	_ =	shalt  }
0x57: {  	_ =	shalt  }
0x58: {  	_ =	shalt  }
0x59: {  	_ =	shalt  }
0x5a: {  	_ =	shalt  }
0x5b: {  	_ =	shalt  }
0x5c: {  	_ =	shalt  }
0x5d: {  	_ =	shalt  }
0x5e: {  	_ =	shalt  }
0x5f: {  	_ =	shalt  }
0x60: {  	_ =	shalt  }
0x61: {  	_ =	shalt  }
0x62: {  	_ =	shalt  }
0x63: {  	_ =	shalt  }
0x64: {  	_ =	shalt  }
0x65: {  	_ =	shalt  }
0x66: {  	_ =	shalt  }
0x67: {  	_ =	shalt  }
0x68: {  	_ =	shalt  }
0x69: {  	_ =	shalt  }
0x6a: {  	_ =	shalt  }
0x6b: {  	_ =	shalt  }
0x6c: {  	_ =	shalt  }
0x6d: {  	_ =	shalt  }
0x6e: {  	_ =	shalt  }
0x6f: {  	_ =	shalt  }
0x70: {  	_ =	shalt  }
0x71: {  	_ =	shalt  }
0x72: {  	_ =	shalt  }
0x73: {  	_ =	shalt  }
0x74: {  	_ =	shalt  }
0x75: {  	_ =	shalt  }
0x76: {  	_ =	shalt  }
0x77: {  	_ =	shalt  }
0x78: {  	_ =	shalt  }
0x79: {  	_ =	shalt  }
0x7a: {  	_ =	shalt  }
0x7b: {  	_ =	shalt  }
0x7c: {  	_ =	shalt  }
0x7d: {  	_ =	shalt  }
0x7e: {  	_ =	shalt  }
0x7f: {  	_ =	shalt  }
0x80: {  	_ =	shalt  }
0x81: {  	_ =	shalt  }
0x82: {  	_ =	shalt  }
0x83: {  	_ =	shalt  }
0x84: {  	_ =	shalt  }
0x85: {  	_ =	shalt  }
0x86: {  	_ =	shalt  }
0x87: {  	_ =	shalt  }
.Lfunc_end0:
.L_simem_size_0:
called_computation_lowered:
.L_overlay_start_0:
0x88: {  	s2 =	sld [smem:$0x3FD9]  }
0x89: {  	s3 =	sld [smem:$0x3FFE];
	_ =	sdelay $0x1  }
0x8a: {  	s1 =	srdreg.scid  }
0x8b: {  	s0 =	sand.u32 $0x1, s1  }
0x8c: {  	s17 =	sshll.u32 s0, $0xA;
	s2 =	sadd.s32 s3, s2  }
0x8d: {  	s2 =	sadd.s32 s2, s17  }
0x8e: {  	[smem:$0x3FC1] =	sst s2  }
0x8f: {  	_ = 	snop  }
0x90: {  	s2 =	sld [smem:$0x3FC9]  }
0x91: {  	s18 =	sld [smem:$0x3FD0];
	(tm) =	ssettm $0x1  }
0x92: {  	s4 =	sld [smem:$0x3FFB];
	_ =	sdelay $0x3  }
0x93: {  	_ =	strace s4  }
0x94: {  	s4 =	sld [smem:$0x3FFC];
	_ =	sdelay $0x3  }
0x95: {  	_ =	strace s4  }
0x96: {  	s4 =	sld [smem:$0x3FFD];
	_ =	sdelay $0x3  }
0x97: {  	_ =	strace s4  }
0x98: {  	_ =	strace $0x8FFFFFFF  }
0x99: {  	s19 =	sld [smem:$0x3FDB];
	_ =	sdelay $0x1  }
0x9a: {  	s5 =	simm.s32 $_scs_section_size  }
0x9b: {  	s6 =	simm.s32 $_size__tile_overlayer_lowered;
	s7 =	simm.s32 $_tile_overlayer_lowered  }
0x9c: {  	s22 =	simm.s32 $0x1BFF;
	s21 =	sshll.u32 s7, $0x1;
	s4 =	sadd.s32 s5, s19  }
0x9d: {  	s8 =	simm.s32 $0x0;
	s20 =	sshll.u32 s6, $0x1;
	s6 =	sadd.s32 s21, s4  }
0x9e: {  	[timem:s8], [sflag:s22] =	dma.local [hbm:s6], s20  }
0x9f: {  	_ =	swait.ge [sflag:s22], s20  }
0xa0: {  	s5 =	ssub.s32 $0x0, s20;
	[sflag:s22] =	ssyncset.done $0x0  }
0xa1: {  	[sflag:s22] =	ssyncadd.s32 s5;
	_ =	sdelay $0x1  }
0xa2: {  	s23 =	simm.s32 $0x1B8B  }
0xa3: {  	_ =	swait.ge [sflag:s23], $0x1  }
0xa4: {  	[sflag:s23] =	ssyncset.done $0x0  }
0xa5: {  	s25 =	simm.s32 $0x1B8E;
	s24 =	sld [smem:$0x3FFE];
	[sflag:s23] =	ssyncadd.s32 $0xFFFFFFFF  }
0xa6: {  	s26 =	simm.s32 $execute0_lowered;
	[smem:$0x3FD2] =	sst s25  }
0xa7: {  	s6 =	sshll.u32 s26, $0x1;
	_ =	strace $0x80000046;
	[dreg:$0x1] =	wrdreg $0xFFFFFFFF  }
0xa8: {  	s28 =	simm.s32 $_size_execute0_lowered;
	s4 =	sadd.s32 s4, s6;
	[dreg:$0x0] =	wrdreg $0x0  }
0xa9: {  	s6 =	sshll.u32 s28, $0x1;
	[dreg:$0x2] =	wrdreg s4  }
0xaa: {  	[dreg:$0x3] =	wrdreg s6  }
0xab: {  	[dreg:$0x4] =	wrdreg $0xC0  }
0xac: {  	_ =	task [dreg:s8], $0x5FFFF  }
0xad: {  	[dreg:$0x1] =	wrdreg $0xFFFFFFFF  }
0xae: {  	[dreg:$0x0] =	wrdreg $0x60  }
0xaf: {  	[dreg:$0x2] =	wrdreg s24  }
0xb0: {  	[dreg:$0x3] =	wrdreg s18  }
0xb1: {  	[dreg:$0x4] =	wrdreg s2  }
0xb2: {  	[dreg:$0x5] =	wrdreg $0x121800  }
0xb3: {  	[dreg:$0x6] =	wrdreg $0x9  }
0xb4: {  	_ =	task.clear_ibuf [dreg:s8], $0x7FFFF;
	_ =	strace $0x90000046  }
0xb5: {  	s29 =	simm.s32 $0x9;
	_ =	strace $0x80000048  }
0xb6: {  	_ =	swait.ge [sflag:s29], $0x1  }
0xb7: {  	[sflag:s29] =	ssyncadd.s32 $0xFFFFFFFF  }
0xb8: {  	_ =	strace $0x90000048  }
0xb9: {  	_ =	sfence  }
0xba: {  	s30 =	sld [smem:$0x0];
	_ =	sdelay $0x2  }
0xbb: {  	s31 =	sshll.u32 s1, $0xD;
	s1 =	sshrl.u32 s1, $0x2  }
0xbc: {  	s3 =	sand.u32 $0x4000, s31;
	s1 =	sadd.s32 s1, s30  }
0xbd: {  	s0 =	sor.u32 s3, s0;
	s1 =	sshll.u32 s1, $0x11  }
0xbe: {  	s0 =	sor.u32 s1, s0  }
0xbf: {  	s0 =	sadd.s32 $0x8F2B, s0  }
0xc0: {  	[sflag:s0] =	ssyncadd.remote.s32 $0x1  }
0xc1: {  	_ =	sfence.sel $0xFFFF  }
0xc2: {  	[dreg:$0x0] =	wrdreg $0xFFFFFFFF;
	(pc) =	sbr.abs _section_cstart, $3  }
0xc3: {  	[dreg:$0x1] =	wrdreg $0xFFFFFFFF  }
0xc4: {  	_ =	task.clear_ibuf [dreg:s8], $0x2FFFF;
	_ =	strace $0x9FFFFFFF  }
0xc5: {  	(tm) =	ssettm $0x7FFFFFFF  }
tec
execute0_lowered:
.L_overlay_start_1:
0x0: {  	(tag) =	ssettag $0x1  }
0x1: {  	s0 =	rddreg [dreg:$0x0]  }
0x2: {  	s1 =	rddreg [dreg:$0x1]  }
0x3: {  	s2 =	rddreg [dreg:$0x2]  }
0x4: {  	s3 =	rddreg [dreg:$0x3]  }
0x5: {  	s4 =	simm.s32 $0x0;
	s13 =	stileid.u32;
	s5 =	srdreg.scid  }
0x6: {  	s16 =	simm.s32 $0xED80;
	s17 =	simm.s32 $0x9;
	s28 =	simm.s32 $0xC580  }
0x7: {  	s29 =	simm.s32 $0x2;
	s30 =	simm.s32 $0x9D30;
	s6 =	smul.u32 $0x9C4, s13  }
0x8: {  	s31 =	simm.s32 $0xD980;
	s18 =	simm.s32 $0x5;
	s11 =	smul.u32 $0x27000, s13  }
0x9: {  	[smem:$0x7FF] =	sst s4;
	s7 =	sand.u32 $0x1, s5;
	s21 =	smul.u32 $0x9C00, s13  }
0xa: {  	p0 =	sne.s32 s13, $0xF;
	_ =	strace $0x80000047;
	s5 =	ssub.s32 $0x2, s7  }
0xb: {  	s10 =	smul.u32 $0x9C400, s7;
	v0 =	vmov s7;
	s7 =	simm.s32 $0x7;
	s8 =	sadd.s32 s6, s0  }
0xc: {  	s9 =	sshrl.u32 s5, $0x1;
	s0 =	sadd.s32 $0xB400, s0;
	s1 =	sadd.s32 s1, s6  }
0xd: {  	s23 =	sshrl.u32 s11, $0x2;
	s24 =	sadd.s32 $0x3400, s21;
	s25 =	sadd.s32 $0x6800, s21  }
0xe: {  	s6 =	sadd.s32 s21, s3;
	s9 =	ssub.s32 s5, s9;
	s5 =	sadd.s32 $0x9C000, s3  }
0xf: {  	s8 =	sadd.s32 $0x1600, s8;
	s19 =	sshrl.u32 s10, $0x3;
	[dreg:$0x6] =	wrdreg s1  }
0x10: {  	s11 =	sadd.s32 s24, s3;
	s12 =	sadd.s32 s25, s3;
	s26 =	sadd.s32 s10, s21  }
0x11: {  	s21 =	simm.s32 $0x9D80;
	[dreg:$0x5] =	wrdreg s8;
	s20 =	sadd.s32 s0, s19  }
0x12: {  	s22 =	smax.u32 s9, $0x1;
	s9 =	sshrl.u32 s26, $0x3;
	s8 =	sadd.s32 s10, s25  }
0x13: {  	s19 =	simm.s32 $0x50;
	s25 =	simm.s32 $0x1;
	s26 =	simm.s32 $0x9CE0  }
0x14: {  	s1 =	sadd.s32 $0x13800, s20;
	[dreg:$0x8] =	wrdreg s22;
	s9 =	sadd.s32 s0, s9  }
0x15: {  	s8 =	sshrl.u32 s8, $0x3;
	s20 =	simm.s32 $0x9C40;
	[dreg:$0x7] =	wrdreg s1  }
0x16: {  	s22 =	simm.s32 $0x9C90;
	s1 =	sadd.s32 s23, s3;
	[dreg:$0xa] =	wrdreg s9  }
0x17: {  	s15 =	sadd.s32 s0, s8;
	[dreg:$0x9] =	wrdreg s1;
	s1 =	sadd.s32 s10, s24  }
0x18: {  	s23 =	simm.s32 $0xB180;
	s8 =	simm.s32 $0x8;
	s1 =	sshrl.u32 s1, $0x3  }
0x19: {  	s24 =	sshrl.u32 s6, $0x3;
	s6 =	simm.s32 $0x6;
	s1 =	sadd.s32 s0, s1  }
0x1a: {  	v1 =	vimm.f32 $0.0e+00;
	s0 =	simm.s32 $0x3;
	[dreg:$0xb] =	wrdreg s1;
	s1 =	simm.s32 $0x4  }
.LBB2_1:
0x1b: {  	s10 =	simm.s32 $0x100;
	s9 =	simm.s32 $0x0  }
.LBB2_2:
0x1c: {  	p1 =	sne.s32 s10, $0xCF00;
	[tilespmem:s9+$0xEDB0] =	vst v1;
	s13 =	smov.u32 s10;
	s10 =	sadd.s32 $0x100, s10  }
.Ltmp0:
0x1d: {  	[tilespmem:s9+$0xEDA0] =	vst v1;
	(pc) =	sbr.rel @p1 .LBB2_2-.Ltmp0, $3  }
0x1e: {  	[tilespmem:s9+$0xED80] =	vst v1  }
0x1f: {  	[tilespmem:s9+$0xED90] =	vst v1;
	_ =	sdelay $0x1  }
0x20: {  	s9 =	sshra.s32 s13, $0x2  }
0x21: {  	[tilespmem:s9+$0xEDB0] =	vst v1  }
0x22: {  	[tilespmem:s9+$0xEDA0] =	vst v1  }
0x23: {  	[tilespmem:s9+$0xED80] =	vst v1  }
0x24: {  	[tilespmem:s9+$0xED90] =	vst v1;
	s13 =	rddreg [dreg:$0x9]  }
0x25: {  	[spmem:s13] =	stream.linear.scatter [tilespmem:s16], [sflag:$0x9], $0x3400, $0x38;
	[tilespmem:$0x1BDC0] =	vst v63  }
0x26: {  	_ =	swait.ge [sflag:s17], $0x3400  }
0x27: {  	[sflag:s17] =	ssyncset.done $0x0  }
0x28: {  	[sflag:s17] =	ssyncadd.s32 $0xFFFFCC00  }
0x29: {  	[spmem:s11] =	stream.linear.scatter [tilespmem:s16], [sflag:$0x9], $0x3400, $0x38;
	[tilespmem:$0x1BDC0] =	vst v63  }
0x2a: {  	_ =	swait.ge [sflag:s17], $0x3400  }
0x2b: {  	[sflag:s17] =	ssyncset.done $0x0  }
0x2c: {  	[sflag:s17] =	ssyncadd.s32 $0xFFFFCC00  }
0x2d: {  	[spmem:s12] =	stream.linear.scatter [tilespmem:s16], [sflag:$0x9], $0x3400, $0x38;
	[tilespmem:$0x1BDC0] =	vst v63  }
0x2e: {  	_ =	swait.ge [sflag:s17], $0x3400  }
0x2f: {  	[sflag:s17] =	ssyncset.done $0x0  }
0x30: {  	s9 =	simm.s32 @!p0 $0xED80;
	[sflag:s17] =	ssyncadd.s32 $0xFFFFCC00  }
0x31: {  	[spmem:s5] =	stream.linear.scatter @!p0 [tilespmem:s9], [sflag:$0x9], $0x400, $0x38;
	[tilespmem:$0x1BDC0] =	vst v63  }
0x32: {  	s9 =	simm.s32 @!p0 $0x9  }
0x33: {  	_ =	swait.ge @!p0 [sflag:s9], $0x400  }
0x34: {  	[sflag:s9] =	ssyncset.done @!p0 $0x0  }
0x35: {  	s10 =	rddreg [dreg:$0x5];
	[sflag:s9] =	ssyncadd.s32 @!p0 $0xFFFFFC00;
	s9 =	simm.s32 $0x0  }
0x36: {  	[tilespmem:s9], [sflag:$0x9] =	stream.linear.gather [hbm4b:s10+s9], $0x4E20, $0x38;
	[tilespmem:$0x1BDC0] =	vst v63  }
0x37: {  	_ =	swait.ge [sflag:s17], $0x4E20  }
0x38: {  	[sflag:s17] =	ssyncset.done $0x0  }
0x39: {  	s13 =	simm.s32 $0x4E20;
	s14 =	rddreg [dreg:$0x6];
	[sflag:s17] =	ssyncadd.s32 $0xFFFFB1E0  }
0x3a: {  	[tilespmem:s13], [sflag:$0x9] =	stream.linear.gather [hbm4b:s14+s9], $0x4E20, $0x38;
	[tilespmem:$0x1BDC0] =	vst v63  }
0x3b: {  	_ =	swait.ge [sflag:s17], $0x4E20  }
0x3c: {  	[sflag:s17] =	ssyncset.done $0x0  }
0x3d: {  	[sflag:s17] =	ssyncadd.s32 $0xFFFFB1E0  }
0x3e: {  	[bflag:$0x0] =	sbarrier.arrive $0xFFFF  }
0x3f: {  	v2 =	vld [tilespmem:$0x0]  }
0x40: {  	v3 =	vld [tilespmem:$0x10]  }
0x41: {  	v4 =	vld [tilespmem:$0x20]  }
0x42: {  	v5 =	vld [tilespmem:$0x30]  }
0x43: {  	v6 =	vld [tilespmem:$0x40]  }
0x44: {  	v2 =	vshll.u32 v2, $0x1  }
0x45: {  	v3 =	vshll.u32 v3, $0x1;
	v2 =	vor.u32 v0, v2  }
0x46: {  	[tilespmem:$0x9C40] =	vst v2;
	v2 =	vor.u32 v0, v3;
	v3 =	vshll.u32 v4, $0x1  }
0x47: {  	[tilespmem:$0x9C50] =	vst v2;
	v2 =	vor.u32 v0, v3;
	v3 =	vshll.u32 v5, $0x1  }
0x48: {  	[tilespmem:$0x9C60] =	vst v2;
	v2 =	vor.u32 v0, v3;
	v3 =	vshll.u32 v6, $0x1  }
0x49: {  	[tilespmem:$0x9C70] =	vst v2;
	v2 =	vor.u32 v0, v3  }
0x4a: {  	[tilespmem:$0x9C80] =	vst v2  }
0x4b: {  	[tilespmem:s21], [sflag:$0x1] =	stream.indirect.gather [hbm4b:s2+s19], $0x40, s20, s19, $0xb8;
	[tilespmem:$0x1BDC0] =	vst v63  }
0x4c: {  	v2 =	vld [tilespmem:$0x50]  }
0x4d: {  	v3 =	vld [tilespmem:$0x60]  }
0x4e: {  	v61 =	vld [tilespmem:$0x70]  }
0x4f: {  	v62 =	vld [tilespmem:$0x80]  }
0x50: {  	v63 =	vld [tilespmem:$0x90]  }
0x51: {  	v2 =	vshll.u32 v2, $0x1  }
0x52: {  	v3 =	vshll.u32 v3, $0x1;
	v2 =	vor.u32 v0, v2  }
0x53: {  	[tilespmem:$0x9C90] =	vst v2;
	v2 =	vor.u32 v0, v3;
	v3 =	vshll.u32 v61, $0x1  }
0x54: {  	[tilespmem:$0x9CA0] =	vst v2;
	v2 =	vor.u32 v0, v3;
	v3 =	vshll.u32 v62, $0x1  }
0x55: {  	[tilespmem:$0x9CB0] =	vst v2;
	v2 =	vor.u32 v0, v3;
	v3 =	vshll.u32 v63, $0x1  }
0x56: {  	[tilespmem:$0x9CC0] =	vst v2;
	v2 =	vor.u32 v0, v3  }
0x57: {  	[tilespmem:$0x9CD0] =	vst v2  }
0x58: {  	[tilespmem:s23], [sflag:$0x2] =	stream.indirect.gather [hbm4b:s2+s19], $0x40, s22, s19, $0xb8;
	[tilespmem:$0x1BDC0] =	vst v63  }
0x59: {  	_ =	swait.ge [sflag:s25], $0x1400  }
0x5a: {  	p1 =	por $0x1, $0x1;
	[sflag:s25] =	ssyncset.done $0x0  }
0x5b: {  	s10 =	simm.s32 @!p1 $0x7;
	s13 =	simm.s32 $0x4E20;
	[sflag:s25] =	ssyncadd.s32 $0xFFFFEC00  }
0x5c: {  	[spmem:s3] =	stream.indirect.scatter.add.f32 [tilespmem:s21], [sflag:$0x5], $0x40, s13, s19, $0xb8;
	[tilespmem:$0x1BDC0] =	vst v63  }
0x5d: {  	_ =	swait.ge @!p1 [sflag:s10], $0x1400  }
0x5e: {  	[sflag:s10] =	ssyncset.done @!p1 $0x0  }
0x5f: {  	s9 =	simm.s32 $0x0;
	[sflag:s10] =	ssyncadd.s32 @!p1 $0xFFFFEC00  }
0x60: {  	v2 =	vld [tilespmem:s9+$0xA0];
	_ =	sdelay $0x4  }
0x61: {  	v2 =	vshll.u32 v2, $0x1  }
0x62: {  	v2 =	vor.u32 v0, v2  }
0x63: {  	[tilespmem:$0x9CE0] =	vst v2  }
0x64: {  	v2 =	vld [tilespmem:s9+$0xB0];
	_ =	sdelay $0x4  }
0x65: {  	v2 =	vshll.u32 v2, $0x1  }
0x66: {  	v2 =	vor.u32 v0, v2  }
0x67: {  	[tilespmem:$0x9CF0] =	vst v2  }
0x68: {  	v2 =	vld [tilespmem:s9+$0xC0];
	_ =	sdelay $0x4  }
0x69: {  	v2 =	vshll.u32 v2, $0x1  }
0x6a: {  	v2 =	vor.u32 v0, v2  }
0x6b: {  	[tilespmem:$0x9D00] =	vst v2  }
0x6c: {  	v2 =	vld [tilespmem:s9+$0xD0];
	_ =	sdelay $0x4  }
0x6d: {  	v2 =	vshll.u32 v2, $0x1  }
0x6e: {  	v2 =	vor.u32 v0, v2  }
0x6f: {  	[tilespmem:$0x9D10] =	vst v2  }
0x70: {  	v2 =	vld [tilespmem:s9+$0xE0];
	_ =	sdelay $0x4  }
0x71: {  	v2 =	vshll.u32 v2, $0x1  }
0x72: {  	v2 =	vor.u32 v0, v2  }
0x73: {  	[tilespmem:$0x9D20] =	vst v2  }
0x74: {  	[tilespmem:s28], [sflag:$0x3] =	stream.indirect.gather [hbm4b:s2+s19], $0x40, s26, s19, $0xb8;
	[tilespmem:$0x1BDC0] =	vst v63  }
0x75: {  	_ =	swait.ge [sflag:s29], $0x1400  }
0x76: {  	[sflag:s29] =	ssyncset.done $0x0  }
0x77: {  	s14 =	simm.s32 $0x4E70;
	s10 =	simm.s32 @!p1 $0x8;
	[sflag:s29] =	ssyncadd.s32 $0xFFFFEC00  }
0x78: {  	[spmem:s3] =	stream.indirect.scatter.add.f32 [tilespmem:s23], [sflag:$0x6], $0x40, s14, s19, $0xb8;
	[tilespmem:$0x1BDC0] =	vst v63  }
0x79: {  	_ =	swait.ge @!p1 [sflag:s10], $0x1400  }
0x7a: {  	[sflag:s10] =	ssyncset.done @!p1 $0x0  }
0x7b: {  	[sflag:s10] =	ssyncadd.s32 @!p1 $0xFFFFEC00  }
0x7c: {  	v2 =	vld [tilespmem:s9+$0xF0];
	_ =	sdelay $0x4  }
0x7d: {  	v2 =	vshll.u32 v2, $0x1  }
0x7e: {  	v2 =	vor.u32 v0, v2  }
0x7f: {  	[tilespmem:$0x9D30] =	vst v2  }
0x80: {  	v2 =	vld [tilespmem:s9+$0x100];
	_ =	sdelay $0x4  }
0x81: {  	v2 =	vshll.u32 v2, $0x1  }
0x82: {  	v2 =	vor.u32 v0, v2  }
0x83: {  	[tilespmem:$0x9D40] =	vst v2  }
0x84: {  	v2 =	vld [tilespmem:s9+$0x110];
	_ =	sdelay $0x4  }
0x85: {  	v2 =	vshll.u32 v2, $0x1  }
0x86: {  	v2 =	vor.u32 v0, v2  }
0x87: {  	[tilespmem:$0x9D50] =	vst v2  }
0x88: {  	v2 =	vld [tilespmem:s9+$0x120];
	_ =	sdelay $0x4  }
0x89: {  	v2 =	vshll.u32 v2, $0x1  }
0x8a: {  	v2 =	vor.u32 v0, v2  }
0x8b: {  	[tilespmem:$0x9D60] =	vst v2  }
0x8c: {  	v2 =	vld [tilespmem:s9+$0x130];
	_ =	sdelay $0x4  }
0x8d: {  	v2 =	vshll.u32 v2, $0x1  }
0x8e: {  	v2 =	vor.u32 v0, v2  }
0x8f: {  	[tilespmem:$0x9D70] =	vst v2  }
0x90: {  	[tilespmem:s31], [sflag:$0x4] =	stream.indirect.gather [hbm4b:s2+s19], $0x40, s30, s19, $0xb8;
	[tilespmem:$0x1BDC0] =	vst v63  }
0x91: {  	_ =	swait.ge [sflag:s0], $0x1400  }
0x92: {  	[sflag:s0] =	ssyncset.done $0x0  }
0x93: {  	s13 =	simm.s32 $0x4EC0;
	[sflag:s0] =	ssyncadd.s32 $0xFFFFEC00  }
0x94: {  	[spmem:s3] =	stream.indirect.scatter.add.f32 [tilespmem:s28], [sflag:$0x7], $0x40, s13, s19, $0xb8;
	[tilespmem:$0x1BDC0] =	vst v63  }
0x95: {  	_ =	swait.ge [sflag:s18], $0x1400  }
0x96: {  	[sflag:s18] =	ssyncset.done $0x0  }
0x97: {  	[sflag:s18] =	ssyncadd.s32 $0xFFFFEC00  }
0x98: {  	v2 =	vld [tilespmem:s9+$0x140];
	_ =	sdelay $0x4  }
0x99: {  	v2 =	vshll.u32 v2, $0x1  }
0x9a: {  	v2 =	vor.u32 v0, v2  }
0x9b: {  	[tilespmem:$0x9C40] =	vst v2  }
0x9c: {  	v2 =	vld [tilespmem:s9+$0x150];
	_ =	sdelay $0x4  }
0x9d: {  	v2 =	vshll.u32 v2, $0x1  }
0x9e: {  	v2 =	vor.u32 v0, v2  }
0x9f: {  	[tilespmem:$0x9C50] =	vst v2  }
0xa0: {  	v2 =	vld [tilespmem:s9+$0x160];
	_ =	sdelay $0x4  }
0xa1: {  	v2 =	vshll.u32 v2, $0x1  }
0xa2: {  	v2 =	vor.u32 v0, v2  }
0xa3: {  	[tilespmem:$0x9C60] =	vst v2  }
0xa4: {  	v2 =	vld [tilespmem:s9+$0x170];
	_ =	sdelay $0x4  }
0xa5: {  	v2 =	vshll.u32 v2, $0x1  }
0xa6: {  	v2 =	vor.u32 v0, v2  }
0xa7: {  	[tilespmem:$0x9C70] =	vst v2  }
0xa8: {  	v2 =	vld [tilespmem:s9+$0x180];
	_ =	sdelay $0x4  }
0xa9: {  	v2 =	vshll.u32 v2, $0x1  }
0xaa: {  	v2 =	vor.u32 v0, v2  }
0xab: {  	[tilespmem:$0x9C80] =	vst v2  }
0xac: {  	[tilespmem:s21], [sflag:$0x1] =	stream.indirect.gather [hbm4b:s2+s19], $0x40, s20, s19, $0xb8;
	[tilespmem:$0x1BDC0] =	vst v63  }
0xad: {  	_ =	swait.ge [sflag:s1], $0x1400  }
0xae: {  	[sflag:s1] =	ssyncset.done $0x0  }
0xaf: {  	s14 =	simm.s32 $0x4F10;
	[sflag:s1] =	ssyncadd.s32 $0xFFFFEC00  }
0xb0: {  	[spmem:s3] =	stream.indirect.scatter.add.f32 [tilespmem:s31], [sflag:$0x8], $0x40, s14, s19, $0xb8;
	[tilespmem:$0x1BDC0] =	vst v63  }
0xb1: {  	_ =	swait.ge [sflag:s6], $0x1400  }
0xb2: {  	[sflag:s6] =	ssyncset.done $0x0  }
0xb3: {  	[sflag:s6] =	ssyncadd.s32 $0xFFFFEC00  }
0xb4: {  	v2 =	vld [tilespmem:s9+$0x190];
	_ =	sdelay $0x4  }
0xb5: {  	v2 =	vshll.u32 v2, $0x1  }
0xb6: {  	v2 =	vor.u32 v0, v2  }
0xb7: {  	[tilespmem:$0x9C90] =	vst v2  }
0xb8: {  	v2 =	vld [tilespmem:s9+$0x1A0];
	_ =	sdelay $0x4  }
0xb9: {  	v2 =	vshll.u32 v2, $0x1  }
0xba: {  	v2 =	vor.u32 v0, v2  }
0xbb: {  	[tilespmem:$0x9CA0] =	vst v2  }
0xbc: {  	v2 =	vld [tilespmem:s9+$0x1B0];
	_ =	sdelay $0x4  }
0xbd: {  	v2 =	vshll.u32 v2, $0x1  }
0xbe: {  	v2 =	vor.u32 v0, v2  }
0xbf: {  	[tilespmem:$0x9CB0] =	vst v2  }
0xc0: {  	v2 =	vld [tilespmem:s9+$0x1C0];
	_ =	sdelay $0x4  }
0xc1: {  	v2 =	vshll.u32 v2, $0x1  }
0xc2: {  	v2 =	vor.u32 v0, v2  }
0xc3: {  	[tilespmem:$0x9CC0] =	vst v2  }
0xc4: {  	v2 =	vld [tilespmem:s9+$0x1D0];
	_ =	sdelay $0x4  }
0xc5: {  	v2 =	vshll.u32 v2, $0x1  }
0xc6: {  	s9 =	simm.s32 $0x500;
	v2 =	vor.u32 v0, v2  }
.LBB2_4:
0xc7: {  	[tilespmem:$0x9CD0] =	vst v2;
	s13 =	smov.u32 s9;
	s9 =	sadd.s32 $0x500, s9  }
0xc8: {  	[tilespmem:s23], [sflag:$0x2] =	stream.indirect.gather [hbm4b:s2+s19], $0x40, s22, s19, $0xb8;
	[tilespmem:$0x1BDC0] =	vst v63  }
0xc9: {  	s10 =	sshra.s32 s13, $0x2;
	p1 =	sne.s32 s9, $0x13600;
	_ =	swait.ge [sflag:s25], $0x1400  }
0xca: {  	p2 =	seq.s32 s13, $0x0;
	s14 =	sadd.s32 $0x4E20, s10;
	[sflag:s25] =	ssyncset.done $0x0  }
0xcb: {  	s13 =	simm.s32 @!p2 $0x7;
	[sflag:s25] =	ssyncadd.s32 $0xFFFFEC00  }
0xcc: {  	[spmem:s3] =	stream.indirect.scatter.add.f32 [tilespmem:s21], [sflag:$0x5], $0x40, s14, s19, $0xb8;
	[tilespmem:$0x1BDC0] =	vst v63  }
0xcd: {  	_ =	swait.ge @!p2 [sflag:s13], $0x1400  }
0xce: {  	[sflag:s13] =	ssyncset.done @!p2 $0x0  }
0xcf: {  	[sflag:s13] =	ssyncadd.s32 @!p2 $0xFFFFEC00  }
0xd0: {  	v2 =	vld [tilespmem:s10+$0xA0];
	_ =	sdelay $0x4  }
0xd1: {  	v2 =	vshll.u32 v2, $0x1  }
0xd2: {  	v2 =	vor.u32 v0, v2  }
0xd3: {  	[tilespmem:$0x9CE0] =	vst v2  }
0xd4: {  	v2 =	vld [tilespmem:s10+$0xB0];
	_ =	sdelay $0x4  }
0xd5: {  	v2 =	vshll.u32 v2, $0x1  }
0xd6: {  	v2 =	vor.u32 v0, v2  }
0xd7: {  	[tilespmem:$0x9CF0] =	vst v2  }
0xd8: {  	v2 =	vld [tilespmem:s10+$0xC0];
	_ =	sdelay $0x4  }
0xd9: {  	v2 =	vshll.u32 v2, $0x1  }
0xda: {  	v2 =	vor.u32 v0, v2  }
0xdb: {  	[tilespmem:$0x9D00] =	vst v2  }
0xdc: {  	v2 =	vld [tilespmem:s10+$0xD0];
	_ =	sdelay $0x4  }
0xdd: {  	v2 =	vshll.u32 v2, $0x1  }
0xde: {  	v2 =	vor.u32 v0, v2  }
0xdf: {  	[tilespmem:$0x9D10] =	vst v2  }
0xe0: {  	v2 =	vld [tilespmem:s10+$0xE0];
	_ =	sdelay $0x4  }
0xe1: {  	v2 =	vshll.u32 v2, $0x1  }
0xe2: {  	v2 =	vor.u32 v0, v2  }
0xe3: {  	[tilespmem:$0x9D20] =	vst v2  }
0xe4: {  	[tilespmem:s28], [sflag:$0x3] =	stream.indirect.gather [hbm4b:s2+s19], $0x40, s26, s19, $0xb8;
	[tilespmem:$0x1BDC0] =	vst v63  }
0xe5: {  	_ =	swait.ge [sflag:s29], $0x1400  }
0xe6: {  	s13 =	sadd.s32 $0x4E70, s10;
	[sflag:s29] =	ssyncset.done $0x0  }
0xe7: {  	s14 =	simm.s32 @!p2 $0x8;
	[sflag:s29] =	ssyncadd.s32 $0xFFFFEC00  }
0xe8: {  	[spmem:s3] =	stream.indirect.scatter.add.f32 [tilespmem:s23], [sflag:$0x6], $0x40, s13, s19, $0xb8;
	[tilespmem:$0x1BDC0] =	vst v63  }
0xe9: {  	_ =	swait.ge @!p2 [sflag:s14], $0x1400  }
0xea: {  	[sflag:s14] =	ssyncset.done @!p2 $0x0  }
0xeb: {  	[sflag:s14] =	ssyncadd.s32 @!p2 $0xFFFFEC00  }
0xec: {  	v2 =	vld [tilespmem:s10+$0xF0];
	_ =	sdelay $0x4  }
0xed: {  	v2 =	vshll.u32 v2, $0x1  }
0xee: {  	v2 =	vor.u32 v0, v2  }
0xef: {  	[tilespmem:$0x9D30] =	vst v2  }
0xf0: {  	v2 =	vld [tilespmem:s10+$0x100];
	_ =	sdelay $0x4  }
0xf1: {  	v2 =	vshll.u32 v2, $0x1  }
0xf2: {  	v2 =	vor.u32 v0, v2  }
0xf3: {  	[tilespmem:$0x9D40] =	vst v2  }
0xf4: {  	v2 =	vld [tilespmem:s10+$0x110];
	_ =	sdelay $0x4  }
0xf5: {  	v2 =	vshll.u32 v2, $0x1  }
0xf6: {  	v2 =	vor.u32 v0, v2  }
0xf7: {  	[tilespmem:$0x9D50] =	vst v2  }
0xf8: {  	v2 =	vld [tilespmem:s10+$0x120];
	_ =	sdelay $0x4  }
0xf9: {  	v2 =	vshll.u32 v2, $0x1  }
0xfa: {  	v2 =	vor.u32 v0, v2  }
0xfb: {  	[tilespmem:$0x9D60] =	vst v2  }
0xfc: {  	v2 =	vld [tilespmem:s10+$0x130];
	_ =	sdelay $0x4  }
0xfd: {  	v2 =	vshll.u32 v2, $0x1  }
0xfe: {  	v2 =	vor.u32 v0, v2  }
0xff: {  	[tilespmem:$0x9D70] =	vst v2  }
0x100: {  	[tilespmem:s31], [sflag:$0x4] =	stream.indirect.gather [hbm4b:s2+s19], $0x40, s30, s19, $0xb8;
	[tilespmem:$0x1BDC0] =	vst v63  }
0x101: {  	_ =	swait.ge [sflag:s0], $0x1400  }
0x102: {  	s13 =	sadd.s32 $0x4EC0, s10;
	[sflag:s0] =	ssyncset.done $0x0  }
0x103: {  	[sflag:s0] =	ssyncadd.s32 $0xFFFFEC00  }
0x104: {  	[spmem:s3] =	stream.indirect.scatter.add.f32 [tilespmem:s28], [sflag:$0x7], $0x40, s13, s19, $0xb8;
	[tilespmem:$0x1BDC0] =	vst v63  }
0x105: {  	_ =	swait.ge [sflag:s18], $0x1400  }
0x106: {  	[sflag:s18] =	ssyncset.done $0x0  }
0x107: {  	[sflag:s18] =	ssyncadd.s32 $0xFFFFEC00  }
0x108: {  	v2 =	vld [tilespmem:s10+$0x140];
	_ =	sdelay $0x4  }
0x109: {  	v2 =	vshll.u32 v2, $0x1  }
0x10a: {  	v2 =	vor.u32 v0, v2  }
0x10b: {  	[tilespmem:$0x9C40] =	vst v2  }
0x10c: {  	v2 =	vld [tilespmem:s10+$0x150];
	_ =	sdelay $0x4  }
0x10d: {  	v2 =	vshll.u32 v2, $0x1  }
0x10e: {  	v2 =	vor.u32 v0, v2  }
0x10f: {  	[tilespmem:$0x9C50] =	vst v2  }
0x110: {  	v2 =	vld [tilespmem:s10+$0x160];
	_ =	sdelay $0x4  }
0x111: {  	v2 =	vshll.u32 v2, $0x1  }
0x112: {  	v2 =	vor.u32 v0, v2  }
0x113: {  	[tilespmem:$0x9C60] =	vst v2  }
0x114: {  	v2 =	vld [tilespmem:s10+$0x170];
	_ =	sdelay $0x4  }
0x115: {  	v2 =	vshll.u32 v2, $0x1  }
0x116: {  	v2 =	vor.u32 v0, v2  }
0x117: {  	[tilespmem:$0x9C70] =	vst v2  }
0x118: {  	v2 =	vld [tilespmem:s10+$0x180];
	_ =	sdelay $0x4  }
0x119: {  	v2 =	vshll.u32 v2, $0x1  }
0x11a: {  	v2 =	vor.u32 v0, v2  }
0x11b: {  	[tilespmem:$0x9C80] =	vst v2  }
0x11c: {  	[tilespmem:s21], [sflag:$0x1] =	stream.indirect.gather [hbm4b:s2+s19], $0x40, s20, s19, $0xb8;
	[tilespmem:$0x1BDC0] =	vst v63  }
0x11d: {  	_ =	swait.ge [sflag:s1], $0x1400  }
0x11e: {  	s13 =	sadd.s32 $0x4F10, s10;
	[sflag:s1] =	ssyncset.done $0x0  }
0x11f: {  	[sflag:s1] =	ssyncadd.s32 $0xFFFFEC00  }
0x120: {  	[spmem:s3] =	stream.indirect.scatter.add.f32 [tilespmem:s31], [sflag:$0x8], $0x40, s13, s19, $0xb8;
	[tilespmem:$0x1BDC0] =	vst v63  }
0x121: {  	_ =	swait.ge [sflag:s6], $0x1400  }
0x122: {  	[sflag:s6] =	ssyncset.done $0x0  }
0x123: {  	[sflag:s6] =	ssyncadd.s32 $0xFFFFEC00  }
0x124: {  	v2 =	vld [tilespmem:s10+$0x190];
	_ =	sdelay $0x4  }
0x125: {  	v2 =	vshll.u32 v2, $0x1  }
0x126: {  	v2 =	vor.u32 v0, v2  }
0x127: {  	[tilespmem:$0x9C90] =	vst v2  }
0x128: {  	v2 =	vld [tilespmem:s10+$0x1A0];
	_ =	sdelay $0x4  }
0x129: {  	v2 =	vshll.u32 v2, $0x1  }
0x12a: {  	v2 =	vor.u32 v0, v2  }
0x12b: {  	[tilespmem:$0x9CA0] =	vst v2  }
0x12c: {  	v2 =	vld [tilespmem:s10+$0x1B0];
	_ =	sdelay $0x4  }
0x12d: {  	v2 =	vshll.u32 v2, $0x1  }
0x12e: {  	v2 =	vor.u32 v0, v2  }
0x12f: {  	[tilespmem:$0x9CB0] =	vst v2  }
0x130: {  	v2 =	vld [tilespmem:s10+$0x1C0];
	_ =	sdelay $0x4  }
0x131: {  	v2 =	vshll.u32 v2, $0x1  }
0x132: {  	v2 =	vor.u32 v0, v2  }
0x133: {  	[tilespmem:$0x9CC0] =	vst v2  }
0x134: {  	v2 =	vld [tilespmem:s10+$0x1D0];
	_ =	sdelay $0x1  }
.Ltmp1:
0x135: {  	(pc) =	sbr.rel @p1 .LBB2_4-.Ltmp1, $3  }
0x136: {  	_ =	sdelay $0x1  }
0x137: {  	v2 =	vshll.u32 v2, $0x1  }
0x138: {  	v2 =	vor.u32 v0, v2  }
0x139: {  	[tilespmem:$0x9CD0] =	vst v2  }
0x13a: {  	[tilespmem:s23], [sflag:$0x2] =	stream.indirect.gather [hbm4b:s2+s19], $0x40, s22, s19, $0xb8;
	[tilespmem:$0x1BDC0] =	vst v63  }
0x13b: {  	_ =	swait.ge [sflag:s25], $0x1400  }
0x13c: {  	[sflag:s25] =	ssyncset.done $0x0  }
0x13d: {  	s9 =	simm.s32 $0x9BA0;
	[sflag:s25] =	ssyncadd.s32 $0xFFFFEC00  }
0x13e: {  	[spmem:s3] =	stream.indirect.scatter.add.f32 [tilespmem:s21], [sflag:$0x5], $0x40, s9, s19, $0xb8;
	[tilespmem:$0x1BDC0] =	vst v63  }
0x13f: {  	_ =	swait.ge [sflag:s29], $0x1400  }
0x140: {  	[sflag:s29] =	ssyncset.done $0x0  }
0x141: {  	s10 =	simm.s32 $0x9BF0;
	[sflag:s29] =	ssyncadd.s32 $0xFFFFEC00  }
0x142: {  	[spmem:s3] =	stream.indirect.scatter.add.f32 [tilespmem:s23], [sflag:$0x6], $0x40, s10, s19, $0xb8;
	[tilespmem:$0x1BDC0] =	vst v63  }
0x143: {  	_ =	swait.ge [sflag:s7], $0x1400  }
0x144: {  	[sflag:s7] =	ssyncset.done $0x0  }
0x145: {  	[sflag:s7] =	ssyncadd.s32 $0xFFFFEC00  }
0x146: {  	_ =	swait.ge [sflag:s8], $0x1400  }
0x147: {  	[sflag:s8] =	ssyncset.done $0x0  }
0x148: {  	[sflag:s8] =	ssyncadd.s32 $0xFFFFEC00  }
0x149: {  	_ =	swait.ge [sflag:s18], $0x1400  }
0x14a: {  	[sflag:s18] =	ssyncset.done $0x0  }
0x14b: {  	[sflag:s18] =	ssyncadd.s32 $0xFFFFEC00  }
0x14c: {  	_ =	swait.ge [sflag:s6], $0x1400  }
0x14d: {  	[sflag:s6] =	ssyncset.done $0x0  }
0x14e: {  	s13 =	stileid.u32;
	[sflag:s6] =	ssyncadd.s32 $0xFFFFEC00  }
0x14f: {  	s9 =	sshll.u32 s13, $0x6;
	[bflag:$0x0] =	sbarrier.arrive $0xFFFF  }
0x150: {  	s9 =	sor.u32 $0x1C09, s9;
	s10 =	rddreg [dreg:$0xa]  }
0x151: {  	[hbm:s10], [sflag:s9] =	dma.local [spmem:s24], $0x680  }
0x152: {  	_ =	swait.ge [sflag:s17], $0x680  }
0x153: {  	[sflag:s17] =	ssyncset.done $0x0  }
0x154: {  	s14 =	sshrl.u32 s11, $0x3;
	s13 =	rddreg [dreg:$0xb];
	[sflag:s17] =	ssyncadd.s32 $0xFFFFF980  }
0x155: {  	[hbm:s13], [sflag:s9] =	dma.local [spmem:s14], $0x680  }
0x156: {  	_ =	swait.ge [sflag:s17], $0x680  }
0x157: {  	[sflag:s17] =	ssyncset.done $0x0  }
0x158: {  	s13 =	sshrl.u32 s12, $0x3;
	[sflag:s17] =	ssyncadd.s32 $0xFFFFF980  }
0x159: {  	[hbm:s15], [sflag:s9] =	dma.local [spmem:s13], $0x680  }
0x15a: {  	_ =	swait.ge [sflag:s17], $0x680  }
0x15b: {  	s10 =	simm.s32 @!p0 $0x1FC9;
	[sflag:s17] =	ssyncset.done $0x0  }
0x15c: {  	s9 =	sshrl.u32 @!p0 s5, $0x3;
	s13 =	rddreg [dreg:$0x7];
	[sflag:s17] =	ssyncadd.s32 $0xFFFFF980  }
0x15d: {  	[hbm:s13], [sflag:s10] =	dma.local @!p0 [spmem:s9], $0x80  }
0x15e: {  	s9 =	simm.s32 @!p0 $0x9  }
0x15f: {  	_ =	swait.ge @!p0 [sflag:s9], $0x80  }
0x160: {  	s4 =	sadd.s32 $0x1, s4;
	s14 =	rddreg [dreg:$0x8]  }
0x161: {  	p1 =	sne.s32 s4, s14  }
.Ltmp2:
0x162: {  	_ = 	snop;
	(pc) =	sbr.rel @p1 .LBB2_1-.Ltmp2, $3  }
0x163: {  	_ =	sdelay $0x1  }
0x164: {  	[sflag:s9] =	ssyncset.done @!p0 $0x0  }
0x165: {  	[sflag:s9] =	ssyncadd.s32 @!p0 $0xFFFFFF80  }
0x166: {  	_ =	sfence.sel $0x180000  }
0x167: {  	[bflag:$0x0] =	sbarrier.arrive $0xFFFF  }
0x168: {  	_ =	strace $0x90000047  }
0x169: {  	s0 =	stileid.u32;
	[bflag:$0x2] =	sbarrier.arrive $0xFFFF  }
0x16a: {  	p0 =	sne.s32 s0, $0x0;
	s0 =	rddreg [dreg:$0x4]  }
0x16b: {  	s0 =	sadd.s32 @!p0 $0x100000, s0  }
0x16c: {  	[sflag:s0] =	ssyncadd.tile.s32 @!p0 $0x1;
	_ =	shalt  }
.Lfunc_end2:
_tile_overlayer_lowered:
.L_overlay_start_2:
0x16d: {  	(tag) =	ssettag $0x2  }
0x16e: {  	s0 =	rddreg [dreg:$0x0];
	s2 =	stileid.u32  }
0x16f: {  	s1 =	rddreg [dreg:$0x1];
	p0 =	sne.s32 s2, $0x0  }
0x170: {  	s3 =	rddreg [dreg:$0x2];
	[bflag:$0x3] =	sbarrier.arrive $0xFFFF;
	s2 =	simm.s32 @!p0 $0x1C09  }
0x171: {  	[timem:s3], [sflag:s2] =	dma.local @!p0 [hbm:s0], s1  }
0x172: {  	s0 =	simm.s32 @!p0 $0x9  }
0x173: {  	_ =	swait.ge @!p0 [sflag:s0], s1  }
0x174: {  	s1 =	ssub.s32 @!p0 $0x0, s1;
	[sflag:s0] =	ssyncset.done @!p0 $0x0  }
0x175: {  	[sflag:s0] =	ssyncadd.s32 @!p0 s1  }
0x176: {  	[bflag:$0x3] =	sbarrier.arrive $0xFFFF  }
0x177: {  	_ =	shalt  }

</sc_bundles>
